<compile_context>
chip_gen: v7x
topology: tpu7x:2x2x1
jax: 0.10.2.dev20260603
libtpu: 0.0.44.dev20260713+nightly
codegen_flags: <defaults>
</compile_context>

<pallas_src>
import jax
import jax.numpy as jnp
from jax import lax
from jax.experimental import pallas as pl
from jax.experimental.pallas import tpu as pltpu
from jax.experimental.pallas import tpu_sc as plsc

BATCH = 1024
WIDTH = 4096
ITERS = 8
NC = 2
NS = 16
L = 16
NW = NC * NS
RPW = BATCH // NW
NCHUNK = WIDTH // L
PAD = 8
PW = PAD + WIDTH + PAD


def _ca_kernel(in_hbm, out_hbm,
               fin0, fin1, pk_a, pk_b, ob0, ob1,
               sem_i0, sem_i1, sem_o0, sem_o1):
    wid = lax.axis_index("s") * NC + lax.axis_index("c")
    row0 = wid * RPW
    zeros16 = jnp.zeros((L,), jnp.int32)

    def in_slice(r):
        return in_hbm.at[pl.ds((row0 + r) * WIDTH, WIDTH)]

    def out_slice(r, it):
        return out_hbm.at[pl.ds(((row0 + r) * (ITERS + 1) + it) * WIDTH, WIDTH)]

    def wait_out(ob, sem):
        pltpu.make_async_copy(ob, out_hbm.at[pl.ds(0, WIDTH)], sem).wait()

    def zero_body(i, _):
        pk_a[pl.ds(i * L, L)] = zeros16
        return _

    lax.fori_loop(0, PW // L, zero_body, None, unroll=4)
    pk_b[pl.ds(0, L)] = zeros16
    pk_b[pl.ds(PW - L, L)] = zeros16

    pltpu.async_copy(in_slice(0), fin0, sem_i0)

    def pack_arm(fin_cur, fin_nxt, ob, sem_cur, sem_nxt, sem_o, r):
        pltpu.make_async_copy(in_slice(0), fin_cur, sem_cur).wait()

        @pl.when(r + 1 < RPW)
        def _():
            pltpu.async_copy(in_slice(r + 1), fin_nxt, sem_nxt)

        @pl.when(r >= 2)
        def _():
            wait_out(ob, sem_o)

        def pack_chunk(i, _):
            v = fin_cur[pl.ds(i * L, L)]
            s = jnp.where(v >= jnp.float32(0.5), 1, 0).astype(jnp.int32)
            ob[pl.ds(i * L, L)] = s
            plsc.addupdate(pk_a.at[pl.ds(PAD + i * L, L)], s << r)
            return _

        lax.fori_loop(0, NCHUNK, pack_chunk, None, unroll=4)
        pltpu.async_copy(ob, out_slice(r, 0), sem_o)

    def pack_row(r, _):
        @pl.when((r & 1) == 0)
        def _():
            pack_arm(fin0, fin1, ob0, sem_i0, sem_i1, sem_o0, r)

        @pl.when((r & 1) != 0)
        def _():
            pack_arm(fin1, fin0, ob1, sem_i1, sem_i0, sem_o1, r)

        return _

    lax.fori_loop(0, RPW, pack_row, None)
    wait_out(ob0, sem_o0)
    wait_out(ob1, sem_o1)

    bufs = (pk_a, pk_b)
    for it in range(ITERS):
        src = bufs[it % 2]
        dst = bufs[(it + 1) % 2]

        def comp_chunk(i, _):
            base = PAD + i * L
            c = src[pl.ds(base, L)]
            l = src[pl.ds(base - 1, L)]
            rr = src[pl.ds(base + 1, L)]
            dst[pl.ds(base, L)] = (l | c) & ~(l & c & rr)
            return _

        lax.fori_loop(0, NCHUNK, comp_chunk, None, unroll=4)

        def unpack_arm(ob, sem_o, r):
            @pl.when(r >= 2)
            def _():
                wait_out(ob, sem_o)

            def up_chunk(i, _):
                w = dst[pl.ds(PAD + i * L, L)]
                ob[pl.ds(i * L, L)] = (w >> r) & 1
                return _

            lax.fori_loop(0, NCHUNK, up_chunk, None, unroll=8)
            pltpu.async_copy(ob, out_slice(r, it + 1), sem_o)

        def unpack_row(r, _):
            @pl.when((r & 1) == 0)
            def _():
                unpack_arm(ob0, sem_o0, r)

            @pl.when((r & 1) != 0)
            def _():
                unpack_arm(ob1, sem_o1, r)

            return _

        lax.fori_loop(0, RPW, unpack_row, None)
        wait_out(ob0, sem_o0)
        wait_out(ob1, sem_o1)


@jax.jit
def kernel(input, lookup):
    del lookup
    mesh = plsc.VectorSubcoreMesh(core_axis_name="c", subcore_axis_name="s")
    f = pl.kernel(
        _ca_kernel,
        out_type=jax.ShapeDtypeStruct((BATCH * (ITERS + 1) * WIDTH,), jnp.int32),
        mesh=mesh,
        compiler_params=pltpu.CompilerParams(needs_layout_passes=False),
        scratch_types=[
            pltpu.VMEM((WIDTH,), jnp.float32),
            pltpu.VMEM((WIDTH,), jnp.float32),
            pltpu.VMEM((PW,), jnp.int32),
            pltpu.VMEM((PW,), jnp.int32),
            pltpu.VMEM((WIDTH,), jnp.int32),
            pltpu.VMEM((WIDTH,), jnp.int32),
            pltpu.SemaphoreType.DMA,
            pltpu.SemaphoreType.DMA,
            pltpu.SemaphoreType.DMA,
            pltpu.SemaphoreType.DMA,
        ],
    )
    out = f(input.reshape(-1))
    return out.reshape(BATCH, ITERS + 1, WIDTH)

# --- scband reference (transcript-rebuilt; emitter-appended) ---
"""Pipeline reference for scband-ca1-replace-66211215835793 (READ-ONLY COPY).

The authoritative reference and input builder live on the scoring server;
editing this copy changes nothing except your own understanding.
"""

import jax, jax.numpy as jnp
import numpy as np

RULE = 110
NUM_STATES = 2
NUM_NEIGHBOURS = 1
ITERATIONS = 8
WRAP = False
BATCH = 1024
WIDTH = 4096


def setup_inputs(seed: int = 0) -> dict:
    key = jax.random.key(seed)
    x = jax.random.uniform(key, (BATCH, WIDTH), dtype=jnp.float32)
    kernel_size = 1 + 2 * NUM_NEIGHBOURS
    n_entries = NUM_STATES ** kernel_size  # 8
    lookup = jnp.array(
        [(RULE // (NUM_STATES ** k)) % NUM_STATES for k in range(n_entries)],
        dtype=jnp.int32,
    )
    return {"input": x, "lookup": lookup}


def reference(input, lookup):
    threshold = 0.5
    # lookup is integer dtype, input is float -> threshold to states
    state = (input >= threshold).astype(jnp.int32)
    batch, width = state.shape
    n_size = 1 + 2 * NUM_NEIGHBOURS  # 3
    width_n = (width // n_size + 1) * n_size
    index_mult = jnp.array([2 ** n for n in range(n_size)], dtype=jnp.int32).reshape(1, 1, n_size)
    history = [state[None]]
    for it in range(ITERATIONS):
        pad_l = 1
        pad_r = n_size + width_n - state.shape[-1] - 1
        if WRAP:
            padded = jnp.concatenate([state[:, -pad_l:], state, state[:, :pad_r]], axis=-1)
        else:
            padded = jnp.pad(state, ((0, 0), (pad_l, pad_r)))
        slices = []
        for k in range(n_size):
            s = padded[:, k:width_n + k].reshape(batch, width_n // n_size, n_size)
            slices.append((s * index_mult).sum(axis=-1))
        # interleave so that index[:, k::n_size] = slices[k]
        index = jnp.stack(slices, axis=-1).reshape(batch, width_n)
        state = jnp.take(lookup, index, axis=0)[:, :width]
        history.append(state[None])
    out = jnp.concatenate(history, axis=0)  # (iterations+1, batch, width)
    out = jnp.transpose(out, (1, 0, 2))     # (batch, iterations+1, width)
    return out

if __name__ == "__main__":
    import jax
    _d = setup_inputs()
    print(jax.jit(kernel)(*tuple(_d.values())))

</pallas_src>

<mosaic_0001>
#map = affine_map<(d0, d1) -> (0)>
module attributes {stable_mosaic.version = 14 : i64} {
  func.func @_ca_kernel(%arg0: i32, %arg1: i32, %arg2: memref<4194304xf32, #tpu.memory_space<hbm>>, %arg3: memref<37748736xi32, #tpu.memory_space<hbm>>, %arg4: memref<4096xf32, #tpu.memory_space<vmem>>, %arg5: memref<4096xf32, #tpu.memory_space<vmem>>, %arg6: memref<4112xi32, #tpu.memory_space<vmem>>, %arg7: memref<4112xi32, #tpu.memory_space<vmem>>, %arg8: memref<4096xi32, #tpu.memory_space<vmem>>, %arg9: memref<4096xi32, #tpu.memory_space<vmem>>, %arg10: memref<!tpu.dma_semaphore, #tpu.memory_space<semaphore_mem>>, %arg11: memref<!tpu.dma_semaphore, #tpu.memory_space<semaphore_mem>>, %arg12: memref<!tpu.dma_semaphore, #tpu.memory_space<semaphore_mem>>, %arg13: memref<!tpu.dma_semaphore, #tpu.memory_space<semaphore_mem>>) attributes {dimension_semantics = [#tpu.dimension_semantics<core_parallel>, #tpu.dimension_semantics<subcore_parallel>], iteration_bounds = array<i64: 2, 16>, scalar_prefetch = 0 : i64, scratch_operands = 10 : i64, tpu.core_type = #tpu.core_type<sc_vector_subcore>, window_params = [{transform_indices = #map}, {transform_indices = #map}]} {
    %mul3A = arith.constant 2 : i32
    %mul3A_0 = arith.muli %arg1, %mul3A : i32
    %add3A = arith.addi %mul3A_0, %arg0 : i32
    %mul3A_1 = arith.constant 32 : i32
    %mul3A_2 = arith.muli %add3A, %mul3A_1 : i32
    %broadcast_in_dim3A = arith.constant 0 : i32
    %broadcast_in_dim3A_3 = vector.broadcast %broadcast_in_dim3A : i32 to vector<16xi32>
    %scan3A = arith.constant 0 : i32
    %scan3A_4 = arith.constant 256 : i32
    %scan3A_5 = arith.addi %scan3A, %scan3A_4 : i32
    %scan3A_6 = arith.constant 4 : i32
    scf.for %scan3A_178 = %scan3A to %scan3A_5 step %scan3A_6  : i32 {
      %mul3A_179 = arith.constant 16 : i32
      %mul3A_180 = arith.muli %scan3A_178, %mul3A_179 : i32
      %swap3A_181 = arith.index_cast %mul3A_180 : i32 to index
      %swap3A_182 = tpu.vector_load %arg6[%swap3A_181] {strides = array<i32>} : memref<4112xi32, #tpu.memory_space<vmem>>, vector<16xi32>,
      tpu.vector_store %arg6[%swap3A_181], %broadcast_in_dim3A_3 {strides = array<i32>} : memref<4112xi32, #tpu.memory_space<vmem>>, vector<16xi32>,
      %scan3A_183 = arith.constant 1 : i32
      %scan3A_184 = arith.addi %scan3A_178, %scan3A_183 : i32
      %mul3A_185 = arith.constant 16 : i32
      %mul3A_186 = arith.muli %scan3A_184, %mul3A_185 : i32
      %swap3A_187 = arith.index_cast %mul3A_186 : i32 to index
      %swap3A_188 = tpu.vector_load %arg6[%swap3A_187] {strides = array<i32>} : memref<4112xi32, #tpu.memory_space<vmem>>, vector<16xi32>,
      tpu.vector_store %arg6[%swap3A_187], %broadcast_in_dim3A_3 {strides = array<i32>} : memref<4112xi32, #tpu.memory_space<vmem>>, vector<16xi32>,
      %scan3A_189 = arith.constant 2 : i32
      %scan3A_190 = arith.addi %scan3A_178, %scan3A_189 : i32
      %mul3A_191 = arith.constant 16 : i32
      %mul3A_192 = arith.muli %scan3A_190, %mul3A_191 : i32
      %swap3A_193 = arith.index_cast %mul3A_192 : i32 to index
      %swap3A_194 = tpu.vector_load %arg6[%swap3A_193] {strides = array<i32>} : memref<4112xi32, #tpu.memory_space<vmem>>, vector<16xi32>,
      tpu.vector_store %arg6[%swap3A_193], %broadcast_in_dim3A_3 {strides = array<i32>} : memref<4112xi32, #tpu.memory_space<vmem>>, vector<16xi32>,
      %scan3A_195 = arith.constant 3 : i32
      %scan3A_196 = arith.addi %scan3A_178, %scan3A_195 : i32
      %mul3A_197 = arith.constant 16 : i32
      %mul3A_198 = arith.muli %scan3A_196, %mul3A_197 : i32
      %swap3A_199 = arith.index_cast %mul3A_198 : i32 to index
      %swap3A_200 = tpu.vector_load %arg6[%swap3A_199] {strides = array<i32>} : memref<4112xi32, #tpu.memory_space<vmem>>, vector<16xi32>,
      tpu.vector_store %arg6[%swap3A_199], %broadcast_in_dim3A_3 {strides = array<i32>} : memref<4112xi32, #tpu.memory_space<vmem>>, vector<16xi32>,
    }
    %scan3A_7 = arith.constant 256 : i32
    %scan3A_8 = arith.addi %scan3A, %scan3A_7 : i32
    %mul3A_9 = arith.constant 16 : i32
    %mul3A_10 = arith.muli %scan3A_8, %mul3A_9 : i32
    %swap3A = arith.index_cast %mul3A_10 : i32 to index
    %swap3A_11 = tpu.vector_load %arg6[%swap3A] {strides = array<i32>} : memref<4112xi32, #tpu.memory_space<vmem>>, vector<16xi32>,
    tpu.vector_store %arg6[%swap3A], %broadcast_in_dim3A_3 {strides = array<i32>} : memref<4112xi32, #tpu.memory_space<vmem>>, vector<16xi32>,
    %scan3A_12 = arith.constant 257 : i32
    %swap3A_13 = arith.constant 0 : index
    %swap3A_14 = tpu.vector_load %arg7[%swap3A_13] {strides = array<i32>} : memref<4112xi32, #tpu.memory_space<vmem>>, vector<16xi32>,
    tpu.vector_store %arg7[%swap3A_13], %broadcast_in_dim3A_3 {strides = array<i32>} : memref<4112xi32, #tpu.memory_space<vmem>>, vector<16xi32>,
    %swap3A_15 = arith.constant 4096 : index
    %swap3A_16 = tpu.vector_load %arg7[%swap3A_15] {strides = array<i32>} : memref<4112xi32, #tpu.memory_space<vmem>>, vector<16xi32>,
    tpu.vector_store %arg7[%swap3A_15], %broadcast_in_dim3A_3 {strides = array<i32>} : memref<4112xi32, #tpu.memory_space<vmem>>, vector<16xi32>,
    %add3A_17 = arith.constant 0 : i32
    %add3A_18 = arith.addi %mul3A_2, %add3A_17 : i32
    %mul3A_19 = arith.constant 4096 : i32
    %mul3A_20 = arith.muli %add3A_18, %mul3A_19 : i32
    %dma_start3A = tpu.memref_slice %arg2[%mul3A_20] : memref<4194304xf32, #tpu.memory_space<hbm>> -> memref<4096xf32, #tpu.memory_space<hbm>>
    %dma_start3A_21 = tpu.memref_slice %arg2[%mul3A_20] : memref<4194304xf32, #tpu.memory_space<hbm>> -> memref<4096xf32, #tpu.memory_space<hbm>>
    tpu.enqueue_dma source(%dma_start3A_21 : memref<4096xf32, #tpu.memory_space<hbm>>) target(%arg4 : memref<4096xf32, #tpu.memory_space<vmem>>) target_semaphore(%arg10 : memref<!tpu.dma_semaphore, #tpu.memory_space<semaphore_mem>>)
    %scan3A_22 = arith.constant 0 : i32
    %scan3A_23 = arith.constant 32 : i32
    %scan3A_24 = arith.addi %scan3A_22, %scan3A_23 : i32
    %scan3A_25 = arith.constant 1 : i32
    scf.for %scan3A_178 = %scan3A_22 to %scan3A_24 step %scan3A_25  : i32 {
      %and3A = arith.constant 1 : i32
      %and3A_179 = arith.andi %scan3A_178, %and3A : i32
      %eq3A = arith.constant 0 : i32
      %eq3A_180 = arith.cmpi eq, %and3A_179, %eq3A : i32
      %convert_element_type3A = arith.extui %eq3A_180 : i1 to i32
      %cond3A = arith.constant 0 : i32
      %cond3A_181 = arith.cmpi ne, %convert_element_type3A, %cond3A : i32
      scf.if %cond3A_181 {
        %add3A_188 = arith.constant 0 : i32
        %add3A_189 = arith.addi %mul3A_2, %add3A_188 : i32
        %mul3A_190 = arith.constant 4096 : i32
        %mul3A_191 = arith.muli %add3A_189, %mul3A_190 : i32
        %dma_wait3A_192 = tpu.memref_slice %arg2[%mul3A_191] : memref<4194304xf32, #tpu.memory_space<hbm>> -> memref<4096xf32, #tpu.memory_space<hbm>>
        %dma_wait3A_193 = tpu.memref_slice %arg2[%mul3A_191] : memref<4194304xf32, #tpu.memory_space<hbm>> -> memref<4096xf32, #tpu.memory_space<hbm>>
        tpu.wait_dma2 semaphore(%arg10 : memref<!tpu.dma_semaphore, #tpu.memory_space<semaphore_mem>>) src(%dma_wait3A_193 : memref<4096xf32, #tpu.memory_space<hbm>>) dst(%arg4 : memref<4096xf32, #tpu.memory_space<vmem>>)
        %add3A_194 = arith.constant 1 : i32
        %add3A_195 = arith.addi %scan3A_178, %add3A_194 : i32
        %lt3A = arith.constant 32 : i32
        %lt3A_196 = arith.cmpi slt, %add3A_195, %lt3A : i32
        %convert_element_type3A_197 = arith.extui %lt3A_196 : i1 to i32
        %cond3A_198 = arith.constant 0 : i32
        %cond3A_199 = arith.cmpi ne, %convert_element_type3A_197, %cond3A_198 : i32
        scf.if %cond3A_199 {
          %add3A_218 = arith.constant 1 : i32
          %add3A_219 = arith.addi %scan3A_178, %add3A_218 : i32
          %add3A_220 = arith.addi %mul3A_2, %add3A_219 : i32
          %mul3A_221 = arith.constant 4096 : i32
          %mul3A_222 = arith.muli %add3A_220, %mul3A_221 : i32
          %dma_start3A_223 = tpu.memref_slice %arg2[%mul3A_222] : memref<4194304xf32, #tpu.memory_space<hbm>> -> memref<4096xf32, #tpu.memory_space<hbm>>
          %dma_start3A_224 = tpu.memref_slice %arg2[%mul3A_222] : memref<4194304xf32, #tpu.memory_space<hbm>> -> memref<4096xf32, #tpu.memory_space<hbm>>
          tpu.enqueue_dma source(%dma_start3A_224 : memref<4096xf32, #tpu.memory_space<hbm>>) target(%arg5 : memref<4096xf32, #tpu.memory_space<vmem>>) target_semaphore(%arg11 : memref<!tpu.dma_semaphore, #tpu.memory_space<semaphore_mem>>)
        } else {
        }
        %ge3A = arith.constant 2 : i32
        %ge3A_200 = arith.cmpi sge, %scan3A_178, %ge3A : i32
        %convert_element_type3A_201 = arith.extui %ge3A_200 : i1 to i32
        %cond3A_202 = arith.constant 0 : i32
        %cond3A_203 = arith.cmpi ne, %convert_element_type3A_201, %cond3A_202 : i32
        scf.if %cond3A_203 {
          %dma_wait3A_218 = arith.constant 0 : i32
          %dma_wait3A_219 = tpu.memref_slice %arg3[%dma_wait3A_218] : memref<37748736xi32, #tpu.memory_space<hbm>> -> memref<4096xi32, #tpu.memory_space<hbm>>
          %dma_wait3A_220 = arith.constant 0 : i32
          %dma_wait3A_221 = tpu.memref_slice %arg3[%dma_wait3A_220] : memref<37748736xi32, #tpu.memory_space<hbm>> -> memref<4096xi32, #tpu.memory_space<hbm>>
          tpu.wait_dma2 semaphore(%arg12 : memref<!tpu.dma_semaphore, #tpu.memory_space<semaphore_mem>>) src(%arg8 : memref<4096xi32, #tpu.memory_space<vmem>>) dst(%dma_wait3A_221 : memref<4096xi32, #tpu.memory_space<hbm>>)
        } else {
        }
        %scan3A_204 = arith.constant 0 : i32
        %scan3A_205 = arith.constant 256 : i32
        %scan3A_206 = arith.addi %scan3A_204, %scan3A_205 : i32
        %scan3A_207 = arith.constant 4 : i32
        scf.for %scan3A_218 = %scan3A_204 to %scan3A_206 step %scan3A_207  : i32 {
          %mul3A_219 = arith.constant 16 : i32
          %mul3A_220 = arith.muli %scan3A_218, %mul3A_219 : i32
          %get3A = arith.index_cast %mul3A_220 : i32 to index
          %get3A_221 = tpu.vector_load %arg4[%get3A] {strides = array<i32>} : memref<4096xf32, #tpu.memory_space<vmem>>, vector<16xf32>,
          %ge3A_222 = arith.constant 5.000000e-01 : f32
          %ge3A_223 = vector.broadcast %ge3A_222 : f32 to vector<16xf32>
          %ge3A_224 = arith.cmpf oge, %get3A_221, %ge3A_223 : vector<16xf32>
          %jit3A = arith.constant 1 : i32
          %jit3A_225 = arith.constant 0 : i32
          %broadcast_in_dim3A_226 = vector.broadcast %jit3A : i32 to vector<16xi32>
          %broadcast_in_dim3A_227 = vector.broadcast %jit3A_225 : i32 to vector<16xi32>
          %select_n3A = arith.select %ge3A_224, %broadcast_in_dim3A_226, %broadcast_in_dim3A_227 : vector<16xi1>, vector<16xi32>
          %mul3A_228 = arith.constant 16 : i32
          %mul3A_229 = arith.muli %scan3A_218, %mul3A_228 : i32
          %swap3A_230 = arith.index_cast %mul3A_229 : i32 to index
          %swap3A_231 = tpu.vector_load %arg8[%swap3A_230] {strides = array<i32>} : memref<4096xi32, #tpu.memory_space<vmem>>, vector<16xi32>,
          tpu.vector_store %arg8[%swap3A_230], %select_n3A {strides = array<i32>} : memref<4096xi32, #tpu.memory_space<vmem>>, vector<16xi32>,
          %mul3A_232 = arith.constant 16 : i32
          %mul3A_233 = arith.muli %scan3A_218, %mul3A_232 : i32
          %add3A_234 = arith.constant 8 : i32
          %add3A_235 = arith.addi %add3A_234, %mul3A_233 : i32
          %shift_left3A = vector.broadcast %scan3A_178 : i32 to vector<16xi32>
          %shift_left3A_236 = arith.shli %select_n3A, %shift_left3A : vector<16xi32>
          %swap3A_237 = arith.index_cast %add3A_235 : i32 to index
          %swap3A_238 = tpu.vector_load %arg6[%swap3A_237] {strides = array<i32>} : memref<4112xi32, #tpu.memory_space<vmem>>, vector<16xi32>,
          tpu.vector_store %arg6[%swap3A_237], %shift_left3A_236 {add = true, strides = array<i32>} : memref<4112xi32, #tpu.memory_space<vmem>>, vector<16xi32>,
          %scan3A_239 = arith.constant 1 : i32
          %scan3A_240 = arith.addi %scan3A_218, %scan3A_239 : i32
          %mul3A_241 = arith.constant 16 : i32
          %mul3A_242 = arith.muli %scan3A_240, %mul3A_241 : i32
          %get3A_243 = arith.index_cast %mul3A_242 : i32 to index
          %get3A_244 = tpu.vector_load %arg4[%get3A_243] {strides = array<i32>} : memref<4096xf32, #tpu.memory_space<vmem>>, vector<16xf32>,
          %ge3A_245 = arith.constant 5.000000e-01 : f32
          %ge3A_246 = vector.broadcast %ge3A_245 : f32 to vector<16xf32>
          %ge3A_247 = arith.cmpf oge, %get3A_244, %ge3A_246 : vector<16xf32>
          %jit3A_248 = arith.constant 1 : i32
          %jit3A_249 = arith.constant 0 : i32
          %broadcast_in_dim3A_250 = vector.broadcast %jit3A_248 : i32 to vector<16xi32>
          %broadcast_in_dim3A_251 = vector.broadcast %jit3A_249 : i32 to vector<16xi32>
          %select_n3A_252 = arith.select %ge3A_247, %broadcast_in_dim3A_250, %broadcast_in_dim3A_251 : vector<16xi1>, vector<16xi32>
          %mul3A_253 = arith.constant 16 : i32
          %mul3A_254 = arith.muli %scan3A_240, %mul3A_253 : i32
          %swap3A_255 = arith.index_cast %mul3A_254 : i32 to index
          %swap3A_256 = tpu.vector_load %arg8[%swap3A_255] {strides = array<i32>} : memref<4096xi32, #tpu.memory_space<vmem>>, vector<16xi32>,
          tpu.vector_store %arg8[%swap3A_255], %select_n3A_252 {strides = array<i32>} : memref<4096xi32, #tpu.memory_space<vmem>>, vector<16xi32>,
          %mul3A_257 = arith.constant 16 : i32
          %mul3A_258 = arith.muli %scan3A_240, %mul3A_257 : i32
          %add3A_259 = arith.constant 8 : i32
          %add3A_260 = arith.addi %add3A_259, %mul3A_258 : i32
          %shift_left3A_261 = vector.broadcast %scan3A_178 : i32 to vector<16xi32>
          %shift_left3A_262 = arith.shli %select_n3A_252, %shift_left3A_261 : vector<16xi32>
          %swap3A_263 = arith.index_cast %add3A_260 : i32 to index
          %swap3A_264 = tpu.vector_load %arg6[%swap3A_263] {strides = array<i32>} : memref<4112xi32, #tpu.memory_space<vmem>>, vector<16xi32>,
          tpu.vector_store %arg6[%swap3A_263], %shift_left3A_262 {add = true, strides = array<i32>} : memref<4112xi32, #tpu.memory_space<vmem>>, vector<16xi32>,
          %scan3A_265 = arith.constant 2 : i32
          %scan3A_266 = arith.addi %scan3A_218, %scan3A_265 : i32
          %mul3A_267 = arith.constant 16 : i32
          %mul3A_268 = arith.muli %scan3A_266, %mul3A_267 : i32
          %get3A_269 = arith.index_cast %mul3A_268 : i32 to index
          %get3A_270 = tpu.vector_load %arg4[%get3A_269] {strides = array<i32>} : memref<4096xf32, #tpu.memory_space<vmem>>, vector<16xf32>,
          %ge3A_271 = arith.constant 5.000000e-01 : f32
          %ge3A_272 = vector.broadcast %ge3A_271 : f32 to vector<16xf32>
          %ge3A_273 = arith.cmpf oge, %get3A_270, %ge3A_272 : vector<16xf32>
          %jit3A_274 = arith.constant 1 : i32
          %jit3A_275 = arith.constant 0 : i32
          %broadcast_in_dim3A_276 = vector.broadcast %jit3A_274 : i32 to vector<16xi32>
          %broadcast_in_dim3A_277 = vector.broadcast %jit3A_275 : i32 to vector<16xi32>
          %select_n3A_278 = arith.select %ge3A_273, %broadcast_in_dim3A_276, %broadcast_in_dim3A_277 : vector<16xi1>, vector<16xi32>
          %mul3A_279 = arith.constant 16 : i32
          %mul3A_280 = arith.muli %scan3A_266, %mul3A_279 : i32
          %swap3A_281 = arith.index_cast %mul3A_280 : i32 to index
          %swap3A_282 = tpu.vector_load %arg8[%swap3A_281] {strides = array<i32>} : memref<4096xi32, #tpu.memory_space<vmem>>, vector<16xi32>,
          tpu.vector_store %arg8[%swap3A_281], %select_n3A_278 {strides = array<i32>} : memref<4096xi32, #tpu.memory_space<vmem>>, vector<16xi32>,
          %mul3A_283 = arith.constant 16 : i32
          %mul3A_284 = arith.muli %scan3A_266, %mul3A_283 : i32
          %add3A_285 = arith.constant 8 : i32
          %add3A_286 = arith.addi %add3A_285, %mul3A_284 : i32
          %shift_left3A_287 = vector.broadcast %scan3A_178 : i32 to vector<16xi32>
          %shift_left3A_288 = arith.shli %select_n3A_278, %shift_left3A_287 : vector<16xi32>
          %swap3A_289 = arith.index_cast %add3A_286 : i32 to index
          %swap3A_290 = tpu.vector_load %arg6[%swap3A_289] {strides = array<i32>} : memref<4112xi32, #tpu.memory_space<vmem>>, vector<16xi32>,
          tpu.vector_store %arg6[%swap3A_289], %shift_left3A_288 {add = true, strides = array<i32>} : memref<4112xi32, #tpu.memory_space<vmem>>, vector<16xi32>,
          %scan3A_291 = arith.constant 3 : i32
          %scan3A_292 = arith.addi %scan3A_218, %scan3A_291 : i32
          %mul3A_293 = arith.constant 16 : i32
          %mul3A_294 = arith.muli %scan3A_292, %mul3A_293 : i32
          %get3A_295 = arith.index_cast %mul3A_294 : i32 to index
          %get3A_296 = tpu.vector_load %arg4[%get3A_295] {strides = array<i32>} : memref<4096xf32, #tpu.memory_space<vmem>>, vector<16xf32>,
          %ge3A_297 = arith.constant 5.000000e-01 : f32
          %ge3A_298 = vector.broadcast %ge3A_297 : f32 to vector<16xf32>
          %ge3A_299 = arith.cmpf oge, %get3A_296, %ge3A_298 : vector<16xf32>
          %jit3A_300 = arith.constant 1 : i32
          %jit3A_301 = arith.constant 0 : i32
          %broadcast_in_dim3A_302 = vector.broadcast %jit3A_300 : i32 to vector<16xi32>
          %broadcast_in_dim3A_303 = vector.broadcast %jit3A_301 : i32 to vector<16xi32>
          %select_n3A_304 = arith.select %ge3A_299, %broadcast_in_dim3A_302, %broadcast_in_dim3A_303 : vector<16xi1>, vector<16xi32>
          %mul3A_305 = arith.constant 16 : i32
          %mul3A_306 = arith.muli %scan3A_292, %mul3A_305 : i32
          %swap3A_307 = arith.index_cast %mul3A_306 : i32 to index
          %swap3A_308 = tpu.vector_load %arg8[%swap3A_307] {strides = array<i32>} : memref<4096xi32, #tpu.memory_space<vmem>>, vector<16xi32>,
          tpu.vector_store %arg8[%swap3A_307], %select_n3A_304 {strides = array<i32>} : memref<4096xi32, #tpu.memory_space<vmem>>, vector<16xi32>,
          %mul3A_309 = arith.constant 16 : i32
          %mul3A_310 = arith.muli %scan3A_292, %mul3A_309 : i32
          %add3A_311 = arith.constant 8 : i32
          %add3A_312 = arith.addi %add3A_311, %mul3A_310 : i32
          %shift_left3A_313 = vector.broadcast %scan3A_178 : i32 to vector<16xi32>
          %shift_left3A_314 = arith.shli %select_n3A_304, %shift_left3A_313 : vector<16xi32>
          %swap3A_315 = arith.index_cast %add3A_312 : i32 to index
          %swap3A_316 = tpu.vector_load %arg6[%swap3A_315] {strides = array<i32>} : memref<4112xi32, #tpu.memory_space<vmem>>, vector<16xi32>,
          tpu.vector_store %arg6[%swap3A_315], %shift_left3A_314 {add = true, strides = array<i32>} : memref<4112xi32, #tpu.memory_space<vmem>>, vector<16xi32>,
        }
        %scan3A_208 = arith.constant 256 : i32
        %add3A_209 = arith.addi %mul3A_2, %scan3A_178 : i32
        %mul3A_210 = arith.constant 9 : i32
        %mul3A_211 = arith.muli %add3A_209, %mul3A_210 : i32
        %add3A_212 = arith.constant 0 : i32
        %add3A_213 = arith.addi %mul3A_211, %add3A_212 : i32
        %mul3A_214 = arith.constant 4096 : i32
        %mul3A_215 = arith.muli %add3A_213, %mul3A_214 : i32
        %dma_start3A_216 = tpu.memref_slice %arg3[%mul3A_215] : memref<37748736xi32, #tpu.memory_space<hbm>> -> memref<4096xi32, #tpu.memory_space<hbm>>
        %dma_start3A_217 = tpu.memref_slice %arg3[%mul3A_215] : memref<37748736xi32, #tpu.memory_space<hbm>> -> memref<4096xi32, #tpu.memory_space<hbm>>
        tpu.enqueue_dma source(%arg8 : memref<4096xi32, #tpu.memory_space<vmem>>) target(%dma_start3A_217 : memref<4096xi32, #tpu.memory_space<hbm>>) target_semaphore(%arg12 : memref<!tpu.dma_semaphore, #tpu.memory_space<semaphore_mem>>)
      } else {
      }
      %and3A_182 = arith.constant 1 : i32
      %and3A_183 = arith.andi %scan3A_178, %and3A_182 : i32
      %ne3A = arith.constant 0 : i32
      %ne3A_184 = arith.cmpi ne, %and3A_183, %ne3A : i32
      %convert_element_type3A_185 = arith.extui %ne3A_184 : i1 to i32
      %cond3A_186 = arith.constant 0 : i32
      %cond3A_187 = arith.cmpi ne, %convert_element_type3A_185, %cond3A_186 : i32
      scf.if %cond3A_187 {
        %add3A_188 = arith.constant 0 : i32
        %add3A_189 = arith.addi %mul3A_2, %add3A_188 : i32
        %mul3A_190 = arith.constant 4096 : i32
        %mul3A_191 = arith.muli %add3A_189, %mul3A_190 : i32
        %dma_wait3A_192 = tpu.memref_slice %arg2[%mul3A_191] : memref<4194304xf32, #tpu.memory_space<hbm>> -> memref<4096xf32, #tpu.memory_space<hbm>>
        %dma_wait3A_193 = tpu.memref_slice %arg2[%mul3A_191] : memref<4194304xf32, #tpu.memory_space<hbm>> -> memref<4096xf32, #tpu.memory_space<hbm>>
        tpu.wait_dma2 semaphore(%arg11 : memref<!tpu.dma_semaphore, #tpu.memory_space<semaphore_mem>>) src(%dma_wait3A_193 : memref<4096xf32, #tpu.memory_space<hbm>>) dst(%arg5 : memref<4096xf32, #tpu.memory_space<vmem>>)
        %add3A_194 = arith.constant 1 : i32
        %add3A_195 = arith.addi %scan3A_178, %add3A_194 : i32
        %lt3A = arith.constant 32 : i32
        %lt3A_196 = arith.cmpi slt, %add3A_195, %lt3A : i32
        %convert_element_type3A_197 = arith.extui %lt3A_196 : i1 to i32
        %cond3A_198 = arith.constant 0 : i32
        %cond3A_199 = arith.cmpi ne, %convert_element_type3A_197, %cond3A_198 : i32
        scf.if %cond3A_199 {
          %add3A_218 = arith.constant 1 : i32
          %add3A_219 = arith.addi %scan3A_178, %add3A_218 : i32
          %add3A_220 = arith.addi %mul3A_2, %add3A_219 : i32
          %mul3A_221 = arith.constant 4096 : i32
          %mul3A_222 = arith.muli %add3A_220, %mul3A_221 : i32
          %dma_start3A_223 = tpu.memref_slice %arg2[%mul3A_222] : memref<4194304xf32, #tpu.memory_space<hbm>> -> memref<4096xf32, #tpu.memory_space<hbm>>
          %dma_start3A_224 = tpu.memref_slice %arg2[%mul3A_222] : memref<4194304xf32, #tpu.memory_space<hbm>> -> memref<4096xf32, #tpu.memory_space<hbm>>
          tpu.enqueue_dma source(%dma_start3A_224 : memref<4096xf32, #tpu.memory_space<hbm>>) target(%arg4 : memref<4096xf32, #tpu.memory_space<vmem>>) target_semaphore(%arg10 : memref<!tpu.dma_semaphore, #tpu.memory_space<semaphore_mem>>)
        } else {
        }
        %ge3A = arith.constant 2 : i32
        %ge3A_200 = arith.cmpi sge, %scan3A_178, %ge3A : i32
        %convert_element_type3A_201 = arith.extui %ge3A_200 : i1 to i32
        %cond3A_202 = arith.constant 0 : i32
        %cond3A_203 = arith.cmpi ne, %convert_element_type3A_201, %cond3A_202 : i32
        scf.if %cond3A_203 {
          %dma_wait3A_218 = arith.constant 0 : i32
          %dma_wait3A_219 = tpu.memref_slice %arg3[%dma_wait3A_218] : memref<37748736xi32, #tpu.memory_space<hbm>> -> memref<4096xi32, #tpu.memory_space<hbm>>
          %dma_wait3A_220 = arith.constant 0 : i32
          %dma_wait3A_221 = tpu.memref_slice %arg3[%dma_wait3A_220] : memref<37748736xi32, #tpu.memory_space<hbm>> -> memref<4096xi32, #tpu.memory_space<hbm>>
          tpu.wait_dma2 semaphore(%arg13 : memref<!tpu.dma_semaphore, #tpu.memory_space<semaphore_mem>>) src(%arg9 : memref<4096xi32, #tpu.memory_space<vmem>>) dst(%dma_wait3A_221 : memref<4096xi32, #tpu.memory_space<hbm>>)
        } else {
        }
        %scan3A_204 = arith.constant 0 : i32
        %scan3A_205 = arith.constant 256 : i32
        %scan3A_206 = arith.addi %scan3A_204, %scan3A_205 : i32
        %scan3A_207 = arith.constant 4 : i32
        scf.for %scan3A_218 = %scan3A_204 to %scan3A_206 step %scan3A_207  : i32 {
          %mul3A_219 = arith.constant 16 : i32
          %mul3A_220 = arith.muli %scan3A_218, %mul3A_219 : i32
          %get3A = arith.index_cast %mul3A_220 : i32 to index
          %get3A_221 = tpu.vector_load %arg5[%get3A] {strides = array<i32>} : memref<4096xf32, #tpu.memory_space<vmem>>, vector<16xf32>,
          %ge3A_222 = arith.constant 5.000000e-01 : f32
          %ge3A_223 = vector.broadcast %ge3A_222 : f32 to vector<16xf32>
          %ge3A_224 = arith.cmpf oge, %get3A_221, %ge3A_223 : vector<16xf32>
          %jit3A = arith.constant 1 : i32
          %jit3A_225 = arith.constant 0 : i32
          %broadcast_in_dim3A_226 = vector.broadcast %jit3A : i32 to vector<16xi32>
          %broadcast_in_dim3A_227 = vector.broadcast %jit3A_225 : i32 to vector<16xi32>
          %select_n3A = arith.select %ge3A_224, %broadcast_in_dim3A_226, %broadcast_in_dim3A_227 : vector<16xi1>, vector<16xi32>
          %mul3A_228 = arith.constant 16 : i32
          %mul3A_229 = arith.muli %scan3A_218, %mul3A_228 : i32
          %swap3A_230 = arith.index_cast %mul3A_229 : i32 to index
          %swap3A_231 = tpu.vector_load %arg9[%swap3A_230] {strides = array<i32>} : memref<4096xi32, #tpu.memory_space<vmem>>, vector<16xi32>,
          tpu.vector_store %arg9[%swap3A_230], %select_n3A {strides = array<i32>} : memref<4096xi32, #tpu.memory_space<vmem>>, vector<16xi32>,
          %mul3A_232 = arith.constant 16 : i32
          %mul3A_233 = arith.muli %scan3A_218, %mul3A_232 : i32
          %add3A_234 = arith.constant 8 : i32
          %add3A_235 = arith.addi %add3A_234, %mul3A_233 : i32
          %shift_left3A = vector.broadcast %scan3A_178 : i32 to vector<16xi32>
          %shift_left3A_236 = arith.shli %select_n3A, %shift_left3A : vector<16xi32>
          %swap3A_237 = arith.index_cast %add3A_235 : i32 to index
          %swap3A_238 = tpu.vector_load %arg6[%swap3A_237] {strides = array<i32>} : memref<4112xi32, #tpu.memory_space<vmem>>, vector<16xi32>,
          tpu.vector_store %arg6[%swap3A_237], %shift_left3A_236 {add = true, strides = array<i32>} : memref<4112xi32, #tpu.memory_space<vmem>>, vector<16xi32>,
          %scan3A_239 = arith.constant 1 : i32
          %scan3A_240 = arith.addi %scan3A_218, %scan3A_239 : i32
          %mul3A_241 = arith.constant 16 : i32
          %mul3A_242 = arith.muli %scan3A_240, %mul3A_241 : i32
          %get3A_243 = arith.index_cast %mul3A_242 : i32 to index
          %get3A_244 = tpu.vector_load %arg5[%get3A_243] {strides = array<i32>} : memref<4096xf32, #tpu.memory_space<vmem>>, vector<16xf32>,
          %ge3A_245 = arith.constant 5.000000e-01 : f32
          %ge3A_246 = vector.broadcast %ge3A_245 : f32 to vector<16xf32>
          %ge3A_247 = arith.cmpf oge, %get3A_244, %ge3A_246 : vector<16xf32>
          %jit3A_248 = arith.constant 1 : i32
          %jit3A_249 = arith.constant 0 : i32
          %broadcast_in_dim3A_250 = vector.broadcast %jit3A_248 : i32 to vector<16xi32>
          %broadcast_in_dim3A_251 = vector.broadcast %jit3A_249 : i32 to vector<16xi32>
          %select_n3A_252 = arith.select %ge3A_247, %broadcast_in_dim3A_250, %broadcast_in_dim3A_251 : vector<16xi1>, vector<16xi32>
          %mul3A_253 = arith.constant 16 : i32
          %mul3A_254 = arith.muli %scan3A_240, %mul3A_253 : i32
          %swap3A_255 = arith.index_cast %mul3A_254 : i32 to index
          %swap3A_256 = tpu.vector_load %arg9[%swap3A_255] {strides = array<i32>} : memref<4096xi32, #tpu.memory_space<vmem>>, vector<16xi32>,
          tpu.vector_store %arg9[%swap3A_255], %select_n3A_252 {strides = array<i32>} : memref<4096xi32, #tpu.memory_space<vmem>>, vector<16xi32>,
          %mul3A_257 = arith.constant 16 : i32
          %mul3A_258 = arith.muli %scan3A_240, %mul3A_257 : i32
          %add3A_259 = arith.constant 8 : i32
          %add3A_260 = arith.addi %add3A_259, %mul3A_258 : i32
          %shift_left3A_261 = vector.broadcast %scan3A_178 : i32 to vector<16xi32>
          %shift_left3A_262 = arith.shli %select_n3A_252, %shift_left3A_261 : vector<16xi32>
          %swap3A_263 = arith.index_cast %add3A_260 : i32 to index
          %swap3A_264 = tpu.vector_load %arg6[%swap3A_263] {strides = array<i32>} : memref<4112xi32, #tpu.memory_space<vmem>>, vector<16xi32>,
          tpu.vector_store %arg6[%swap3A_263], %shift_left3A_262 {add = true, strides = array<i32>} : memref<4112xi32, #tpu.memory_space<vmem>>, vector<16xi32>,
          %scan3A_265 = arith.constant 2 : i32
          %scan3A_266 = arith.addi %scan3A_218, %scan3A_265 : i32
          %mul3A_267 = arith.constant 16 : i32
          %mul3A_268 = arith.muli %scan3A_266, %mul3A_267 : i32
          %get3A_269 = arith.index_cast %mul3A_268 : i32 to index
          %get3A_270 = tpu.vector_load %arg5[%get3A_269] {strides = array<i32>} : memref<4096xf32, #tpu.memory_space<vmem>>, vector<16xf32>,
          %ge3A_271 = arith.constant 5.000000e-01 : f32
          %ge3A_272 = vector.broadcast %ge3A_271 : f32 to vector<16xf32>
          %ge3A_273 = arith.cmpf oge, %get3A_270, %ge3A_272 : vector<16xf32>
          %jit3A_274 = arith.constant 1 : i32
          %jit3A_275 = arith.constant 0 : i32
          %broadcast_in_dim3A_276 = vector.broadcast %jit3A_274 : i32 to vector<16xi32>
          %broadcast_in_dim3A_277 = vector.broadcast %jit3A_275 : i32 to vector<16xi32>
          %select_n3A_278 = arith.select %ge3A_273, %broadcast_in_dim3A_276, %broadcast_in_dim3A_277 : vector<16xi1>, vector<16xi32>
          %mul3A_279 = arith.constant 16 : i32
          %mul3A_280 = arith.muli %scan3A_266, %mul3A_279 : i32
          %swap3A_281 = arith.index_cast %mul3A_280 : i32 to index
          %swap3A_282 = tpu.vector_load %arg9[%swap3A_281] {strides = array<i32>} : memref<4096xi32, #tpu.memory_space<vmem>>, vector<16xi32>,
          tpu.vector_store %arg9[%swap3A_281], %select_n3A_278 {strides = array<i32>} : memref<4096xi32, #tpu.memory_space<vmem>>, vector<16xi32>,
          %mul3A_283 = arith.constant 16 : i32
          %mul3A_284 = arith.muli %scan3A_266, %mul3A_283 : i32
          %add3A_285 = arith.constant 8 : i32
          %add3A_286 = arith.addi %add3A_285, %mul3A_284 : i32
          %shift_left3A_287 = vector.broadcast %scan3A_178 : i32 to vector<16xi32>
          %shift_left3A_288 = arith.shli %select_n3A_278, %shift_left3A_287 : vector<16xi32>
          %swap3A_289 = arith.index_cast %add3A_286 : i32 to index
          %swap3A_290 = tpu.vector_load %arg6[%swap3A_289] {strides = array<i32>} : memref<4112xi32, #tpu.memory_space<vmem>>, vector<16xi32>,
          tpu.vector_store %arg6[%swap3A_289], %shift_left3A_288 {add = true, strides = array<i32>} : memref<4112xi32, #tpu.memory_space<vmem>>, vector<16xi32>,
          %scan3A_291 = arith.constant 3 : i32
          %scan3A_292 = arith.addi %scan3A_218, %scan3A_291 : i32
          %mul3A_293 = arith.constant 16 : i32
          %mul3A_294 = arith.muli %scan3A_292, %mul3A_293 : i32
          %get3A_295 = arith.index_cast %mul3A_294 : i32 to index
          %get3A_296 = tpu.vector_load %arg5[%get3A_295] {strides = array<i32>} : memref<4096xf32, #tpu.memory_space<vmem>>, vector<16xf32>,
          %ge3A_297 = arith.constant 5.000000e-01 : f32
          %ge3A_298 = vector.broadcast %ge3A_297 : f32 to vector<16xf32>
          %ge3A_299 = arith.cmpf oge, %get3A_296, %ge3A_298 : vector<16xf32>
          %jit3A_300 = arith.constant 1 : i32
          %jit3A_301 = arith.constant 0 : i32
          %broadcast_in_dim3A_302 = vector.broadcast %jit3A_300 : i32 to vector<16xi32>
          %broadcast_in_dim3A_303 = vector.broadcast %jit3A_301 : i32 to vector<16xi32>
          %select_n3A_304 = arith.select %ge3A_299, %broadcast_in_dim3A_302, %broadcast_in_dim3A_303 : vector<16xi1>, vector<16xi32>
          %mul3A_305 = arith.constant 16 : i32
          %mul3A_306 = arith.muli %scan3A_292, %mul3A_305 : i32
          %swap3A_307 = arith.index_cast %mul3A_306 : i32 to index
          %swap3A_308 = tpu.vector_load %arg9[%swap3A_307] {strides = array<i32>} : memref<4096xi32, #tpu.memory_space<vmem>>, vector<16xi32>,
          tpu.vector_store %arg9[%swap3A_307], %select_n3A_304 {strides = array<i32>} : memref<4096xi32, #tpu.memory_space<vmem>>, vector<16xi32>,
          %mul3A_309 = arith.constant 16 : i32
          %mul3A_310 = arith.muli %scan3A_292, %mul3A_309 : i32
          %add3A_311 = arith.constant 8 : i32
          %add3A_312 = arith.addi %add3A_311, %mul3A_310 : i32
          %shift_left3A_313 = vector.broadcast %scan3A_178 : i32 to vector<16xi32>
          %shift_left3A_314 = arith.shli %select_n3A_304, %shift_left3A_313 : vector<16xi32>
          %swap3A_315 = arith.index_cast %add3A_312 : i32 to index
          %swap3A_316 = tpu.vector_load %arg6[%swap3A_315] {strides = array<i32>} : memref<4112xi32, #tpu.memory_space<vmem>>, vector<16xi32>,
          tpu.vector_store %arg6[%swap3A_315], %shift_left3A_314 {add = true, strides = array<i32>} : memref<4112xi32, #tpu.memory_space<vmem>>, vector<16xi32>,
        }
        %scan3A_208 = arith.constant 256 : i32
        %add3A_209 = arith.addi %mul3A_2, %scan3A_178 : i32
        %mul3A_210 = arith.constant 9 : i32
        %mul3A_211 = arith.muli %add3A_209, %mul3A_210 : i32
        %add3A_212 = arith.constant 0 : i32
        %add3A_213 = arith.addi %mul3A_211, %add3A_212 : i32
        %mul3A_214 = arith.constant 4096 : i32
        %mul3A_215 = arith.muli %add3A_213, %mul3A_214 : i32
        %dma_start3A_216 = tpu.memref_slice %arg3[%mul3A_215] : memref<37748736xi32, #tpu.memory_space<hbm>> -> memref<4096xi32, #tpu.memory_space<hbm>>
        %dma_start3A_217 = tpu.memref_slice %arg3[%mul3A_215] : memref<37748736xi32, #tpu.memory_space<hbm>> -> memref<4096xi32, #tpu.memory_space<hbm>>
        tpu.enqueue_dma source(%arg9 : memref<4096xi32, #tpu.memory_space<vmem>>) target(%dma_start3A_217 : memref<4096xi32, #tpu.memory_space<hbm>>) target_semaphore(%arg13 : memref<!tpu.dma_semaphore, #tpu.memory_space<semaphore_mem>>)
      } else {
      }
    }
    %scan3A_26 = arith.constant 32 : i32
    %dma_wait3A = arith.constant 0 : i32
    %dma_wait3A_27 = tpu.memref_slice %arg3[%dma_wait3A] : memref<37748736xi32, #tpu.memory_space<hbm>> -> memref<4096xi32, #tpu.memory_space<hbm>>
    %dma_wait3A_28 = arith.constant 0 : i32
    %dma_wait3A_29 = tpu.memref_slice %arg3[%dma_wait3A_28] : memref<37748736xi32, #tpu.memory_space<hbm>> -> memref<4096xi32, #tpu.memory_space<hbm>>
    tpu.wait_dma2 semaphore(%arg12 : memref<!tpu.dma_semaphore, #tpu.memory_space<semaphore_mem>>) src(%arg8 : memref<4096xi32, #tpu.memory_space<vmem>>) dst(%dma_wait3A_29 : memref<4096xi32, #tpu.memory_space<hbm>>)
    %dma_wait3A_30 = arith.constant 0 : i32
    %dma_wait3A_31 = tpu.memref_slice %arg3[%dma_wait3A_30] : memref<37748736xi32, #tpu.memory_space<hbm>> -> memref<4096xi32, #tpu.memory_space<hbm>>
    %dma_wait3A_32 = arith.constant 0 : i32
    %dma_wait3A_33 = tpu.memref_slice %arg3[%dma_wait3A_32] : memref<37748736xi32, #tpu.memory_space<hbm>> -> memref<4096xi32, #tpu.memory_space<hbm>>
    tpu.wait_dma2 semaphore(%arg13 : memref<!tpu.dma_semaphore, #tpu.memory_space<semaphore_mem>>) src(%arg9 : memref<4096xi32, #tpu.memory_space<vmem>>) dst(%dma_wait3A_33 : memref<4096xi32, #tpu.memory_space<hbm>>)
    %scan3A_34 = arith.constant 0 : i32
    %scan3A_35 = arith.constant 256 : i32
    %scan3A_36 = arith.addi %scan3A_34, %scan3A_35 : i32
    %scan3A_37 = arith.constant 4 : i32
    scf.for %scan3A_178 = %scan3A_34 to %scan3A_36 step %scan3A_37  : i32 {
      %mul3A_179 = arith.constant 16 : i32
      %mul3A_180 = arith.muli %scan3A_178, %mul3A_179 : i32
      %add3A_181 = arith.constant 8 : i32
      %add3A_182 = arith.addi %add3A_181, %mul3A_180 : i32
      %get3A = arith.index_cast %add3A_182 : i32 to index
      %get3A_183 = tpu.vector_load %arg6[%get3A] {strides = array<i32>} : memref<4112xi32, #tpu.memory_space<vmem>>, vector<16xi32>,
      %sub3A = arith.constant 1 : i32
      %sub3A_184 = arith.subi %add3A_182, %sub3A : i32
      %get3A_185 = arith.index_cast %sub3A_184 : i32 to index
      %get3A_186 = tpu.vector_load %arg6[%get3A_185] {strides = array<i32>} : memref<4112xi32, #tpu.memory_space<vmem>>, vector<16xi32>,
      %add3A_187 = arith.constant 1 : i32
      %add3A_188 = arith.addi %add3A_182, %add3A_187 : i32
      %get3A_189 = arith.index_cast %add3A_188 : i32 to index
      %get3A_190 = tpu.vector_load %arg6[%get3A_189] {strides = array<i32>} : memref<4112xi32, #tpu.memory_space<vmem>>, vector<16xi32>,
      %or3A = arith.ori %get3A_186, %get3A_183 : vector<16xi32>
      %and3A = arith.andi %get3A_186, %get3A_183 : vector<16xi32>
      %and3A_191 = arith.andi %and3A, %get3A_190 : vector<16xi32>
      %not3A = arith.constant dense<-1> : vector<16xi32>
      %not3A_192 = arith.xori %and3A_191, %not3A : vector<16xi32>
      %and3A_193 = arith.andi %or3A, %not3A_192 : vector<16xi32>
      %swap3A_194 = arith.index_cast %add3A_182 : i32 to index
      %swap3A_195 = tpu.vector_load %arg7[%swap3A_194] {strides = array<i32>} : memref<4112xi32, #tpu.memory_space<vmem>>, vector<16xi32>,
      tpu.vector_store %arg7[%swap3A_194], %and3A_193 {strides = array<i32>} : memref<4112xi32, #tpu.memory_space<vmem>>, vector<16xi32>,
      %scan3A_196 = arith.constant 1 : i32
      %scan3A_197 = arith.addi %scan3A_178, %scan3A_196 : i32
      %mul3A_198 = arith.constant 16 : i32
      %mul3A_199 = arith.muli %scan3A_197, %mul3A_198 : i32
      %add3A_200 = arith.constant 8 : i32
      %add3A_201 = arith.addi %add3A_200, %mul3A_199 : i32
      %get3A_202 = arith.index_cast %add3A_201 : i32 to index
      %get3A_203 = tpu.vector_load %arg6[%get3A_202] {strides = array<i32>} : memref<4112xi32, #tpu.memory_space<vmem>>, vector<16xi32>,
      %sub3A_204 = arith.constant 1 : i32
      %sub3A_205 = arith.subi %add3A_201, %sub3A_204 : i32
      %get3A_206 = arith.index_cast %sub3A_205 : i32 to index
      %get3A_207 = tpu.vector_load %arg6[%get3A_206] {strides = array<i32>} : memref<4112xi32, #tpu.memory_space<vmem>>, vector<16xi32>,
      %add3A_208 = arith.constant 1 : i32
      %add3A_209 = arith.addi %add3A_201, %add3A_208 : i32
      %get3A_210 = arith.index_cast %add3A_209 : i32 to index
      %get3A_211 = tpu.vector_load %arg6[%get3A_210] {strides = array<i32>} : memref<4112xi32, #tpu.memory_space<vmem>>, vector<16xi32>,
      %or3A_212 = arith.ori %get3A_207, %get3A_203 : vector<16xi32>
      %and3A_213 = arith.andi %get3A_207, %get3A_203 : vector<16xi32>
      %and3A_214 = arith.andi %and3A_213, %get3A_211 : vector<16xi32>
      %not3A_215 = arith.constant dense<-1> : vector<16xi32>
      %not3A_216 = arith.xori %and3A_214, %not3A_215 : vector<16xi32>
      %and3A_217 = arith.andi %or3A_212, %not3A_216 : vector<16xi32>
      %swap3A_218 = arith.index_cast %add3A_201 : i32 to index
      %swap3A_219 = tpu.vector_load %arg7[%swap3A_218] {strides = array<i32>} : memref<4112xi32, #tpu.memory_space<vmem>>, vector<16xi32>,
      tpu.vector_store %arg7[%swap3A_218], %and3A_217 {strides = array<i32>} : memref<4112xi32, #tpu.memory_space<vmem>>, vector<16xi32>,
      %scan3A_220 = arith.constant 2 : i32
      %scan3A_221 = arith.addi %scan3A_178, %scan3A_220 : i32
      %mul3A_222 = arith.constant 16 : i32
      %mul3A_223 = arith.muli %scan3A_221, %mul3A_222 : i32
      %add3A_224 = arith.constant 8 : i32
      %add3A_225 = arith.addi %add3A_224, %mul3A_223 : i32
      %get3A_226 = arith.index_cast %add3A_225 : i32 to index
      %get3A_227 = tpu.vector_load %arg6[%get3A_226] {strides = array<i32>} : memref<4112xi32, #tpu.memory_space<vmem>>, vector<16xi32>,
      %sub3A_228 = arith.constant 1 : i32
      %sub3A_229 = arith.subi %add3A_225, %sub3A_228 : i32
      %get3A_230 = arith.index_cast %sub3A_229 : i32 to index
      %get3A_231 = tpu.vector_load %arg6[%get3A_230] {strides = array<i32>} : memref<4112xi32, #tpu.memory_space<vmem>>, vector<16xi32>,
      %add3A_232 = arith.constant 1 : i32
      %add3A_233 = arith.addi %add3A_225, %add3A_232 : i32
      %get3A_234 = arith.index_cast %add3A_233 : i32 to index
      %get3A_235 = tpu.vector_load %arg6[%get3A_234] {strides = array<i32>} : memref<4112xi32, #tpu.memory_space<vmem>>, vector<16xi32>,
      %or3A_236 = arith.ori %get3A_231, %get3A_227 : vector<16xi32>
      %and3A_237 = arith.andi %get3A_231, %get3A_227 : vector<16xi32>
      %and3A_238 = arith.andi %and3A_237, %get3A_235 : vector<16xi32>
      %not3A_239 = arith.constant dense<-1> : vector<16xi32>
      %not3A_240 = arith.xori %and3A_238, %not3A_239 : vector<16xi32>
      %and3A_241 = arith.andi %or3A_236, %not3A_240 : vector<16xi32>
      %swap3A_242 = arith.index_cast %add3A_225 : i32 to index
      %swap3A_243 = tpu.vector_load %arg7[%swap3A_242] {strides = array<i32>} : memref<4112xi32, #tpu.memory_space<vmem>>, vector<16xi32>,
      tpu.vector_store %arg7[%swap3A_242], %and3A_241 {strides = array<i32>} : memref<4112xi32, #tpu.memory_space<vmem>>, vector<16xi32>,
      %scan3A_244 = arith.constant 3 : i32
      %scan3A_245 = arith.addi %scan3A_178, %scan3A_244 : i32
      %mul3A_246 = arith.constant 16 : i32
      %mul3A_247 = arith.muli %scan3A_245, %mul3A_246 : i32
      %add3A_248 = arith.constant 8 : i32
      %add3A_249 = arith.addi %add3A_248, %mul3A_247 : i32
      %get3A_250 = arith.index_cast %add3A_249 : i32 to index
      %get3A_251 = tpu.vector_load %arg6[%get3A_250] {strides = array<i32>} : memref<4112xi32, #tpu.memory_space<vmem>>, vector<16xi32>,
      %sub3A_252 = arith.constant 1 : i32
      %sub3A_253 = arith.subi %add3A_249, %sub3A_252 : i32
      %get3A_254 = arith.index_cast %sub3A_253 : i32 to index
      %get3A_255 = tpu.vector_load %arg6[%get3A_254] {strides = array<i32>} : memref<4112xi32, #tpu.memory_space<vmem>>, vector<16xi32>,
      %add3A_256 = arith.constant 1 : i32
      %add3A_257 = arith.addi %add3A_249, %add3A_256 : i32
      %get3A_258 = arith.index_cast %add3A_257 : i32 to index
      %get3A_259 = tpu.vector_load %arg6[%get3A_258] {strides = array<i32>} : memref<4112xi32, #tpu.memory_space<vmem>>, vector<16xi32>,
      %or3A_260 = arith.ori %get3A_255, %get3A_251 : vector<16xi32>
      %and3A_261 = arith.andi %get3A_255, %get3A_251 : vector<16xi32>
      %and3A_262 = arith.andi %and3A_261, %get3A_259 : vector<16xi32>
      %not3A_263 = arith.constant dense<-1> : vector<16xi32>
      %not3A_264 = arith.xori %and3A_262, %not3A_263 : vector<16xi32>
      %and3A_265 = arith.andi %or3A_260, %not3A_264 : vector<16xi32>
      %swap3A_266 = arith.index_cast %add3A_249 : i32 to index
      %swap3A_267 = tpu.vector_load %arg7[%swap3A_266] {strides = array<i32>} : memref<4112xi32, #tpu.memory_space<vmem>>, vector<16xi32>,
      tpu.vector_store %arg7[%swap3A_266], %and3A_265 {strides = array<i32>} : memref<4112xi32, #tpu.memory_space<vmem>>, vector<16xi32>,
    }
    %scan3A_38 = arith.constant 256 : i32
    %scan3A_39 = arith.constant 0 : i32
    %scan3A_40 = arith.constant 32 : i32
    %scan3A_41 = arith.addi %scan3A_39, %scan3A_40 : i32
    %scan3A_42 = arith.constant 1 : i32
    scf.for %scan3A_178 = %scan3A_39 to %scan3A_41 step %scan3A_42  : i32 {
      %and3A = arith.constant 1 : i32
      %and3A_179 = arith.andi %scan3A_178, %and3A : i32
      %eq3A = arith.constant 0 : i32
      %eq3A_180 = arith.cmpi eq, %and3A_179, %eq3A : i32
      %convert_element_type3A = arith.extui %eq3A_180 : i1 to i32
      %cond3A = arith.constant 0 : i32
      %cond3A_181 = arith.cmpi ne, %convert_element_type3A, %cond3A : i32
      scf.if %cond3A_181 {
        %ge3A = arith.constant 2 : i32
        %ge3A_188 = arith.cmpi sge, %scan3A_178, %ge3A : i32
        %convert_element_type3A_189 = arith.extui %ge3A_188 : i1 to i32
        %cond3A_190 = arith.constant 0 : i32
        %cond3A_191 = arith.cmpi ne, %convert_element_type3A_189, %cond3A_190 : i32
        scf.if %cond3A_191 {
          %dma_wait3A_206 = arith.constant 0 : i32
          %dma_wait3A_207 = tpu.memref_slice %arg3[%dma_wait3A_206] : memref<37748736xi32, #tpu.memory_space<hbm>> -> memref<4096xi32, #tpu.memory_space<hbm>>
          %dma_wait3A_208 = arith.constant 0 : i32
          %dma_wait3A_209 = tpu.memref_slice %arg3[%dma_wait3A_208] : memref<37748736xi32, #tpu.memory_space<hbm>> -> memref<4096xi32, #tpu.memory_space<hbm>>
          tpu.wait_dma2 semaphore(%arg12 : memref<!tpu.dma_semaphore, #tpu.memory_space<semaphore_mem>>) src(%arg8 : memref<4096xi32, #tpu.memory_space<vmem>>) dst(%dma_wait3A_209 : memref<4096xi32, #tpu.memory_space<hbm>>)
        } else {
        }
        %scan3A_192 = arith.constant 0 : i32
        %scan3A_193 = arith.constant 256 : i32
        %scan3A_194 = arith.addi %scan3A_192, %scan3A_193 : i32
        %scan3A_195 = arith.constant 8 : i32
        scf.for %scan3A_206 = %scan3A_192 to %scan3A_194 step %scan3A_195  : i32 {
          %mul3A_207 = arith.constant 16 : i32
          %mul3A_208 = arith.muli %scan3A_206, %mul3A_207 : i32
          %add3A_209 = arith.constant 8 : i32
          %add3A_210 = arith.addi %add3A_209, %mul3A_208 : i32
          %get3A = arith.index_cast %add3A_210 : i32 to index
          %get3A_211 = tpu.vector_load %arg7[%get3A] {strides = array<i32>} : memref<4112xi32, #tpu.memory_space<vmem>>, vector<16xi32>,
          %shift_right_arithmetic3A = vector.broadcast %scan3A_178 : i32 to vector<16xi32>
          %shift_right_arithmetic3A_212 = arith.shrsi %get3A_211, %shift_right_arithmetic3A : vector<16xi32>
          %and3A_213 = arith.constant 1 : i32
          %and3A_214 = vector.broadcast %and3A_213 : i32 to vector<16xi32>
          %and3A_215 = arith.andi %shift_right_arithmetic3A_212, %and3A_214 : vector<16xi32>
          %mul3A_216 = arith.constant 16 : i32
          %mul3A_217 = arith.muli %scan3A_206, %mul3A_216 : i32
          %swap3A_218 = arith.index_cast %mul3A_217 : i32 to index
          %swap3A_219 = tpu.vector_load %arg8[%swap3A_218] {strides = array<i32>} : memref<4096xi32, #tpu.memory_space<vmem>>, vector<16xi32>,
          tpu.vector_store %arg8[%swap3A_218], %and3A_215 {strides = array<i32>} : memref<4096xi32, #tpu.memory_space<vmem>>, vector<16xi32>,
          %scan3A_220 = arith.constant 1 : i32
          %scan3A_221 = arith.addi %scan3A_206, %scan3A_220 : i32
          %mul3A_222 = arith.constant 16 : i32
          %mul3A_223 = arith.muli %scan3A_221, %mul3A_222 : i32
          %add3A_224 = arith.constant 8 : i32
          %add3A_225 = arith.addi %add3A_224, %mul3A_223 : i32
          %get3A_226 = arith.index_cast %add3A_225 : i32 to index
          %get3A_227 = tpu.vector_load %arg7[%get3A_226] {strides = array<i32>} : memref<4112xi32, #tpu.memory_space<vmem>>, vector<16xi32>,
          %shift_right_arithmetic3A_228 = vector.broadcast %scan3A_178 : i32 to vector<16xi32>
          %shift_right_arithmetic3A_229 = arith.shrsi %get3A_227, %shift_right_arithmetic3A_228 : vector<16xi32>
          %and3A_230 = arith.constant 1 : i32
          %and3A_231 = vector.broadcast %and3A_230 : i32 to vector<16xi32>
          %and3A_232 = arith.andi %shift_right_arithmetic3A_229, %and3A_231 : vector<16xi32>
          %mul3A_233 = arith.constant 16 : i32
          %mul3A_234 = arith.muli %scan3A_221, %mul3A_233 : i32
          %swap3A_235 = arith.index_cast %mul3A_234 : i32 to index
          %swap3A_236 = tpu.vector_load %arg8[%swap3A_235] {strides = array<i32>} : memref<4096xi32, #tpu.memory_space<vmem>>, vector<16xi32>,
          tpu.vector_store %arg8[%swap3A_235], %and3A_232 {strides = array<i32>} : memref<4096xi32, #tpu.memory_space<vmem>>, vector<16xi32>,
          %scan3A_237 = arith.constant 2 : i32
          %scan3A_238 = arith.addi %scan3A_206, %scan3A_237 : i32
          %mul3A_239 = arith.constant 16 : i32
          %mul3A_240 = arith.muli %scan3A_238, %mul3A_239 : i32
          %add3A_241 = arith.constant 8 : i32
          %add3A_242 = arith.addi %add3A_241, %mul3A_240 : i32
          %get3A_243 = arith.index_cast %add3A_242 : i32 to index
          %get3A_244 = tpu.vector_load %arg7[%get3A_243] {strides = array<i32>} : memref<4112xi32, #tpu.memory_space<vmem>>, vector<16xi32>,
          %shift_right_arithmetic3A_245 = vector.broadcast %scan3A_178 : i32 to vector<16xi32>
          %shift_right_arithmetic3A_246 = arith.shrsi %get3A_244, %shift_right_arithmetic3A_245 : vector<16xi32>
          %and3A_247 = arith.constant 1 : i32
          %and3A_248 = vector.broadcast %and3A_247 : i32 to vector<16xi32>
          %and3A_249 = arith.andi %shift_right_arithmetic3A_246, %and3A_248 : vector<16xi32>
          %mul3A_250 = arith.constant 16 : i32
          %mul3A_251 = arith.muli %scan3A_238, %mul3A_250 : i32
          %swap3A_252 = arith.index_cast %mul3A_251 : i32 to index
          %swap3A_253 = tpu.vector_load %arg8[%swap3A_252] {strides = array<i32>} : memref<4096xi32, #tpu.memory_space<vmem>>, vector<16xi32>,
          tpu.vector_store %arg8[%swap3A_252], %and3A_249 {strides = array<i32>} : memref<4096xi32, #tpu.memory_space<vmem>>, vector<16xi32>,
          %scan3A_254 = arith.constant 3 : i32
          %scan3A_255 = arith.addi %scan3A_206, %scan3A_254 : i32
          %mul3A_256 = arith.constant 16 : i32
          %mul3A_257 = arith.muli %scan3A_255, %mul3A_256 : i32
          %add3A_258 = arith.constant 8 : i32
          %add3A_259 = arith.addi %add3A_258, %mul3A_257 : i32
          %get3A_260 = arith.index_cast %add3A_259 : i32 to index
          %get3A_261 = tpu.vector_load %arg7[%get3A_260] {strides = array<i32>} : memref<4112xi32, #tpu.memory_space<vmem>>, vector<16xi32>,
          %shift_right_arithmetic3A_262 = vector.broadcast %scan3A_178 : i32 to vector<16xi32>
          %shift_right_arithmetic3A_263 = arith.shrsi %get3A_261, %shift_right_arithmetic3A_262 : vector<16xi32>
          %and3A_264 = arith.constant 1 : i32
          %and3A_265 = vector.broadcast %and3A_264 : i32 to vector<16xi32>
          %and3A_266 = arith.andi %shift_right_arithmetic3A_263, %and3A_265 : vector<16xi32>
          %mul3A_267 = arith.constant 16 : i32
          %mul3A_268 = arith.muli %scan3A_255, %mul3A_267 : i32
          %swap3A_269 = arith.index_cast %mul3A_268 : i32 to index
          %swap3A_270 = tpu.vector_load %arg8[%swap3A_269] {strides = array<i32>} : memref<4096xi32, #tpu.memory_space<vmem>>, vector<16xi32>,
          tpu.vector_store %arg8[%swap3A_269], %and3A_266 {strides = array<i32>} : memref<4096xi32, #tpu.memory_space<vmem>>, vector<16xi32>,
          %scan3A_271 = arith.constant 4 : i32
          %scan3A_272 = arith.addi %scan3A_206, %scan3A_271 : i32
          %mul3A_273 = arith.constant 16 : i32
          %mul3A_274 = arith.muli %scan3A_272, %mul3A_273 : i32
          %add3A_275 = arith.constant 8 : i32
          %add3A_276 = arith.addi %add3A_275, %mul3A_274 : i32
          %get3A_277 = arith.index_cast %add3A_276 : i32 to index
          %get3A_278 = tpu.vector_load %arg7[%get3A_277] {strides = array<i32>} : memref<4112xi32, #tpu.memory_space<vmem>>, vector<16xi32>,
          %shift_right_arithmetic3A_279 = vector.broadcast %scan3A_178 : i32 to vector<16xi32>
          %shift_right_arithmetic3A_280 = arith.shrsi %get3A_278, %shift_right_arithmetic3A_279 : vector<16xi32>
          %and3A_281 = arith.constant 1 : i32
          %and3A_282 = vector.broadcast %and3A_281 : i32 to vector<16xi32>
          %and3A_283 = arith.andi %shift_right_arithmetic3A_280, %and3A_282 : vector<16xi32>
          %mul3A_284 = arith.constant 16 : i32
          %mul3A_285 = arith.muli %scan3A_272, %mul3A_284 : i32
          %swap3A_286 = arith.index_cast %mul3A_285 : i32 to index
          %swap3A_287 = tpu.vector_load %arg8[%swap3A_286] {strides = array<i32>} : memref<4096xi32, #tpu.memory_space<vmem>>, vector<16xi32>,
          tpu.vector_store %arg8[%swap3A_286], %and3A_283 {strides = array<i32>} : memref<4096xi32, #tpu.memory_space<vmem>>, vector<16xi32>,
          %scan3A_288 = arith.constant 5 : i32
          %scan3A_289 = arith.addi %scan3A_206, %scan3A_288 : i32
          %mul3A_290 = arith.constant 16 : i32
          %mul3A_291 = arith.muli %scan3A_289, %mul3A_290 : i32
          %add3A_292 = arith.constant 8 : i32
          %add3A_293 = arith.addi %add3A_292, %mul3A_291 : i32
          %get3A_294 = arith.index_cast %add3A_293 : i32 to index
          %get3A_295 = tpu.vector_load %arg7[%get3A_294] {strides = array<i32>} : memref<4112xi32, #tpu.memory_space<vmem>>, vector<16xi32>,
          %shift_right_arithmetic3A_296 = vector.broadcast %scan3A_178 : i32 to vector<16xi32>
          %shift_right_arithmetic3A_297 = arith.shrsi %get3A_295, %shift_right_arithmetic3A_296 : vector<16xi32>
          %and3A_298 = arith.constant 1 : i32
          %and3A_299 = vector.broadcast %and3A_298 : i32 to vector<16xi32>
          %and3A_300 = arith.andi %shift_right_arithmetic3A_297, %and3A_299 : vector<16xi32>
          %mul3A_301 = arith.constant 16 : i32
          %mul3A_302 = arith.muli %scan3A_289, %mul3A_301 : i32
          %swap3A_303 = arith.index_cast %mul3A_302 : i32 to index
          %swap3A_304 = tpu.vector_load %arg8[%swap3A_303] {strides = array<i32>} : memref<4096xi32, #tpu.memory_space<vmem>>, vector<16xi32>,
          tpu.vector_store %arg8[%swap3A_303], %and3A_300 {strides = array<i32>} : memref<4096xi32, #tpu.memory_space<vmem>>, vector<16xi32>,
          %scan3A_305 = arith.constant 6 : i32
          %scan3A_306 = arith.addi %scan3A_206, %scan3A_305 : i32
          %mul3A_307 = arith.constant 16 : i32
          %mul3A_308 = arith.muli %scan3A_306, %mul3A_307 : i32
          %add3A_309 = arith.constant 8 : i32
          %add3A_310 = arith.addi %add3A_309, %mul3A_308 : i32
          %get3A_311 = arith.index_cast %add3A_310 : i32 to index
          %get3A_312 = tpu.vector_load %arg7[%get3A_311] {strides = array<i32>} : memref<4112xi32, #tpu.memory_space<vmem>>, vector<16xi32>,
          %shift_right_arithmetic3A_313 = vector.broadcast %scan3A_178 : i32 to vector<16xi32>
          %shift_right_arithmetic3A_314 = arith.shrsi %get3A_312, %shift_right_arithmetic3A_313 : vector<16xi32>
          %and3A_315 = arith.constant 1 : i32
          %and3A_316 = vector.broadcast %and3A_315 : i32 to vector<16xi32>
          %and3A_317 = arith.andi %shift_right_arithmetic3A_314, %and3A_316 : vector<16xi32>
          %mul3A_318 = arith.constant 16 : i32
          %mul3A_319 = arith.muli %scan3A_306, %mul3A_318 : i32
          %swap3A_320 = arith.index_cast %mul3A_319 : i32 to index
          %swap3A_321 = tpu.vector_load %arg8[%swap3A_320] {strides = array<i32>} : memref<4096xi32, #tpu.memory_space<vmem>>, vector<16xi32>,
          tpu.vector_store %arg8[%swap3A_320], %and3A_317 {strides = array<i32>} : memref<4096xi32, #tpu.memory_space<vmem>>, vector<16xi32>,
          %scan3A_322 = arith.constant 7 : i32
          %scan3A_323 = arith.addi %scan3A_206, %scan3A_322 : i32
          %mul3A_324 = arith.constant 16 : i32
          %mul3A_325 = arith.muli %scan3A_323, %mul3A_324 : i32
          %add3A_326 = arith.constant 8 : i32
          %add3A_327 = arith.addi %add3A_326, %mul3A_325 : i32
          %get3A_328 = arith.index_cast %add3A_327 : i32 to index
          %get3A_329 = tpu.vector_load %arg7[%get3A_328] {strides = array<i32>} : memref<4112xi32, #tpu.memory_space<vmem>>, vector<16xi32>,
          %shift_right_arithmetic3A_330 = vector.broadcast %scan3A_178 : i32 to vector<16xi32>
          %shift_right_arithmetic3A_331 = arith.shrsi %get3A_329, %shift_right_arithmetic3A_330 : vector<16xi32>
          %and3A_332 = arith.constant 1 : i32
          %and3A_333 = vector.broadcast %and3A_332 : i32 to vector<16xi32>
          %and3A_334 = arith.andi %shift_right_arithmetic3A_331, %and3A_333 : vector<16xi32>
          %mul3A_335 = arith.constant 16 : i32
          %mul3A_336 = arith.muli %scan3A_323, %mul3A_335 : i32
          %swap3A_337 = arith.index_cast %mul3A_336 : i32 to index
          %swap3A_338 = tpu.vector_load %arg8[%swap3A_337] {strides = array<i32>} : memref<4096xi32, #tpu.memory_space<vmem>>, vector<16xi32>,
          tpu.vector_store %arg8[%swap3A_337], %and3A_334 {strides = array<i32>} : memref<4096xi32, #tpu.memory_space<vmem>>, vector<16xi32>,
        }
        %scan3A_196 = arith.constant 256 : i32
        %add3A_197 = arith.addi %mul3A_2, %scan3A_178 : i32
        %mul3A_198 = arith.constant 9 : i32
        %mul3A_199 = arith.muli %add3A_197, %mul3A_198 : i32
        %add3A_200 = arith.constant 1 : i32
        %add3A_201 = arith.addi %mul3A_199, %add3A_200 : i32
        %mul3A_202 = arith.constant 4096 : i32
        %mul3A_203 = arith.muli %add3A_201, %mul3A_202 : i32
        %dma_start3A_204 = tpu.memref_slice %arg3[%mul3A_203] : memref<37748736xi32, #tpu.memory_space<hbm>> -> memref<4096xi32, #tpu.memory_space<hbm>>
        %dma_start3A_205 = tpu.memref_slice %arg3[%mul3A_203] : memref<37748736xi32, #tpu.memory_space<hbm>> -> memref<4096xi32, #tpu.memory_space<hbm>>
        tpu.enqueue_dma source(%arg8 : memref<4096xi32, #tpu.memory_space<vmem>>) target(%dma_start3A_205 : memref<4096xi32, #tpu.memory_space<hbm>>) target_semaphore(%arg12 : memref<!tpu.dma_semaphore, #tpu.memory_space<semaphore_mem>>)
      } else {
      }
      %and3A_182 = arith.constant 1 : i32
      %and3A_183 = arith.andi %scan3A_178, %and3A_182 : i32
      %ne3A = arith.constant 0 : i32
      %ne3A_184 = arith.cmpi ne, %and3A_183, %ne3A : i32
      %convert_element_type3A_185 = arith.extui %ne3A_184 : i1 to i32
      %cond3A_186 = arith.constant 0 : i32
      %cond3A_187 = arith.cmpi ne, %convert_element_type3A_185, %cond3A_186 : i32
      scf.if %cond3A_187 {
        %ge3A = arith.constant 2 : i32
        %ge3A_188 = arith.cmpi sge, %scan3A_178, %ge3A : i32
        %convert_element_type3A_189 = arith.extui %ge3A_188 : i1 to i32
        %cond3A_190 = arith.constant 0 : i32
        %cond3A_191 = arith.cmpi ne, %convert_element_type3A_189, %cond3A_190 : i32
        scf.if %cond3A_191 {
          %dma_wait3A_206 = arith.constant 0 : i32
          %dma_wait3A_207 = tpu.memref_slice %arg3[%dma_wait3A_206] : memref<37748736xi32, #tpu.memory_space<hbm>> -> memref<4096xi32, #tpu.memory_space<hbm>>
          %dma_wait3A_208 = arith.constant 0 : i32
          %dma_wait3A_209 = tpu.memref_slice %arg3[%dma_wait3A_208] : memref<37748736xi32, #tpu.memory_space<hbm>> -> memref<4096xi32, #tpu.memory_space<hbm>>
          tpu.wait_dma2 semaphore(%arg13 : memref<!tpu.dma_semaphore, #tpu.memory_space<semaphore_mem>>) src(%arg9 : memref<4096xi32, #tpu.memory_space<vmem>>) dst(%dma_wait3A_209 : memref<4096xi32, #tpu.memory_space<hbm>>)
        } else {
        }
        %scan3A_192 = arith.constant 0 : i32
        %scan3A_193 = arith.constant 256 : i32
        %scan3A_194 = arith.addi %scan3A_192, %scan3A_193 : i32
        %scan3A_195 = arith.constant 8 : i32
        scf.for %scan3A_206 = %scan3A_192 to %scan3A_194 step %scan3A_195  : i32 {
          %mul3A_207 = arith.constant 16 : i32
          %mul3A_208 = arith.muli %scan3A_206, %mul3A_207 : i32
          %add3A_209 = arith.constant 8 : i32
          %add3A_210 = arith.addi %add3A_209, %mul3A_208 : i32
          %get3A = arith.index_cast %add3A_210 : i32 to index
          %get3A_211 = tpu.vector_load %arg7[%get3A] {strides = array<i32>} : memref<4112xi32, #tpu.memory_space<vmem>>, vector<16xi32>,
          %shift_right_arithmetic3A = vector.broadcast %scan3A_178 : i32 to vector<16xi32>
          %shift_right_arithmetic3A_212 = arith.shrsi %get3A_211, %shift_right_arithmetic3A : vector<16xi32>
          %and3A_213 = arith.constant 1 : i32
          %and3A_214 = vector.broadcast %and3A_213 : i32 to vector<16xi32>
          %and3A_215 = arith.andi %shift_right_arithmetic3A_212, %and3A_214 : vector<16xi32>
          %mul3A_216 = arith.constant 16 : i32
          %mul3A_217 = arith.muli %scan3A_206, %mul3A_216 : i32
          %swap3A_218 = arith.index_cast %mul3A_217 : i32 to index
          %swap3A_219 = tpu.vector_load %arg9[%swap3A_218] {strides = array<i32>} : memref<4096xi32, #tpu.memory_space<vmem>>, vector<16xi32>,
          tpu.vector_store %arg9[%swap3A_218], %and3A_215 {strides = array<i32>} : memref<4096xi32, #tpu.memory_space<vmem>>, vector<16xi32>,
          %scan3A_220 = arith.constant 1 : i32
          %scan3A_221 = arith.addi %scan3A_206, %scan3A_220 : i32
          %mul3A_222 = arith.constant 16 : i32
          %mul3A_223 = arith.muli %scan3A_221, %mul3A_222 : i32
          %add3A_224 = arith.constant 8 : i32
          %add3A_225 = arith.addi %add3A_224, %mul3A_223 : i32
          %get3A_226 = arith.index_cast %add3A_225 : i32 to index
          %get3A_227 = tpu.vector_load %arg7[%get3A_226] {strides = array<i32>} : memref<4112xi32, #tpu.memory_space<vmem>>, vector<16xi32>,
          %shift_right_arithmetic3A_228 = vector.broadcast %scan3A_178 : i32 to vector<16xi32>
          %shift_right_arithmetic3A_229 = arith.shrsi %get3A_227, %shift_right_arithmetic3A_228 : vector<16xi32>
          %and3A_230 = arith.constant 1 : i32
          %and3A_231 = vector.broadcast %and3A_230 : i32 to vector<16xi32>
          %and3A_232 = arith.andi %shift_right_arithmetic3A_229, %and3A_231 : vector<16xi32>
          %mul3A_233 = arith.constant 16 : i32
          %mul3A_234 = arith.muli %scan3A_221, %mul3A_233 : i32
          %swap3A_235 = arith.index_cast %mul3A_234 : i32 to index
          %swap3A_236 = tpu.vector_load %arg9[%swap3A_235] {strides = array<i32>} : memref<4096xi32, #tpu.memory_space<vmem>>, vector<16xi32>,
          tpu.vector_store %arg9[%swap3A_235], %and3A_232 {strides = array<i32>} : memref<4096xi32, #tpu.memory_space<vmem>>, vector<16xi32>,
          %scan3A_237 = arith.constant 2 : i32
          %scan3A_238 = arith.addi %scan3A_206, %scan3A_237 : i32
          %mul3A_239 = arith.constant 16 : i32
          %mul3A_240 = arith.muli %scan3A_238, %mul3A_239 : i32
          %add3A_241 = arith.constant 8 : i32
          %add3A_242 = arith.addi %add3A_241, %mul3A_240 : i32
          %get3A_243 = arith.index_cast %add3A_242 : i32 to index
          %get3A_244 = tpu.vector_load %arg7[%get3A_243] {strides = array<i32>} : memref<4112xi32, #tpu.memory_space<vmem>>, vector<16xi32>,
          %shift_right_arithmetic3A_245 = vector.broadcast %scan3A_178 : i32 to vector<16xi32>
          %shift_right_arithmetic3A_246 = arith.shrsi %get3A_244, %shift_right_arithmetic3A_245 : vector<16xi32>
          %and3A_247 = arith.constant 1 : i32
          %and3A_248 = vector.broadcast %and3A_247 : i32 to vector<16xi32>
          %and3A_249 = arith.andi %shift_right_arithmetic3A_246, %and3A_248 : vector<16xi32>
          %mul3A_250 = arith.constant 16 : i32
          %mul3A_251 = arith.muli %scan3A_238, %mul3A_250 : i32
          %swap3A_252 = arith.index_cast %mul3A_251 : i32 to index
          %swap3A_253 = tpu.vector_load %arg9[%swap3A_252] {strides = array<i32>} : memref<4096xi32, #tpu.memory_space<vmem>>, vector<16xi32>,
          tpu.vector_store %arg9[%swap3A_252], %and3A_249 {strides = array<i32>} : memref<4096xi32, #tpu.memory_space<vmem>>, vector<16xi32>,
          %scan3A_254 = arith.constant 3 : i32
          %scan3A_255 = arith.addi %scan3A_206, %scan3A_254 : i32
          %mul3A_256 = arith.constant 16 : i32
          %mul3A_257 = arith.muli %scan3A_255, %mul3A_256 : i32
          %add3A_258 = arith.constant 8 : i32
          %add3A_259 = arith.addi %add3A_258, %mul3A_257 : i32
          %get3A_260 = arith.index_cast %add3A_259 : i32 to index
          %get3A_261 = tpu.vector_load %arg7[%get3A_260] {strides = array<i32>} : memref<4112xi32, #tpu.memory_space<vmem>>, vector<16xi32>,
          %shift_right_arithmetic3A_262 = vector.broadcast %scan3A_178 : i32 to vector<16xi32>
          %shift_right_arithmetic3A_263 = arith.shrsi %get3A_261, %shift_right_arithmetic3A_262 : vector<16xi32>
          %and3A_264 = arith.constant 1 : i32
          %and3A_265 = vector.broadcast %and3A_264 : i32 to vector<16xi32>
          %and3A_266 = arith.andi %shift_right_arithmetic3A_263, %and3A_265 : vector<16xi32>
          %mul3A_267 = arith.constant 16 : i32
          %mul3A_268 = arith.muli %scan3A_255, %mul3A_267 : i32
          %swap3A_269 = arith.index_cast %mul3A_268 : i32 to index
          %swap3A_270 = tpu.vector_load %arg9[%swap3A_269] {strides = array<i32>} : memref<4096xi32, #tpu.memory_space<vmem>>, vector<16xi32>,
          tpu.vector_store %arg9[%swap3A_269], %and3A_266 {strides = array<i32>} : memref<4096xi32, #tpu.memory_space<vmem>>, vector<16xi32>,
          %scan3A_271 = arith.constant 4 : i32
          %scan3A_272 = arith.addi %scan3A_206, %scan3A_271 : i32
          %mul3A_273 = arith.constant 16 : i32
          %mul3A_274 = arith.muli %scan3A_272, %mul3A_273 : i32
          %add3A_275 = arith.constant 8 : i32
          %add3A_276 = arith.addi %add3A_275, %mul3A_274 : i32
          %get3A_277 = arith.index_cast %add3A_276 : i32 to index
          %get3A_278 = tpu.vector_load %arg7[%get3A_277] {strides = array<i32>} : memref<4112xi32, #tpu.memory_space<vmem>>, vector<16xi32>,
          %shift_right_arithmetic3A_279 = vector.broadcast %scan3A_178 : i32 to vector<16xi32>
          %shift_right_arithmetic3A_280 = arith.shrsi %get3A_278, %shift_right_arithmetic3A_279 : vector<16xi32>
          %and3A_281 = arith.constant 1 : i32
          %and3A_282 = vector.broadcast %and3A_281 : i32 to vector<16xi32>
          %and3A_283 = arith.andi %shift_right_arithmetic3A_280, %and3A_282 : vector<16xi32>
          %mul3A_284 = arith.constant 16 : i32
          %mul3A_285 = arith.muli %scan3A_272, %mul3A_284 : i32
          %swap3A_286 = arith.index_cast %mul3A_285 : i32 to index
          %swap3A_287 = tpu.vector_load %arg9[%swap3A_286] {strides = array<i32>} : memref<4096xi32, #tpu.memory_space<vmem>>, vector<16xi32>,
          tpu.vector_store %arg9[%swap3A_286], %and3A_283 {strides = array<i32>} : memref<4096xi32, #tpu.memory_space<vmem>>, vector<16xi32>,
          %scan3A_288 = arith.constant 5 : i32
          %scan3A_289 = arith.addi %scan3A_206, %scan3A_288 : i32
          %mul3A_290 = arith.constant 16 : i32
          %mul3A_291 = arith.muli %scan3A_289, %mul3A_290 : i32
          %add3A_292 = arith.constant 8 : i32
          %add3A_293 = arith.addi %add3A_292, %mul3A_291 : i32
          %get3A_294 = arith.index_cast %add3A_293 : i32 to index
          %get3A_295 = tpu.vector_load %arg7[%get3A_294] {strides = array<i32>} : memref<4112xi32, #tpu.memory_space<vmem>>, vector<16xi32>,
          %shift_right_arithmetic3A_296 = vector.broadcast %scan3A_178 : i32 to vector<16xi32>
          %shift_right_arithmetic3A_297 = arith.shrsi %get3A_295, %shift_right_arithmetic3A_296 : vector<16xi32>
          %and3A_298 = arith.constant 1 : i32
          %and3A_299 = vector.broadcast %and3A_298 : i32 to vector<16xi32>
          %and3A_300 = arith.andi %shift_right_arithmetic3A_297, %and3A_299 : vector<16xi32>
          %mul3A_301 = arith.constant 16 : i32
          %mul3A_302 = arith.muli %scan3A_289, %mul3A_301 : i32
          %swap3A_303 = arith.index_cast %mul3A_302 : i32 to index
          %swap3A_304 = tpu.vector_load %arg9[%swap3A_303] {strides = array<i32>} : memref<4096xi32, #tpu.memory_space<vmem>>, vector<16xi32>,
          tpu.vector_store %arg9[%swap3A_303], %and3A_300 {strides = array<i32>} : memref<4096xi32, #tpu.memory_space<vmem>>, vector<16xi32>,
          %scan3A_305 = arith.constant 6 : i32
          %scan3A_306 = arith.addi %scan3A_206, %scan3A_305 : i32
          %mul3A_307 = arith.constant 16 : i32
          %mul3A_308 = arith.muli %scan3A_306, %mul3A_307 : i32
          %add3A_309 = arith.constant 8 : i32
          %add3A_310 = arith.addi %add3A_309, %mul3A_308 : i32
          %get3A_311 = arith.index_cast %add3A_310 : i32 to index
          %get3A_312 = tpu.vector_load %arg7[%get3A_311] {strides = array<i32>} : memref<4112xi32, #tpu.memory_space<vmem>>, vector<16xi32>,
          %shift_right_arithmetic3A_313 = vector.broadcast %scan3A_178 : i32 to vector<16xi32>
          %shift_right_arithmetic3A_314 = arith.shrsi %get3A_312, %shift_right_arithmetic3A_313 : vector<16xi32>
          %and3A_315 = arith.constant 1 : i32
          %and3A_316 = vector.broadcast %and3A_315 : i32 to vector<16xi32>
          %and3A_317 = arith.andi %shift_right_arithmetic3A_314, %and3A_316 : vector<16xi32>
          %mul3A_318 = arith.constant 16 : i32
          %mul3A_319 = arith.muli %scan3A_306, %mul3A_318 : i32
          %swap3A_320 = arith.index_cast %mul3A_319 : i32 to index
          %swap3A_321 = tpu.vector_load %arg9[%swap3A_320] {strides = array<i32>} : memref<4096xi32, #tpu.memory_space<vmem>>, vector<16xi32>,
          tpu.vector_store %arg9[%swap3A_320], %and3A_317 {strides = array<i32>} : memref<4096xi32, #tpu.memory_space<vmem>>, vector<16xi32>,
          %scan3A_322 = arith.constant 7 : i32
          %scan3A_323 = arith.addi %scan3A_206, %scan3A_322 : i32
          %mul3A_324 = arith.constant 16 : i32
          %mul3A_325 = arith.muli %scan3A_323, %mul3A_324 : i32
          %add3A_326 = arith.constant 8 : i32
          %add3A_327 = arith.addi %add3A_326, %mul3A_325 : i32
          %get3A_328 = arith.index_cast %add3A_327 : i32 to index
          %get3A_329 = tpu.vector_load %arg7[%get3A_328] {strides = array<i32>} : memref<4112xi32, #tpu.memory_space<vmem>>, vector<16xi32>,
          %shift_right_arithmetic3A_330 = vector.broadcast %scan3A_178 : i32 to vector<16xi32>
          %shift_right_arithmetic3A_331 = arith.shrsi %get3A_329, %shift_right_arithmetic3A_330 : vector<16xi32>
          %and3A_332 = arith.constant 1 : i32
          %and3A_333 = vector.broadcast %and3A_332 : i32 to vector<16xi32>
          %and3A_334 = arith.andi %shift_right_arithmetic3A_331, %and3A_333 : vector<16xi32>
          %mul3A_335 = arith.constant 16 : i32
          %mul3A_336 = arith.muli %scan3A_323, %mul3A_335 : i32
          %swap3A_337 = arith.index_cast %mul3A_336 : i32 to index
          %swap3A_338 = tpu.vector_load %arg9[%swap3A_337] {strides = array<i32>} : memref<4096xi32, #tpu.memory_space<vmem>>, vector<16xi32>,
          tpu.vector_store %arg9[%swap3A_337], %and3A_334 {strides = array<i32>} : memref<4096xi32, #tpu.memory_space<vmem>>, vector<16xi32>,
        }
        %scan3A_196 = arith.constant 256 : i32
        %add3A_197 = arith.addi %mul3A_2, %scan3A_178 : i32
        %mul3A_198 = arith.constant 9 : i32
        %mul3A_199 = arith.muli %add3A_197, %mul3A_198 : i32
        %add3A_200 = arith.constant 1 : i32
        %add3A_201 = arith.addi %mul3A_199, %add3A_200 : i32
        %mul3A_202 = arith.constant 4096 : i32
        %mul3A_203 = arith.muli %add3A_201, %mul3A_202 : i32
        %dma_start3A_204 = tpu.memref_slice %arg3[%mul3A_203] : memref<37748736xi32, #tpu.memory_space<hbm>> -> memref<4096xi32, #tpu.memory_space<hbm>>
        %dma_start3A_205 = tpu.memref_slice %arg3[%mul3A_203] : memref<37748736xi32, #tpu.memory_space<hbm>> -> memref<4096xi32, #tpu.memory_space<hbm>>
        tpu.enqueue_dma source(%arg9 : memref<4096xi32, #tpu.memory_space<vmem>>) target(%dma_start3A_205 : memref<4096xi32, #tpu.memory_space<hbm>>) target_semaphore(%arg13 : memref<!tpu.dma_semaphore, #tpu.memory_space<semaphore_mem>>)
      } else {
      }
    }
    %scan3A_43 = arith.constant 32 : i32
    %dma_wait3A_44 = arith.constant 0 : i32
    %dma_wait3A_45 = tpu.memref_slice %arg3[%dma_wait3A_44] : memref<37748736xi32, #tpu.memory_space<hbm>> -> memref<4096xi32, #tpu.memory_space<hbm>>
    %dma_wait3A_46 = arith.constant 0 : i32
    %dma_wait3A_47 = tpu.memref_slice %arg3[%dma_wait3A_46] : memref<37748736xi32, #tpu.memory_space<hbm>> -> memref<4096xi32, #tpu.memory_space<hbm>>
    tpu.wait_dma2 semaphore(%arg12 : memref<!tpu.dma_semaphore, #tpu.memory_space<semaphore_mem>>) src(%arg8 : memref<4096xi32, #tpu.memory_space<vmem>>) dst(%dma_wait3A_47 : memref<4096xi32, #tpu.memory_space<hbm>>)
    %dma_wait3A_48 = arith.constant 0 : i32
    %dma_wait3A_49 = tpu.memref_slice %arg3[%dma_wait3A_48] : memref<37748736xi32, #tpu.memory_space<hbm>> -> memref<4096xi32, #tpu.memory_space<hbm>>
    %dma_wait3A_50 = arith.constant 0 : i32
    %dma_wait3A_51 = tpu.memref_slice %arg3[%dma_wait3A_50] : memref<37748736xi32, #tpu.memory_space<hbm>> -> memref<4096xi32, #tpu.memory_space<hbm>>
    tpu.wait_dma2 semaphore(%arg13 : memref<!tpu.dma_semaphore, #tpu.memory_space<semaphore_mem>>) src(%arg9 : memref<4096xi32, #tpu.memory_space<vmem>>) dst(%dma_wait3A_51 : memref<4096xi32, #tpu.memory_space<hbm>>)
    %scan3A_52 = arith.constant 0 : i32
    %scan3A_53 = arith.constant 256 : i32
    %scan3A_54 = arith.addi %scan3A_52, %scan3A_53 : i32
    %scan3A_55 = arith.constant 4 : i32
    scf.for %scan3A_178 = %scan3A_52 to %scan3A_54 step %scan3A_55  : i32 {
      %mul3A_179 = arith.constant 16 : i32
      %mul3A_180 = arith.muli %scan3A_178, %mul3A_179 : i32
      %add3A_181 = arith.constant 8 : i32
      %add3A_182 = arith.addi %add3A_181, %mul3A_180 : i32
      %get3A = arith.index_cast %add3A_182 : i32 to index
      %get3A_183 = tpu.vector_load %arg7[%get3A] {strides = array<i32>} : memref<4112xi32, #tpu.memory_space<vmem>>, vector<16xi32>,
      %sub3A = arith.constant 1 : i32
      %sub3A_184 = arith.subi %add3A_182, %sub3A : i32
      %get3A_185 = arith.index_cast %sub3A_184 : i32 to index
      %get3A_186 = tpu.vector_load %arg7[%get3A_185] {strides = array<i32>} : memref<4112xi32, #tpu.memory_space<vmem>>, vector<16xi32>,
      %add3A_187 = arith.constant 1 : i32
      %add3A_188 = arith.addi %add3A_182, %add3A_187 : i32
      %get3A_189 = arith.index_cast %add3A_188 : i32 to index
      %get3A_190 = tpu.vector_load %arg7[%get3A_189] {strides = array<i32>} : memref<4112xi32, #tpu.memory_space<vmem>>, vector<16xi32>,
      %or3A = arith.ori %get3A_186, %get3A_183 : vector<16xi32>
      %and3A = arith.andi %get3A_186, %get3A_183 : vector<16xi32>
      %and3A_191 = arith.andi %and3A, %get3A_190 : vector<16xi32>
      %not3A = arith.constant dense<-1> : vector<16xi32>
      %not3A_192 = arith.xori %and3A_191, %not3A : vector<16xi32>
      %and3A_193 = arith.andi %or3A, %not3A_192 : vector<16xi32>
      %swap3A_194 = arith.index_cast %add3A_182 : i32 to index
      %swap3A_195 = tpu.vector_load %arg6[%swap3A_194] {strides = array<i32>} : memref<4112xi32, #tpu.memory_space<vmem>>, vector<16xi32>,
      tpu.vector_store %arg6[%swap3A_194], %and3A_193 {strides = array<i32>} : memref<4112xi32, #tpu.memory_space<vmem>>, vector<16xi32>,
      %scan3A_196 = arith.constant 1 : i32
      %scan3A_197 = arith.addi %scan3A_178, %scan3A_196 : i32
      %mul3A_198 = arith.constant 16 : i32
      %mul3A_199 = arith.muli %scan3A_197, %mul3A_198 : i32
      %add3A_200 = arith.constant 8 : i32
      %add3A_201 = arith.addi %add3A_200, %mul3A_199 : i32
      %get3A_202 = arith.index_cast %add3A_201 : i32 to index
      %get3A_203 = tpu.vector_load %arg7[%get3A_202] {strides = array<i32>} : memref<4112xi32, #tpu.memory_space<vmem>>, vector<16xi32>,
      %sub3A_204 = arith.constant 1 : i32
      %sub3A_205 = arith.subi %add3A_201, %sub3A_204 : i32
      %get3A_206 = arith.index_cast %sub3A_205 : i32 to index
      %get3A_207 = tpu.vector_load %arg7[%get3A_206] {strides = array<i32>} : memref<4112xi32, #tpu.memory_space<vmem>>, vector<16xi32>,
      %add3A_208 = arith.constant 1 : i32
      %add3A_209 = arith.addi %add3A_201, %add3A_208 : i32
      %get3A_210 = arith.index_cast %add3A_209 : i32 to index
      %get3A_211 = tpu.vector_load %arg7[%get3A_210] {strides = array<i32>} : memref<4112xi32, #tpu.memory_space<vmem>>, vector<16xi32>,
      %or3A_212 = arith.ori %get3A_207, %get3A_203 : vector<16xi32>
      %and3A_213 = arith.andi %get3A_207, %get3A_203 : vector<16xi32>
      %and3A_214 = arith.andi %and3A_213, %get3A_211 : vector<16xi32>
      %not3A_215 = arith.constant dense<-1> : vector<16xi32>
      %not3A_216 = arith.xori %and3A_214, %not3A_215 : vector<16xi32>
      %and3A_217 = arith.andi %or3A_212, %not3A_216 : vector<16xi32>
      %swap3A_218 = arith.index_cast %add3A_201 : i32 to index
      %swap3A_219 = tpu.vector_load %arg6[%swap3A_218] {strides = array<i32>} : memref<4112xi32, #tpu.memory_space<vmem>>, vector<16xi32>,
      tpu.vector_store %arg6[%swap3A_218], %and3A_217 {strides = array<i32>} : memref<4112xi32, #tpu.memory_space<vmem>>, vector<16xi32>,
      %scan3A_220 = arith.constant 2 : i32
      %scan3A_221 = arith.addi %scan3A_178, %scan3A_220 : i32
      %mul3A_222 = arith.constant 16 : i32
      %mul3A_223 = arith.muli %scan3A_221, %mul3A_222 : i32
      %add3A_224 = arith.constant 8 : i32
      %add3A_225 = arith.addi %add3A_224, %mul3A_223 : i32
      %get3A_226 = arith.index_cast %add3A_225 : i32 to index
      %get3A_227 = tpu.vector_load %arg7[%get3A_226] {strides = array<i32>} : memref<4112xi32, #tpu.memory_space<vmem>>, vector<16xi32>,
      %sub3A_228 = arith.constant 1 : i32
      %sub3A_229 = arith.subi %add3A_225, %sub3A_228 : i32
      %get3A_230 = arith.index_cast %sub3A_229 : i32 to index
      %get3A_231 = tpu.vector_load %arg7[%get3A_230] {strides = array<i32>} : memref<4112xi32, #tpu.memory_space<vmem>>, vector<16xi32>,
      %add3A_232 = arith.constant 1 : i32
      %add3A_233 = arith.addi %add3A_225, %add3A_232 : i32
      %get3A_234 = arith.index_cast %add3A_233 : i32 to index
      %get3A_235 = tpu.vector_load %arg7[%get3A_234] {strides = array<i32>} : memref<4112xi32, #tpu.memory_space<vmem>>, vector<16xi32>,
      %or3A_236 = arith.ori %get3A_231, %get3A_227 : vector<16xi32>
      %and3A_237 = arith.andi %get3A_231, %get3A_227 : vector<16xi32>
      %and3A_238 = arith.andi %and3A_237, %get3A_235 : vector<16xi32>
      %not3A_239 = arith.constant dense<-1> : vector<16xi32>
      %not3A_240 = arith.xori %and3A_238, %not3A_239 : vector<16xi32>
      %and3A_241 = arith.andi %or3A_236, %not3A_240 : vector<16xi32>
      %swap3A_242 = arith.index_cast %add3A_225 : i32 to index
      %swap3A_243 = tpu.vector_load %arg6[%swap3A_242] {strides = array<i32>} : memref<4112xi32, #tpu.memory_space<vmem>>, vector<16xi32>,
      tpu.vector_store %arg6[%swap3A_242], %and3A_241 {strides = array<i32>} : memref<4112xi32, #tpu.memory_space<vmem>>, vector<16xi32>,
      %scan3A_244 = arith.constant 3 : i32
      %scan3A_245 = arith.addi %scan3A_178, %scan3A_244 : i32
      %mul3A_246 = arith.constant 16 : i32
      %mul3A_247 = arith.muli %scan3A_245, %mul3A_246 : i32
      %add3A_248 = arith.constant 8 : i32
      %add3A_249 = arith.addi %add3A_248, %mul3A_247 : i32
      %get3A_250 = arith.index_cast %add3A_249 : i32 to index
      %get3A_251 = tpu.vector_load %arg7[%get3A_250] {strides = array<i32>} : memref<4112xi32, #tpu.memory_space<vmem>>, vector<16xi32>,
      %sub3A_252 = arith.constant 1 : i32
      %sub3A_253 = arith.subi %add3A_249, %sub3A_252 : i32
      %get3A_254 = arith.index_cast %sub3A_253 : i32 to index
      %get3A_255 = tpu.vector_load %arg7[%get3A_254] {strides = array<i32>} : memref<4112xi32, #tpu.memory_space<vmem>>, vector<16xi32>,
      %add3A_256 = arith.constant 1 : i32
      %add3A_257 = arith.addi %add3A_249, %add3A_256 : i32
      %get3A_258 = arith.index_cast %add3A_257 : i32 to index
      %get3A_259 = tpu.vector_load %arg7[%get3A_258] {strides = array<i32>} : memref<4112xi32, #tpu.memory_space<vmem>>, vector<16xi32>,
      %or3A_260 = arith.ori %get3A_255, %get3A_251 : vector<16xi32>
      %and3A_261 = arith.andi %get3A_255, %get3A_251 : vector<16xi32>
      %and3A_262 = arith.andi %and3A_261, %get3A_259 : vector<16xi32>
      %not3A_263 = arith.constant dense<-1> : vector<16xi32>
      %not3A_264 = arith.xori %and3A_262, %not3A_263 : vector<16xi32>
      %and3A_265 = arith.andi %or3A_260, %not3A_264 : vector<16xi32>
      %swap3A_266 = arith.index_cast %add3A_249 : i32 to index
      %swap3A_267 = tpu.vector_load %arg6[%swap3A_266] {strides = array<i32>} : memref<4112xi32, #tpu.memory_space<vmem>>, vector<16xi32>,
      tpu.vector_store %arg6[%swap3A_266], %and3A_265 {strides = array<i32>} : memref<4112xi32, #tpu.memory_space<vmem>>, vector<16xi32>,
    }
    %scan3A_56 = arith.constant 256 : i32
    %scan3A_57 = arith.constant 0 : i32
    %scan3A_58 = arith.constant 32 : i32
    %scan3A_59 = arith.addi %scan3A_57, %scan3A_58 : i32
    %scan3A_60 = arith.constant 1 : i32
    scf.for %scan3A_178 = %scan3A_57 to %scan3A_59 step %scan3A_60  : i32 {
      %and3A = arith.constant 1 : i32
      %and3A_179 = arith.andi %scan3A_178, %and3A : i32
      %eq3A = arith.constant 0 : i32
      %eq3A_180 = arith.cmpi eq, %and3A_179, %eq3A : i32
      %convert_element_type3A = arith.extui %eq3A_180 : i1 to i32
      %cond3A = arith.constant 0 : i32
      %cond3A_181 = arith.cmpi ne, %convert_element_type3A, %cond3A : i32
      scf.if %cond3A_181 {
        %ge3A = arith.constant 2 : i32
        %ge3A_188 = arith.cmpi sge, %scan3A_178, %ge3A : i32
        %convert_element_type3A_189 = arith.extui %ge3A_188 : i1 to i32
        %cond3A_190 = arith.constant 0 : i32
        %cond3A_191 = arith.cmpi ne, %convert_element_type3A_189, %cond3A_190 : i32
        scf.if %cond3A_191 {
          %dma_wait3A_206 = arith.constant 0 : i32
          %dma_wait3A_207 = tpu.memref_slice %arg3[%dma_wait3A_206] : memref<37748736xi32, #tpu.memory_space<hbm>> -> memref<4096xi32, #tpu.memory_space<hbm>>
          %dma_wait3A_208 = arith.constant 0 : i32
          %dma_wait3A_209 = tpu.memref_slice %arg3[%dma_wait3A_208] : memref<37748736xi32, #tpu.memory_space<hbm>> -> memref<4096xi32, #tpu.memory_space<hbm>>
          tpu.wait_dma2 semaphore(%arg12 : memref<!tpu.dma_semaphore, #tpu.memory_space<semaphore_mem>>) src(%arg8 : memref<4096xi32, #tpu.memory_space<vmem>>) dst(%dma_wait3A_209 : memref<4096xi32, #tpu.memory_space<hbm>>)
        } else {
        }
        %scan3A_192 = arith.constant 0 : i32
        %scan3A_193 = arith.constant 256 : i32
        %scan3A_194 = arith.addi %scan3A_192, %scan3A_193 : i32
        %scan3A_195 = arith.constant 8 : i32
        scf.for %scan3A_206 = %scan3A_192 to %scan3A_194 step %scan3A_195  : i32 {
          %mul3A_207 = arith.constant 16 : i32
          %mul3A_208 = arith.muli %scan3A_206, %mul3A_207 : i32
          %add3A_209 = arith.constant 8 : i32
          %add3A_210 = arith.addi %add3A_209, %mul3A_208 : i32
          %get3A = arith.index_cast %add3A_210 : i32 to index
          %get3A_211 = tpu.vector_load %arg6[%get3A] {strides = array<i32>} : memref<4112xi32, #tpu.memory_space<vmem>>, vector<16xi32>,
          %shift_right_arithmetic3A = vector.broadcast %scan3A_178 : i32 to vector<16xi32>
          %shift_right_arithmetic3A_212 = arith.shrsi %get3A_211, %shift_right_arithmetic3A : vector<16xi32>
          %and3A_213 = arith.constant 1 : i32
          %and3A_214 = vector.broadcast %and3A_213 : i32 to vector<16xi32>
          %and3A_215 = arith.andi %shift_right_arithmetic3A_212, %and3A_214 : vector<16xi32>
          %mul3A_216 = arith.constant 16 : i32
          %mul3A_217 = arith.muli %scan3A_206, %mul3A_216 : i32
          %swap3A_218 = arith.index_cast %mul3A_217 : i32 to index
          %swap3A_219 = tpu.vector_load %arg8[%swap3A_218] {strides = array<i32>} : memref<4096xi32, #tpu.memory_space<vmem>>, vector<16xi32>,
          tpu.vector_store %arg8[%swap3A_218], %and3A_215 {strides = array<i32>} : memref<4096xi32, #tpu.memory_space<vmem>>, vector<16xi32>,
          %scan3A_220 = arith.constant 1 : i32
          %scan3A_221 = arith.addi %scan3A_206, %scan3A_220 : i32
          %mul3A_222 = arith.constant 16 : i32
          %mul3A_223 = arith.muli %scan3A_221, %mul3A_222 : i32
          %add3A_224 = arith.constant 8 : i32
          %add3A_225 = arith.addi %add3A_224, %mul3A_223 : i32
          %get3A_226 = arith.index_cast %add3A_225 : i32 to index
          %get3A_227 = tpu.vector_load %arg6[%get3A_226] {strides = array<i32>} : memref<4112xi32, #tpu.memory_space<vmem>>, vector<16xi32>,
          %shift_right_arithmetic3A_228 = vector.broadcast %scan3A_178 : i32 to vector<16xi32>
          %shift_right_arithmetic3A_229 = arith.shrsi %get3A_227, %shift_right_arithmetic3A_228 : vector<16xi32>
          %and3A_230 = arith.constant 1 : i32
          %and3A_231 = vector.broadcast %and3A_230 : i32 to vector<16xi32>
          %and3A_232 = arith.andi %shift_right_arithmetic3A_229, %and3A_231 : vector<16xi32>
          %mul3A_233 = arith.constant 16 : i32
          %mul3A_234 = arith.muli %scan3A_221, %mul3A_233 : i32
          %swap3A_235 = arith.index_cast %mul3A_234 : i32 to index
          %swap3A_236 = tpu.vector_load %arg8[%swap3A_235] {strides = array<i32>} : memref<4096xi32, #tpu.memory_space<vmem>>, vector<16xi32>,
          tpu.vector_store %arg8[%swap3A_235], %and3A_232 {strides = array<i32>} : memref<4096xi32, #tpu.memory_space<vmem>>, vector<16xi32>,
          %scan3A_237 = arith.constant 2 : i32
          %scan3A_238 = arith.addi %scan3A_206, %scan3A_237 : i32
          %mul3A_239 = arith.constant 16 : i32
          %mul3A_240 = arith.muli %scan3A_238, %mul3A_239 : i32
          %add3A_241 = arith.constant 8 : i32
          %add3A_242 = arith.addi %add3A_241, %mul3A_240 : i32
          %get3A_243 = arith.index_cast %add3A_242 : i32 to index
          %get3A_244 = tpu.vector_load %arg6[%get3A_243] {strides = array<i32>} : memref<4112xi32, #tpu.memory_space<vmem>>, vector<16xi32>,
          %shift_right_arithmetic3A_245 = vector.broadcast %scan3A_178 : i32 to vector<16xi32>
          %shift_right_arithmetic3A_246 = arith.shrsi %get3A_244, %shift_right_arithmetic3A_245 : vector<16xi32>
          %and3A_247 = arith.constant 1 : i32
          %and3A_248 = vector.broadcast %and3A_247 : i32 to vector<16xi32>
          %and3A_249 = arith.andi %shift_right_arithmetic3A_246, %and3A_248 : vector<16xi32>
          %mul3A_250 = arith.constant 16 : i32
          %mul3A_251 = arith.muli %scan3A_238, %mul3A_250 : i32
          %swap3A_252 = arith.index_cast %mul3A_251 : i32 to index
          %swap3A_253 = tpu.vector_load %arg8[%swap3A_252] {strides = array<i32>} : memref<4096xi32, #tpu.memory_space<vmem>>, vector<16xi32>,
          tpu.vector_store %arg8[%swap3A_252], %and3A_249 {strides = array<i32>} : memref<4096xi32, #tpu.memory_space<vmem>>, vector<16xi32>,
          %scan3A_254 = arith.constant 3 : i32
          %scan3A_255 = arith.addi %scan3A_206, %scan3A_254 : i32
          %mul3A_256 = arith.constant 16 : i32
          %mul3A_257 = arith.muli %scan3A_255, %mul3A_256 : i32
          %add3A_258 = arith.constant 8 : i32
          %add3A_259 = arith.addi %add3A_258, %mul3A_257 : i32
          %get3A_260 = arith.index_cast %add3A_259 : i32 to index
          %get3A_261 = tpu.vector_load %arg6[%get3A_260] {strides = array<i32>} : memref<4112xi32, #tpu.memory_space<vmem>>, vector<16xi32>,
          %shift_right_arithmetic3A_262 = vector.broadcast %scan3A_178 : i32 to vector<16xi32>
          %shift_right_arithmetic3A_263 = arith.shrsi %get3A_261, %shift_right_arithmetic3A_262 : vector<16xi32>
          %and3A_264 = arith.constant 1 : i32
          %and3A_265 = vector.broadcast %and3A_264 : i32 to vector<16xi32>
          %and3A_266 = arith.andi %shift_right_arithmetic3A_263, %and3A_265 : vector<16xi32>
          %mul3A_267 = arith.constant 16 : i32
          %mul3A_268 = arith.muli %scan3A_255, %mul3A_267 : i32
          %swap3A_269 = arith.index_cast %mul3A_268 : i32 to index
          %swap3A_270 = tpu.vector_load %arg8[%swap3A_269] {strides = array<i32>} : memref<4096xi32, #tpu.memory_space<vmem>>, vector<16xi32>,
          tpu.vector_store %arg8[%swap3A_269], %and3A_266 {strides = array<i32>} : memref<4096xi32, #tpu.memory_space<vmem>>, vector<16xi32>,
          %scan3A_271 = arith.constant 4 : i32
          %scan3A_272 = arith.addi %scan3A_206, %scan3A_271 : i32
          %mul3A_273 = arith.constant 16 : i32
          %mul3A_274 = arith.muli %scan3A_272, %mul3A_273 : i32
          %add3A_275 = arith.constant 8 : i32
          %add3A_276 = arith.addi %add3A_275, %mul3A_274 : i32
          %get3A_277 = arith.index_cast %add3A_276 : i32 to index
          %get3A_278 = tpu.vector_load %arg6[%get3A_277] {strides = array<i32>} : memref<4112xi32, #tpu.memory_space<vmem>>, vector<16xi32>,
          %shift_right_arithmetic3A_279 = vector.broadcast %scan3A_178 : i32 to vector<16xi32>
          %shift_right_arithmetic3A_280 = arith.shrsi %get3A_278, %shift_right_arithmetic3A_279 : vector<16xi32>
          %and3A_281 = arith.constant 1 : i32
          %and3A_282 = vector.broadcast %and3A_281 : i32 to vector<16xi32>
          %and3A_283 = arith.andi %shift_right_arithmetic3A_280, %and3A_282 : vector<16xi32>
          %mul3A_284 = arith.constant 16 : i32
          %mul3A_285 = arith.muli %scan3A_272, %mul3A_284 : i32
          %swap3A_286 = arith.index_cast %mul3A_285 : i32 to index
          %swap3A_287 = tpu.vector_load %arg8[%swap3A_286] {strides = array<i32>} : memref<4096xi32, #tpu.memory_space<vmem>>, vector<16xi32>,
          tpu.vector_store %arg8[%swap3A_286], %and3A_283 {strides = array<i32>} : memref<4096xi32, #tpu.memory_space<vmem>>, vector<16xi32>,
          %scan3A_288 = arith.constant 5 : i32
          %scan3A_289 = arith.addi %scan3A_206, %scan3A_288 : i32
          %mul3A_290 = arith.constant 16 : i32
          %mul3A_291 = arith.muli %scan3A_289, %mul3A_290 : i32
          %add3A_292 = arith.constant 8 : i32
          %add3A_293 = arith.addi %add3A_292, %mul3A_291 : i32
          %get3A_294 = arith.index_cast %add3A_293 : i32 to index
          %get3A_295 = tpu.vector_load %arg6[%get3A_294] {strides = array<i32>} : memref<4112xi32, #tpu.memory_space<vmem>>, vector<16xi32>,
          %shift_right_arithmetic3A_296 = vector.broadcast %scan3A_178 : i32 to vector<16xi32>
          %shift_right_arithmetic3A_297 = arith.shrsi %get3A_295, %shift_right_arithmetic3A_296 : vector<16xi32>
          %and3A_298 = arith.constant 1 : i32
          %and3A_299 = vector.broadcast %and3A_298 : i32 to vector<16xi32>
          %and3A_300 = arith.andi %shift_right_arithmetic3A_297, %and3A_299 : vector<16xi32>
          %mul3A_301 = arith.constant 16 : i32
          %mul3A_302 = arith.muli %scan3A_289, %mul3A_301 : i32
          %swap3A_303 = arith.index_cast %mul3A_302 : i32 to index
          %swap3A_304 = tpu.vector_load %arg8[%swap3A_303] {strides = array<i32>} : memref<4096xi32, #tpu.memory_space<vmem>>, vector<16xi32>,
          tpu.vector_store %arg8[%swap3A_303], %and3A_300 {strides = array<i32>} : memref<4096xi32, #tpu.memory_space<vmem>>, vector<16xi32>,
          %scan3A_305 = arith.constant 6 : i32
          %scan3A_306 = arith.addi %scan3A_206, %scan3A_305 : i32
          %mul3A_307 = arith.constant 16 : i32
          %mul3A_308 = arith.muli %scan3A_306, %mul3A_307 : i32
          %add3A_309 = arith.constant 8 : i32
          %add3A_310 = arith.addi %add3A_309, %mul3A_308 : i32
          %get3A_311 = arith.index_cast %add3A_310 : i32 to index
          %get3A_312 = tpu.vector_load %arg6[%get3A_311] {strides = array<i32>} : memref<4112xi32, #tpu.memory_space<vmem>>, vector<16xi32>,
          %shift_right_arithmetic3A_313 = vector.broadcast %scan3A_178 : i32 to vector<16xi32>
          %shift_right_arithmetic3A_314 = arith.shrsi %get3A_312, %shift_right_arithmetic3A_313 : vector<16xi32>
          %and3A_315 = arith.constant 1 : i32
          %and3A_316 = vector.broadcast %and3A_315 : i32 to vector<16xi32>
          %and3A_317 = arith.andi %shift_right_arithmetic3A_314, %and3A_316 : vector<16xi32>
          %mul3A_318 = arith.constant 16 : i32
          %mul3A_319 = arith.muli %scan3A_306, %mul3A_318 : i32
          %swap3A_320 = arith.index_cast %mul3A_319 : i32 to index
          %swap3A_321 = tpu.vector_load %arg8[%swap3A_320] {strides = array<i32>} : memref<4096xi32, #tpu.memory_space<vmem>>, vector<16xi32>,
          tpu.vector_store %arg8[%swap3A_320], %and3A_317 {strides = array<i32>} : memref<4096xi32, #tpu.memory_space<vmem>>, vector<16xi32>,
          %scan3A_322 = arith.constant 7 : i32
          %scan3A_323 = arith.addi %scan3A_206, %scan3A_322 : i32
          %mul3A_324 = arith.constant 16 : i32
          %mul3A_325 = arith.muli %scan3A_323, %mul3A_324 : i32
          %add3A_326 = arith.constant 8 : i32
          %add3A_327 = arith.addi %add3A_326, %mul3A_325 : i32
          %get3A_328 = arith.index_cast %add3A_327 : i32 to index
          %get3A_329 = tpu.vector_load %arg6[%get3A_328] {strides = array<i32>} : memref<4112xi32, #tpu.memory_space<vmem>>, vector<16xi32>,
          %shift_right_arithmetic3A_330 = vector.broadcast %scan3A_178 : i32 to vector<16xi32>
          %shift_right_arithmetic3A_331 = arith.shrsi %get3A_329, %shift_right_arithmetic3A_330 : vector<16xi32>
          %and3A_332 = arith.constant 1 : i32
          %and3A_333 = vector.broadcast %and3A_332 : i32 to vector<16xi32>
          %and3A_334 = arith.andi %shift_right_arithmetic3A_331, %and3A_333 : vector<16xi32>
          %mul3A_335 = arith.constant 16 : i32
          %mul3A_336 = arith.muli %scan3A_323, %mul3A_335 : i32
          %swap3A_337 = arith.index_cast %mul3A_336 : i32 to index
          %swap3A_338 = tpu.vector_load %arg8[%swap3A_337] {strides = array<i32>} : memref<4096xi32, #tpu.memory_space<vmem>>, vector<16xi32>,
          tpu.vector_store %arg8[%swap3A_337], %and3A_334 {strides = array<i32>} : memref<4096xi32, #tpu.memory_space<vmem>>, vector<16xi32>,
        }
        %scan3A_196 = arith.constant 256 : i32
        %add3A_197 = arith.addi %mul3A_2, %scan3A_178 : i32
        %mul3A_198 = arith.constant 9 : i32
        %mul3A_199 = arith.muli %add3A_197, %mul3A_198 : i32
        %add3A_200 = arith.constant 2 : i32
        %add3A_201 = arith.addi %mul3A_199, %add3A_200 : i32
        %mul3A_202 = arith.constant 4096 : i32
        %mul3A_203 = arith.muli %add3A_201, %mul3A_202 : i32
        %dma_start3A_204 = tpu.memref_slice %arg3[%mul3A_203] : memref<37748736xi32, #tpu.memory_space<hbm>> -> memref<4096xi32, #tpu.memory_space<hbm>>
        %dma_start3A_205 = tpu.memref_slice %arg3[%mul3A_203] : memref<37748736xi32, #tpu.memory_space<hbm>> -> memref<4096xi32, #tpu.memory_space<hbm>>
        tpu.enqueue_dma source(%arg8 : memref<4096xi32, #tpu.memory_space<vmem>>) target(%dma_start3A_205 : memref<4096xi32, #tpu.memory_space<hbm>>) target_semaphore(%arg12 : memref<!tpu.dma_semaphore, #tpu.memory_space<semaphore_mem>>)
      } else {
      }
      %and3A_182 = arith.constant 1 : i32
      %and3A_183 = arith.andi %scan3A_178, %and3A_182 : i32
      %ne3A = arith.constant 0 : i32
      %ne3A_184 = arith.cmpi ne, %and3A_183, %ne3A : i32
      %convert_element_type3A_185 = arith.extui %ne3A_184 : i1 to i32
      %cond3A_186 = arith.constant 0 : i32
      %cond3A_187 = arith.cmpi ne, %convert_element_type3A_185, %cond3A_186 : i32
      scf.if %cond3A_187 {
        %ge3A = arith.constant 2 : i32
        %ge3A_188 = arith.cmpi sge, %scan3A_178, %ge3A : i32
        %convert_element_type3A_189 = arith.extui %ge3A_188 : i1 to i32
        %cond3A_190 = arith.constant 0 : i32
        %cond3A_191 = arith.cmpi ne, %convert_element_type3A_189, %cond3A_190 : i32
        scf.if %cond3A_191 {
          %dma_wait3A_206 = arith.constant 0 : i32
          %dma_wait3A_207 = tpu.memref_slice %arg3[%dma_wait3A_206] : memref<37748736xi32, #tpu.memory_space<hbm>> -> memref<4096xi32, #tpu.memory_space<hbm>>
          %dma_wait3A_208 = arith.constant 0 : i32
          %dma_wait3A_209 = tpu.memref_slice %arg3[%dma_wait3A_208] : memref<37748736xi32, #tpu.memory_space<hbm>> -> memref<4096xi32, #tpu.memory_space<hbm>>
          tpu.wait_dma2 semaphore(%arg13 : memref<!tpu.dma_semaphore, #tpu.memory_space<semaphore_mem>>) src(%arg9 : memref<4096xi32, #tpu.memory_space<vmem>>) dst(%dma_wait3A_209 : memref<4096xi32, #tpu.memory_space<hbm>>)
        } else {
        }
        %scan3A_192 = arith.constant 0 : i32
        %scan3A_193 = arith.constant 256 : i32
        %scan3A_194 = arith.addi %scan3A_192, %scan3A_193 : i32
        %scan3A_195 = arith.constant 8 : i32
        scf.for %scan3A_206 = %scan3A_192 to %scan3A_194 step %scan3A_195  : i32 {
          %mul3A_207 = arith.constant 16 : i32
          %mul3A_208 = arith.muli %scan3A_206, %mul3A_207 : i32
          %add3A_209 = arith.constant 8 : i32
          %add3A_210 = arith.addi %add3A_209, %mul3A_208 : i32
          %get3A = arith.index_cast %add3A_210 : i32 to index
          %get3A_211 = tpu.vector_load %arg6[%get3A] {strides = array<i32>} : memref<4112xi32, #tpu.memory_space<vmem>>, vector<16xi32>,
          %shift_right_arithmetic3A = vector.broadcast %scan3A_178 : i32 to vector<16xi32>
          %shift_right_arithmetic3A_212 = arith.shrsi %get3A_211, %shift_right_arithmetic3A : vector<16xi32>
          %and3A_213 = arith.constant 1 : i32
          %and3A_214 = vector.broadcast %and3A_213 : i32 to vector<16xi32>
          %and3A_215 = arith.andi %shift_right_arithmetic3A_212, %and3A_214 : vector<16xi32>
          %mul3A_216 = arith.constant 16 : i32
          %mul3A_217 = arith.muli %scan3A_206, %mul3A_216 : i32
          %swap3A_218 = arith.index_cast %mul3A_217 : i32 to index
          %swap3A_219 = tpu.vector_load %arg9[%swap3A_218] {strides = array<i32>} : memref<4096xi32, #tpu.memory_space<vmem>>, vector<16xi32>,
          tpu.vector_store %arg9[%swap3A_218], %and3A_215 {strides = array<i32>} : memref<4096xi32, #tpu.memory_space<vmem>>, vector<16xi32>,
          %scan3A_220 = arith.constant 1 : i32
          %scan3A_221 = arith.addi %scan3A_206, %scan3A_220 : i32
          %mul3A_222 = arith.constant 16 : i32
          %mul3A_223 = arith.muli %scan3A_221, %mul3A_222 : i32
          %add3A_224 = arith.constant 8 : i32
          %add3A_225 = arith.addi %add3A_224, %mul3A_223 : i32
          %get3A_226 = arith.index_cast %add3A_225 : i32 to index
          %get3A_227 = tpu.vector_load %arg6[%get3A_226] {strides = array<i32>} : memref<4112xi32, #tpu.memory_space<vmem>>, vector<16xi32>,
          %shift_right_arithmetic3A_228 = vector.broadcast %scan3A_178 : i32 to vector<16xi32>
          %shift_right_arithmetic3A_229 = arith.shrsi %get3A_227, %shift_right_arithmetic3A_228 : vector<16xi32>
          %and3A_230 = arith.constant 1 : i32
          %and3A_231 = vector.broadcast %and3A_230 : i32 to vector<16xi32>
          %and3A_232 = arith.andi %shift_right_arithmetic3A_229, %and3A_231 : vector<16xi32>
          %mul3A_233 = arith.constant 16 : i32
          %mul3A_234 = arith.muli %scan3A_221, %mul3A_233 : i32
          %swap3A_235 = arith.index_cast %mul3A_234 : i32 to index
          %swap3A_236 = tpu.vector_load %arg9[%swap3A_235] {strides = array<i32>} : memref<4096xi32, #tpu.memory_space<vmem>>, vector<16xi32>,
          tpu.vector_store %arg9[%swap3A_235], %and3A_232 {strides = array<i32>} : memref<4096xi32, #tpu.memory_space<vmem>>, vector<16xi32>,
          %scan3A_237 = arith.constant 2 : i32
          %scan3A_238 = arith.addi %scan3A_206, %scan3A_237 : i32
          %mul3A_239 = arith.constant 16 : i32
          %mul3A_240 = arith.muli %scan3A_238, %mul3A_239 : i32
          %add3A_241 = arith.constant 8 : i32
          %add3A_242 = arith.addi %add3A_241, %mul3A_240 : i32
          %get3A_243 = arith.index_cast %add3A_242 : i32 to index
          %get3A_244 = tpu.vector_load %arg6[%get3A_243] {strides = array<i32>} : memref<4112xi32, #tpu.memory_space<vmem>>, vector<16xi32>,
          %shift_right_arithmetic3A_245 = vector.broadcast %scan3A_178 : i32 to vector<16xi32>
          %shift_right_arithmetic3A_246 = arith.shrsi %get3A_244, %shift_right_arithmetic3A_245 : vector<16xi32>
          %and3A_247 = arith.constant 1 : i32
          %and3A_248 = vector.broadcast %and3A_247 : i32 to vector<16xi32>
          %and3A_249 = arith.andi %shift_right_arithmetic3A_246, %and3A_248 : vector<16xi32>
          %mul3A_250 = arith.constant 16 : i32
          %mul3A_251 = arith.muli %scan3A_238, %mul3A_250 : i32
          %swap3A_252 = arith.index_cast %mul3A_251 : i32 to index
          %swap3A_253 = tpu.vector_load %arg9[%swap3A_252] {strides = array<i32>} : memref<4096xi32, #tpu.memory_space<vmem>>, vector<16xi32>,
          tpu.vector_store %arg9[%swap3A_252], %and3A_249 {strides = array<i32>} : memref<4096xi32, #tpu.memory_space<vmem>>, vector<16xi32>,
          %scan3A_254 = arith.constant 3 : i32
          %scan3A_255 = arith.addi %scan3A_206, %scan3A_254 : i32
          %mul3A_256 = arith.constant 16 : i32
          %mul3A_257 = arith.muli %scan3A_255, %mul3A_256 : i32
          %add3A_258 = arith.constant 8 : i32
          %add3A_259 = arith.addi %add3A_258, %mul3A_257 : i32
          %get3A_260 = arith.index_cast %add3A_259 : i32 to index
          %get3A_261 = tpu.vector_load %arg6[%get3A_260] {strides = array<i32>} : memref<4112xi32, #tpu.memory_space<vmem>>, vector<16xi32>,
          %shift_right_arithmetic3A_262 = vector.broadcast %scan3A_178 : i32 to vector<16xi32>
          %shift_right_arithmetic3A_263 = arith.shrsi %get3A_261, %shift_right_arithmetic3A_262 : vector<16xi32>
          %and3A_264 = arith.constant 1 : i32
          %and3A_265 = vector.broadcast %and3A_264 : i32 to vector<16xi32>
          %and3A_266 = arith.andi %shift_right_arithmetic3A_263, %and3A_265 : vector<16xi32>
          %mul3A_267 = arith.constant 16 : i32
          %mul3A_268 = arith.muli %scan3A_255, %mul3A_267 : i32
          %swap3A_269 = arith.index_cast %mul3A_268 : i32 to index
          %swap3A_270 = tpu.vector_load %arg9[%swap3A_269] {strides = array<i32>} : memref<4096xi32, #tpu.memory_space<vmem>>, vector<16xi32>,
          tpu.vector_store %arg9[%swap3A_269], %and3A_266 {strides = array<i32>} : memref<4096xi32, #tpu.memory_space<vmem>>, vector<16xi32>,
          %scan3A_271 = arith.constant 4 : i32
          %scan3A_272 = arith.addi %scan3A_206, %scan3A_271 : i32
          %mul3A_273 = arith.constant 16 : i32
          %mul3A_274 = arith.muli %scan3A_272, %mul3A_273 : i32
          %add3A_275 = arith.constant 8 : i32
          %add3A_276 = arith.addi %add3A_275, %mul3A_274 : i32
          %get3A_277 = arith.index_cast %add3A_276 : i32 to index
          %get3A_278 = tpu.vector_load %arg6[%get3A_277] {strides = array<i32>} : memref<4112xi32, #tpu.memory_space<vmem>>, vector<16xi32>,
          %shift_right_arithmetic3A_279 = vector.broadcast %scan3A_178 : i32 to vector<16xi32>
          %shift_right_arithmetic3A_280 = arith.shrsi %get3A_278, %shift_right_arithmetic3A_279 : vector<16xi32>
          %and3A_281 = arith.constant 1 : i32
          %and3A_282 = vector.broadcast %and3A_281 : i32 to vector<16xi32>
          %and3A_283 = arith.andi %shift_right_arithmetic3A_280, %and3A_282 : vector<16xi32>
          %mul3A_284 = arith.constant 16 : i32
          %mul3A_285 = arith.muli %scan3A_272, %mul3A_284 : i32
          %swap3A_286 = arith.index_cast %mul3A_285 : i32 to index
          %swap3A_287 = tpu.vector_load %arg9[%swap3A_286] {strides = array<i32>} : memref<4096xi32, #tpu.memory_space<vmem>>, vector<16xi32>,
          tpu.vector_store %arg9[%swap3A_286], %and3A_283 {strides = array<i32>} : memref<4096xi32, #tpu.memory_space<vmem>>, vector<16xi32>,
          %scan3A_288 = arith.constant 5 : i32
          %scan3A_289 = arith.addi %scan3A_206, %scan3A_288 : i32
          %mul3A_290 = arith.constant 16 : i32
          %mul3A_291 = arith.muli %scan3A_289, %mul3A_290 : i32
          %add3A_292 = arith.constant 8 : i32
          %add3A_293 = arith.addi %add3A_292, %mul3A_291 : i32
          %get3A_294 = arith.index_cast %add3A_293 : i32 to index
          %get3A_295 = tpu.vector_load %arg6[%get3A_294] {strides = array<i32>} : memref<4112xi32, #tpu.memory_space<vmem>>, vector<16xi32>,
          %shift_right_arithmetic3A_296 = vector.broadcast %scan3A_178 : i32 to vector<16xi32>
          %shift_right_arithmetic3A_297 = arith.shrsi %get3A_295, %shift_right_arithmetic3A_296 : vector<16xi32>
          %and3A_298 = arith.constant 1 : i32
          %and3A_299 = vector.broadcast %and3A_298 : i32 to vector<16xi32>
          %and3A_300 = arith.andi %shift_right_arithmetic3A_297, %and3A_299 : vector<16xi32>
          %mul3A_301 = arith.constant 16 : i32
          %mul3A_302 = arith.muli %scan3A_289, %mul3A_301 : i32
          %swap3A_303 = arith.index_cast %mul3A_302 : i32 to index
          %swap3A_304 = tpu.vector_load %arg9[%swap3A_303] {strides = array<i32>} : memref<4096xi32, #tpu.memory_space<vmem>>, vector<16xi32>,
          tpu.vector_store %arg9[%swap3A_303], %and3A_300 {strides = array<i32>} : memref<4096xi32, #tpu.memory_space<vmem>>, vector<16xi32>,
          %scan3A_305 = arith.constant 6 : i32
          %scan3A_306 = arith.addi %scan3A_206, %scan3A_305 : i32
          %mul3A_307 = arith.constant 16 : i32
          %mul3A_308 = arith.muli %scan3A_306, %mul3A_307 : i32
          %add3A_309 = arith.constant 8 : i32
          %add3A_310 = arith.addi %add3A_309, %mul3A_308 : i32
          %get3A_311 = arith.index_cast %add3A_310 : i32 to index
          %get3A_312 = tpu.vector_load %arg6[%get3A_311] {strides = array<i32>} : memref<4112xi32, #tpu.memory_space<vmem>>, vector<16xi32>,
          %shift_right_arithmetic3A_313 = vector.broadcast %scan3A_178 : i32 to vector<16xi32>
          %shift_right_arithmetic3A_314 = arith.shrsi %get3A_312, %shift_right_arithmetic3A_313 : vector<16xi32>
          %and3A_315 = arith.constant 1 : i32
          %and3A_316 = vector.broadcast %and3A_315 : i32 to vector<16xi32>
          %and3A_317 = arith.andi %shift_right_arithmetic3A_314, %and3A_316 : vector<16xi32>
          %mul3A_318 = arith.constant 16 : i32
          %mul3A_319 = arith.muli %scan3A_306, %mul3A_318 : i32
          %swap3A_320 = arith.index_cast %mul3A_319 : i32 to index
          %swap3A_321 = tpu.vector_load %arg9[%swap3A_320] {strides = array<i32>} : memref<4096xi32, #tpu.memory_space<vmem>>, vector<16xi32>,
          tpu.vector_store %arg9[%swap3A_320], %and3A_317 {strides = array<i32>} : memref<4096xi32, #tpu.memory_space<vmem>>, vector<16xi32>,
          %scan3A_322 = arith.constant 7 : i32
          %scan3A_323 = arith.addi %scan3A_206, %scan3A_322 : i32
          %mul3A_324 = arith.constant 16 : i32
          %mul3A_325 = arith.muli %scan3A_323, %mul3A_324 : i32
          %add3A_326 = arith.constant 8 : i32
          %add3A_327 = arith.addi %add3A_326, %mul3A_325 : i32
          %get3A_328 = arith.index_cast %add3A_327 : i32 to index
          %get3A_329 = tpu.vector_load %arg6[%get3A_328] {strides = array<i32>} : memref<4112xi32, #tpu.memory_space<vmem>>, vector<16xi32>,
          %shift_right_arithmetic3A_330 = vector.broadcast %scan3A_178 : i32 to vector<16xi32>
          %shift_right_arithmetic3A_331 = arith.shrsi %get3A_329, %shift_right_arithmetic3A_330 : vector<16xi32>
          %and3A_332 = arith.constant 1 : i32
          %and3A_333 = vector.broadcast %and3A_332 : i32 to vector<16xi32>
          %and3A_334 = arith.andi %shift_right_arithmetic3A_331, %and3A_333 : vector<16xi32>
          %mul3A_335 = arith.constant 16 : i32
          %mul3A_336 = arith.muli %scan3A_323, %mul3A_335 : i32
          %swap3A_337 = arith.index_cast %mul3A_336 : i32 to index
          %swap3A_338 = tpu.vector_load %arg9[%swap3A_337] {strides = array<i32>} : memref<4096xi32, #tpu.memory_space<vmem>>, vector<16xi32>,
          tpu.vector_store %arg9[%swap3A_337], %and3A_334 {strides = array<i32>} : memref<4096xi32, #tpu.memory_space<vmem>>, vector<16xi32>,
        }
        %scan3A_196 = arith.constant 256 : i32
        %add3A_197 = arith.addi %mul3A_2, %scan3A_178 : i32
        %mul3A_198 = arith.constant 9 : i32
        %mul3A_199 = arith.muli %add3A_197, %mul3A_198 : i32
        %add3A_200 = arith.constant 2 : i32
        %add3A_201 = arith.addi %mul3A_199, %add3A_200 : i32
        %mul3A_202 = arith.constant 4096 : i32
        %mul3A_203 = arith.muli %add3A_201, %mul3A_202 : i32
        %dma_start3A_204 = tpu.memref_slice %arg3[%mul3A_203] : memref<37748736xi32, #tpu.memory_space<hbm>> -> memref<4096xi32, #tpu.memory_space<hbm>>
        %dma_start3A_205 = tpu.memref_slice %arg3[%mul3A_203] : memref<37748736xi32, #tpu.memory_space<hbm>> -> memref<4096xi32, #tpu.memory_space<hbm>>
        tpu.enqueue_dma source(%arg9 : memref<4096xi32, #tpu.memory_space<vmem>>) target(%dma_start3A_205 : memref<4096xi32, #tpu.memory_space<hbm>>) target_semaphore(%arg13 : memref<!tpu.dma_semaphore, #tpu.memory_space<semaphore_mem>>)
      } else {
      }
    }
    %scan3A_61 = arith.constant 32 : i32
    %dma_wait3A_62 = arith.constant 0 : i32
    %dma_wait3A_63 = tpu.memref_slice %arg3[%dma_wait3A_62] : memref<37748736xi32, #tpu.memory_space<hbm>> -> memref<4096xi32, #tpu.memory_space<hbm>>
    %dma_wait3A_64 = arith.constant 0 : i32
    %dma_wait3A_65 = tpu.memref_slice %arg3[%dma_wait3A_64] : memref<37748736xi32, #tpu.memory_space<hbm>> -> memref<4096xi32, #tpu.memory_space<hbm>>
    tpu.wait_dma2 semaphore(%arg12 : memref<!tpu.dma_semaphore, #tpu.memory_space<semaphore_mem>>) src(%arg8 : memref<4096xi32, #tpu.memory_space<vmem>>) dst(%dma_wait3A_65 : memref<4096xi32, #tpu.memory_space<hbm>>)
    %dma_wait3A_66 = arith.constant 0 : i32
    %dma_wait3A_67 = tpu.memref_slice %arg3[%dma_wait3A_66] : memref<37748736xi32, #tpu.memory_space<hbm>> -> memref<4096xi32, #tpu.memory_space<hbm>>
    %dma_wait3A_68 = arith.constant 0 : i32
    %dma_wait3A_69 = tpu.memref_slice %arg3[%dma_wait3A_68] : memref<37748736xi32, #tpu.memory_space<hbm>> -> memref<4096xi32, #tpu.memory_space<hbm>>
    tpu.wait_dma2 semaphore(%arg13 : memref<!tpu.dma_semaphore, #tpu.memory_space<semaphore_mem>>) src(%arg9 : memref<4096xi32, #tpu.memory_space<vmem>>) dst(%dma_wait3A_69 : memref<4096xi32, #tpu.memory_space<hbm>>)
    %scan3A_70 = arith.constant 0 : i32
    %scan3A_71 = arith.constant 256 : i32
    %scan3A_72 = arith.addi %scan3A_70, %scan3A_71 : i32
    %scan3A_73 = arith.constant 4 : i32
    scf.for %scan3A_178 = %scan3A_70 to %scan3A_72 step %scan3A_73  : i32 {
      %mul3A_179 = arith.constant 16 : i32
      %mul3A_180 = arith.muli %scan3A_178, %mul3A_179 : i32
      %add3A_181 = arith.constant 8 : i32
      %add3A_182 = arith.addi %add3A_181, %mul3A_180 : i32
      %get3A = arith.index_cast %add3A_182 : i32 to index
      %get3A_183 = tpu.vector_load %arg6[%get3A] {strides = array<i32>} : memref<4112xi32, #tpu.memory_space<vmem>>, vector<16xi32>,
      %sub3A = arith.constant 1 : i32
      %sub3A_184 = arith.subi %add3A_182, %sub3A : i32
      %get3A_185 = arith.index_cast %sub3A_184 : i32 to index
      %get3A_186 = tpu.vector_load %arg6[%get3A_185] {strides = array<i32>} : memref<4112xi32, #tpu.memory_space<vmem>>, vector<16xi32>,
      %add3A_187 = arith.constant 1 : i32
      %add3A_188 = arith.addi %add3A_182, %add3A_187 : i32
      %get3A_189 = arith.index_cast %add3A_188 : i32 to index
      %get3A_190 = tpu.vector_load %arg6[%get3A_189] {strides = array<i32>} : memref<4112xi32, #tpu.memory_space<vmem>>, vector<16xi32>,
      %or3A = arith.ori %get3A_186, %get3A_183 : vector<16xi32>
      %and3A = arith.andi %get3A_186, %get3A_183 : vector<16xi32>
      %and3A_191 = arith.andi %and3A, %get3A_190 : vector<16xi32>
      %not3A = arith.constant dense<-1> : vector<16xi32>
      %not3A_192 = arith.xori %and3A_191, %not3A : vector<16xi32>
      %and3A_193 = arith.andi %or3A, %not3A_192 : vector<16xi32>
      %swap3A_194 = arith.index_cast %add3A_182 : i32 to index
      %swap3A_195 = tpu.vector_load %arg7[%swap3A_194] {strides = array<i32>} : memref<4112xi32, #tpu.memory_space<vmem>>, vector<16xi32>,
      tpu.vector_store %arg7[%swap3A_194], %and3A_193 {strides = array<i32>} : memref<4112xi32, #tpu.memory_space<vmem>>, vector<16xi32>,
      %scan3A_196 = arith.constant 1 : i32
      %scan3A_197 = arith.addi %scan3A_178, %scan3A_196 : i32
      %mul3A_198 = arith.constant 16 : i32
      %mul3A_199 = arith.muli %scan3A_197, %mul3A_198 : i32
      %add3A_200 = arith.constant 8 : i32
      %add3A_201 = arith.addi %add3A_200, %mul3A_199 : i32
      %get3A_202 = arith.index_cast %add3A_201 : i32 to index
      %get3A_203 = tpu.vector_load %arg6[%get3A_202] {strides = array<i32>} : memref<4112xi32, #tpu.memory_space<vmem>>, vector<16xi32>,
      %sub3A_204 = arith.constant 1 : i32
      %sub3A_205 = arith.subi %add3A_201, %sub3A_204 : i32
      %get3A_206 = arith.index_cast %sub3A_205 : i32 to index
      %get3A_207 = tpu.vector_load %arg6[%get3A_206] {strides = array<i32>} : memref<4112xi32, #tpu.memory_space<vmem>>, vector<16xi32>,
      %add3A_208 = arith.constant 1 : i32
      %add3A_209 = arith.addi %add3A_201, %add3A_208 : i32
      %get3A_210 = arith.index_cast %add3A_209 : i32 to index
      %get3A_211 = tpu.vector_load %arg6[%get3A_210] {strides = array<i32>} : memref<4112xi32, #tpu.memory_space<vmem>>, vector<16xi32>,
      %or3A_212 = arith.ori %get3A_207, %get3A_203 : vector<16xi32>
      %and3A_213 = arith.andi %get3A_207, %get3A_203 : vector<16xi32>
      %and3A_214 = arith.andi %and3A_213, %get3A_211 : vector<16xi32>
      %not3A_215 = arith.constant dense<-1> : vector<16xi32>
      %not3A_216 = arith.xori %and3A_214, %not3A_215 : vector<16xi32>
      %and3A_217 = arith.andi %or3A_212, %not3A_216 : vector<16xi32>
      %swap3A_218 = arith.index_cast %add3A_201 : i32 to index
      %swap3A_219 = tpu.vector_load %arg7[%swap3A_218] {strides = array<i32>} : memref<4112xi32, #tpu.memory_space<vmem>>, vector<16xi32>,
      tpu.vector_store %arg7[%swap3A_218], %and3A_217 {strides = array<i32>} : memref<4112xi32, #tpu.memory_space<vmem>>, vector<16xi32>,
      %scan3A_220 = arith.constant 2 : i32
      %scan3A_221 = arith.addi %scan3A_178, %scan3A_220 : i32
      %mul3A_222 = arith.constant 16 : i32
      %mul3A_223 = arith.muli %scan3A_221, %mul3A_222 : i32
      %add3A_224 = arith.constant 8 : i32
      %add3A_225 = arith.addi %add3A_224, %mul3A_223 : i32
      %get3A_226 = arith.index_cast %add3A_225 : i32 to index
      %get3A_227 = tpu.vector_load %arg6[%get3A_226] {strides = array<i32>} : memref<4112xi32, #tpu.memory_space<vmem>>, vector<16xi32>,
      %sub3A_228 = arith.constant 1 : i32
      %sub3A_229 = arith.subi %add3A_225, %sub3A_228 : i32
      %get3A_230 = arith.index_cast %sub3A_229 : i32 to index
      %get3A_231 = tpu.vector_load %arg6[%get3A_230] {strides = array<i32>} : memref<4112xi32, #tpu.memory_space<vmem>>, vector<16xi32>,
      %add3A_232 = arith.constant 1 : i32
      %add3A_233 = arith.addi %add3A_225, %add3A_232 : i32
      %get3A_234 = arith.index_cast %add3A_233 : i32 to index
      %get3A_235 = tpu.vector_load %arg6[%get3A_234] {strides = array<i32>} : memref<4112xi32, #tpu.memory_space<vmem>>, vector<16xi32>,
      %or3A_236 = arith.ori %get3A_231, %get3A_227 : vector<16xi32>
      %and3A_237 = arith.andi %get3A_231, %get3A_227 : vector<16xi32>
      %and3A_238 = arith.andi %and3A_237, %get3A_235 : vector<16xi32>
      %not3A_239 = arith.constant dense<-1> : vector<16xi32>
      %not3A_240 = arith.xori %and3A_238, %not3A_239 : vector<16xi32>
      %and3A_241 = arith.andi %or3A_236, %not3A_240 : vector<16xi32>
      %swap3A_242 = arith.index_cast %add3A_225 : i32 to index
      %swap3A_243 = tpu.vector_load %arg7[%swap3A_242] {strides = array<i32>} : memref<4112xi32, #tpu.memory_space<vmem>>, vector<16xi32>,
      tpu.vector_store %arg7[%swap3A_242], %and3A_241 {strides = array<i32>} : memref<4112xi32, #tpu.memory_space<vmem>>, vector<16xi32>,
      %scan3A_244 = arith.constant 3 : i32
      %scan3A_245 = arith.addi %scan3A_178, %scan3A_244 : i32
      %mul3A_246 = arith.constant 16 : i32
      %mul3A_247 = arith.muli %scan3A_245, %mul3A_246 : i32
      %add3A_248 = arith.constant 8 : i32
      %add3A_249 = arith.addi %add3A_248, %mul3A_247 : i32
      %get3A_250 = arith.index_cast %add3A_249 : i32 to index
      %get3A_251 = tpu.vector_load %arg6[%get3A_250] {strides = array<i32>} : memref<4112xi32, #tpu.memory_space<vmem>>, vector<16xi32>,
      %sub3A_252 = arith.constant 1 : i32
      %sub3A_253 = arith.subi %add3A_249, %sub3A_252 : i32
      %get3A_254 = arith.index_cast %sub3A_253 : i32 to index
      %get3A_255 = tpu.vector_load %arg6[%get3A_254] {strides = array<i32>} : memref<4112xi32, #tpu.memory_space<vmem>>, vector<16xi32>,
      %add3A_256 = arith.constant 1 : i32
      %add3A_257 = arith.addi %add3A_249, %add3A_256 : i32
      %get3A_258 = arith.index_cast %add3A_257 : i32 to index
      %get3A_259 = tpu.vector_load %arg6[%get3A_258] {strides = array<i32>} : memref<4112xi32, #tpu.memory_space<vmem>>, vector<16xi32>,
      %or3A_260 = arith.ori %get3A_255, %get3A_251 : vector<16xi32>
      %and3A_261 = arith.andi %get3A_255, %get3A_251 : vector<16xi32>
      %and3A_262 = arith.andi %and3A_261, %get3A_259 : vector<16xi32>
      %not3A_263 = arith.constant dense<-1> : vector<16xi32>
      %not3A_264 = arith.xori %and3A_262, %not3A_263 : vector<16xi32>
      %and3A_265 = arith.andi %or3A_260, %not3A_264 : vector<16xi32>
      %swap3A_266 = arith.index_cast %add3A_249 : i32 to index
      %swap3A_267 = tpu.vector_load %arg7[%swap3A_266] {strides = array<i32>} : memref<4112xi32, #tpu.memory_space<vmem>>, vector<16xi32>,
      tpu.vector_store %arg7[%swap3A_266], %and3A_265 {strides = array<i32>} : memref<4112xi32, #tpu.memory_space<vmem>>, vector<16xi32>,
    }
    %scan3A_74 = arith.constant 256 : i32
    %scan3A_75 = arith.constant 0 : i32
    %scan3A_76 = arith.constant 32 : i32
    %scan3A_77 = arith.addi %scan3A_75, %scan3A_76 : i32
    %scan3A_78 = arith.constant 1 : i32
    scf.for %scan3A_178 = %scan3A_75 to %scan3A_77 step %scan3A_78  : i32 {
      %and3A = arith.constant 1 : i32
      %and3A_179 = arith.andi %scan3A_178, %and3A : i32
      %eq3A = arith.constant 0 : i32
      %eq3A_180 = arith.cmpi eq, %and3A_179, %eq3A : i32
      %convert_element_type3A = arith.extui %eq3A_180 : i1 to i32
      %cond3A = arith.constant 0 : i32
      %cond3A_181 = arith.cmpi ne, %convert_element_type3A, %cond3A : i32
      scf.if %cond3A_181 {
        %ge3A = arith.constant 2 : i32
        %ge3A_188 = arith.cmpi sge, %scan3A_178, %ge3A : i32
        %convert_element_type3A_189 = arith.extui %ge3A_188 : i1 to i32
        %cond3A_190 = arith.constant 0 : i32
        %cond3A_191 = arith.cmpi ne, %convert_element_type3A_189, %cond3A_190 : i32
        scf.if %cond3A_191 {
          %dma_wait3A_206 = arith.constant 0 : i32
          %dma_wait3A_207 = tpu.memref_slice %arg3[%dma_wait3A_206] : memref<37748736xi32, #tpu.memory_space<hbm>> -> memref<4096xi32, #tpu.memory_space<hbm>>
          %dma_wait3A_208 = arith.constant 0 : i32
          %dma_wait3A_209 = tpu.memref_slice %arg3[%dma_wait3A_208] : memref<37748736xi32, #tpu.memory_space<hbm>> -> memref<4096xi32, #tpu.memory_space<hbm>>
          tpu.wait_dma2 semaphore(%arg12 : memref<!tpu.dma_semaphore, #tpu.memory_space<semaphore_mem>>) src(%arg8 : memref<4096xi32, #tpu.memory_space<vmem>>) dst(%dma_wait3A_209 : memref<4096xi32, #tpu.memory_space<hbm>>)
        } else {
        }
        %scan3A_192 = arith.constant 0 : i32
        %scan3A_193 = arith.constant 256 : i32
        %scan3A_194 = arith.addi %scan3A_192, %scan3A_193 : i32
        %scan3A_195 = arith.constant 8 : i32
        scf.for %scan3A_206 = %scan3A_192 to %scan3A_194 step %scan3A_195  : i32 {
          %mul3A_207 = arith.constant 16 : i32
          %mul3A_208 = arith.muli %scan3A_206, %mul3A_207 : i32
          %add3A_209 = arith.constant 8 : i32
          %add3A_210 = arith.addi %add3A_209, %mul3A_208 : i32
          %get3A = arith.index_cast %add3A_210 : i32 to index
          %get3A_211 = tpu.vector_load %arg7[%get3A] {strides = array<i32>} : memref<4112xi32, #tpu.memory_space<vmem>>, vector<16xi32>,
          %shift_right_arithmetic3A = vector.broadcast %scan3A_178 : i32 to vector<16xi32>
          %shift_right_arithmetic3A_212 = arith.shrsi %get3A_211, %shift_right_arithmetic3A : vector<16xi32>
          %and3A_213 = arith.constant 1 : i32
          %and3A_214 = vector.broadcast %and3A_213 : i32 to vector<16xi32>
          %and3A_215 = arith.andi %shift_right_arithmetic3A_212, %and3A_214 : vector<16xi32>
          %mul3A_216 = arith.constant 16 : i32
          %mul3A_217 = arith.muli %scan3A_206, %mul3A_216 : i32
          %swap3A_218 = arith.index_cast %mul3A_217 : i32 to index
          %swap3A_219 = tpu.vector_load %arg8[%swap3A_218] {strides = array<i32>} : memref<4096xi32, #tpu.memory_space<vmem>>, vector<16xi32>,
          tpu.vector_store %arg8[%swap3A_218], %and3A_215 {strides = array<i32>} : memref<4096xi32, #tpu.memory_space<vmem>>, vector<16xi32>,
          %scan3A_220 = arith.constant 1 : i32
          %scan3A_221 = arith.addi %scan3A_206, %scan3A_220 : i32
          %mul3A_222 = arith.constant 16 : i32
          %mul3A_223 = arith.muli %scan3A_221, %mul3A_222 : i32
          %add3A_224 = arith.constant 8 : i32
          %add3A_225 = arith.addi %add3A_224, %mul3A_223 : i32
          %get3A_226 = arith.index_cast %add3A_225 : i32 to index
          %get3A_227 = tpu.vector_load %arg7[%get3A_226] {strides = array<i32>} : memref<4112xi32, #tpu.memory_space<vmem>>, vector<16xi32>,
          %shift_right_arithmetic3A_228 = vector.broadcast %scan3A_178 : i32 to vector<16xi32>
          %shift_right_arithmetic3A_229 = arith.shrsi %get3A_227, %shift_right_arithmetic3A_228 : vector<16xi32>
          %and3A_230 = arith.constant 1 : i32
          %and3A_231 = vector.broadcast %and3A_230 : i32 to vector<16xi32>
          %and3A_232 = arith.andi %shift_right_arithmetic3A_229, %and3A_231 : vector<16xi32>
          %mul3A_233 = arith.constant 16 : i32
          %mul3A_234 = arith.muli %scan3A_221, %mul3A_233 : i32
          %swap3A_235 = arith.index_cast %mul3A_234 : i32 to index
          %swap3A_236 = tpu.vector_load %arg8[%swap3A_235] {strides = array<i32>} : memref<4096xi32, #tpu.memory_space<vmem>>, vector<16xi32>,
          tpu.vector_store %arg8[%swap3A_235], %and3A_232 {strides = array<i32>} : memref<4096xi32, #tpu.memory_space<vmem>>, vector<16xi32>,
          %scan3A_237 = arith.constant 2 : i32
          %scan3A_238 = arith.addi %scan3A_206, %scan3A_237 : i32
          %mul3A_239 = arith.constant 16 : i32
          %mul3A_240 = arith.muli %scan3A_238, %mul3A_239 : i32
          %add3A_241 = arith.constant 8 : i32
          %add3A_242 = arith.addi %add3A_241, %mul3A_240 : i32
          %get3A_243 = arith.index_cast %add3A_242 : i32 to index
          %get3A_244 = tpu.vector_load %arg7[%get3A_243] {strides = array<i32>} : memref<4112xi32, #tpu.memory_space<vmem>>, vector<16xi32>,
          %shift_right_arithmetic3A_245 = vector.broadcast %scan3A_178 : i32 to vector<16xi32>
          %shift_right_arithmetic3A_246 = arith.shrsi %get3A_244, %shift_right_arithmetic3A_245 : vector<16xi32>
          %and3A_247 = arith.constant 1 : i32
          %and3A_248 = vector.broadcast %and3A_247 : i32 to vector<16xi32>
          %and3A_249 = arith.andi %shift_right_arithmetic3A_246, %and3A_248 : vector<16xi32>
          %mul3A_250 = arith.constant 16 : i32
          %mul3A_251 = arith.muli %scan3A_238, %mul3A_250 : i32
          %swap3A_252 = arith.index_cast %mul3A_251 : i32 to index
          %swap3A_253 = tpu.vector_load %arg8[%swap3A_252] {strides = array<i32>} : memref<4096xi32, #tpu.memory_space<vmem>>, vector<16xi32>,
          tpu.vector_store %arg8[%swap3A_252], %and3A_249 {strides = array<i32>} : memref<4096xi32, #tpu.memory_space<vmem>>, vector<16xi32>,
          %scan3A_254 = arith.constant 3 : i32
          %scan3A_255 = arith.addi %scan3A_206, %scan3A_254 : i32
          %mul3A_256 = arith.constant 16 : i32
          %mul3A_257 = arith.muli %scan3A_255, %mul3A_256 : i32
          %add3A_258 = arith.constant 8 : i32
          %add3A_259 = arith.addi %add3A_258, %mul3A_257 : i32
          %get3A_260 = arith.index_cast %add3A_259 : i32 to index
          %get3A_261 = tpu.vector_load %arg7[%get3A_260] {strides = array<i32>} : memref<4112xi32, #tpu.memory_space<vmem>>, vector<16xi32>,
          %shift_right_arithmetic3A_262 = vector.broadcast %scan3A_178 : i32 to vector<16xi32>
          %shift_right_arithmetic3A_263 = arith.shrsi %get3A_261, %shift_right_arithmetic3A_262 : vector<16xi32>
          %and3A_264 = arith.constant 1 : i32
          %and3A_265 = vector.broadcast %and3A_264 : i32 to vector<16xi32>
          %and3A_266 = arith.andi %shift_right_arithmetic3A_263, %and3A_265 : vector<16xi32>
          %mul3A_267 = arith.constant 16 : i32
          %mul3A_268 = arith.muli %scan3A_255, %mul3A_267 : i32
          %swap3A_269 = arith.index_cast %mul3A_268 : i32 to index
          %swap3A_270 = tpu.vector_load %arg8[%swap3A_269] {strides = array<i32>} : memref<4096xi32, #tpu.memory_space<vmem>>, vector<16xi32>,
          tpu.vector_store %arg8[%swap3A_269], %and3A_266 {strides = array<i32>} : memref<4096xi32, #tpu.memory_space<vmem>>, vector<16xi32>,
          %scan3A_271 = arith.constant 4 : i32
          %scan3A_272 = arith.addi %scan3A_206, %scan3A_271 : i32
          %mul3A_273 = arith.constant 16 : i32
          %mul3A_274 = arith.muli %scan3A_272, %mul3A_273 : i32
          %add3A_275 = arith.constant 8 : i32
          %add3A_276 = arith.addi %add3A_275, %mul3A_274 : i32
          %get3A_277 = arith.index_cast %add3A_276 : i32 to index
          %get3A_278 = tpu.vector_load %arg7[%get3A_277] {strides = array<i32>} : memref<4112xi32, #tpu.memory_space<vmem>>, vector<16xi32>,
          %shift_right_arithmetic3A_279 = vector.broadcast %scan3A_178 : i32 to vector<16xi32>
          %shift_right_arithmetic3A_280 = arith.shrsi %get3A_278, %shift_right_arithmetic3A_279 : vector<16xi32>
          %and3A_281 = arith.constant 1 : i32
          %and3A_282 = vector.broadcast %and3A_281 : i32 to vector<16xi32>
          %and3A_283 = arith.andi %shift_right_arithmetic3A_280, %and3A_282 : vector<16xi32>
          %mul3A_284 = arith.constant 16 : i32
          %mul3A_285 = arith.muli %scan3A_272, %mul3A_284 : i32
          %swap3A_286 = arith.index_cast %mul3A_285 : i32 to index
          %swap3A_287 = tpu.vector_load %arg8[%swap3A_286] {strides = array<i32>} : memref<4096xi32, #tpu.memory_space<vmem>>, vector<16xi32>,
          tpu.vector_store %arg8[%swap3A_286], %and3A_283 {strides = array<i32>} : memref<4096xi32, #tpu.memory_space<vmem>>, vector<16xi32>,
          %scan3A_288 = arith.constant 5 : i32
          %scan3A_289 = arith.addi %scan3A_206, %scan3A_288 : i32
          %mul3A_290 = arith.constant 16 : i32
          %mul3A_291 = arith.muli %scan3A_289, %mul3A_290 : i32
          %add3A_292 = arith.constant 8 : i32
          %add3A_293 = arith.addi %add3A_292, %mul3A_291 : i32
          %get3A_294 = arith.index_cast %add3A_293 : i32 to index
          %get3A_295 = tpu.vector_load %arg7[%get3A_294] {strides = array<i32>} : memref<4112xi32, #tpu.memory_space<vmem>>, vector<16xi32>,
          %shift_right_arithmetic3A_296 = vector.broadcast %scan3A_178 : i32 to vector<16xi32>
          %shift_right_arithmetic3A_297 = arith.shrsi %get3A_295, %shift_right_arithmetic3A_296 : vector<16xi32>
          %and3A_298 = arith.constant 1 : i32
          %and3A_299 = vector.broadcast %and3A_298 : i32 to vector<16xi32>
          %and3A_300 = arith.andi %shift_right_arithmetic3A_297, %and3A_299 : vector<16xi32>
          %mul3A_301 = arith.constant 16 : i32
          %mul3A_302 = arith.muli %scan3A_289, %mul3A_301 : i32
          %swap3A_303 = arith.index_cast %mul3A_302 : i32 to index
          %swap3A_304 = tpu.vector_load %arg8[%swap3A_303] {strides = array<i32>} : memref<4096xi32, #tpu.memory_space<vmem>>, vector<16xi32>,
          tpu.vector_store %arg8[%swap3A_303], %and3A_300 {strides = array<i32>} : memref<4096xi32, #tpu.memory_space<vmem>>, vector<16xi32>,
          %scan3A_305 = arith.constant 6 : i32
          %scan3A_306 = arith.addi %scan3A_206, %scan3A_305 : i32
          %mul3A_307 = arith.constant 16 : i32
          %mul3A_308 = arith.muli %scan3A_306, %mul3A_307 : i32
          %add3A_309 = arith.constant 8 : i32
          %add3A_310 = arith.addi %add3A_309, %mul3A_308 : i32
          %get3A_311 = arith.index_cast %add3A_310 : i32 to index
          %get3A_312 = tpu.vector_load %arg7[%get3A_311] {strides = array<i32>} : memref<4112xi32, #tpu.memory_space<vmem>>, vector<16xi32>,
          %shift_right_arithmetic3A_313 = vector.broadcast %scan3A_178 : i32 to vector<16xi32>
          %shift_right_arithmetic3A_314 = arith.shrsi %get3A_312, %shift_right_arithmetic3A_313 : vector<16xi32>
          %and3A_315 = arith.constant 1 : i32
          %and3A_316 = vector.broadcast %and3A_315 : i32 to vector<16xi32>
          %and3A_317 = arith.andi %shift_right_arithmetic3A_314, %and3A_316 : vector<16xi32>
          %mul3A_318 = arith.constant 16 : i32
          %mul3A_319 = arith.muli %scan3A_306, %mul3A_318 : i32
          %swap3A_320 = arith.index_cast %mul3A_319 : i32 to index
          %swap3A_321 = tpu.vector_load %arg8[%swap3A_320] {strides = array<i32>} : memref<4096xi32, #tpu.memory_space<vmem>>, vector<16xi32>,
          tpu.vector_store %arg8[%swap3A_320], %and3A_317 {strides = array<i32>} : memref<4096xi32, #tpu.memory_space<vmem>>, vector<16xi32>,
          %scan3A_322 = arith.constant 7 : i32
          %scan3A_323 = arith.addi %scan3A_206, %scan3A_322 : i32
          %mul3A_324 = arith.constant 16 : i32
          %mul3A_325 = arith.muli %scan3A_323, %mul3A_324 : i32
          %add3A_326 = arith.constant 8 : i32
          %add3A_327 = arith.addi %add3A_326, %mul3A_325 : i32
          %get3A_328 = arith.index_cast %add3A_327 : i32 to index
          %get3A_329 = tpu.vector_load %arg7[%get3A_328] {strides = array<i32>} : memref<4112xi32, #tpu.memory_space<vmem>>, vector<16xi32>,
          %shift_right_arithmetic3A_330 = vector.broadcast %scan3A_178 : i32 to vector<16xi32>
          %shift_right_arithmetic3A_331 = arith.shrsi %get3A_329, %shift_right_arithmetic3A_330 : vector<16xi32>
          %and3A_332 = arith.constant 1 : i32
          %and3A_333 = vector.broadcast %and3A_332 : i32 to vector<16xi32>
          %and3A_334 = arith.andi %shift_right_arithmetic3A_331, %and3A_333 : vector<16xi32>
          %mul3A_335 = arith.constant 16 : i32
          %mul3A_336 = arith.muli %scan3A_323, %mul3A_335 : i32
          %swap3A_337 = arith.index_cast %mul3A_336 : i32 to index
          %swap3A_338 = tpu.vector_load %arg8[%swap3A_337] {strides = array<i32>} : memref<4096xi32, #tpu.memory_space<vmem>>, vector<16xi32>,
          tpu.vector_store %arg8[%swap3A_337], %and3A_334 {strides = array<i32>} : memref<4096xi32, #tpu.memory_space<vmem>>, vector<16xi32>,
        }
        %scan3A_196 = arith.constant 256 : i32
        %add3A_197 = arith.addi %mul3A_2, %scan3A_178 : i32
        %mul3A_198 = arith.constant 9 : i32
        %mul3A_199 = arith.muli %add3A_197, %mul3A_198 : i32
        %add3A_200 = arith.constant 3 : i32
        %add3A_201 = arith.addi %mul3A_199, %add3A_200 : i32
        %mul3A_202 = arith.constant 4096 : i32
        %mul3A_203 = arith.muli %add3A_201, %mul3A_202 : i32
        %dma_start3A_204 = tpu.memref_slice %arg3[%mul3A_203] : memref<37748736xi32, #tpu.memory_space<hbm>> -> memref<4096xi32, #tpu.memory_space<hbm>>
        %dma_start3A_205 = tpu.memref_slice %arg3[%mul3A_203] : memref<37748736xi32, #tpu.memory_space<hbm>> -> memref<4096xi32, #tpu.memory_space<hbm>>
        tpu.enqueue_dma source(%arg8 : memref<4096xi32, #tpu.memory_space<vmem>>) target(%dma_start3A_205 : memref<4096xi32, #tpu.memory_space<hbm>>) target_semaphore(%arg12 : memref<!tpu.dma_semaphore, #tpu.memory_space<semaphore_mem>>)
      } else {
      }
      %and3A_182 = arith.constant 1 : i32
      %and3A_183 = arith.andi %scan3A_178, %and3A_182 : i32
      %ne3A = arith.constant 0 : i32
      %ne3A_184 = arith.cmpi ne, %and3A_183, %ne3A : i32
      %convert_element_type3A_185 = arith.extui %ne3A_184 : i1 to i32
      %cond3A_186 = arith.constant 0 : i32
      %cond3A_187 = arith.cmpi ne, %convert_element_type3A_185, %cond3A_186 : i32
      scf.if %cond3A_187 {
        %ge3A = arith.constant 2 : i32
        %ge3A_188 = arith.cmpi sge, %scan3A_178, %ge3A : i32
        %convert_element_type3A_189 = arith.extui %ge3A_188 : i1 to i32
        %cond3A_190 = arith.constant 0 : i32
        %cond3A_191 = arith.cmpi ne, %convert_element_type3A_189, %cond3A_190 : i32
        scf.if %cond3A_191 {
          %dma_wait3A_206 = arith.constant 0 : i32
          %dma_wait3A_207 = tpu.memref_slice %arg3[%dma_wait3A_206] : memref<37748736xi32, #tpu.memory_space<hbm>> -> memref<4096xi32, #tpu.memory_space<hbm>>
          %dma_wait3A_208 = arith.constant 0 : i32
          %dma_wait3A_209 = tpu.memref_slice %arg3[%dma_wait3A_208] : memref<37748736xi32, #tpu.memory_space<hbm>> -> memref<4096xi32, #tpu.memory_space<hbm>>
          tpu.wait_dma2 semaphore(%arg13 : memref<!tpu.dma_semaphore, #tpu.memory_space<semaphore_mem>>) src(%arg9 : memref<4096xi32, #tpu.memory_space<vmem>>) dst(%dma_wait3A_209 : memref<4096xi32, #tpu.memory_space<hbm>>)
        } else {
        }
        %scan3A_192 = arith.constant 0 : i32
        %scan3A_193 = arith.constant 256 : i32
        %scan3A_194 = arith.addi %scan3A_192, %scan3A_193 : i32
        %scan3A_195 = arith.constant 8 : i32
        scf.for %scan3A_206 = %scan3A_192 to %scan3A_194 step %scan3A_195  : i32 {
          %mul3A_207 = arith.constant 16 : i32
          %mul3A_208 = arith.muli %scan3A_206, %mul3A_207 : i32
          %add3A_209 = arith.constant 8 : i32
          %add3A_210 = arith.addi %add3A_209, %mul3A_208 : i32
          %get3A = arith.index_cast %add3A_210 : i32 to index
          %get3A_211 = tpu.vector_load %arg7[%get3A] {strides = array<i32>} : memref<4112xi32, #tpu.memory_space<vmem>>, vector<16xi32>,
          %shift_right_arithmetic3A = vector.broadcast %scan3A_178 : i32 to vector<16xi32>
          %shift_right_arithmetic3A_212 = arith.shrsi %get3A_211, %shift_right_arithmetic3A : vector<16xi32>
          %and3A_213 = arith.constant 1 : i32
          %and3A_214 = vector.broadcast %and3A_213 : i32 to vector<16xi32>
          %and3A_215 = arith.andi %shift_right_arithmetic3A_212, %and3A_214 : vector<16xi32>
          %mul3A_216 = arith.constant 16 : i32
          %mul3A_217 = arith.muli %scan3A_206, %mul3A_216 : i32
          %swap3A_218 = arith.index_cast %mul3A_217 : i32 to index
          %swap3A_219 = tpu.vector_load %arg9[%swap3A_218] {strides = array<i32>} : memref<4096xi32, #tpu.memory_space<vmem>>, vector<16xi32>,
          tpu.vector_store %arg9[%swap3A_218], %and3A_215 {strides = array<i32>} : memref<4096xi32, #tpu.memory_space<vmem>>, vector<16xi32>,
          %scan3A_220 = arith.constant 1 : i32
          %scan3A_221 = arith.addi %scan3A_206, %scan3A_220 : i32
          %mul3A_222 = arith.constant 16 : i32
          %mul3A_223 = arith.muli %scan3A_221, %mul3A_222 : i32
          %add3A_224 = arith.constant 8 : i32
          %add3A_225 = arith.addi %add3A_224, %mul3A_223 : i32
          %get3A_226 = arith.index_cast %add3A_225 : i32 to index
          %get3A_227 = tpu.vector_load %arg7[%get3A_226] {strides = array<i32>} : memref<4112xi32, #tpu.memory_space<vmem>>, vector<16xi32>,
          %shift_right_arithmetic3A_228 = vector.broadcast %scan3A_178 : i32 to vector<16xi32>
          %shift_right_arithmetic3A_229 = arith.shrsi %get3A_227, %shift_right_arithmetic3A_228 : vector<16xi32>
          %and3A_230 = arith.constant 1 : i32
          %and3A_231 = vector.broadcast %and3A_230 : i32 to vector<16xi32>
          %and3A_232 = arith.andi %shift_right_arithmetic3A_229, %and3A_231 : vector<16xi32>
          %mul3A_233 = arith.constant 16 : i32
          %mul3A_234 = arith.muli %scan3A_221, %mul3A_233 : i32
          %swap3A_235 = arith.index_cast %mul3A_234 : i32 to index
          %swap3A_236 = tpu.vector_load %arg9[%swap3A_235] {strides = array<i32>} : memref<4096xi32, #tpu.memory_space<vmem>>, vector<16xi32>,
          tpu.vector_store %arg9[%swap3A_235], %and3A_232 {strides = array<i32>} : memref<4096xi32, #tpu.memory_space<vmem>>, vector<16xi32>,
          %scan3A_237 = arith.constant 2 : i32
          %scan3A_238 = arith.addi %scan3A_206, %scan3A_237 : i32
          %mul3A_239 = arith.constant 16 : i32
          %mul3A_240 = arith.muli %scan3A_238, %mul3A_239 : i32
          %add3A_241 = arith.constant 8 : i32
          %add3A_242 = arith.addi %add3A_241, %mul3A_240 : i32
          %get3A_243 = arith.index_cast %add3A_242 : i32 to index
          %get3A_244 = tpu.vector_load %arg7[%get3A_243] {strides = array<i32>} : memref<4112xi32, #tpu.memory_space<vmem>>, vector<16xi32>,
          %shift_right_arithmetic3A_245 = vector.broadcast %scan3A_178 : i32 to vector<16xi32>
          %shift_right_arithmetic3A_246 = arith.shrsi %get3A_244, %shift_right_arithmetic3A_245 : vector<16xi32>
          %and3A_247 = arith.constant 1 : i32
          %and3A_248 = vector.broadcast %and3A_247 : i32 to vector<16xi32>
          %and3A_249 = arith.andi %shift_right_arithmetic3A_246, %and3A_248 : vector<16xi32>
          %mul3A_250 = arith.constant 16 : i32
          %mul3A_251 = arith.muli %scan3A_238, %mul3A_250 : i32
          %swap3A_252 = arith.index_cast %mul3A_251 : i32 to index
          %swap3A_253 = tpu.vector_load %arg9[%swap3A_252] {strides = array<i32>} : memref<4096xi32, #tpu.memory_space<vmem>>, vector<16xi32>,
          tpu.vector_store %arg9[%swap3A_252], %and3A_249 {strides = array<i32>} : memref<4096xi32, #tpu.memory_space<vmem>>, vector<16xi32>,
          %scan3A_254 = arith.constant 3 : i32
          %scan3A_255 = arith.addi %scan3A_206, %scan3A_254 : i32
          %mul3A_256 = arith.constant 16 : i32
          %mul3A_257 = arith.muli %scan3A_255, %mul3A_256 : i32
          %add3A_258 = arith.constant 8 : i32
          %add3A_259 = arith.addi %add3A_258, %mul3A_257 : i32
          %get3A_260 = arith.index_cast %add3A_259 : i32 to index
          %get3A_261 = tpu.vector_load %arg7[%get3A_260] {strides = array<i32>} : memref<4112xi32, #tpu.memory_space<vmem>>, vector<16xi32>,
          %shift_right_arithmetic3A_262 = vector.broadcast %scan3A_178 : i32 to vector<16xi32>
          %shift_right_arithmetic3A_263 = arith.shrsi %get3A_261, %shift_right_arithmetic3A_262 : vector<16xi32>
          %and3A_264 = arith.constant 1 : i32
          %and3A_265 = vector.broadcast %and3A_264 : i32 to vector<16xi32>
          %and3A_266 = arith.andi %shift_right_arithmetic3A_263, %and3A_265 : vector<16xi32>
          %mul3A_267 = arith.constant 16 : i32
          %mul3A_268 = arith.muli %scan3A_255, %mul3A_267 : i32
          %swap3A_269 = arith.index_cast %mul3A_268 : i32 to index
          %swap3A_270 = tpu.vector_load %arg9[%swap3A_269] {strides = array<i32>} : memref<4096xi32, #tpu.memory_space<vmem>>, vector<16xi32>,
          tpu.vector_store %arg9[%swap3A_269], %and3A_266 {strides = array<i32>} : memref<4096xi32, #tpu.memory_space<vmem>>, vector<16xi32>,
          %scan3A_271 = arith.constant 4 : i32
          %scan3A_272 = arith.addi %scan3A_206, %scan3A_271 : i32
          %mul3A_273 = arith.constant 16 : i32
          %mul3A_274 = arith.muli %scan3A_272, %mul3A_273 : i32
          %add3A_275 = arith.constant 8 : i32
          %add3A_276 = arith.addi %add3A_275, %mul3A_274 : i32
          %get3A_277 = arith.index_cast %add3A_276 : i32 to index
          %get3A_278 = tpu.vector_load %arg7[%get3A_277] {strides = array<i32>} : memref<4112xi32, #tpu.memory_space<vmem>>, vector<16xi32>,
          %shift_right_arithmetic3A_279 = vector.broadcast %scan3A_178 : i32 to vector<16xi32>
          %shift_right_arithmetic3A_280 = arith.shrsi %get3A_278, %shift_right_arithmetic3A_279 : vector<16xi32>
          %and3A_281 = arith.constant 1 : i32
          %and3A_282 = vector.broadcast %and3A_281 : i32 to vector<16xi32>
          %and3A_283 = arith.andi %shift_right_arithmetic3A_280, %and3A_282 : vector<16xi32>
          %mul3A_284 = arith.constant 16 : i32
          %mul3A_285 = arith.muli %scan3A_272, %mul3A_284 : i32
          %swap3A_286 = arith.index_cast %mul3A_285 : i32 to index
          %swap3A_287 = tpu.vector_load %arg9[%swap3A_286] {strides = array<i32>} : memref<4096xi32, #tpu.memory_space<vmem>>, vector<16xi32>,
          tpu.vector_store %arg9[%swap3A_286], %and3A_283 {strides = array<i32>} : memref<4096xi32, #tpu.memory_space<vmem>>, vector<16xi32>,
          %scan3A_288 = arith.constant 5 : i32
          %scan3A_289 = arith.addi %scan3A_206, %scan3A_288 : i32
          %mul3A_290 = arith.constant 16 : i32
          %mul3A_291 = arith.muli %scan3A_289, %mul3A_290 : i32
          %add3A_292 = arith.constant 8 : i32
          %add3A_293 = arith.addi %add3A_292, %mul3A_291 : i32
          %get3A_294 = arith.index_cast %add3A_293 : i32 to index
          %get3A_295 = tpu.vector_load %arg7[%get3A_294] {strides = array<i32>} : memref<4112xi32, #tpu.memory_space<vmem>>, vector<16xi32>,
          %shift_right_arithmetic3A_296 = vector.broadcast %scan3A_178 : i32 to vector<16xi32>
          %shift_right_arithmetic3A_297 = arith.shrsi %get3A_295, %shift_right_arithmetic3A_296 : vector<16xi32>
          %and3A_298 = arith.constant 1 : i32
          %and3A_299 = vector.broadcast %and3A_298 : i32 to vector<16xi32>
          %and3A_300 = arith.andi %shift_right_arithmetic3A_297, %and3A_299 : vector<16xi32>
          %mul3A_301 = arith.constant 16 : i32
          %mul3A_302 = arith.muli %scan3A_289, %mul3A_301 : i32
          %swap3A_303 = arith.index_cast %mul3A_302 : i32 to index
          %swap3A_304 = tpu.vector_load %arg9[%swap3A_303] {strides = array<i32>} : memref<4096xi32, #tpu.memory_space<vmem>>, vector<16xi32>,
          tpu.vector_store %arg9[%swap3A_303], %and3A_300 {strides = array<i32>} : memref<4096xi32, #tpu.memory_space<vmem>>, vector<16xi32>,
          %scan3A_305 = arith.constant 6 : i32
          %scan3A_306 = arith.addi %scan3A_206, %scan3A_305 : i32
          %mul3A_307 = arith.constant 16 : i32
          %mul3A_308 = arith.muli %scan3A_306, %mul3A_307 : i32
          %add3A_309 = arith.constant 8 : i32
          %add3A_310 = arith.addi %add3A_309, %mul3A_308 : i32
          %get3A_311 = arith.index_cast %add3A_310 : i32 to index
          %get3A_312 = tpu.vector_load %arg7[%get3A_311] {strides = array<i32>} : memref<4112xi32, #tpu.memory_space<vmem>>, vector<16xi32>,
          %shift_right_arithmetic3A_313 = vector.broadcast %scan3A_178 : i32 to vector<16xi32>
          %shift_right_arithmetic3A_314 = arith.shrsi %get3A_312, %shift_right_arithmetic3A_313 : vector<16xi32>
          %and3A_315 = arith.constant 1 : i32
          %and3A_316 = vector.broadcast %and3A_315 : i32 to vector<16xi32>
          %and3A_317 = arith.andi %shift_right_arithmetic3A_314, %and3A_316 : vector<16xi32>
          %mul3A_318 = arith.constant 16 : i32
          %mul3A_319 = arith.muli %scan3A_306, %mul3A_318 : i32
          %swap3A_320 = arith.index_cast %mul3A_319 : i32 to index
          %swap3A_321 = tpu.vector_load %arg9[%swap3A_320] {strides = array<i32>} : memref<4096xi32, #tpu.memory_space<vmem>>, vector<16xi32>,
          tpu.vector_store %arg9[%swap3A_320], %and3A_317 {strides = array<i32>} : memref<4096xi32, #tpu.memory_space<vmem>>, vector<16xi32>,
          %scan3A_322 = arith.constant 7 : i32
          %scan3A_323 = arith.addi %scan3A_206, %scan3A_322 : i32
          %mul3A_324 = arith.constant 16 : i32
          %mul3A_325 = arith.muli %scan3A_323, %mul3A_324 : i32
          %add3A_326 = arith.constant 8 : i32
          %add3A_327 = arith.addi %add3A_326, %mul3A_325 : i32
          %get3A_328 = arith.index_cast %add3A_327 : i32 to index
          %get3A_329 = tpu.vector_load %arg7[%get3A_328] {strides = array<i32>} : memref<4112xi32, #tpu.memory_space<vmem>>, vector<16xi32>,
          %shift_right_arithmetic3A_330 = vector.broadcast %scan3A_178 : i32 to vector<16xi32>
          %shift_right_arithmetic3A_331 = arith.shrsi %get3A_329, %shift_right_arithmetic3A_330 : vector<16xi32>
          %and3A_332 = arith.constant 1 : i32
          %and3A_333 = vector.broadcast %and3A_332 : i32 to vector<16xi32>
          %and3A_334 = arith.andi %shift_right_arithmetic3A_331, %and3A_333 : vector<16xi32>
          %mul3A_335 = arith.constant 16 : i32
          %mul3A_336 = arith.muli %scan3A_323, %mul3A_335 : i32
          %swap3A_337 = arith.index_cast %mul3A_336 : i32 to index
          %swap3A_338 = tpu.vector_load %arg9[%swap3A_337] {strides = array<i32>} : memref<4096xi32, #tpu.memory_space<vmem>>, vector<16xi32>,
          tpu.vector_store %arg9[%swap3A_337], %and3A_334 {strides = array<i32>} : memref<4096xi32, #tpu.memory_space<vmem>>, vector<16xi32>,
        }
        %scan3A_196 = arith.constant 256 : i32
        %add3A_197 = arith.addi %mul3A_2, %scan3A_178 : i32
        %mul3A_198 = arith.constant 9 : i32
        %mul3A_199 = arith.muli %add3A_197, %mul3A_198 : i32
        %add3A_200 = arith.constant 3 : i32
        %add3A_201 = arith.addi %mul3A_199, %add3A_200 : i32
        %mul3A_202 = arith.constant 4096 : i32
        %mul3A_203 = arith.muli %add3A_201, %mul3A_202 : i32
        %dma_start3A_204 = tpu.memref_slice %arg3[%mul3A_203] : memref<37748736xi32, #tpu.memory_space<hbm>> -> memref<4096xi32, #tpu.memory_space<hbm>>
        %dma_start3A_205 = tpu.memref_slice %arg3[%mul3A_203] : memref<37748736xi32, #tpu.memory_space<hbm>> -> memref<4096xi32, #tpu.memory_space<hbm>>
        tpu.enqueue_dma source(%arg9 : memref<4096xi32, #tpu.memory_space<vmem>>) target(%dma_start3A_205 : memref<4096xi32, #tpu.memory_space<hbm>>) target_semaphore(%arg13 : memref<!tpu.dma_semaphore, #tpu.memory_space<semaphore_mem>>)
      } else {
      }
    }
    %scan3A_79 = arith.constant 32 : i32
    %dma_wait3A_80 = arith.constant 0 : i32
    %dma_wait3A_81 = tpu.memref_slice %arg3[%dma_wait3A_80] : memref<37748736xi32, #tpu.memory_space<hbm>> -> memref<4096xi32, #tpu.memory_space<hbm>>
    %dma_wait3A_82 = arith.constant 0 : i32
    %dma_wait3A_83 = tpu.memref_slice %arg3[%dma_wait3A_82] : memref<37748736xi32, #tpu.memory_space<hbm>> -> memref<4096xi32, #tpu.memory_space<hbm>>
    tpu.wait_dma2 semaphore(%arg12 : memref<!tpu.dma_semaphore, #tpu.memory_space<semaphore_mem>>) src(%arg8 : memref<4096xi32, #tpu.memory_space<vmem>>) dst(%dma_wait3A_83 : memref<4096xi32, #tpu.memory_space<hbm>>)
    %dma_wait3A_84 = arith.constant 0 : i32
    %dma_wait3A_85 = tpu.memref_slice %arg3[%dma_wait3A_84] : memref<37748736xi32, #tpu.memory_space<hbm>> -> memref<4096xi32, #tpu.memory_space<hbm>>
    %dma_wait3A_86 = arith.constant 0 : i32
    %dma_wait3A_87 = tpu.memref_slice %arg3[%dma_wait3A_86] : memref<37748736xi32, #tpu.memory_space<hbm>> -> memref<4096xi32, #tpu.memory_space<hbm>>
    tpu.wait_dma2 semaphore(%arg13 : memref<!tpu.dma_semaphore, #tpu.memory_space<semaphore_mem>>) src(%arg9 : memref<4096xi32, #tpu.memory_space<vmem>>) dst(%dma_wait3A_87 : memref<4096xi32, #tpu.memory_space<hbm>>)
    %scan3A_88 = arith.constant 0 : i32
    %scan3A_89 = arith.constant 256 : i32
    %scan3A_90 = arith.addi %scan3A_88, %scan3A_89 : i32
    %scan3A_91 = arith.constant 4 : i32
    scf.for %scan3A_178 = %scan3A_88 to %scan3A_90 step %scan3A_91  : i32 {
      %mul3A_179 = arith.constant 16 : i32
      %mul3A_180 = arith.muli %scan3A_178, %mul3A_179 : i32
      %add3A_181 = arith.constant 8 : i32
      %add3A_182 = arith.addi %add3A_181, %mul3A_180 : i32
      %get3A = arith.index_cast %add3A_182 : i32 to index
      %get3A_183 = tpu.vector_load %arg7[%get3A] {strides = array<i32>} : memref<4112xi32, #tpu.memory_space<vmem>>, vector<16xi32>,
      %sub3A = arith.constant 1 : i32
      %sub3A_184 = arith.subi %add3A_182, %sub3A : i32
      %get3A_185 = arith.index_cast %sub3A_184 : i32 to index
      %get3A_186 = tpu.vector_load %arg7[%get3A_185] {strides = array<i32>} : memref<4112xi32, #tpu.memory_space<vmem>>, vector<16xi32>,
      %add3A_187 = arith.constant 1 : i32
      %add3A_188 = arith.addi %add3A_182, %add3A_187 : i32
      %get3A_189 = arith.index_cast %add3A_188 : i32 to index
      %get3A_190 = tpu.vector_load %arg7[%get3A_189] {strides = array<i32>} : memref<4112xi32, #tpu.memory_space<vmem>>, vector<16xi32>,
      %or3A = arith.ori %get3A_186, %get3A_183 : vector<16xi32>
      %and3A = arith.andi %get3A_186, %get3A_183 : vector<16xi32>
      %and3A_191 = arith.andi %and3A, %get3A_190 : vector<16xi32>
      %not3A = arith.constant dense<-1> : vector<16xi32>
      %not3A_192 = arith.xori %and3A_191, %not3A : vector<16xi32>
      %and3A_193 = arith.andi %or3A, %not3A_192 : vector<16xi32>
      %swap3A_194 = arith.index_cast %add3A_182 : i32 to index
      %swap3A_195 = tpu.vector_load %arg6[%swap3A_194] {strides = array<i32>} : memref<4112xi32, #tpu.memory_space<vmem>>, vector<16xi32>,
      tpu.vector_store %arg6[%swap3A_194], %and3A_193 {strides = array<i32>} : memref<4112xi32, #tpu.memory_space<vmem>>, vector<16xi32>,
      %scan3A_196 = arith.constant 1 : i32
      %scan3A_197 = arith.addi %scan3A_178, %scan3A_196 : i32
      %mul3A_198 = arith.constant 16 : i32
      %mul3A_199 = arith.muli %scan3A_197, %mul3A_198 : i32
      %add3A_200 = arith.constant 8 : i32
      %add3A_201 = arith.addi %add3A_200, %mul3A_199 : i32
      %get3A_202 = arith.index_cast %add3A_201 : i32 to index
      %get3A_203 = tpu.vector_load %arg7[%get3A_202] {strides = array<i32>} : memref<4112xi32, #tpu.memory_space<vmem>>, vector<16xi32>,
      %sub3A_204 = arith.constant 1 : i32
      %sub3A_205 = arith.subi %add3A_201, %sub3A_204 : i32
      %get3A_206 = arith.index_cast %sub3A_205 : i32 to index
      %get3A_207 = tpu.vector_load %arg7[%get3A_206] {strides = array<i32>} : memref<4112xi32, #tpu.memory_space<vmem>>, vector<16xi32>,
      %add3A_208 = arith.constant 1 : i32
      %add3A_209 = arith.addi %add3A_201, %add3A_208 : i32
      %get3A_210 = arith.index_cast %add3A_209 : i32 to index
      %get3A_211 = tpu.vector_load %arg7[%get3A_210] {strides = array<i32>} : memref<4112xi32, #tpu.memory_space<vmem>>, vector<16xi32>,
      %or3A_212 = arith.ori %get3A_207, %get3A_203 : vector<16xi32>
      %and3A_213 = arith.andi %get3A_207, %get3A_203 : vector<16xi32>
      %and3A_214 = arith.andi %and3A_213, %get3A_211 : vector<16xi32>
      %not3A_215 = arith.constant dense<-1> : vector<16xi32>
      %not3A_216 = arith.xori %and3A_214, %not3A_215 : vector<16xi32>
      %and3A_217 = arith.andi %or3A_212, %not3A_216 : vector<16xi32>
      %swap3A_218 = arith.index_cast %add3A_201 : i32 to index
      %swap3A_219 = tpu.vector_load %arg6[%swap3A_218] {strides = array<i32>} : memref<4112xi32, #tpu.memory_space<vmem>>, vector<16xi32>,
      tpu.vector_store %arg6[%swap3A_218], %and3A_217 {strides = array<i32>} : memref<4112xi32, #tpu.memory_space<vmem>>, vector<16xi32>,
      %scan3A_220 = arith.constant 2 : i32
      %scan3A_221 = arith.addi %scan3A_178, %scan3A_220 : i32
      %mul3A_222 = arith.constant 16 : i32
      %mul3A_223 = arith.muli %scan3A_221, %mul3A_222 : i32
      %add3A_224 = arith.constant 8 : i32
      %add3A_225 = arith.addi %add3A_224, %mul3A_223 : i32
      %get3A_226 = arith.index_cast %add3A_225 : i32 to index
      %get3A_227 = tpu.vector_load %arg7[%get3A_226] {strides = array<i32>} : memref<4112xi32, #tpu.memory_space<vmem>>, vector<16xi32>,
      %sub3A_228 = arith.constant 1 : i32
      %sub3A_229 = arith.subi %add3A_225, %sub3A_228 : i32
      %get3A_230 = arith.index_cast %sub3A_229 : i32 to index
      %get3A_231 = tpu.vector_load %arg7[%get3A_230] {strides = array<i32>} : memref<4112xi32, #tpu.memory_space<vmem>>, vector<16xi32>,
      %add3A_232 = arith.constant 1 : i32
      %add3A_233 = arith.addi %add3A_225, %add3A_232 : i32
      %get3A_234 = arith.index_cast %add3A_233 : i32 to index
      %get3A_235 = tpu.vector_load %arg7[%get3A_234] {strides = array<i32>} : memref<4112xi32, #tpu.memory_space<vmem>>, vector<16xi32>,
      %or3A_236 = arith.ori %get3A_231, %get3A_227 : vector<16xi32>
      %and3A_237 = arith.andi %get3A_231, %get3A_227 : vector<16xi32>
      %and3A_238 = arith.andi %and3A_237, %get3A_235 : vector<16xi32>
      %not3A_239 = arith.constant dense<-1> : vector<16xi32>
      %not3A_240 = arith.xori %and3A_238, %not3A_239 : vector<16xi32>
      %and3A_241 = arith.andi %or3A_236, %not3A_240 : vector<16xi32>
      %swap3A_242 = arith.index_cast %add3A_225 : i32 to index
      %swap3A_243 = tpu.vector_load %arg6[%swap3A_242] {strides = array<i32>} : memref<4112xi32, #tpu.memory_space<vmem>>, vector<16xi32>,
      tpu.vector_store %arg6[%swap3A_242], %and3A_241 {strides = array<i32>} : memref<4112xi32, #tpu.memory_space<vmem>>, vector<16xi32>,
      %scan3A_244 = arith.constant 3 : i32
      %scan3A_245 = arith.addi %scan3A_178, %scan3A_244 : i32
      %mul3A_246 = arith.constant 16 : i32
      %mul3A_247 = arith.muli %scan3A_245, %mul3A_246 : i32
      %add3A_248 = arith.constant 8 : i32
      %add3A_249 = arith.addi %add3A_248, %mul3A_247 : i32
      %get3A_250 = arith.index_cast %add3A_249 : i32 to index
      %get3A_251 = tpu.vector_load %arg7[%get3A_250] {strides = array<i32>} : memref<4112xi32, #tpu.memory_space<vmem>>, vector<16xi32>,
      %sub3A_252 = arith.constant 1 : i32
      %sub3A_253 = arith.subi %add3A_249, %sub3A_252 : i32
      %get3A_254 = arith.index_cast %sub3A_253 : i32 to index
      %get3A_255 = tpu.vector_load %arg7[%get3A_254] {strides = array<i32>} : memref<4112xi32, #tpu.memory_space<vmem>>, vector<16xi32>,
      %add3A_256 = arith.constant 1 : i32
      %add3A_257 = arith.addi %add3A_249, %add3A_256 : i32
      %get3A_258 = arith.index_cast %add3A_257 : i32 to index
      %get3A_259 = tpu.vector_load %arg7[%get3A_258] {strides = array<i32>} : memref<4112xi32, #tpu.memory_space<vmem>>, vector<16xi32>,
      %or3A_260 = arith.ori %get3A_255, %get3A_251 : vector<16xi32>
      %and3A_261 = arith.andi %get3A_255, %get3A_251 : vector<16xi32>
      %and3A_262 = arith.andi %and3A_261, %get3A_259 : vector<16xi32>
      %not3A_263 = arith.constant dense<-1> : vector<16xi32>
      %not3A_264 = arith.xori %and3A_262, %not3A_263 : vector<16xi32>
      %and3A_265 = arith.andi %or3A_260, %not3A_264 : vector<16xi32>
      %swap3A_266 = arith.index_cast %add3A_249 : i32 to index
      %swap3A_267 = tpu.vector_load %arg6[%swap3A_266] {strides = array<i32>} : memref<4112xi32, #tpu.memory_space<vmem>>, vector<16xi32>,
      tpu.vector_store %arg6[%swap3A_266], %and3A_265 {strides = array<i32>} : memref<4112xi32, #tpu.memory_space<vmem>>, vector<16xi32>,
    }
    %scan3A_92 = arith.constant 256 : i32
    %scan3A_93 = arith.constant 0 : i32
    %scan3A_94 = arith.constant 32 : i32
    %scan3A_95 = arith.addi %scan3A_93, %scan3A_94 : i32
    %scan3A_96 = arith.constant 1 : i32
    scf.for %scan3A_178 = %scan3A_93 to %scan3A_95 step %scan3A_96  : i32 {
      %and3A = arith.constant 1 : i32
      %and3A_179 = arith.andi %scan3A_178, %and3A : i32
      %eq3A = arith.constant 0 : i32
      %eq3A_180 = arith.cmpi eq, %and3A_179, %eq3A : i32
      %convert_element_type3A = arith.extui %eq3A_180 : i1 to i32
      %cond3A = arith.constant 0 : i32
      %cond3A_181 = arith.cmpi ne, %convert_element_type3A, %cond3A : i32
      scf.if %cond3A_181 {
        %ge3A = arith.constant 2 : i32
        %ge3A_188 = arith.cmpi sge, %scan3A_178, %ge3A : i32
        %convert_element_type3A_189 = arith.extui %ge3A_188 : i1 to i32
        %cond3A_190 = arith.constant 0 : i32
        %cond3A_191 = arith.cmpi ne, %convert_element_type3A_189, %cond3A_190 : i32
        scf.if %cond3A_191 {
          %dma_wait3A_206 = arith.constant 0 : i32
          %dma_wait3A_207 = tpu.memref_slice %arg3[%dma_wait3A_206] : memref<37748736xi32, #tpu.memory_space<hbm>> -> memref<4096xi32, #tpu.memory_space<hbm>>
          %dma_wait3A_208 = arith.constant 0 : i32
          %dma_wait3A_209 = tpu.memref_slice %arg3[%dma_wait3A_208] : memref<37748736xi32, #tpu.memory_space<hbm>> -> memref<4096xi32, #tpu.memory_space<hbm>>
          tpu.wait_dma2 semaphore(%arg12 : memref<!tpu.dma_semaphore, #tpu.memory_space<semaphore_mem>>) src(%arg8 : memref<4096xi32, #tpu.memory_space<vmem>>) dst(%dma_wait3A_209 : memref<4096xi32, #tpu.memory_space<hbm>>)
        } else {
        }
        %scan3A_192 = arith.constant 0 : i32
        %scan3A_193 = arith.constant 256 : i32
        %scan3A_194 = arith.addi %scan3A_192, %scan3A_193 : i32
        %scan3A_195 = arith.constant 8 : i32
        scf.for %scan3A_206 = %scan3A_192 to %scan3A_194 step %scan3A_195  : i32 {
          %mul3A_207 = arith.constant 16 : i32
          %mul3A_208 = arith.muli %scan3A_206, %mul3A_207 : i32
          %add3A_209 = arith.constant 8 : i32
          %add3A_210 = arith.addi %add3A_209, %mul3A_208 : i32
          %get3A = arith.index_cast %add3A_210 : i32 to index
          %get3A_211 = tpu.vector_load %arg6[%get3A] {strides = array<i32>} : memref<4112xi32, #tpu.memory_space<vmem>>, vector<16xi32>,
          %shift_right_arithmetic3A = vector.broadcast %scan3A_178 : i32 to vector<16xi32>
          %shift_right_arithmetic3A_212 = arith.shrsi %get3A_211, %shift_right_arithmetic3A : vector<16xi32>
          %and3A_213 = arith.constant 1 : i32
          %and3A_214 = vector.broadcast %and3A_213 : i32 to vector<16xi32>
          %and3A_215 = arith.andi %shift_right_arithmetic3A_212, %and3A_214 : vector<16xi32>
          %mul3A_216 = arith.constant 16 : i32
          %mul3A_217 = arith.muli %scan3A_206, %mul3A_216 : i32
          %swap3A_218 = arith.index_cast %mul3A_217 : i32 to index
          %swap3A_219 = tpu.vector_load %arg8[%swap3A_218] {strides = array<i32>} : memref<4096xi32, #tpu.memory_space<vmem>>, vector<16xi32>,
          tpu.vector_store %arg8[%swap3A_218], %and3A_215 {strides = array<i32>} : memref<4096xi32, #tpu.memory_space<vmem>>, vector<16xi32>,
          %scan3A_220 = arith.constant 1 : i32
          %scan3A_221 = arith.addi %scan3A_206, %scan3A_220 : i32
          %mul3A_222 = arith.constant 16 : i32
          %mul3A_223 = arith.muli %scan3A_221, %mul3A_222 : i32
          %add3A_224 = arith.constant 8 : i32
          %add3A_225 = arith.addi %add3A_224, %mul3A_223 : i32
          %get3A_226 = arith.index_cast %add3A_225 : i32 to index
          %get3A_227 = tpu.vector_load %arg6[%get3A_226] {strides = array<i32>} : memref<4112xi32, #tpu.memory_space<vmem>>, vector<16xi32>,
          %shift_right_arithmetic3A_228 = vector.broadcast %scan3A_178 : i32 to vector<16xi32>
          %shift_right_arithmetic3A_229 = arith.shrsi %get3A_227, %shift_right_arithmetic3A_228 : vector<16xi32>
          %and3A_230 = arith.constant 1 : i32
          %and3A_231 = vector.broadcast %and3A_230 : i32 to vector<16xi32>
          %and3A_232 = arith.andi %shift_right_arithmetic3A_229, %and3A_231 : vector<16xi32>
          %mul3A_233 = arith.constant 16 : i32
          %mul3A_234 = arith.muli %scan3A_221, %mul3A_233 : i32
          %swap3A_235 = arith.index_cast %mul3A_234 : i32 to index
          %swap3A_236 = tpu.vector_load %arg8[%swap3A_235] {strides = array<i32>} : memref<4096xi32, #tpu.memory_space<vmem>>, vector<16xi32>,
          tpu.vector_store %arg8[%swap3A_235], %and3A_232 {strides = array<i32>} : memref<4096xi32, #tpu.memory_space<vmem>>, vector<16xi32>,
          %scan3A_237 = arith.constant 2 : i32
          %scan3A_238 = arith.addi %scan3A_206, %scan3A_237 : i32
          %mul3A_239 = arith.constant 16 : i32
          %mul3A_240 = arith.muli %scan3A_238, %mul3A_239 : i32
          %add3A_241 = arith.constant 8 : i32
          %add3A_242 = arith.addi %add3A_241, %mul3A_240 : i32
          %get3A_243 = arith.index_cast %add3A_242 : i32 to index
          %get3A_244 = tpu.vector_load %arg6[%get3A_243] {strides = array<i32>} : memref<4112xi32, #tpu.memory_space<vmem>>, vector<16xi32>,
          %shift_right_arithmetic3A_245 = vector.broadcast %scan3A_178 : i32 to vector<16xi32>
          %shift_right_arithmetic3A_246 = arith.shrsi %get3A_244, %shift_right_arithmetic3A_245 : vector<16xi32>
          %and3A_247 = arith.constant 1 : i32
          %and3A_248 = vector.broadcast %and3A_247 : i32 to vector<16xi32>
          %and3A_249 = arith.andi %shift_right_arithmetic3A_246, %and3A_248 : vector<16xi32>
          %mul3A_250 = arith.constant 16 : i32
          %mul3A_251 = arith.muli %scan3A_238, %mul3A_250 : i32
          %swap3A_252 = arith.index_cast %mul3A_251 : i32 to index
          %swap3A_253 = tpu.vector_load %arg8[%swap3A_252] {strides = array<i32>} : memref<4096xi32, #tpu.memory_space<vmem>>, vector<16xi32>,
          tpu.vector_store %arg8[%swap3A_252], %and3A_249 {strides = array<i32>} : memref<4096xi32, #tpu.memory_space<vmem>>, vector<16xi32>,
          %scan3A_254 = arith.constant 3 : i32
          %scan3A_255 = arith.addi %scan3A_206, %scan3A_254 : i32
          %mul3A_256 = arith.constant 16 : i32
          %mul3A_257 = arith.muli %scan3A_255, %mul3A_256 : i32
          %add3A_258 = arith.constant 8 : i32
          %add3A_259 = arith.addi %add3A_258, %mul3A_257 : i32
          %get3A_260 = arith.index_cast %add3A_259 : i32 to index
          %get3A_261 = tpu.vector_load %arg6[%get3A_260] {strides = array<i32>} : memref<4112xi32, #tpu.memory_space<vmem>>, vector<16xi32>,
          %shift_right_arithmetic3A_262 = vector.broadcast %scan3A_178 : i32 to vector<16xi32>
          %shift_right_arithmetic3A_263 = arith.shrsi %get3A_261, %shift_right_arithmetic3A_262 : vector<16xi32>
          %and3A_264 = arith.constant 1 : i32
          %and3A_265 = vector.broadcast %and3A_264 : i32 to vector<16xi32>
          %and3A_266 = arith.andi %shift_right_arithmetic3A_263, %and3A_265 : vector<16xi32>
          %mul3A_267 = arith.constant 16 : i32
          %mul3A_268 = arith.muli %scan3A_255, %mul3A_267 : i32
          %swap3A_269 = arith.index_cast %mul3A_268 : i32 to index
          %swap3A_270 = tpu.vector_load %arg8[%swap3A_269] {strides = array<i32>} : memref<4096xi32, #tpu.memory_space<vmem>>, vector<16xi32>,
          tpu.vector_store %arg8[%swap3A_269], %and3A_266 {strides = array<i32>} : memref<4096xi32, #tpu.memory_space<vmem>>, vector<16xi32>,
          %scan3A_271 = arith.constant 4 : i32
          %scan3A_272 = arith.addi %scan3A_206, %scan3A_271 : i32
          %mul3A_273 = arith.constant 16 : i32
          %mul3A_274 = arith.muli %scan3A_272, %mul3A_273 : i32
          %add3A_275 = arith.constant 8 : i32
          %add3A_276 = arith.addi %add3A_275, %mul3A_274 : i32
          %get3A_277 = arith.index_cast %add3A_276 : i32 to index
          %get3A_278 = tpu.vector_load %arg6[%get3A_277] {strides = array<i32>} : memref<4112xi32, #tpu.memory_space<vmem>>, vector<16xi32>,
          %shift_right_arithmetic3A_279 = vector.broadcast %scan3A_178 : i32 to vector<16xi32>
          %shift_right_arithmetic3A_280 = arith.shrsi %get3A_278, %shift_right_arithmetic3A_279 : vector<16xi32>
          %and3A_281 = arith.constant 1 : i32
          %and3A_282 = vector.broadcast %and3A_281 : i32 to vector<16xi32>
          %and3A_283 = arith.andi %shift_right_arithmetic3A_280, %and3A_282 : vector<16xi32>
          %mul3A_284 = arith.constant 16 : i32
          %mul3A_285 = arith.muli %scan3A_272, %mul3A_284 : i32
          %swap3A_286 = arith.index_cast %mul3A_285 : i32 to index
          %swap3A_287 = tpu.vector_load %arg8[%swap3A_286] {strides = array<i32>} : memref<4096xi32, #tpu.memory_space<vmem>>, vector<16xi32>,
          tpu.vector_store %arg8[%swap3A_286], %and3A_283 {strides = array<i32>} : memref<4096xi32, #tpu.memory_space<vmem>>, vector<16xi32>,
          %scan3A_288 = arith.constant 5 : i32
          %scan3A_289 = arith.addi %scan3A_206, %scan3A_288 : i32
          %mul3A_290 = arith.constant 16 : i32
          %mul3A_291 = arith.muli %scan3A_289, %mul3A_290 : i32
          %add3A_292 = arith.constant 8 : i32
          %add3A_293 = arith.addi %add3A_292, %mul3A_291 : i32
          %get3A_294 = arith.index_cast %add3A_293 : i32 to index
          %get3A_295 = tpu.vector_load %arg6[%get3A_294] {strides = array<i32>} : memref<4112xi32, #tpu.memory_space<vmem>>, vector<16xi32>,
          %shift_right_arithmetic3A_296 = vector.broadcast %scan3A_178 : i32 to vector<16xi32>
          %shift_right_arithmetic3A_297 = arith.shrsi %get3A_295, %shift_right_arithmetic3A_296 : vector<16xi32>
          %and3A_298 = arith.constant 1 : i32
          %and3A_299 = vector.broadcast %and3A_298 : i32 to vector<16xi32>
          %and3A_300 = arith.andi %shift_right_arithmetic3A_297, %and3A_299 : vector<16xi32>
          %mul3A_301 = arith.constant 16 : i32
          %mul3A_302 = arith.muli %scan3A_289, %mul3A_301 : i32
          %swap3A_303 = arith.index_cast %mul3A_302 : i32 to index
          %swap3A_304 = tpu.vector_load %arg8[%swap3A_303] {strides = array<i32>} : memref<4096xi32, #tpu.memory_space<vmem>>, vector<16xi32>,
          tpu.vector_store %arg8[%swap3A_303], %and3A_300 {strides = array<i32>} : memref<4096xi32, #tpu.memory_space<vmem>>, vector<16xi32>,
          %scan3A_305 = arith.constant 6 : i32
          %scan3A_306 = arith.addi %scan3A_206, %scan3A_305 : i32
          %mul3A_307 = arith.constant 16 : i32
          %mul3A_308 = arith.muli %scan3A_306, %mul3A_307 : i32
          %add3A_309 = arith.constant 8 : i32
          %add3A_310 = arith.addi %add3A_309, %mul3A_308 : i32
          %get3A_311 = arith.index_cast %add3A_310 : i32 to index
          %get3A_312 = tpu.vector_load %arg6[%get3A_311] {strides = array<i32>} : memref<4112xi32, #tpu.memory_space<vmem>>, vector<16xi32>,
          %shift_right_arithmetic3A_313 = vector.broadcast %scan3A_178 : i32 to vector<16xi32>
          %shift_right_arithmetic3A_314 = arith.shrsi %get3A_312, %shift_right_arithmetic3A_313 : vector<16xi32>
          %and3A_315 = arith.constant 1 : i32
          %and3A_316 = vector.broadcast %and3A_315 : i32 to vector<16xi32>
          %and3A_317 = arith.andi %shift_right_arithmetic3A_314, %and3A_316 : vector<16xi32>
          %mul3A_318 = arith.constant 16 : i32
          %mul3A_319 = arith.muli %scan3A_306, %mul3A_318 : i32
          %swap3A_320 = arith.index_cast %mul3A_319 : i32 to index
          %swap3A_321 = tpu.vector_load %arg8[%swap3A_320] {strides = array<i32>} : memref<4096xi32, #tpu.memory_space<vmem>>, vector<16xi32>,
          tpu.vector_store %arg8[%swap3A_320], %and3A_317 {strides = array<i32>} : memref<4096xi32, #tpu.memory_space<vmem>>, vector<16xi32>,
          %scan3A_322 = arith.constant 7 : i32
          %scan3A_323 = arith.addi %scan3A_206, %scan3A_322 : i32
          %mul3A_324 = arith.constant 16 : i32
          %mul3A_325 = arith.muli %scan3A_323, %mul3A_324 : i32
          %add3A_326 = arith.constant 8 : i32
          %add3A_327 = arith.addi %add3A_326, %mul3A_325 : i32
          %get3A_328 = arith.index_cast %add3A_327 : i32 to index
          %get3A_329 = tpu.vector_load %arg6[%get3A_328] {strides = array<i32>} : memref<4112xi32, #tpu.memory_space<vmem>>, vector<16xi32>,
          %shift_right_arithmetic3A_330 = vector.broadcast %scan3A_178 : i32 to vector<16xi32>
          %shift_right_arithmetic3A_331 = arith.shrsi %get3A_329, %shift_right_arithmetic3A_330 : vector<16xi32>
          %and3A_332 = arith.constant 1 : i32
          %and3A_333 = vector.broadcast %and3A_332 : i32 to vector<16xi32>
          %and3A_334 = arith.andi %shift_right_arithmetic3A_331, %and3A_333 : vector<16xi32>
          %mul3A_335 = arith.constant 16 : i32
          %mul3A_336 = arith.muli %scan3A_323, %mul3A_335 : i32
          %swap3A_337 = arith.index_cast %mul3A_336 : i32 to index
          %swap3A_338 = tpu.vector_load %arg8[%swap3A_337] {strides = array<i32>} : memref<4096xi32, #tpu.memory_space<vmem>>, vector<16xi32>,
          tpu.vector_store %arg8[%swap3A_337], %and3A_334 {strides = array<i32>} : memref<4096xi32, #tpu.memory_space<vmem>>, vector<16xi32>,
        }
        %scan3A_196 = arith.constant 256 : i32
        %add3A_197 = arith.addi %mul3A_2, %scan3A_178 : i32
        %mul3A_198 = arith.constant 9 : i32
        %mul3A_199 = arith.muli %add3A_197, %mul3A_198 : i32
        %add3A_200 = arith.constant 4 : i32
        %add3A_201 = arith.addi %mul3A_199, %add3A_200 : i32
        %mul3A_202 = arith.constant 4096 : i32
        %mul3A_203 = arith.muli %add3A_201, %mul3A_202 : i32
        %dma_start3A_204 = tpu.memref_slice %arg3[%mul3A_203] : memref<37748736xi32, #tpu.memory_space<hbm>> -> memref<4096xi32, #tpu.memory_space<hbm>>
        %dma_start3A_205 = tpu.memref_slice %arg3[%mul3A_203] : memref<37748736xi32, #tpu.memory_space<hbm>> -> memref<4096xi32, #tpu.memory_space<hbm>>
        tpu.enqueue_dma source(%arg8 : memref<4096xi32, #tpu.memory_space<vmem>>) target(%dma_start3A_205 : memref<4096xi32, #tpu.memory_space<hbm>>) target_semaphore(%arg12 : memref<!tpu.dma_semaphore, #tpu.memory_space<semaphore_mem>>)
      } else {
      }
      %and3A_182 = arith.constant 1 : i32
      %and3A_183 = arith.andi %scan3A_178, %and3A_182 : i32
      %ne3A = arith.constant 0 : i32
      %ne3A_184 = arith.cmpi ne, %and3A_183, %ne3A : i32
      %convert_element_type3A_185 = arith.extui %ne3A_184 : i1 to i32
      %cond3A_186 = arith.constant 0 : i32
      %cond3A_187 = arith.cmpi ne, %convert_element_type3A_185, %cond3A_186 : i32
      scf.if %cond3A_187 {
        %ge3A = arith.constant 2 : i32
        %ge3A_188 = arith.cmpi sge, %scan3A_178, %ge3A : i32
        %convert_element_type3A_189 = arith.extui %ge3A_188 : i1 to i32
        %cond3A_190 = arith.constant 0 : i32
        %cond3A_191 = arith.cmpi ne, %convert_element_type3A_189, %cond3A_190 : i32
        scf.if %cond3A_191 {
          %dma_wait3A_206 = arith.constant 0 : i32
          %dma_wait3A_207 = tpu.memref_slice %arg3[%dma_wait3A_206] : memref<37748736xi32, #tpu.memory_space<hbm>> -> memref<4096xi32, #tpu.memory_space<hbm>>
          %dma_wait3A_208 = arith.constant 0 : i32
          %dma_wait3A_209 = tpu.memref_slice %arg3[%dma_wait3A_208] : memref<37748736xi32, #tpu.memory_space<hbm>> -> memref<4096xi32, #tpu.memory_space<hbm>>
          tpu.wait_dma2 semaphore(%arg13 : memref<!tpu.dma_semaphore, #tpu.memory_space<semaphore_mem>>) src(%arg9 : memref<4096xi32, #tpu.memory_space<vmem>>) dst(%dma_wait3A_209 : memref<4096xi32, #tpu.memory_space<hbm>>)
        } else {
        }
        %scan3A_192 = arith.constant 0 : i32
        %scan3A_193 = arith.constant 256 : i32
        %scan3A_194 = arith.addi %scan3A_192, %scan3A_193 : i32
        %scan3A_195 = arith.constant 8 : i32
        scf.for %scan3A_206 = %scan3A_192 to %scan3A_194 step %scan3A_195  : i32 {
          %mul3A_207 = arith.constant 16 : i32
          %mul3A_208 = arith.muli %scan3A_206, %mul3A_207 : i32
          %add3A_209 = arith.constant 8 : i32
          %add3A_210 = arith.addi %add3A_209, %mul3A_208 : i32
          %get3A = arith.index_cast %add3A_210 : i32 to index
          %get3A_211 = tpu.vector_load %arg6[%get3A] {strides = array<i32>} : memref<4112xi32, #tpu.memory_space<vmem>>, vector<16xi32>,
          %shift_right_arithmetic3A = vector.broadcast %scan3A_178 : i32 to vector<16xi32>
          %shift_right_arithmetic3A_212 = arith.shrsi %get3A_211, %shift_right_arithmetic3A : vector<16xi32>
          %and3A_213 = arith.constant 1 : i32
          %and3A_214 = vector.broadcast %and3A_213 : i32 to vector<16xi32>
          %and3A_215 = arith.andi %shift_right_arithmetic3A_212, %and3A_214 : vector<16xi32>
          %mul3A_216 = arith.constant 16 : i32
          %mul3A_217 = arith.muli %scan3A_206, %mul3A_216 : i32
          %swap3A_218 = arith.index_cast %mul3A_217 : i32 to index
          %swap3A_219 = tpu.vector_load %arg9[%swap3A_218] {strides = array<i32>} : memref<4096xi32, #tpu.memory_space<vmem>>, vector<16xi32>,
          tpu.vector_store %arg9[%swap3A_218], %and3A_215 {strides = array<i32>} : memref<4096xi32, #tpu.memory_space<vmem>>, vector<16xi32>,
          %scan3A_220 = arith.constant 1 : i32
          %scan3A_221 = arith.addi %scan3A_206, %scan3A_220 : i32
          %mul3A_222 = arith.constant 16 : i32
          %mul3A_223 = arith.muli %scan3A_221, %mul3A_222 : i32
          %add3A_224 = arith.constant 8 : i32
          %add3A_225 = arith.addi %add3A_224, %mul3A_223 : i32
          %get3A_226 = arith.index_cast %add3A_225 : i32 to index
          %get3A_227 = tpu.vector_load %arg6[%get3A_226] {strides = array<i32>} : memref<4112xi32, #tpu.memory_space<vmem>>, vector<16xi32>,
          %shift_right_arithmetic3A_228 = vector.broadcast %scan3A_178 : i32 to vector<16xi32>
          %shift_right_arithmetic3A_229 = arith.shrsi %get3A_227, %shift_right_arithmetic3A_228 : vector<16xi32>
          %and3A_230 = arith.constant 1 : i32
          %and3A_231 = vector.broadcast %and3A_230 : i32 to vector<16xi32>
          %and3A_232 = arith.andi %shift_right_arithmetic3A_229, %and3A_231 : vector<16xi32>
          %mul3A_233 = arith.constant 16 : i32
          %mul3A_234 = arith.muli %scan3A_221, %mul3A_233 : i32
          %swap3A_235 = arith.index_cast %mul3A_234 : i32 to index
          %swap3A_236 = tpu.vector_load %arg9[%swap3A_235] {strides = array<i32>} : memref<4096xi32, #tpu.memory_space<vmem>>, vector<16xi32>,
          tpu.vector_store %arg9[%swap3A_235], %and3A_232 {strides = array<i32>} : memref<4096xi32, #tpu.memory_space<vmem>>, vector<16xi32>,
          %scan3A_237 = arith.constant 2 : i32
          %scan3A_238 = arith.addi %scan3A_206, %scan3A_237 : i32
          %mul3A_239 = arith.constant 16 : i32
          %mul3A_240 = arith.muli %scan3A_238, %mul3A_239 : i32
          %add3A_241 = arith.constant 8 : i32
          %add3A_242 = arith.addi %add3A_241, %mul3A_240 : i32
          %get3A_243 = arith.index_cast %add3A_242 : i32 to index
          %get3A_244 = tpu.vector_load %arg6[%get3A_243] {strides = array<i32>} : memref<4112xi32, #tpu.memory_space<vmem>>, vector<16xi32>,
          %shift_right_arithmetic3A_245 = vector.broadcast %scan3A_178 : i32 to vector<16xi32>
          %shift_right_arithmetic3A_246 = arith.shrsi %get3A_244, %shift_right_arithmetic3A_245 : vector<16xi32>
          %and3A_247 = arith.constant 1 : i32
          %and3A_248 = vector.broadcast %and3A_247 : i32 to vector<16xi32>
          %and3A_249 = arith.andi %shift_right_arithmetic3A_246, %and3A_248 : vector<16xi32>
          %mul3A_250 = arith.constant 16 : i32
          %mul3A_251 = arith.muli %scan3A_238, %mul3A_250 : i32
          %swap3A_252 = arith.index_cast %mul3A_251 : i32 to index
          %swap3A_253 = tpu.vector_load %arg9[%swap3A_252] {strides = array<i32>} : memref<4096xi32, #tpu.memory_space<vmem>>, vector<16xi32>,
          tpu.vector_store %arg9[%swap3A_252], %and3A_249 {strides = array<i32>} : memref<4096xi32, #tpu.memory_space<vmem>>, vector<16xi32>,
          %scan3A_254 = arith.constant 3 : i32
          %scan3A_255 = arith.addi %scan3A_206, %scan3A_254 : i32
          %mul3A_256 = arith.constant 16 : i32
          %mul3A_257 = arith.muli %scan3A_255, %mul3A_256 : i32
          %add3A_258 = arith.constant 8 : i32
          %add3A_259 = arith.addi %add3A_258, %mul3A_257 : i32
          %get3A_260 = arith.index_cast %add3A_259 : i32 to index
          %get3A_261 = tpu.vector_load %arg6[%get3A_260] {strides = array<i32>} : memref<4112xi32, #tpu.memory_space<vmem>>, vector<16xi32>,
          %shift_right_arithmetic3A_262 = vector.broadcast %scan3A_178 : i32 to vector<16xi32>
          %shift_right_arithmetic3A_263 = arith.shrsi %get3A_261, %shift_right_arithmetic3A_262 : vector<16xi32>
          %and3A_264 = arith.constant 1 : i32
          %and3A_265 = vector.broadcast %and3A_264 : i32 to vector<16xi32>
          %and3A_266 = arith.andi %shift_right_arithmetic3A_263, %and3A_265 : vector<16xi32>
          %mul3A_267 = arith.constant 16 : i32
          %mul3A_268 = arith.muli %scan3A_255, %mul3A_267 : i32
          %swap3A_269 = arith.index_cast %mul3A_268 : i32 to index
          %swap3A_270 = tpu.vector_load %arg9[%swap3A_269] {strides = array<i32>} : memref<4096xi32, #tpu.memory_space<vmem>>, vector<16xi32>,
          tpu.vector_store %arg9[%swap3A_269], %and3A_266 {strides = array<i32>} : memref<4096xi32, #tpu.memory_space<vmem>>, vector<16xi32>,
          %scan3A_271 = arith.constant 4 : i32
          %scan3A_272 = arith.addi %scan3A_206, %scan3A_271 : i32
          %mul3A_273 = arith.constant 16 : i32
          %mul3A_274 = arith.muli %scan3A_272, %mul3A_273 : i32
          %add3A_275 = arith.constant 8 : i32
          %add3A_276 = arith.addi %add3A_275, %mul3A_274 : i32
          %get3A_277 = arith.index_cast %add3A_276 : i32 to index
          %get3A_278 = tpu.vector_load %arg6[%get3A_277] {strides = array<i32>} : memref<4112xi32, #tpu.memory_space<vmem>>, vector<16xi32>,
          %shift_right_arithmetic3A_279 = vector.broadcast %scan3A_178 : i32 to vector<16xi32>
          %shift_right_arithmetic3A_280 = arith.shrsi %get3A_278, %shift_right_arithmetic3A_279 : vector<16xi32>
          %and3A_281 = arith.constant 1 : i32
          %and3A_282 = vector.broadcast %and3A_281 : i32 to vector<16xi32>
          %and3A_283 = arith.andi %shift_right_arithmetic3A_280, %and3A_282 : vector<16xi32>
          %mul3A_284 = arith.constant 16 : i32
          %mul3A_285 = arith.muli %scan3A_272, %mul3A_284 : i32
          %swap3A_286 = arith.index_cast %mul3A_285 : i32 to index
          %swap3A_287 = tpu.vector_load %arg9[%swap3A_286] {strides = array<i32>} : memref<4096xi32, #tpu.memory_space<vmem>>, vector<16xi32>,
          tpu.vector_store %arg9[%swap3A_286], %and3A_283 {strides = array<i32>} : memref<4096xi32, #tpu.memory_space<vmem>>, vector<16xi32>,
          %scan3A_288 = arith.constant 5 : i32
          %scan3A_289 = arith.addi %scan3A_206, %scan3A_288 : i32
          %mul3A_290 = arith.constant 16 : i32
          %mul3A_291 = arith.muli %scan3A_289, %mul3A_290 : i32
          %add3A_292 = arith.constant 8 : i32
          %add3A_293 = arith.addi %add3A_292, %mul3A_291 : i32
          %get3A_294 = arith.index_cast %add3A_293 : i32 to index
          %get3A_295 = tpu.vector_load %arg6[%get3A_294] {strides = array<i32>} : memref<4112xi32, #tpu.memory_space<vmem>>, vector<16xi32>,
          %shift_right_arithmetic3A_296 = vector.broadcast %scan3A_178 : i32 to vector<16xi32>
          %shift_right_arithmetic3A_297 = arith.shrsi %get3A_295, %shift_right_arithmetic3A_296 : vector<16xi32>
          %and3A_298 = arith.constant 1 : i32
          %and3A_299 = vector.broadcast %and3A_298 : i32 to vector<16xi32>
          %and3A_300 = arith.andi %shift_right_arithmetic3A_297, %and3A_299 : vector<16xi32>
          %mul3A_301 = arith.constant 16 : i32
          %mul3A_302 = arith.muli %scan3A_289, %mul3A_301 : i32
          %swap3A_303 = arith.index_cast %mul3A_302 : i32 to index
          %swap3A_304 = tpu.vector_load %arg9[%swap3A_303] {strides = array<i32>} : memref<4096xi32, #tpu.memory_space<vmem>>, vector<16xi32>,
          tpu.vector_store %arg9[%swap3A_303], %and3A_300 {strides = array<i32>} : memref<4096xi32, #tpu.memory_space<vmem>>, vector<16xi32>,
          %scan3A_305 = arith.constant 6 : i32
          %scan3A_306 = arith.addi %scan3A_206, %scan3A_305 : i32
          %mul3A_307 = arith.constant 16 : i32
          %mul3A_308 = arith.muli %scan3A_306, %mul3A_307 : i32
          %add3A_309 = arith.constant 8 : i32
          %add3A_310 = arith.addi %add3A_309, %mul3A_308 : i32
          %get3A_311 = arith.index_cast %add3A_310 : i32 to index
          %get3A_312 = tpu.vector_load %arg6[%get3A_311] {strides = array<i32>} : memref<4112xi32, #tpu.memory_space<vmem>>, vector<16xi32>,
          %shift_right_arithmetic3A_313 = vector.broadcast %scan3A_178 : i32 to vector<16xi32>
          %shift_right_arithmetic3A_314 = arith.shrsi %get3A_312, %shift_right_arithmetic3A_313 : vector<16xi32>
          %and3A_315 = arith.constant 1 : i32
          %and3A_316 = vector.broadcast %and3A_315 : i32 to vector<16xi32>
          %and3A_317 = arith.andi %shift_right_arithmetic3A_314, %and3A_316 : vector<16xi32>
          %mul3A_318 = arith.constant 16 : i32
          %mul3A_319 = arith.muli %scan3A_306, %mul3A_318 : i32
          %swap3A_320 = arith.index_cast %mul3A_319 : i32 to index
          %swap3A_321 = tpu.vector_load %arg9[%swap3A_320] {strides = array<i32>} : memref<4096xi32, #tpu.memory_space<vmem>>, vector<16xi32>,
          tpu.vector_store %arg9[%swap3A_320], %and3A_317 {strides = array<i32>} : memref<4096xi32, #tpu.memory_space<vmem>>, vector<16xi32>,
          %scan3A_322 = arith.constant 7 : i32
          %scan3A_323 = arith.addi %scan3A_206, %scan3A_322 : i32
          %mul3A_324 = arith.constant 16 : i32
          %mul3A_325 = arith.muli %scan3A_323, %mul3A_324 : i32
          %add3A_326 = arith.constant 8 : i32
          %add3A_327 = arith.addi %add3A_326, %mul3A_325 : i32
          %get3A_328 = arith.index_cast %add3A_327 : i32 to index
          %get3A_329 = tpu.vector_load %arg6[%get3A_328] {strides = array<i32>} : memref<4112xi32, #tpu.memory_space<vmem>>, vector<16xi32>,
          %shift_right_arithmetic3A_330 = vector.broadcast %scan3A_178 : i32 to vector<16xi32>
          %shift_right_arithmetic3A_331 = arith.shrsi %get3A_329, %shift_right_arithmetic3A_330 : vector<16xi32>
          %and3A_332 = arith.constant 1 : i32
          %and3A_333 = vector.broadcast %and3A_332 : i32 to vector<16xi32>
          %and3A_334 = arith.andi %shift_right_arithmetic3A_331, %and3A_333 : vector<16xi32>
          %mul3A_335 = arith.constant 16 : i32
          %mul3A_336 = arith.muli %scan3A_323, %mul3A_335 : i32
          %swap3A_337 = arith.index_cast %mul3A_336 : i32 to index
          %swap3A_338 = tpu.vector_load %arg9[%swap3A_337] {strides = array<i32>} : memref<4096xi32, #tpu.memory_space<vmem>>, vector<16xi32>,
          tpu.vector_store %arg9[%swap3A_337], %and3A_334 {strides = array<i32>} : memref<4096xi32, #tpu.memory_space<vmem>>, vector<16xi32>,
        }
        %scan3A_196 = arith.constant 256 : i32
        %add3A_197 = arith.addi %mul3A_2, %scan3A_178 : i32
        %mul3A_198 = arith.constant 9 : i32
        %mul3A_199 = arith.muli %add3A_197, %mul3A_198 : i32
        %add3A_200 = arith.constant 4 : i32
        %add3A_201 = arith.addi %mul3A_199, %add3A_200 : i32
        %mul3A_202 = arith.constant 4096 : i32
        %mul3A_203 = arith.muli %add3A_201, %mul3A_202 : i32
        %dma_start3A_204 = tpu.memref_slice %arg3[%mul3A_203] : memref<37748736xi32, #tpu.memory_space<hbm>> -> memref<4096xi32, #tpu.memory_space<hbm>>
        %dma_start3A_205 = tpu.memref_slice %arg3[%mul3A_203] : memref<37748736xi32, #tpu.memory_space<hbm>> -> memref<4096xi32, #tpu.memory_space<hbm>>
        tpu.enqueue_dma source(%arg9 : memref<4096xi32, #tpu.memory_space<vmem>>) target(%dma_start3A_205 : memref<4096xi32, #tpu.memory_space<hbm>>) target_semaphore(%arg13 : memref<!tpu.dma_semaphore, #tpu.memory_space<semaphore_mem>>)
      } else {
      }
    }
    %scan3A_97 = arith.constant 32 : i32
    %dma_wait3A_98 = arith.constant 0 : i32
    %dma_wait3A_99 = tpu.memref_slice %arg3[%dma_wait3A_98] : memref<37748736xi32, #tpu.memory_space<hbm>> -> memref<4096xi32, #tpu.memory_space<hbm>>
    %dma_wait3A_100 = arith.constant 0 : i32
    %dma_wait3A_101 = tpu.memref_slice %arg3[%dma_wait3A_100] : memref<37748736xi32, #tpu.memory_space<hbm>> -> memref<4096xi32, #tpu.memory_space<hbm>>
    tpu.wait_dma2 semaphore(%arg12 : memref<!tpu.dma_semaphore, #tpu.memory_space<semaphore_mem>>) src(%arg8 : memref<4096xi32, #tpu.memory_space<vmem>>) dst(%dma_wait3A_101 : memref<4096xi32, #tpu.memory_space<hbm>>)
    %dma_wait3A_102 = arith.constant 0 : i32
    %dma_wait3A_103 = tpu.memref_slice %arg3[%dma_wait3A_102] : memref<37748736xi32, #tpu.memory_space<hbm>> -> memref<4096xi32, #tpu.memory_space<hbm>>
    %dma_wait3A_104 = arith.constant 0 : i32
    %dma_wait3A_105 = tpu.memref_slice %arg3[%dma_wait3A_104] : memref<37748736xi32, #tpu.memory_space<hbm>> -> memref<4096xi32, #tpu.memory_space<hbm>>
    tpu.wait_dma2 semaphore(%arg13 : memref<!tpu.dma_semaphore, #tpu.memory_space<semaphore_mem>>) src(%arg9 : memref<4096xi32, #tpu.memory_space<vmem>>) dst(%dma_wait3A_105 : memref<4096xi32, #tpu.memory_space<hbm>>)
    %scan3A_106 = arith.constant 0 : i32
    %scan3A_107 = arith.constant 256 : i32
    %scan3A_108 = arith.addi %scan3A_106, %scan3A_107 : i32
    %scan3A_109 = arith.constant 4 : i32
    scf.for %scan3A_178 = %scan3A_106 to %scan3A_108 step %scan3A_109  : i32 {
      %mul3A_179 = arith.constant 16 : i32
      %mul3A_180 = arith.muli %scan3A_178, %mul3A_179 : i32
      %add3A_181 = arith.constant 8 : i32
      %add3A_182 = arith.addi %add3A_181, %mul3A_180 : i32
      %get3A = arith.index_cast %add3A_182 : i32 to index
      %get3A_183 = tpu.vector_load %arg6[%get3A] {strides = array<i32>} : memref<4112xi32, #tpu.memory_space<vmem>>, vector<16xi32>,
      %sub3A = arith.constant 1 : i32
      %sub3A_184 = arith.subi %add3A_182, %sub3A : i32
      %get3A_185 = arith.index_cast %sub3A_184 : i32 to index
      %get3A_186 = tpu.vector_load %arg6[%get3A_185] {strides = array<i32>} : memref<4112xi32, #tpu.memory_space<vmem>>, vector<16xi32>,
      %add3A_187 = arith.constant 1 : i32
      %add3A_188 = arith.addi %add3A_182, %add3A_187 : i32
      %get3A_189 = arith.index_cast %add3A_188 : i32 to index
      %get3A_190 = tpu.vector_load %arg6[%get3A_189] {strides = array<i32>} : memref<4112xi32, #tpu.memory_space<vmem>>, vector<16xi32>,
      %or3A = arith.ori %get3A_186, %get3A_183 : vector<16xi32>
      %and3A = arith.andi %get3A_186, %get3A_183 : vector<16xi32>
      %and3A_191 = arith.andi %and3A, %get3A_190 : vector<16xi32>
      %not3A = arith.constant dense<-1> : vector<16xi32>
      %not3A_192 = arith.xori %and3A_191, %not3A : vector<16xi32>
      %and3A_193 = arith.andi %or3A, %not3A_192 : vector<16xi32>
      %swap3A_194 = arith.index_cast %add3A_182 : i32 to index
      %swap3A_195 = tpu.vector_load %arg7[%swap3A_194] {strides = array<i32>} : memref<4112xi32, #tpu.memory_space<vmem>>, vector<16xi32>,
      tpu.vector_store %arg7[%swap3A_194], %and3A_193 {strides = array<i32>} : memref<4112xi32, #tpu.memory_space<vmem>>, vector<16xi32>,
      %scan3A_196 = arith.constant 1 : i32
      %scan3A_197 = arith.addi %scan3A_178, %scan3A_196 : i32
      %mul3A_198 = arith.constant 16 : i32
      %mul3A_199 = arith.muli %scan3A_197, %mul3A_198 : i32
      %add3A_200 = arith.constant 8 : i32
      %add3A_201 = arith.addi %add3A_200, %mul3A_199 : i32
      %get3A_202 = arith.index_cast %add3A_201 : i32 to index
      %get3A_203 = tpu.vector_load %arg6[%get3A_202] {strides = array<i32>} : memref<4112xi32, #tpu.memory_space<vmem>>, vector<16xi32>,
      %sub3A_204 = arith.constant 1 : i32
      %sub3A_205 = arith.subi %add3A_201, %sub3A_204 : i32
      %get3A_206 = arith.index_cast %sub3A_205 : i32 to index
      %get3A_207 = tpu.vector_load %arg6[%get3A_206] {strides = array<i32>} : memref<4112xi32, #tpu.memory_space<vmem>>, vector<16xi32>,
      %add3A_208 = arith.constant 1 : i32
      %add3A_209 = arith.addi %add3A_201, %add3A_208 : i32
      %get3A_210 = arith.index_cast %add3A_209 : i32 to index
      %get3A_211 = tpu.vector_load %arg6[%get3A_210] {strides = array<i32>} : memref<4112xi32, #tpu.memory_space<vmem>>, vector<16xi32>,
      %or3A_212 = arith.ori %get3A_207, %get3A_203 : vector<16xi32>
      %and3A_213 = arith.andi %get3A_207, %get3A_203 : vector<16xi32>
      %and3A_214 = arith.andi %and3A_213, %get3A_211 : vector<16xi32>
      %not3A_215 = arith.constant dense<-1> : vector<16xi32>
      %not3A_216 = arith.xori %and3A_214, %not3A_215 : vector<16xi32>
      %and3A_217 = arith.andi %or3A_212, %not3A_216 : vector<16xi32>
      %swap3A_218 = arith.index_cast %add3A_201 : i32 to index
      %swap3A_219 = tpu.vector_load %arg7[%swap3A_218] {strides = array<i32>} : memref<4112xi32, #tpu.memory_space<vmem>>, vector<16xi32>,
      tpu.vector_store %arg7[%swap3A_218], %and3A_217 {strides = array<i32>} : memref<4112xi32, #tpu.memory_space<vmem>>, vector<16xi32>,
      %scan3A_220 = arith.constant 2 : i32
      %scan3A_221 = arith.addi %scan3A_178, %scan3A_220 : i32
      %mul3A_222 = arith.constant 16 : i32
      %mul3A_223 = arith.muli %scan3A_221, %mul3A_222 : i32
      %add3A_224 = arith.constant 8 : i32
      %add3A_225 = arith.addi %add3A_224, %mul3A_223 : i32
      %get3A_226 = arith.index_cast %add3A_225 : i32 to index
      %get3A_227 = tpu.vector_load %arg6[%get3A_226] {strides = array<i32>} : memref<4112xi32, #tpu.memory_space<vmem>>, vector<16xi32>,
      %sub3A_228 = arith.constant 1 : i32
      %sub3A_229 = arith.subi %add3A_225, %sub3A_228 : i32
      %get3A_230 = arith.index_cast %sub3A_229 : i32 to index
      %get3A_231 = tpu.vector_load %arg6[%get3A_230] {strides = array<i32>} : memref<4112xi32, #tpu.memory_space<vmem>>, vector<16xi32>,
      %add3A_232 = arith.constant 1 : i32
      %add3A_233 = arith.addi %add3A_225, %add3A_232 : i32
      %get3A_234 = arith.index_cast %add3A_233 : i32 to index
      %get3A_235 = tpu.vector_load %arg6[%get3A_234] {strides = array<i32>} : memref<4112xi32, #tpu.memory_space<vmem>>, vector<16xi32>,
      %or3A_236 = arith.ori %get3A_231, %get3A_227 : vector<16xi32>
      %and3A_237 = arith.andi %get3A_231, %get3A_227 : vector<16xi32>
      %and3A_238 = arith.andi %and3A_237, %get3A_235 : vector<16xi32>
      %not3A_239 = arith.constant dense<-1> : vector<16xi32>
      %not3A_240 = arith.xori %and3A_238, %not3A_239 : vector<16xi32>
      %and3A_241 = arith.andi %or3A_236, %not3A_240 : vector<16xi32>
      %swap3A_242 = arith.index_cast %add3A_225 : i32 to index
      %swap3A_243 = tpu.vector_load %arg7[%swap3A_242] {strides = array<i32>} : memref<4112xi32, #tpu.memory_space<vmem>>, vector<16xi32>,
      tpu.vector_store %arg7[%swap3A_242], %and3A_241 {strides = array<i32>} : memref<4112xi32, #tpu.memory_space<vmem>>, vector<16xi32>,
      %scan3A_244 = arith.constant 3 : i32
      %scan3A_245 = arith.addi %scan3A_178, %scan3A_244 : i32
      %mul3A_246 = arith.constant 16 : i32
      %mul3A_247 = arith.muli %scan3A_245, %mul3A_246 : i32
      %add3A_248 = arith.constant 8 : i32
      %add3A_249 = arith.addi %add3A_248, %mul3A_247 : i32
      %get3A_250 = arith.index_cast %add3A_249 : i32 to index
      %get3A_251 = tpu.vector_load %arg6[%get3A_250] {strides = array<i32>} : memref<4112xi32, #tpu.memory_space<vmem>>, vector<16xi32>,
      %sub3A_252 = arith.constant 1 : i32
      %sub3A_253 = arith.subi %add3A_249, %sub3A_252 : i32
      %get3A_254 = arith.index_cast %sub3A_253 : i32 to index
      %get3A_255 = tpu.vector_load %arg6[%get3A_254] {strides = array<i32>} : memref<4112xi32, #tpu.memory_space<vmem>>, vector<16xi32>,
      %add3A_256 = arith.constant 1 : i32
      %add3A_257 = arith.addi %add3A_249, %add3A_256 : i32
      %get3A_258 = arith.index_cast %add3A_257 : i32 to index
      %get3A_259 = tpu.vector_load %arg6[%get3A_258] {strides = array<i32>} : memref<4112xi32, #tpu.memory_space<vmem>>, vector<16xi32>,
      %or3A_260 = arith.ori %get3A_255, %get3A_251 : vector<16xi32>
      %and3A_261 = arith.andi %get3A_255, %get3A_251 : vector<16xi32>
      %and3A_262 = arith.andi %and3A_261, %get3A_259 : vector<16xi32>
      %not3A_263 = arith.constant dense<-1> : vector<16xi32>
      %not3A_264 = arith.xori %and3A_262, %not3A_263 : vector<16xi32>
      %and3A_265 = arith.andi %or3A_260, %not3A_264 : vector<16xi32>
      %swap3A_266 = arith.index_cast %add3A_249 : i32 to index
      %swap3A_267 = tpu.vector_load %arg7[%swap3A_266] {strides = array<i32>} : memref<4112xi32, #tpu.memory_space<vmem>>, vector<16xi32>,
      tpu.vector_store %arg7[%swap3A_266], %and3A_265 {strides = array<i32>} : memref<4112xi32, #tpu.memory_space<vmem>>, vector<16xi32>,
    }
    %scan3A_110 = arith.constant 256 : i32
    %scan3A_111 = arith.constant 0 : i32
    %scan3A_112 = arith.constant 32 : i32
    %scan3A_113 = arith.addi %scan3A_111, %scan3A_112 : i32
    %scan3A_114 = arith.constant 1 : i32
    scf.for %scan3A_178 = %scan3A_111 to %scan3A_113 step %scan3A_114  : i32 {
      %and3A = arith.constant 1 : i32
      %and3A_179 = arith.andi %scan3A_178, %and3A : i32
      %eq3A = arith.constant 0 : i32
      %eq3A_180 = arith.cmpi eq, %and3A_179, %eq3A : i32
      %convert_element_type3A = arith.extui %eq3A_180 : i1 to i32
      %cond3A = arith.constant 0 : i32
      %cond3A_181 = arith.cmpi ne, %convert_element_type3A, %cond3A : i32
      scf.if %cond3A_181 {
        %ge3A = arith.constant 2 : i32
        %ge3A_188 = arith.cmpi sge, %scan3A_178, %ge3A : i32
        %convert_element_type3A_189 = arith.extui %ge3A_188 : i1 to i32
        %cond3A_190 = arith.constant 0 : i32
        %cond3A_191 = arith.cmpi ne, %convert_element_type3A_189, %cond3A_190 : i32
        scf.if %cond3A_191 {
          %dma_wait3A_206 = arith.constant 0 : i32
          %dma_wait3A_207 = tpu.memref_slice %arg3[%dma_wait3A_206] : memref<37748736xi32, #tpu.memory_space<hbm>> -> memref<4096xi32, #tpu.memory_space<hbm>>
          %dma_wait3A_208 = arith.constant 0 : i32
          %dma_wait3A_209 = tpu.memref_slice %arg3[%dma_wait3A_208] : memref<37748736xi32, #tpu.memory_space<hbm>> -> memref<4096xi32, #tpu.memory_space<hbm>>
          tpu.wait_dma2 semaphore(%arg12 : memref<!tpu.dma_semaphore, #tpu.memory_space<semaphore_mem>>) src(%arg8 : memref<4096xi32, #tpu.memory_space<vmem>>) dst(%dma_wait3A_209 : memref<4096xi32, #tpu.memory_space<hbm>>)
        } else {
        }
        %scan3A_192 = arith.constant 0 : i32
        %scan3A_193 = arith.constant 256 : i32
        %scan3A_194 = arith.addi %scan3A_192, %scan3A_193 : i32
        %scan3A_195 = arith.constant 8 : i32
        scf.for %scan3A_206 = %scan3A_192 to %scan3A_194 step %scan3A_195  : i32 {
          %mul3A_207 = arith.constant 16 : i32
          %mul3A_208 = arith.muli %scan3A_206, %mul3A_207 : i32
          %add3A_209 = arith.constant 8 : i32
          %add3A_210 = arith.addi %add3A_209, %mul3A_208 : i32
          %get3A = arith.index_cast %add3A_210 : i32 to index
          %get3A_211 = tpu.vector_load %arg7[%get3A] {strides = array<i32>} : memref<4112xi32, #tpu.memory_space<vmem>>, vector<16xi32>,
          %shift_right_arithmetic3A = vector.broadcast %scan3A_178 : i32 to vector<16xi32>
          %shift_right_arithmetic3A_212 = arith.shrsi %get3A_211, %shift_right_arithmetic3A : vector<16xi32>
          %and3A_213 = arith.constant 1 : i32
          %and3A_214 = vector.broadcast %and3A_213 : i32 to vector<16xi32>
          %and3A_215 = arith.andi %shift_right_arithmetic3A_212, %and3A_214 : vector<16xi32>
          %mul3A_216 = arith.constant 16 : i32
          %mul3A_217 = arith.muli %scan3A_206, %mul3A_216 : i32
          %swap3A_218 = arith.index_cast %mul3A_217 : i32 to index
          %swap3A_219 = tpu.vector_load %arg8[%swap3A_218] {strides = array<i32>} : memref<4096xi32, #tpu.memory_space<vmem>>, vector<16xi32>,
          tpu.vector_store %arg8[%swap3A_218], %and3A_215 {strides = array<i32>} : memref<4096xi32, #tpu.memory_space<vmem>>, vector<16xi32>,
          %scan3A_220 = arith.constant 1 : i32
          %scan3A_221 = arith.addi %scan3A_206, %scan3A_220 : i32
          %mul3A_222 = arith.constant 16 : i32
          %mul3A_223 = arith.muli %scan3A_221, %mul3A_222 : i32
          %add3A_224 = arith.constant 8 : i32
          %add3A_225 = arith.addi %add3A_224, %mul3A_223 : i32
          %get3A_226 = arith.index_cast %add3A_225 : i32 to index
          %get3A_227 = tpu.vector_load %arg7[%get3A_226] {strides = array<i32>} : memref<4112xi32, #tpu.memory_space<vmem>>, vector<16xi32>,
          %shift_right_arithmetic3A_228 = vector.broadcast %scan3A_178 : i32 to vector<16xi32>
          %shift_right_arithmetic3A_229 = arith.shrsi %get3A_227, %shift_right_arithmetic3A_228 : vector<16xi32>
          %and3A_230 = arith.constant 1 : i32
          %and3A_231 = vector.broadcast %and3A_230 : i32 to vector<16xi32>
          %and3A_232 = arith.andi %shift_right_arithmetic3A_229, %and3A_231 : vector<16xi32>
          %mul3A_233 = arith.constant 16 : i32
          %mul3A_234 = arith.muli %scan3A_221, %mul3A_233 : i32
          %swap3A_235 = arith.index_cast %mul3A_234 : i32 to index
          %swap3A_236 = tpu.vector_load %arg8[%swap3A_235] {strides = array<i32>} : memref<4096xi32, #tpu.memory_space<vmem>>, vector<16xi32>,
          tpu.vector_store %arg8[%swap3A_235], %and3A_232 {strides = array<i32>} : memref<4096xi32, #tpu.memory_space<vmem>>, vector<16xi32>,
          %scan3A_237 = arith.constant 2 : i32
          %scan3A_238 = arith.addi %scan3A_206, %scan3A_237 : i32
          %mul3A_239 = arith.constant 16 : i32
          %mul3A_240 = arith.muli %scan3A_238, %mul3A_239 : i32
          %add3A_241 = arith.constant 8 : i32
          %add3A_242 = arith.addi %add3A_241, %mul3A_240 : i32
          %get3A_243 = arith.index_cast %add3A_242 : i32 to index
          %get3A_244 = tpu.vector_load %arg7[%get3A_243] {strides = array<i32>} : memref<4112xi32, #tpu.memory_space<vmem>>, vector<16xi32>,
          %shift_right_arithmetic3A_245 = vector.broadcast %scan3A_178 : i32 to vector<16xi32>
          %shift_right_arithmetic3A_246 = arith.shrsi %get3A_244, %shift_right_arithmetic3A_245 : vector<16xi32>
          %and3A_247 = arith.constant 1 : i32
          %and3A_248 = vector.broadcast %and3A_247 : i32 to vector<16xi32>
          %and3A_249 = arith.andi %shift_right_arithmetic3A_246, %and3A_248 : vector<16xi32>
          %mul3A_250 = arith.constant 16 : i32
          %mul3A_251 = arith.muli %scan3A_238, %mul3A_250 : i32
          %swap3A_252 = arith.index_cast %mul3A_251 : i32 to index
          %swap3A_253 = tpu.vector_load %arg8[%swap3A_252] {strides = array<i32>} : memref<4096xi32, #tpu.memory_space<vmem>>, vector<16xi32>,
          tpu.vector_store %arg8[%swap3A_252], %and3A_249 {strides = array<i32>} : memref<4096xi32, #tpu.memory_space<vmem>>, vector<16xi32>,
          %scan3A_254 = arith.constant 3 : i32
          %scan3A_255 = arith.addi %scan3A_206, %scan3A_254 : i32
          %mul3A_256 = arith.constant 16 : i32
          %mul3A_257 = arith.muli %scan3A_255, %mul3A_256 : i32
          %add3A_258 = arith.constant 8 : i32
          %add3A_259 = arith.addi %add3A_258, %mul3A_257 : i32
          %get3A_260 = arith.index_cast %add3A_259 : i32 to index
          %get3A_261 = tpu.vector_load %arg7[%get3A_260] {strides = array<i32>} : memref<4112xi32, #tpu.memory_space<vmem>>, vector<16xi32>,
          %shift_right_arithmetic3A_262 = vector.broadcast %scan3A_178 : i32 to vector<16xi32>
          %shift_right_arithmetic3A_263 = arith.shrsi %get3A_261, %shift_right_arithmetic3A_262 : vector<16xi32>
          %and3A_264 = arith.constant 1 : i32
          %and3A_265 = vector.broadcast %and3A_264 : i32 to vector<16xi32>
          %and3A_266 = arith.andi %shift_right_arithmetic3A_263, %and3A_265 : vector<16xi32>
          %mul3A_267 = arith.constant 16 : i32
          %mul3A_268 = arith.muli %scan3A_255, %mul3A_267 : i32
          %swap3A_269 = arith.index_cast %mul3A_268 : i32 to index
          %swap3A_270 = tpu.vector_load %arg8[%swap3A_269] {strides = array<i32>} : memref<4096xi32, #tpu.memory_space<vmem>>, vector<16xi32>,
          tpu.vector_store %arg8[%swap3A_269], %and3A_266 {strides = array<i32>} : memref<4096xi32, #tpu.memory_space<vmem>>, vector<16xi32>,
          %scan3A_271 = arith.constant 4 : i32
          %scan3A_272 = arith.addi %scan3A_206, %scan3A_271 : i32
          %mul3A_273 = arith.constant 16 : i32
          %mul3A_274 = arith.muli %scan3A_272, %mul3A_273 : i32
          %add3A_275 = arith.constant 8 : i32
          %add3A_276 = arith.addi %add3A_275, %mul3A_274 : i32
          %get3A_277 = arith.index_cast %add3A_276 : i32 to index
          %get3A_278 = tpu.vector_load %arg7[%get3A_277] {strides = array<i32>} : memref<4112xi32, #tpu.memory_space<vmem>>, vector<16xi32>,
          %shift_right_arithmetic3A_279 = vector.broadcast %scan3A_178 : i32 to vector<16xi32>
          %shift_right_arithmetic3A_280 = arith.shrsi %get3A_278, %shift_right_arithmetic3A_279 : vector<16xi32>
          %and3A_281 = arith.constant 1 : i32
          %and3A_282 = vector.broadcast %and3A_281 : i32 to vector<16xi32>
          %and3A_283 = arith.andi %shift_right_arithmetic3A_280, %and3A_282 : vector<16xi32>
          %mul3A_284 = arith.constant 16 : i32
          %mul3A_285 = arith.muli %scan3A_272, %mul3A_284 : i32
          %swap3A_286 = arith.index_cast %mul3A_285 : i32 to index
          %swap3A_287 = tpu.vector_load %arg8[%swap3A_286] {strides = array<i32>} : memref<4096xi32, #tpu.memory_space<vmem>>, vector<16xi32>,
          tpu.vector_store %arg8[%swap3A_286], %and3A_283 {strides = array<i32>} : memref<4096xi32, #tpu.memory_space<vmem>>, vector<16xi32>,
          %scan3A_288 = arith.constant 5 : i32
          %scan3A_289 = arith.addi %scan3A_206, %scan3A_288 : i32
          %mul3A_290 = arith.constant 16 : i32
          %mul3A_291 = arith.muli %scan3A_289, %mul3A_290 : i32
          %add3A_292 = arith.constant 8 : i32
          %add3A_293 = arith.addi %add3A_292, %mul3A_291 : i32
          %get3A_294 = arith.index_cast %add3A_293 : i32 to index
          %get3A_295 = tpu.vector_load %arg7[%get3A_294] {strides = array<i32>} : memref<4112xi32, #tpu.memory_space<vmem>>, vector<16xi32>,
          %shift_right_arithmetic3A_296 = vector.broadcast %scan3A_178 : i32 to vector<16xi32>
          %shift_right_arithmetic3A_297 = arith.shrsi %get3A_295, %shift_right_arithmetic3A_296 : vector<16xi32>
          %and3A_298 = arith.constant 1 : i32
          %and3A_299 = vector.broadcast %and3A_298 : i32 to vector<16xi32>
          %and3A_300 = arith.andi %shift_right_arithmetic3A_297, %and3A_299 : vector<16xi32>
          %mul3A_301 = arith.constant 16 : i32
          %mul3A_302 = arith.muli %scan3A_289, %mul3A_301 : i32
          %swap3A_303 = arith.index_cast %mul3A_302 : i32 to index
          %swap3A_304 = tpu.vector_load %arg8[%swap3A_303] {strides = array<i32>} : memref<4096xi32, #tpu.memory_space<vmem>>, vector<16xi32>,
          tpu.vector_store %arg8[%swap3A_303], %and3A_300 {strides = array<i32>} : memref<4096xi32, #tpu.memory_space<vmem>>, vector<16xi32>,
          %scan3A_305 = arith.constant 6 : i32
          %scan3A_306 = arith.addi %scan3A_206, %scan3A_305 : i32
          %mul3A_307 = arith.constant 16 : i32
          %mul3A_308 = arith.muli %scan3A_306, %mul3A_307 : i32
          %add3A_309 = arith.constant 8 : i32
          %add3A_310 = arith.addi %add3A_309, %mul3A_308 : i32
          %get3A_311 = arith.index_cast %add3A_310 : i32 to index
          %get3A_312 = tpu.vector_load %arg7[%get3A_311] {strides = array<i32>} : memref<4112xi32, #tpu.memory_space<vmem>>, vector<16xi32>,
          %shift_right_arithmetic3A_313 = vector.broadcast %scan3A_178 : i32 to vector<16xi32>
          %shift_right_arithmetic3A_314 = arith.shrsi %get3A_312, %shift_right_arithmetic3A_313 : vector<16xi32>
          %and3A_315 = arith.constant 1 : i32
          %and3A_316 = vector.broadcast %and3A_315 : i32 to vector<16xi32>
          %and3A_317 = arith.andi %shift_right_arithmetic3A_314, %and3A_316 : vector<16xi32>
          %mul3A_318 = arith.constant 16 : i32
          %mul3A_319 = arith.muli %scan3A_306, %mul3A_318 : i32
          %swap3A_320 = arith.index_cast %mul3A_319 : i32 to index
          %swap3A_321 = tpu.vector_load %arg8[%swap3A_320] {strides = array<i32>} : memref<4096xi32, #tpu.memory_space<vmem>>, vector<16xi32>,
          tpu.vector_store %arg8[%swap3A_320], %and3A_317 {strides = array<i32>} : memref<4096xi32, #tpu.memory_space<vmem>>, vector<16xi32>,
          %scan3A_322 = arith.constant 7 : i32
          %scan3A_323 = arith.addi %scan3A_206, %scan3A_322 : i32
          %mul3A_324 = arith.constant 16 : i32
          %mul3A_325 = arith.muli %scan3A_323, %mul3A_324 : i32
          %add3A_326 = arith.constant 8 : i32
          %add3A_327 = arith.addi %add3A_326, %mul3A_325 : i32
          %get3A_328 = arith.index_cast %add3A_327 : i32 to index
          %get3A_329 = tpu.vector_load %arg7[%get3A_328] {strides = array<i32>} : memref<4112xi32, #tpu.memory_space<vmem>>, vector<16xi32>,
          %shift_right_arithmetic3A_330 = vector.broadcast %scan3A_178 : i32 to vector<16xi32>
          %shift_right_arithmetic3A_331 = arith.shrsi %get3A_329, %shift_right_arithmetic3A_330 : vector<16xi32>
          %and3A_332 = arith.constant 1 : i32
          %and3A_333 = vector.broadcast %and3A_332 : i32 to vector<16xi32>
          %and3A_334 = arith.andi %shift_right_arithmetic3A_331, %and3A_333 : vector<16xi32>
          %mul3A_335 = arith.constant 16 : i32
          %mul3A_336 = arith.muli %scan3A_323, %mul3A_335 : i32
          %swap3A_337 = arith.index_cast %mul3A_336 : i32 to index
          %swap3A_338 = tpu.vector_load %arg8[%swap3A_337] {strides = array<i32>} : memref<4096xi32, #tpu.memory_space<vmem>>, vector<16xi32>,
          tpu.vector_store %arg8[%swap3A_337], %and3A_334 {strides = array<i32>} : memref<4096xi32, #tpu.memory_space<vmem>>, vector<16xi32>,
        }
        %scan3A_196 = arith.constant 256 : i32
        %add3A_197 = arith.addi %mul3A_2, %scan3A_178 : i32
        %mul3A_198 = arith.constant 9 : i32
        %mul3A_199 = arith.muli %add3A_197, %mul3A_198 : i32
        %add3A_200 = arith.constant 5 : i32
        %add3A_201 = arith.addi %mul3A_199, %add3A_200 : i32
        %mul3A_202 = arith.constant 4096 : i32
        %mul3A_203 = arith.muli %add3A_201, %mul3A_202 : i32
        %dma_start3A_204 = tpu.memref_slice %arg3[%mul3A_203] : memref<37748736xi32, #tpu.memory_space<hbm>> -> memref<4096xi32, #tpu.memory_space<hbm>>
        %dma_start3A_205 = tpu.memref_slice %arg3[%mul3A_203] : memref<37748736xi32, #tpu.memory_space<hbm>> -> memref<4096xi32, #tpu.memory_space<hbm>>
        tpu.enqueue_dma source(%arg8 : memref<4096xi32, #tpu.memory_space<vmem>>) target(%dma_start3A_205 : memref<4096xi32, #tpu.memory_space<hbm>>) target_semaphore(%arg12 : memref<!tpu.dma_semaphore, #tpu.memory_space<semaphore_mem>>)
      } else {
      }
      %and3A_182 = arith.constant 1 : i32
      %and3A_183 = arith.andi %scan3A_178, %and3A_182 : i32
      %ne3A = arith.constant 0 : i32
      %ne3A_184 = arith.cmpi ne, %and3A_183, %ne3A : i32
      %convert_element_type3A_185 = arith.extui %ne3A_184 : i1 to i32
      %cond3A_186 = arith.constant 0 : i32
      %cond3A_187 = arith.cmpi ne, %convert_element_type3A_185, %cond3A_186 : i32
      scf.if %cond3A_187 {
        %ge3A = arith.constant 2 : i32
        %ge3A_188 = arith.cmpi sge, %scan3A_178, %ge3A : i32
        %convert_element_type3A_189 = arith.extui %ge3A_188 : i1 to i32
        %cond3A_190 = arith.constant 0 : i32
        %cond3A_191 = arith.cmpi ne, %convert_element_type3A_189, %cond3A_190 : i32
        scf.if %cond3A_191 {
          %dma_wait3A_206 = arith.constant 0 : i32
          %dma_wait3A_207 = tpu.memref_slice %arg3[%dma_wait3A_206] : memref<37748736xi32, #tpu.memory_space<hbm>> -> memref<4096xi32, #tpu.memory_space<hbm>>
          %dma_wait3A_208 = arith.constant 0 : i32
          %dma_wait3A_209 = tpu.memref_slice %arg3[%dma_wait3A_208] : memref<37748736xi32, #tpu.memory_space<hbm>> -> memref<4096xi32, #tpu.memory_space<hbm>>
          tpu.wait_dma2 semaphore(%arg13 : memref<!tpu.dma_semaphore, #tpu.memory_space<semaphore_mem>>) src(%arg9 : memref<4096xi32, #tpu.memory_space<vmem>>) dst(%dma_wait3A_209 : memref<4096xi32, #tpu.memory_space<hbm>>)
        } else {
        }
        %scan3A_192 = arith.constant 0 : i32
        %scan3A_193 = arith.constant 256 : i32
        %scan3A_194 = arith.addi %scan3A_192, %scan3A_193 : i32
        %scan3A_195 = arith.constant 8 : i32
        scf.for %scan3A_206 = %scan3A_192 to %scan3A_194 step %scan3A_195  : i32 {
          %mul3A_207 = arith.constant 16 : i32
          %mul3A_208 = arith.muli %scan3A_206, %mul3A_207 : i32
          %add3A_209 = arith.constant 8 : i32
          %add3A_210 = arith.addi %add3A_209, %mul3A_208 : i32
          %get3A = arith.index_cast %add3A_210 : i32 to index
          %get3A_211 = tpu.vector_load %arg7[%get3A] {strides = array<i32>} : memref<4112xi32, #tpu.memory_space<vmem>>, vector<16xi32>,
          %shift_right_arithmetic3A = vector.broadcast %scan3A_178 : i32 to vector<16xi32>
          %shift_right_arithmetic3A_212 = arith.shrsi %get3A_211, %shift_right_arithmetic3A : vector<16xi32>
          %and3A_213 = arith.constant 1 : i32
          %and3A_214 = vector.broadcast %and3A_213 : i32 to vector<16xi32>
          %and3A_215 = arith.andi %shift_right_arithmetic3A_212, %and3A_214 : vector<16xi32>
          %mul3A_216 = arith.constant 16 : i32
          %mul3A_217 = arith.muli %scan3A_206, %mul3A_216 : i32
          %swap3A_218 = arith.index_cast %mul3A_217 : i32 to index
          %swap3A_219 = tpu.vector_load %arg9[%swap3A_218] {strides = array<i32>} : memref<4096xi32, #tpu.memory_space<vmem>>, vector<16xi32>,
          tpu.vector_store %arg9[%swap3A_218], %and3A_215 {strides = array<i32>} : memref<4096xi32, #tpu.memory_space<vmem>>, vector<16xi32>,
          %scan3A_220 = arith.constant 1 : i32
          %scan3A_221 = arith.addi %scan3A_206, %scan3A_220 : i32
          %mul3A_222 = arith.constant 16 : i32
          %mul3A_223 = arith.muli %scan3A_221, %mul3A_222 : i32
          %add3A_224 = arith.constant 8 : i32
          %add3A_225 = arith.addi %add3A_224, %mul3A_223 : i32
          %get3A_226 = arith.index_cast %add3A_225 : i32 to index
          %get3A_227 = tpu.vector_load %arg7[%get3A_226] {strides = array<i32>} : memref<4112xi32, #tpu.memory_space<vmem>>, vector<16xi32>,
          %shift_right_arithmetic3A_228 = vector.broadcast %scan3A_178 : i32 to vector<16xi32>
          %shift_right_arithmetic3A_229 = arith.shrsi %get3A_227, %shift_right_arithmetic3A_228 : vector<16xi32>
          %and3A_230 = arith.constant 1 : i32
          %and3A_231 = vector.broadcast %and3A_230 : i32 to vector<16xi32>
          %and3A_232 = arith.andi %shift_right_arithmetic3A_229, %and3A_231 : vector<16xi32>
          %mul3A_233 = arith.constant 16 : i32
          %mul3A_234 = arith.muli %scan3A_221, %mul3A_233 : i32
          %swap3A_235 = arith.index_cast %mul3A_234 : i32 to index
          %swap3A_236 = tpu.vector_load %arg9[%swap3A_235] {strides = array<i32>} : memref<4096xi32, #tpu.memory_space<vmem>>, vector<16xi32>,
          tpu.vector_store %arg9[%swap3A_235], %and3A_232 {strides = array<i32>} : memref<4096xi32, #tpu.memory_space<vmem>>, vector<16xi32>,
          %scan3A_237 = arith.constant 2 : i32
          %scan3A_238 = arith.addi %scan3A_206, %scan3A_237 : i32
          %mul3A_239 = arith.constant 16 : i32
          %mul3A_240 = arith.muli %scan3A_238, %mul3A_239 : i32
          %add3A_241 = arith.constant 8 : i32
          %add3A_242 = arith.addi %add3A_241, %mul3A_240 : i32
          %get3A_243 = arith.index_cast %add3A_242 : i32 to index
          %get3A_244 = tpu.vector_load %arg7[%get3A_243] {strides = array<i32>} : memref<4112xi32, #tpu.memory_space<vmem>>, vector<16xi32>,
          %shift_right_arithmetic3A_245 = vector.broadcast %scan3A_178 : i32 to vector<16xi32>
          %shift_right_arithmetic3A_246 = arith.shrsi %get3A_244, %shift_right_arithmetic3A_245 : vector<16xi32>
          %and3A_247 = arith.constant 1 : i32
          %and3A_248 = vector.broadcast %and3A_247 : i32 to vector<16xi32>
          %and3A_249 = arith.andi %shift_right_arithmetic3A_246, %and3A_248 : vector<16xi32>
          %mul3A_250 = arith.constant 16 : i32
          %mul3A_251 = arith.muli %scan3A_238, %mul3A_250 : i32
          %swap3A_252 = arith.index_cast %mul3A_251 : i32 to index
          %swap3A_253 = tpu.vector_load %arg9[%swap3A_252] {strides = array<i32>} : memref<4096xi32, #tpu.memory_space<vmem>>, vector<16xi32>,
          tpu.vector_store %arg9[%swap3A_252], %and3A_249 {strides = array<i32>} : memref<4096xi32, #tpu.memory_space<vmem>>, vector<16xi32>,
          %scan3A_254 = arith.constant 3 : i32
          %scan3A_255 = arith.addi %scan3A_206, %scan3A_254 : i32
          %mul3A_256 = arith.constant 16 : i32
          %mul3A_257 = arith.muli %scan3A_255, %mul3A_256 : i32
          %add3A_258 = arith.constant 8 : i32
          %add3A_259 = arith.addi %add3A_258, %mul3A_257 : i32
          %get3A_260 = arith.index_cast %add3A_259 : i32 to index
          %get3A_261 = tpu.vector_load %arg7[%get3A_260] {strides = array<i32>} : memref<4112xi32, #tpu.memory_space<vmem>>, vector<16xi32>,
          %shift_right_arithmetic3A_262 = vector.broadcast %scan3A_178 : i32 to vector<16xi32>
          %shift_right_arithmetic3A_263 = arith.shrsi %get3A_261, %shift_right_arithmetic3A_262 : vector<16xi32>
          %and3A_264 = arith.constant 1 : i32
          %and3A_265 = vector.broadcast %and3A_264 : i32 to vector<16xi32>
          %and3A_266 = arith.andi %shift_right_arithmetic3A_263, %and3A_265 : vector<16xi32>
          %mul3A_267 = arith.constant 16 : i32
          %mul3A_268 = arith.muli %scan3A_255, %mul3A_267 : i32
          %swap3A_269 = arith.index_cast %mul3A_268 : i32 to index
          %swap3A_270 = tpu.vector_load %arg9[%swap3A_269] {strides = array<i32>} : memref<4096xi32, #tpu.memory_space<vmem>>, vector<16xi32>,
          tpu.vector_store %arg9[%swap3A_269], %and3A_266 {strides = array<i32>} : memref<4096xi32, #tpu.memory_space<vmem>>, vector<16xi32>,
          %scan3A_271 = arith.constant 4 : i32
          %scan3A_272 = arith.addi %scan3A_206, %scan3A_271 : i32
          %mul3A_273 = arith.constant 16 : i32
          %mul3A_274 = arith.muli %scan3A_272, %mul3A_273 : i32
          %add3A_275 = arith.constant 8 : i32
          %add3A_276 = arith.addi %add3A_275, %mul3A_274 : i32
          %get3A_277 = arith.index_cast %add3A_276 : i32 to index
          %get3A_278 = tpu.vector_load %arg7[%get3A_277] {strides = array<i32>} : memref<4112xi32, #tpu.memory_space<vmem>>, vector<16xi32>,
          %shift_right_arithmetic3A_279 = vector.broadcast %scan3A_178 : i32 to vector<16xi32>
          %shift_right_arithmetic3A_280 = arith.shrsi %get3A_278, %shift_right_arithmetic3A_279 : vector<16xi32>
          %and3A_281 = arith.constant 1 : i32
          %and3A_282 = vector.broadcast %and3A_281 : i32 to vector<16xi32>
          %and3A_283 = arith.andi %shift_right_arithmetic3A_280, %and3A_282 : vector<16xi32>
          %mul3A_284 = arith.constant 16 : i32
          %mul3A_285 = arith.muli %scan3A_272, %mul3A_284 : i32
          %swap3A_286 = arith.index_cast %mul3A_285 : i32 to index
          %swap3A_287 = tpu.vector_load %arg9[%swap3A_286] {strides = array<i32>} : memref<4096xi32, #tpu.memory_space<vmem>>, vector<16xi32>,
          tpu.vector_store %arg9[%swap3A_286], %and3A_283 {strides = array<i32>} : memref<4096xi32, #tpu.memory_space<vmem>>, vector<16xi32>,
          %scan3A_288 = arith.constant 5 : i32
          %scan3A_289 = arith.addi %scan3A_206, %scan3A_288 : i32
          %mul3A_290 = arith.constant 16 : i32
          %mul3A_291 = arith.muli %scan3A_289, %mul3A_290 : i32
          %add3A_292 = arith.constant 8 : i32
          %add3A_293 = arith.addi %add3A_292, %mul3A_291 : i32
          %get3A_294 = arith.index_cast %add3A_293 : i32 to index
          %get3A_295 = tpu.vector_load %arg7[%get3A_294] {strides = array<i32>} : memref<4112xi32, #tpu.memory_space<vmem>>, vector<16xi32>,
          %shift_right_arithmetic3A_296 = vector.broadcast %scan3A_178 : i32 to vector<16xi32>
          %shift_right_arithmetic3A_297 = arith.shrsi %get3A_295, %shift_right_arithmetic3A_296 : vector<16xi32>
          %and3A_298 = arith.constant 1 : i32
          %and3A_299 = vector.broadcast %and3A_298 : i32 to vector<16xi32>
          %and3A_300 = arith.andi %shift_right_arithmetic3A_297, %and3A_299 : vector<16xi32>
          %mul3A_301 = arith.constant 16 : i32
          %mul3A_302 = arith.muli %scan3A_289, %mul3A_301 : i32
          %swap3A_303 = arith.index_cast %mul3A_302 : i32 to index
          %swap3A_304 = tpu.vector_load %arg9[%swap3A_303] {strides = array<i32>} : memref<4096xi32, #tpu.memory_space<vmem>>, vector<16xi32>,
          tpu.vector_store %arg9[%swap3A_303], %and3A_300 {strides = array<i32>} : memref<4096xi32, #tpu.memory_space<vmem>>, vector<16xi32>,
          %scan3A_305 = arith.constant 6 : i32
          %scan3A_306 = arith.addi %scan3A_206, %scan3A_305 : i32
          %mul3A_307 = arith.constant 16 : i32
          %mul3A_308 = arith.muli %scan3A_306, %mul3A_307 : i32
          %add3A_309 = arith.constant 8 : i32
          %add3A_310 = arith.addi %add3A_309, %mul3A_308 : i32
          %get3A_311 = arith.index_cast %add3A_310 : i32 to index
          %get3A_312 = tpu.vector_load %arg7[%get3A_311] {strides = array<i32>} : memref<4112xi32, #tpu.memory_space<vmem>>, vector<16xi32>,
          %shift_right_arithmetic3A_313 = vector.broadcast %scan3A_178 : i32 to vector<16xi32>
          %shift_right_arithmetic3A_314 = arith.shrsi %get3A_312, %shift_right_arithmetic3A_313 : vector<16xi32>
          %and3A_315 = arith.constant 1 : i32
          %and3A_316 = vector.broadcast %and3A_315 : i32 to vector<16xi32>
          %and3A_317 = arith.andi %shift_right_arithmetic3A_314, %and3A_316 : vector<16xi32>
          %mul3A_318 = arith.constant 16 : i32
          %mul3A_319 = arith.muli %scan3A_306, %mul3A_318 : i32
          %swap3A_320 = arith.index_cast %mul3A_319 : i32 to index
          %swap3A_321 = tpu.vector_load %arg9[%swap3A_320] {strides = array<i32>} : memref<4096xi32, #tpu.memory_space<vmem>>, vector<16xi32>,
          tpu.vector_store %arg9[%swap3A_320], %and3A_317 {strides = array<i32>} : memref<4096xi32, #tpu.memory_space<vmem>>, vector<16xi32>,
          %scan3A_322 = arith.constant 7 : i32
          %scan3A_323 = arith.addi %scan3A_206, %scan3A_322 : i32
          %mul3A_324 = arith.constant 16 : i32
          %mul3A_325 = arith.muli %scan3A_323, %mul3A_324 : i32
          %add3A_326 = arith.constant 8 : i32
          %add3A_327 = arith.addi %add3A_326, %mul3A_325 : i32
          %get3A_328 = arith.index_cast %add3A_327 : i32 to index
          %get3A_329 = tpu.vector_load %arg7[%get3A_328] {strides = array<i32>} : memref<4112xi32, #tpu.memory_space<vmem>>, vector<16xi32>,
          %shift_right_arithmetic3A_330 = vector.broadcast %scan3A_178 : i32 to vector<16xi32>
          %shift_right_arithmetic3A_331 = arith.shrsi %get3A_329, %shift_right_arithmetic3A_330 : vector<16xi32>
          %and3A_332 = arith.constant 1 : i32
          %and3A_333 = vector.broadcast %and3A_332 : i32 to vector<16xi32>
          %and3A_334 = arith.andi %shift_right_arithmetic3A_331, %and3A_333 : vector<16xi32>
          %mul3A_335 = arith.constant 16 : i32
          %mul3A_336 = arith.muli %scan3A_323, %mul3A_335 : i32
          %swap3A_337 = arith.index_cast %mul3A_336 : i32 to index
          %swap3A_338 = tpu.vector_load %arg9[%swap3A_337] {strides = array<i32>} : memref<4096xi32, #tpu.memory_space<vmem>>, vector<16xi32>,
          tpu.vector_store %arg9[%swap3A_337], %and3A_334 {strides = array<i32>} : memref<4096xi32, #tpu.memory_space<vmem>>, vector<16xi32>,
        }
        %scan3A_196 = arith.constant 256 : i32
        %add3A_197 = arith.addi %mul3A_2, %scan3A_178 : i32
        %mul3A_198 = arith.constant 9 : i32
        %mul3A_199 = arith.muli %add3A_197, %mul3A_198 : i32
        %add3A_200 = arith.constant 5 : i32
        %add3A_201 = arith.addi %mul3A_199, %add3A_200 : i32
        %mul3A_202 = arith.constant 4096 : i32
        %mul3A_203 = arith.muli %add3A_201, %mul3A_202 : i32
        %dma_start3A_204 = tpu.memref_slice %arg3[%mul3A_203] : memref<37748736xi32, #tpu.memory_space<hbm>> -> memref<4096xi32, #tpu.memory_space<hbm>>
        %dma_start3A_205 = tpu.memref_slice %arg3[%mul3A_203] : memref<37748736xi32, #tpu.memory_space<hbm>> -> memref<4096xi32, #tpu.memory_space<hbm>>
        tpu.enqueue_dma source(%arg9 : memref<4096xi32, #tpu.memory_space<vmem>>) target(%dma_start3A_205 : memref<4096xi32, #tpu.memory_space<hbm>>) target_semaphore(%arg13 : memref<!tpu.dma_semaphore, #tpu.memory_space<semaphore_mem>>)
      } else {
      }
    }
    %scan3A_115 = arith.constant 32 : i32
    %dma_wait3A_116 = arith.constant 0 : i32
    %dma_wait3A_117 = tpu.memref_slice %arg3[%dma_wait3A_116] : memref<37748736xi32, #tpu.memory_space<hbm>> -> memref<4096xi32, #tpu.memory_space<hbm>>
    %dma_wait3A_118 = arith.constant 0 : i32
    %dma_wait3A_119 = tpu.memref_slice %arg3[%dma_wait3A_118] : memref<37748736xi32, #tpu.memory_space<hbm>> -> memref<4096xi32, #tpu.memory_space<hbm>>
    tpu.wait_dma2 semaphore(%arg12 : memref<!tpu.dma_semaphore, #tpu.memory_space<semaphore_mem>>) src(%arg8 : memref<4096xi32, #tpu.memory_space<vmem>>) dst(%dma_wait3A_119 : memref<4096xi32, #tpu.memory_space<hbm>>)
    %dma_wait3A_120 = arith.constant 0 : i32
    %dma_wait3A_121 = tpu.memref_slice %arg3[%dma_wait3A_120] : memref<37748736xi32, #tpu.memory_space<hbm>> -> memref<4096xi32, #tpu.memory_space<hbm>>
    %dma_wait3A_122 = arith.constant 0 : i32
    %dma_wait3A_123 = tpu.memref_slice %arg3[%dma_wait3A_122] : memref<37748736xi32, #tpu.memory_space<hbm>> -> memref<4096xi32, #tpu.memory_space<hbm>>
    tpu.wait_dma2 semaphore(%arg13 : memref<!tpu.dma_semaphore, #tpu.memory_space<semaphore_mem>>) src(%arg9 : memref<4096xi32, #tpu.memory_space<vmem>>) dst(%dma_wait3A_123 : memref<4096xi32, #tpu.memory_space<hbm>>)
    %scan3A_124 = arith.constant 0 : i32
    %scan3A_125 = arith.constant 256 : i32
    %scan3A_126 = arith.addi %scan3A_124, %scan3A_125 : i32
    %scan3A_127 = arith.constant 4 : i32
    scf.for %scan3A_178 = %scan3A_124 to %scan3A_126 step %scan3A_127  : i32 {
      %mul3A_179 = arith.constant 16 : i32
      %mul3A_180 = arith.muli %scan3A_178, %mul3A_179 : i32
      %add3A_181 = arith.constant 8 : i32
      %add3A_182 = arith.addi %add3A_181, %mul3A_180 : i32
      %get3A = arith.index_cast %add3A_182 : i32 to index
      %get3A_183 = tpu.vector_load %arg7[%get3A] {strides = array<i32>} : memref<4112xi32, #tpu.memory_space<vmem>>, vector<16xi32>,
      %sub3A = arith.constant 1 : i32
      %sub3A_184 = arith.subi %add3A_182, %sub3A : i32
      %get3A_185 = arith.index_cast %sub3A_184 : i32 to index
      %get3A_186 = tpu.vector_load %arg7[%get3A_185] {strides = array<i32>} : memref<4112xi32, #tpu.memory_space<vmem>>, vector<16xi32>,
      %add3A_187 = arith.constant 1 : i32
      %add3A_188 = arith.addi %add3A_182, %add3A_187 : i32
      %get3A_189 = arith.index_cast %add3A_188 : i32 to index
      %get3A_190 = tpu.vector_load %arg7[%get3A_189] {strides = array<i32>} : memref<4112xi32, #tpu.memory_space<vmem>>, vector<16xi32>,
      %or3A = arith.ori %get3A_186, %get3A_183 : vector<16xi32>
      %and3A = arith.andi %get3A_186, %get3A_183 : vector<16xi32>
      %and3A_191 = arith.andi %and3A, %get3A_190 : vector<16xi32>
      %not3A = arith.constant dense<-1> : vector<16xi32>
      %not3A_192 = arith.xori %and3A_191, %not3A : vector<16xi32>
      %and3A_193 = arith.andi %or3A, %not3A_192 : vector<16xi32>
      %swap3A_194 = arith.index_cast %add3A_182 : i32 to index
      %swap3A_195 = tpu.vector_load %arg6[%swap3A_194] {strides = array<i32>} : memref<4112xi32, #tpu.memory_space<vmem>>, vector<16xi32>,
      tpu.vector_store %arg6[%swap3A_194], %and3A_193 {strides = array<i32>} : memref<4112xi32, #tpu.memory_space<vmem>>, vector<16xi32>,
      %scan3A_196 = arith.constant 1 : i32
      %scan3A_197 = arith.addi %scan3A_178, %scan3A_196 : i32
      %mul3A_198 = arith.constant 16 : i32
      %mul3A_199 = arith.muli %scan3A_197, %mul3A_198 : i32
      %add3A_200 = arith.constant 8 : i32
      %add3A_201 = arith.addi %add3A_200, %mul3A_199 : i32
      %get3A_202 = arith.index_cast %add3A_201 : i32 to index
      %get3A_203 = tpu.vector_load %arg7[%get3A_202] {strides = array<i32>} : memref<4112xi32, #tpu.memory_space<vmem>>, vector<16xi32>,
      %sub3A_204 = arith.constant 1 : i32
      %sub3A_205 = arith.subi %add3A_201, %sub3A_204 : i32
      %get3A_206 = arith.index_cast %sub3A_205 : i32 to index
      %get3A_207 = tpu.vector_load %arg7[%get3A_206] {strides = array<i32>} : memref<4112xi32, #tpu.memory_space<vmem>>, vector<16xi32>,
      %add3A_208 = arith.constant 1 : i32
      %add3A_209 = arith.addi %add3A_201, %add3A_208 : i32
      %get3A_210 = arith.index_cast %add3A_209 : i32 to index
      %get3A_211 = tpu.vector_load %arg7[%get3A_210] {strides = array<i32>} : memref<4112xi32, #tpu.memory_space<vmem>>, vector<16xi32>,
      %or3A_212 = arith.ori %get3A_207, %get3A_203 : vector<16xi32>
      %and3A_213 = arith.andi %get3A_207, %get3A_203 : vector<16xi32>
      %and3A_214 = arith.andi %and3A_213, %get3A_211 : vector<16xi32>
      %not3A_215 = arith.constant dense<-1> : vector<16xi32>
      %not3A_216 = arith.xori %and3A_214, %not3A_215 : vector<16xi32>
      %and3A_217 = arith.andi %or3A_212, %not3A_216 : vector<16xi32>
      %swap3A_218 = arith.index_cast %add3A_201 : i32 to index
      %swap3A_219 = tpu.vector_load %arg6[%swap3A_218] {strides = array<i32>} : memref<4112xi32, #tpu.memory_space<vmem>>, vector<16xi32>,
      tpu.vector_store %arg6[%swap3A_218], %and3A_217 {strides = array<i32>} : memref<4112xi32, #tpu.memory_space<vmem>>, vector<16xi32>,
      %scan3A_220 = arith.constant 2 : i32
      %scan3A_221 = arith.addi %scan3A_178, %scan3A_220 : i32
      %mul3A_222 = arith.constant 16 : i32
      %mul3A_223 = arith.muli %scan3A_221, %mul3A_222 : i32
      %add3A_224 = arith.constant 8 : i32
      %add3A_225 = arith.addi %add3A_224, %mul3A_223 : i32
      %get3A_226 = arith.index_cast %add3A_225 : i32 to index
      %get3A_227 = tpu.vector_load %arg7[%get3A_226] {strides = array<i32>} : memref<4112xi32, #tpu.memory_space<vmem>>, vector<16xi32>,
      %sub3A_228 = arith.constant 1 : i32
      %sub3A_229 = arith.subi %add3A_225, %sub3A_228 : i32
      %get3A_230 = arith.index_cast %sub3A_229 : i32 to index
      %get3A_231 = tpu.vector_load %arg7[%get3A_230] {strides = array<i32>} : memref<4112xi32, #tpu.memory_space<vmem>>, vector<16xi32>,
      %add3A_232 = arith.constant 1 : i32
      %add3A_233 = arith.addi %add3A_225, %add3A_232 : i32
      %get3A_234 = arith.index_cast %add3A_233 : i32 to index
      %get3A_235 = tpu.vector_load %arg7[%get3A_234] {strides = array<i32>} : memref<4112xi32, #tpu.memory_space<vmem>>, vector<16xi32>,
      %or3A_236 = arith.ori %get3A_231, %get3A_227 : vector<16xi32>
      %and3A_237 = arith.andi %get3A_231, %get3A_227 : vector<16xi32>
      %and3A_238 = arith.andi %and3A_237, %get3A_235 : vector<16xi32>
      %not3A_239 = arith.constant dense<-1> : vector<16xi32>
      %not3A_240 = arith.xori %and3A_238, %not3A_239 : vector<16xi32>
      %and3A_241 = arith.andi %or3A_236, %not3A_240 : vector<16xi32>
      %swap3A_242 = arith.index_cast %add3A_225 : i32 to index
      %swap3A_243 = tpu.vector_load %arg6[%swap3A_242] {strides = array<i32>} : memref<4112xi32, #tpu.memory_space<vmem>>, vector<16xi32>,
      tpu.vector_store %arg6[%swap3A_242], %and3A_241 {strides = array<i32>} : memref<4112xi32, #tpu.memory_space<vmem>>, vector<16xi32>,
      %scan3A_244 = arith.constant 3 : i32
      %scan3A_245 = arith.addi %scan3A_178, %scan3A_244 : i32
      %mul3A_246 = arith.constant 16 : i32
      %mul3A_247 = arith.muli %scan3A_245, %mul3A_246 : i32
      %add3A_248 = arith.constant 8 : i32
      %add3A_249 = arith.addi %add3A_248, %mul3A_247 : i32
      %get3A_250 = arith.index_cast %add3A_249 : i32 to index
      %get3A_251 = tpu.vector_load %arg7[%get3A_250] {strides = array<i32>} : memref<4112xi32, #tpu.memory_space<vmem>>, vector<16xi32>,
      %sub3A_252 = arith.constant 1 : i32
      %sub3A_253 = arith.subi %add3A_249, %sub3A_252 : i32
      %get3A_254 = arith.index_cast %sub3A_253 : i32 to index
      %get3A_255 = tpu.vector_load %arg7[%get3A_254] {strides = array<i32>} : memref<4112xi32, #tpu.memory_space<vmem>>, vector<16xi32>,
      %add3A_256 = arith.constant 1 : i32
      %add3A_257 = arith.addi %add3A_249, %add3A_256 : i32
      %get3A_258 = arith.index_cast %add3A_257 : i32 to index
      %get3A_259 = tpu.vector_load %arg7[%get3A_258] {strides = array<i32>} : memref<4112xi32, #tpu.memory_space<vmem>>, vector<16xi32>,
      %or3A_260 = arith.ori %get3A_255, %get3A_251 : vector<16xi32>
      %and3A_261 = arith.andi %get3A_255, %get3A_251 : vector<16xi32>
      %and3A_262 = arith.andi %and3A_261, %get3A_259 : vector<16xi32>
      %not3A_263 = arith.constant dense<-1> : vector<16xi32>
      %not3A_264 = arith.xori %and3A_262, %not3A_263 : vector<16xi32>
      %and3A_265 = arith.andi %or3A_260, %not3A_264 : vector<16xi32>
      %swap3A_266 = arith.index_cast %add3A_249 : i32 to index
      %swap3A_267 = tpu.vector_load %arg6[%swap3A_266] {strides = array<i32>} : memref<4112xi32, #tpu.memory_space<vmem>>, vector<16xi32>,
      tpu.vector_store %arg6[%swap3A_266], %and3A_265 {strides = array<i32>} : memref<4112xi32, #tpu.memory_space<vmem>>, vector<16xi32>,
    }
    %scan3A_128 = arith.constant 256 : i32
    %scan3A_129 = arith.constant 0 : i32
    %scan3A_130 = arith.constant 32 : i32
    %scan3A_131 = arith.addi %scan3A_129, %scan3A_130 : i32
    %scan3A_132 = arith.constant 1 : i32
    scf.for %scan3A_178 = %scan3A_129 to %scan3A_131 step %scan3A_132  : i32 {
      %and3A = arith.constant 1 : i32
      %and3A_179 = arith.andi %scan3A_178, %and3A : i32
      %eq3A = arith.constant 0 : i32
      %eq3A_180 = arith.cmpi eq, %and3A_179, %eq3A : i32
      %convert_element_type3A = arith.extui %eq3A_180 : i1 to i32
      %cond3A = arith.constant 0 : i32
      %cond3A_181 = arith.cmpi ne, %convert_element_type3A, %cond3A : i32
      scf.if %cond3A_181 {
        %ge3A = arith.constant 2 : i32
        %ge3A_188 = arith.cmpi sge, %scan3A_178, %ge3A : i32
        %convert_element_type3A_189 = arith.extui %ge3A_188 : i1 to i32
        %cond3A_190 = arith.constant 0 : i32
        %cond3A_191 = arith.cmpi ne, %convert_element_type3A_189, %cond3A_190 : i32
        scf.if %cond3A_191 {
          %dma_wait3A_206 = arith.constant 0 : i32
          %dma_wait3A_207 = tpu.memref_slice %arg3[%dma_wait3A_206] : memref<37748736xi32, #tpu.memory_space<hbm>> -> memref<4096xi32, #tpu.memory_space<hbm>>
          %dma_wait3A_208 = arith.constant 0 : i32
          %dma_wait3A_209 = tpu.memref_slice %arg3[%dma_wait3A_208] : memref<37748736xi32, #tpu.memory_space<hbm>> -> memref<4096xi32, #tpu.memory_space<hbm>>
          tpu.wait_dma2 semaphore(%arg12 : memref<!tpu.dma_semaphore, #tpu.memory_space<semaphore_mem>>) src(%arg8 : memref<4096xi32, #tpu.memory_space<vmem>>) dst(%dma_wait3A_209 : memref<4096xi32, #tpu.memory_space<hbm>>)
        } else {
        }
        %scan3A_192 = arith.constant 0 : i32
        %scan3A_193 = arith.constant 256 : i32
        %scan3A_194 = arith.addi %scan3A_192, %scan3A_193 : i32
        %scan3A_195 = arith.constant 8 : i32
        scf.for %scan3A_206 = %scan3A_192 to %scan3A_194 step %scan3A_195  : i32 {
          %mul3A_207 = arith.constant 16 : i32
          %mul3A_208 = arith.muli %scan3A_206, %mul3A_207 : i32
          %add3A_209 = arith.constant 8 : i32
          %add3A_210 = arith.addi %add3A_209, %mul3A_208 : i32
          %get3A = arith.index_cast %add3A_210 : i32 to index
          %get3A_211 = tpu.vector_load %arg6[%get3A] {strides = array<i32>} : memref<4112xi32, #tpu.memory_space<vmem>>, vector<16xi32>,
          %shift_right_arithmetic3A = vector.broadcast %scan3A_178 : i32 to vector<16xi32>
          %shift_right_arithmetic3A_212 = arith.shrsi %get3A_211, %shift_right_arithmetic3A : vector<16xi32>
          %and3A_213 = arith.constant 1 : i32
          %and3A_214 = vector.broadcast %and3A_213 : i32 to vector<16xi32>
          %and3A_215 = arith.andi %shift_right_arithmetic3A_212, %and3A_214 : vector<16xi32>
          %mul3A_216 = arith.constant 16 : i32
          %mul3A_217 = arith.muli %scan3A_206, %mul3A_216 : i32
          %swap3A_218 = arith.index_cast %mul3A_217 : i32 to index
          %swap3A_219 = tpu.vector_load %arg8[%swap3A_218] {strides = array<i32>} : memref<4096xi32, #tpu.memory_space<vmem>>, vector<16xi32>,
          tpu.vector_store %arg8[%swap3A_218], %and3A_215 {strides = array<i32>} : memref<4096xi32, #tpu.memory_space<vmem>>, vector<16xi32>,
          %scan3A_220 = arith.constant 1 : i32
          %scan3A_221 = arith.addi %scan3A_206, %scan3A_220 : i32
          %mul3A_222 = arith.constant 16 : i32
          %mul3A_223 = arith.muli %scan3A_221, %mul3A_222 : i32
          %add3A_224 = arith.constant 8 : i32
          %add3A_225 = arith.addi %add3A_224, %mul3A_223 : i32
          %get3A_226 = arith.index_cast %add3A_225 : i32 to index
          %get3A_227 = tpu.vector_load %arg6[%get3A_226] {strides = array<i32>} : memref<4112xi32, #tpu.memory_space<vmem>>, vector<16xi32>,
          %shift_right_arithmetic3A_228 = vector.broadcast %scan3A_178 : i32 to vector<16xi32>
          %shift_right_arithmetic3A_229 = arith.shrsi %get3A_227, %shift_right_arithmetic3A_228 : vector<16xi32>
          %and3A_230 = arith.constant 1 : i32
          %and3A_231 = vector.broadcast %and3A_230 : i32 to vector<16xi32>
          %and3A_232 = arith.andi %shift_right_arithmetic3A_229, %and3A_231 : vector<16xi32>
          %mul3A_233 = arith.constant 16 : i32
          %mul3A_234 = arith.muli %scan3A_221, %mul3A_233 : i32
          %swap3A_235 = arith.index_cast %mul3A_234 : i32 to index
          %swap3A_236 = tpu.vector_load %arg8[%swap3A_235] {strides = array<i32>} : memref<4096xi32, #tpu.memory_space<vmem>>, vector<16xi32>,
          tpu.vector_store %arg8[%swap3A_235], %and3A_232 {strides = array<i32>} : memref<4096xi32, #tpu.memory_space<vmem>>, vector<16xi32>,
          %scan3A_237 = arith.constant 2 : i32
          %scan3A_238 = arith.addi %scan3A_206, %scan3A_237 : i32
          %mul3A_239 = arith.constant 16 : i32
          %mul3A_240 = arith.muli %scan3A_238, %mul3A_239 : i32
          %add3A_241 = arith.constant 8 : i32
          %add3A_242 = arith.addi %add3A_241, %mul3A_240 : i32
          %get3A_243 = arith.index_cast %add3A_242 : i32 to index
          %get3A_244 = tpu.vector_load %arg6[%get3A_243] {strides = array<i32>} : memref<4112xi32, #tpu.memory_space<vmem>>, vector<16xi32>,
          %shift_right_arithmetic3A_245 = vector.broadcast %scan3A_178 : i32 to vector<16xi32>
          %shift_right_arithmetic3A_246 = arith.shrsi %get3A_244, %shift_right_arithmetic3A_245 : vector<16xi32>
          %and3A_247 = arith.constant 1 : i32
          %and3A_248 = vector.broadcast %and3A_247 : i32 to vector<16xi32>
          %and3A_249 = arith.andi %shift_right_arithmetic3A_246, %and3A_248 : vector<16xi32>
          %mul3A_250 = arith.constant 16 : i32
          %mul3A_251 = arith.muli %scan3A_238, %mul3A_250 : i32
          %swap3A_252 = arith.index_cast %mul3A_251 : i32 to index
          %swap3A_253 = tpu.vector_load %arg8[%swap3A_252] {strides = array<i32>} : memref<4096xi32, #tpu.memory_space<vmem>>, vector<16xi32>,
          tpu.vector_store %arg8[%swap3A_252], %and3A_249 {strides = array<i32>} : memref<4096xi32, #tpu.memory_space<vmem>>, vector<16xi32>,
          %scan3A_254 = arith.constant 3 : i32
          %scan3A_255 = arith.addi %scan3A_206, %scan3A_254 : i32
          %mul3A_256 = arith.constant 16 : i32
          %mul3A_257 = arith.muli %scan3A_255, %mul3A_256 : i32
          %add3A_258 = arith.constant 8 : i32
          %add3A_259 = arith.addi %add3A_258, %mul3A_257 : i32
          %get3A_260 = arith.index_cast %add3A_259 : i32 to index
          %get3A_261 = tpu.vector_load %arg6[%get3A_260] {strides = array<i32>} : memref<4112xi32, #tpu.memory_space<vmem>>, vector<16xi32>,
          %shift_right_arithmetic3A_262 = vector.broadcast %scan3A_178 : i32 to vector<16xi32>
          %shift_right_arithmetic3A_263 = arith.shrsi %get3A_261, %shift_right_arithmetic3A_262 : vector<16xi32>
          %and3A_264 = arith.constant 1 : i32
          %and3A_265 = vector.broadcast %and3A_264 : i32 to vector<16xi32>
          %and3A_266 = arith.andi %shift_right_arithmetic3A_263, %and3A_265 : vector<16xi32>
          %mul3A_267 = arith.constant 16 : i32
          %mul3A_268 = arith.muli %scan3A_255, %mul3A_267 : i32
          %swap3A_269 = arith.index_cast %mul3A_268 : i32 to index
          %swap3A_270 = tpu.vector_load %arg8[%swap3A_269] {strides = array<i32>} : memref<4096xi32, #tpu.memory_space<vmem>>, vector<16xi32>,
          tpu.vector_store %arg8[%swap3A_269], %and3A_266 {strides = array<i32>} : memref<4096xi32, #tpu.memory_space<vmem>>, vector<16xi32>,
          %scan3A_271 = arith.constant 4 : i32
          %scan3A_272 = arith.addi %scan3A_206, %scan3A_271 : i32
          %mul3A_273 = arith.constant 16 : i32
          %mul3A_274 = arith.muli %scan3A_272, %mul3A_273 : i32
          %add3A_275 = arith.constant 8 : i32
          %add3A_276 = arith.addi %add3A_275, %mul3A_274 : i32
          %get3A_277 = arith.index_cast %add3A_276 : i32 to index
          %get3A_278 = tpu.vector_load %arg6[%get3A_277] {strides = array<i32>} : memref<4112xi32, #tpu.memory_space<vmem>>, vector<16xi32>,
          %shift_right_arithmetic3A_279 = vector.broadcast %scan3A_178 : i32 to vector<16xi32>
          %shift_right_arithmetic3A_280 = arith.shrsi %get3A_278, %shift_right_arithmetic3A_279 : vector<16xi32>
          %and3A_281 = arith.constant 1 : i32
          %and3A_282 = vector.broadcast %and3A_281 : i32 to vector<16xi32>
          %and3A_283 = arith.andi %shift_right_arithmetic3A_280, %and3A_282 : vector<16xi32>
          %mul3A_284 = arith.constant 16 : i32
          %mul3A_285 = arith.muli %scan3A_272, %mul3A_284 : i32
          %swap3A_286 = arith.index_cast %mul3A_285 : i32 to index
          %swap3A_287 = tpu.vector_load %arg8[%swap3A_286] {strides = array<i32>} : memref<4096xi32, #tpu.memory_space<vmem>>, vector<16xi32>,
          tpu.vector_store %arg8[%swap3A_286], %and3A_283 {strides = array<i32>} : memref<4096xi32, #tpu.memory_space<vmem>>, vector<16xi32>,
          %scan3A_288 = arith.constant 5 : i32
          %scan3A_289 = arith.addi %scan3A_206, %scan3A_288 : i32
          %mul3A_290 = arith.constant 16 : i32
          %mul3A_291 = arith.muli %scan3A_289, %mul3A_290 : i32
          %add3A_292 = arith.constant 8 : i32
          %add3A_293 = arith.addi %add3A_292, %mul3A_291 : i32
          %get3A_294 = arith.index_cast %add3A_293 : i32 to index
          %get3A_295 = tpu.vector_load %arg6[%get3A_294] {strides = array<i32>} : memref<4112xi32, #tpu.memory_space<vmem>>, vector<16xi32>,
          %shift_right_arithmetic3A_296 = vector.broadcast %scan3A_178 : i32 to vector<16xi32>
          %shift_right_arithmetic3A_297 = arith.shrsi %get3A_295, %shift_right_arithmetic3A_296 : vector<16xi32>
          %and3A_298 = arith.constant 1 : i32
          %and3A_299 = vector.broadcast %and3A_298 : i32 to vector<16xi32>
          %and3A_300 = arith.andi %shift_right_arithmetic3A_297, %and3A_299 : vector<16xi32>
          %mul3A_301 = arith.constant 16 : i32
          %mul3A_302 = arith.muli %scan3A_289, %mul3A_301 : i32
          %swap3A_303 = arith.index_cast %mul3A_302 : i32 to index
          %swap3A_304 = tpu.vector_load %arg8[%swap3A_303] {strides = array<i32>} : memref<4096xi32, #tpu.memory_space<vmem>>, vector<16xi32>,
          tpu.vector_store %arg8[%swap3A_303], %and3A_300 {strides = array<i32>} : memref<4096xi32, #tpu.memory_space<vmem>>, vector<16xi32>,
          %scan3A_305 = arith.constant 6 : i32
          %scan3A_306 = arith.addi %scan3A_206, %scan3A_305 : i32
          %mul3A_307 = arith.constant 16 : i32
          %mul3A_308 = arith.muli %scan3A_306, %mul3A_307 : i32
          %add3A_309 = arith.constant 8 : i32
          %add3A_310 = arith.addi %add3A_309, %mul3A_308 : i32
          %get3A_311 = arith.index_cast %add3A_310 : i32 to index
          %get3A_312 = tpu.vector_load %arg6[%get3A_311] {strides = array<i32>} : memref<4112xi32, #tpu.memory_space<vmem>>, vector<16xi32>,
          %shift_right_arithmetic3A_313 = vector.broadcast %scan3A_178 : i32 to vector<16xi32>
          %shift_right_arithmetic3A_314 = arith.shrsi %get3A_312, %shift_right_arithmetic3A_313 : vector<16xi32>
          %and3A_315 = arith.constant 1 : i32
          %and3A_316 = vector.broadcast %and3A_315 : i32 to vector<16xi32>
          %and3A_317 = arith.andi %shift_right_arithmetic3A_314, %and3A_316 : vector<16xi32>
          %mul3A_318 = arith.constant 16 : i32
          %mul3A_319 = arith.muli %scan3A_306, %mul3A_318 : i32
          %swap3A_320 = arith.index_cast %mul3A_319 : i32 to index
          %swap3A_321 = tpu.vector_load %arg8[%swap3A_320] {strides = array<i32>} : memref<4096xi32, #tpu.memory_space<vmem>>, vector<16xi32>,
          tpu.vector_store %arg8[%swap3A_320], %and3A_317 {strides = array<i32>} : memref<4096xi32, #tpu.memory_space<vmem>>, vector<16xi32>,
          %scan3A_322 = arith.constant 7 : i32
          %scan3A_323 = arith.addi %scan3A_206, %scan3A_322 : i32
          %mul3A_324 = arith.constant 16 : i32
          %mul3A_325 = arith.muli %scan3A_323, %mul3A_324 : i32
          %add3A_326 = arith.constant 8 : i32
          %add3A_327 = arith.addi %add3A_326, %mul3A_325 : i32
          %get3A_328 = arith.index_cast %add3A_327 : i32 to index
          %get3A_329 = tpu.vector_load %arg6[%get3A_328] {strides = array<i32>} : memref<4112xi32, #tpu.memory_space<vmem>>, vector<16xi32>,
          %shift_right_arithmetic3A_330 = vector.broadcast %scan3A_178 : i32 to vector<16xi32>
          %shift_right_arithmetic3A_331 = arith.shrsi %get3A_329, %shift_right_arithmetic3A_330 : vector<16xi32>
          %and3A_332 = arith.constant 1 : i32
          %and3A_333 = vector.broadcast %and3A_332 : i32 to vector<16xi32>
          %and3A_334 = arith.andi %shift_right_arithmetic3A_331, %and3A_333 : vector<16xi32>
          %mul3A_335 = arith.constant 16 : i32
          %mul3A_336 = arith.muli %scan3A_323, %mul3A_335 : i32
          %swap3A_337 = arith.index_cast %mul3A_336 : i32 to index
          %swap3A_338 = tpu.vector_load %arg8[%swap3A_337] {strides = array<i32>} : memref<4096xi32, #tpu.memory_space<vmem>>, vector<16xi32>,
          tpu.vector_store %arg8[%swap3A_337], %and3A_334 {strides = array<i32>} : memref<4096xi32, #tpu.memory_space<vmem>>, vector<16xi32>,
        }
        %scan3A_196 = arith.constant 256 : i32
        %add3A_197 = arith.addi %mul3A_2, %scan3A_178 : i32
        %mul3A_198 = arith.constant 9 : i32
        %mul3A_199 = arith.muli %add3A_197, %mul3A_198 : i32
        %add3A_200 = arith.constant 6 : i32
        %add3A_201 = arith.addi %mul3A_199, %add3A_200 : i32
        %mul3A_202 = arith.constant 4096 : i32
        %mul3A_203 = arith.muli %add3A_201, %mul3A_202 : i32
        %dma_start3A_204 = tpu.memref_slice %arg3[%mul3A_203] : memref<37748736xi32, #tpu.memory_space<hbm>> -> memref<4096xi32, #tpu.memory_space<hbm>>
        %dma_start3A_205 = tpu.memref_slice %arg3[%mul3A_203] : memref<37748736xi32, #tpu.memory_space<hbm>> -> memref<4096xi32, #tpu.memory_space<hbm>>
        tpu.enqueue_dma source(%arg8 : memref<4096xi32, #tpu.memory_space<vmem>>) target(%dma_start3A_205 : memref<4096xi32, #tpu.memory_space<hbm>>) target_semaphore(%arg12 : memref<!tpu.dma_semaphore, #tpu.memory_space<semaphore_mem>>)
      } else {
      }
      %and3A_182 = arith.constant 1 : i32
      %and3A_183 = arith.andi %scan3A_178, %and3A_182 : i32
      %ne3A = arith.constant 0 : i32
      %ne3A_184 = arith.cmpi ne, %and3A_183, %ne3A : i32
      %convert_element_type3A_185 = arith.extui %ne3A_184 : i1 to i32
      %cond3A_186 = arith.constant 0 : i32
      %cond3A_187 = arith.cmpi ne, %convert_element_type3A_185, %cond3A_186 : i32
      scf.if %cond3A_187 {
        %ge3A = arith.constant 2 : i32
        %ge3A_188 = arith.cmpi sge, %scan3A_178, %ge3A : i32
        %convert_element_type3A_189 = arith.extui %ge3A_188 : i1 to i32
        %cond3A_190 = arith.constant 0 : i32
        %cond3A_191 = arith.cmpi ne, %convert_element_type3A_189, %cond3A_190 : i32
        scf.if %cond3A_191 {
          %dma_wait3A_206 = arith.constant 0 : i32
          %dma_wait3A_207 = tpu.memref_slice %arg3[%dma_wait3A_206] : memref<37748736xi32, #tpu.memory_space<hbm>> -> memref<4096xi32, #tpu.memory_space<hbm>>
          %dma_wait3A_208 = arith.constant 0 : i32
          %dma_wait3A_209 = tpu.memref_slice %arg3[%dma_wait3A_208] : memref<37748736xi32, #tpu.memory_space<hbm>> -> memref<4096xi32, #tpu.memory_space<hbm>>
          tpu.wait_dma2 semaphore(%arg13 : memref<!tpu.dma_semaphore, #tpu.memory_space<semaphore_mem>>) src(%arg9 : memref<4096xi32, #tpu.memory_space<vmem>>) dst(%dma_wait3A_209 : memref<4096xi32, #tpu.memory_space<hbm>>)
        } else {
        }
        %scan3A_192 = arith.constant 0 : i32
        %scan3A_193 = arith.constant 256 : i32
        %scan3A_194 = arith.addi %scan3A_192, %scan3A_193 : i32
        %scan3A_195 = arith.constant 8 : i32
        scf.for %scan3A_206 = %scan3A_192 to %scan3A_194 step %scan3A_195  : i32 {
          %mul3A_207 = arith.constant 16 : i32
          %mul3A_208 = arith.muli %scan3A_206, %mul3A_207 : i32
          %add3A_209 = arith.constant 8 : i32
          %add3A_210 = arith.addi %add3A_209, %mul3A_208 : i32
          %get3A = arith.index_cast %add3A_210 : i32 to index
          %get3A_211 = tpu.vector_load %arg6[%get3A] {strides = array<i32>} : memref<4112xi32, #tpu.memory_space<vmem>>, vector<16xi32>,
          %shift_right_arithmetic3A = vector.broadcast %scan3A_178 : i32 to vector<16xi32>
          %shift_right_arithmetic3A_212 = arith.shrsi %get3A_211, %shift_right_arithmetic3A : vector<16xi32>
          %and3A_213 = arith.constant 1 : i32
          %and3A_214 = vector.broadcast %and3A_213 : i32 to vector<16xi32>
          %and3A_215 = arith.andi %shift_right_arithmetic3A_212, %and3A_214 : vector<16xi32>
          %mul3A_216 = arith.constant 16 : i32
          %mul3A_217 = arith.muli %scan3A_206, %mul3A_216 : i32
          %swap3A_218 = arith.index_cast %mul3A_217 : i32 to index
          %swap3A_219 = tpu.vector_load %arg9[%swap3A_218] {strides = array<i32>} : memref<4096xi32, #tpu.memory_space<vmem>>, vector<16xi32>,
          tpu.vector_store %arg9[%swap3A_218], %and3A_215 {strides = array<i32>} : memref<4096xi32, #tpu.memory_space<vmem>>, vector<16xi32>,
          %scan3A_220 = arith.constant 1 : i32
          %scan3A_221 = arith.addi %scan3A_206, %scan3A_220 : i32
          %mul3A_222 = arith.constant 16 : i32
          %mul3A_223 = arith.muli %scan3A_221, %mul3A_222 : i32
          %add3A_224 = arith.constant 8 : i32
          %add3A_225 = arith.addi %add3A_224, %mul3A_223 : i32
          %get3A_226 = arith.index_cast %add3A_225 : i32 to index
          %get3A_227 = tpu.vector_load %arg6[%get3A_226] {strides = array<i32>} : memref<4112xi32, #tpu.memory_space<vmem>>, vector<16xi32>,
          %shift_right_arithmetic3A_228 = vector.broadcast %scan3A_178 : i32 to vector<16xi32>
          %shift_right_arithmetic3A_229 = arith.shrsi %get3A_227, %shift_right_arithmetic3A_228 : vector<16xi32>
          %and3A_230 = arith.constant 1 : i32
          %and3A_231 = vector.broadcast %and3A_230 : i32 to vector<16xi32>
          %and3A_232 = arith.andi %shift_right_arithmetic3A_229, %and3A_231 : vector<16xi32>
          %mul3A_233 = arith.constant 16 : i32
          %mul3A_234 = arith.muli %scan3A_221, %mul3A_233 : i32
          %swap3A_235 = arith.index_cast %mul3A_234 : i32 to index
          %swap3A_236 = tpu.vector_load %arg9[%swap3A_235] {strides = array<i32>} : memref<4096xi32, #tpu.memory_space<vmem>>, vector<16xi32>,
          tpu.vector_store %arg9[%swap3A_235], %and3A_232 {strides = array<i32>} : memref<4096xi32, #tpu.memory_space<vmem>>, vector<16xi32>,
          %scan3A_237 = arith.constant 2 : i32
          %scan3A_238 = arith.addi %scan3A_206, %scan3A_237 : i32
          %mul3A_239 = arith.constant 16 : i32
          %mul3A_240 = arith.muli %scan3A_238, %mul3A_239 : i32
          %add3A_241 = arith.constant 8 : i32
          %add3A_242 = arith.addi %add3A_241, %mul3A_240 : i32
          %get3A_243 = arith.index_cast %add3A_242 : i32 to index
          %get3A_244 = tpu.vector_load %arg6[%get3A_243] {strides = array<i32>} : memref<4112xi32, #tpu.memory_space<vmem>>, vector<16xi32>,
          %shift_right_arithmetic3A_245 = vector.broadcast %scan3A_178 : i32 to vector<16xi32>
          %shift_right_arithmetic3A_246 = arith.shrsi %get3A_244, %shift_right_arithmetic3A_245 : vector<16xi32>
          %and3A_247 = arith.constant 1 : i32
          %and3A_248 = vector.broadcast %and3A_247 : i32 to vector<16xi32>
          %and3A_249 = arith.andi %shift_right_arithmetic3A_246, %and3A_248 : vector<16xi32>
          %mul3A_250 = arith.constant 16 : i32
          %mul3A_251 = arith.muli %scan3A_238, %mul3A_250 : i32
          %swap3A_252 = arith.index_cast %mul3A_251 : i32 to index
          %swap3A_253 = tpu.vector_load %arg9[%swap3A_252] {strides = array<i32>} : memref<4096xi32, #tpu.memory_space<vmem>>, vector<16xi32>,
          tpu.vector_store %arg9[%swap3A_252], %and3A_249 {strides = array<i32>} : memref<4096xi32, #tpu.memory_space<vmem>>, vector<16xi32>,
          %scan3A_254 = arith.constant 3 : i32
          %scan3A_255 = arith.addi %scan3A_206, %scan3A_254 : i32
          %mul3A_256 = arith.constant 16 : i32
          %mul3A_257 = arith.muli %scan3A_255, %mul3A_256 : i32
          %add3A_258 = arith.constant 8 : i32
          %add3A_259 = arith.addi %add3A_258, %mul3A_257 : i32
          %get3A_260 = arith.index_cast %add3A_259 : i32 to index
          %get3A_261 = tpu.vector_load %arg6[%get3A_260] {strides = array<i32>} : memref<4112xi32, #tpu.memory_space<vmem>>, vector<16xi32>,
          %shift_right_arithmetic3A_262 = vector.broadcast %scan3A_178 : i32 to vector<16xi32>
          %shift_right_arithmetic3A_263 = arith.shrsi %get3A_261, %shift_right_arithmetic3A_262 : vector<16xi32>
          %and3A_264 = arith.constant 1 : i32
          %and3A_265 = vector.broadcast %and3A_264 : i32 to vector<16xi32>
          %and3A_266 = arith.andi %shift_right_arithmetic3A_263, %and3A_265 : vector<16xi32>
          %mul3A_267 = arith.constant 16 : i32
          %mul3A_268 = arith.muli %scan3A_255, %mul3A_267 : i32
          %swap3A_269 = arith.index_cast %mul3A_268 : i32 to index
          %swap3A_270 = tpu.vector_load %arg9[%swap3A_269] {strides = array<i32>} : memref<4096xi32, #tpu.memory_space<vmem>>, vector<16xi32>,
          tpu.vector_store %arg9[%swap3A_269], %and3A_266 {strides = array<i32>} : memref<4096xi32, #tpu.memory_space<vmem>>, vector<16xi32>,
          %scan3A_271 = arith.constant 4 : i32
          %scan3A_272 = arith.addi %scan3A_206, %scan3A_271 : i32
          %mul3A_273 = arith.constant 16 : i32
          %mul3A_274 = arith.muli %scan3A_272, %mul3A_273 : i32
          %add3A_275 = arith.constant 8 : i32
          %add3A_276 = arith.addi %add3A_275, %mul3A_274 : i32
          %get3A_277 = arith.index_cast %add3A_276 : i32 to index
          %get3A_278 = tpu.vector_load %arg6[%get3A_277] {strides = array<i32>} : memref<4112xi32, #tpu.memory_space<vmem>>, vector<16xi32>,
          %shift_right_arithmetic3A_279 = vector.broadcast %scan3A_178 : i32 to vector<16xi32>
          %shift_right_arithmetic3A_280 = arith.shrsi %get3A_278, %shift_right_arithmetic3A_279 : vector<16xi32>
          %and3A_281 = arith.constant 1 : i32
          %and3A_282 = vector.broadcast %and3A_281 : i32 to vector<16xi32>
          %and3A_283 = arith.andi %shift_right_arithmetic3A_280, %and3A_282 : vector<16xi32>
          %mul3A_284 = arith.constant 16 : i32
          %mul3A_285 = arith.muli %scan3A_272, %mul3A_284 : i32
          %swap3A_286 = arith.index_cast %mul3A_285 : i32 to index
          %swap3A_287 = tpu.vector_load %arg9[%swap3A_286] {strides = array<i32>} : memref<4096xi32, #tpu.memory_space<vmem>>, vector<16xi32>,
          tpu.vector_store %arg9[%swap3A_286], %and3A_283 {strides = array<i32>} : memref<4096xi32, #tpu.memory_space<vmem>>, vector<16xi32>,
          %scan3A_288 = arith.constant 5 : i32
          %scan3A_289 = arith.addi %scan3A_206, %scan3A_288 : i32
          %mul3A_290 = arith.constant 16 : i32
          %mul3A_291 = arith.muli %scan3A_289, %mul3A_290 : i32
          %add3A_292 = arith.constant 8 : i32
          %add3A_293 = arith.addi %add3A_292, %mul3A_291 : i32
          %get3A_294 = arith.index_cast %add3A_293 : i32 to index
          %get3A_295 = tpu.vector_load %arg6[%get3A_294] {strides = array<i32>} : memref<4112xi32, #tpu.memory_space<vmem>>, vector<16xi32>,
          %shift_right_arithmetic3A_296 = vector.broadcast %scan3A_178 : i32 to vector<16xi32>
          %shift_right_arithmetic3A_297 = arith.shrsi %get3A_295, %shift_right_arithmetic3A_296 : vector<16xi32>
          %and3A_298 = arith.constant 1 : i32
          %and3A_299 = vector.broadcast %and3A_298 : i32 to vector<16xi32>
          %and3A_300 = arith.andi %shift_right_arithmetic3A_297, %and3A_299 : vector<16xi32>
          %mul3A_301 = arith.constant 16 : i32
          %mul3A_302 = arith.muli %scan3A_289, %mul3A_301 : i32
          %swap3A_303 = arith.index_cast %mul3A_302 : i32 to index
          %swap3A_304 = tpu.vector_load %arg9[%swap3A_303] {strides = array<i32>} : memref<4096xi32, #tpu.memory_space<vmem>>, vector<16xi32>,
          tpu.vector_store %arg9[%swap3A_303], %and3A_300 {strides = array<i32>} : memref<4096xi32, #tpu.memory_space<vmem>>, vector<16xi32>,
          %scan3A_305 = arith.constant 6 : i32
          %scan3A_306 = arith.addi %scan3A_206, %scan3A_305 : i32
          %mul3A_307 = arith.constant 16 : i32
          %mul3A_308 = arith.muli %scan3A_306, %mul3A_307 : i32
          %add3A_309 = arith.constant 8 : i32
          %add3A_310 = arith.addi %add3A_309, %mul3A_308 : i32
          %get3A_311 = arith.index_cast %add3A_310 : i32 to index
          %get3A_312 = tpu.vector_load %arg6[%get3A_311] {strides = array<i32>} : memref<4112xi32, #tpu.memory_space<vmem>>, vector<16xi32>,
          %shift_right_arithmetic3A_313 = vector.broadcast %scan3A_178 : i32 to vector<16xi32>
          %shift_right_arithmetic3A_314 = arith.shrsi %get3A_312, %shift_right_arithmetic3A_313 : vector<16xi32>
          %and3A_315 = arith.constant 1 : i32
          %and3A_316 = vector.broadcast %and3A_315 : i32 to vector<16xi32>
          %and3A_317 = arith.andi %shift_right_arithmetic3A_314, %and3A_316 : vector<16xi32>
          %mul3A_318 = arith.constant 16 : i32
          %mul3A_319 = arith.muli %scan3A_306, %mul3A_318 : i32
          %swap3A_320 = arith.index_cast %mul3A_319 : i32 to index
          %swap3A_321 = tpu.vector_load %arg9[%swap3A_320] {strides = array<i32>} : memref<4096xi32, #tpu.memory_space<vmem>>, vector<16xi32>,
          tpu.vector_store %arg9[%swap3A_320], %and3A_317 {strides = array<i32>} : memref<4096xi32, #tpu.memory_space<vmem>>, vector<16xi32>,
          %scan3A_322 = arith.constant 7 : i32
          %scan3A_323 = arith.addi %scan3A_206, %scan3A_322 : i32
          %mul3A_324 = arith.constant 16 : i32
          %mul3A_325 = arith.muli %scan3A_323, %mul3A_324 : i32
          %add3A_326 = arith.constant 8 : i32
          %add3A_327 = arith.addi %add3A_326, %mul3A_325 : i32
          %get3A_328 = arith.index_cast %add3A_327 : i32 to index
          %get3A_329 = tpu.vector_load %arg6[%get3A_328] {strides = array<i32>} : memref<4112xi32, #tpu.memory_space<vmem>>, vector<16xi32>,
          %shift_right_arithmetic3A_330 = vector.broadcast %scan3A_178 : i32 to vector<16xi32>
          %shift_right_arithmetic3A_331 = arith.shrsi %get3A_329, %shift_right_arithmetic3A_330 : vector<16xi32>
          %and3A_332 = arith.constant 1 : i32
          %and3A_333 = vector.broadcast %and3A_332 : i32 to vector<16xi32>
          %and3A_334 = arith.andi %shift_right_arithmetic3A_331, %and3A_333 : vector<16xi32>
          %mul3A_335 = arith.constant 16 : i32
          %mul3A_336 = arith.muli %scan3A_323, %mul3A_335 : i32
          %swap3A_337 = arith.index_cast %mul3A_336 : i32 to index
          %swap3A_338 = tpu.vector_load %arg9[%swap3A_337] {strides = array<i32>} : memref<4096xi32, #tpu.memory_space<vmem>>, vector<16xi32>,
          tpu.vector_store %arg9[%swap3A_337], %and3A_334 {strides = array<i32>} : memref<4096xi32, #tpu.memory_space<vmem>>, vector<16xi32>,
        }
        %scan3A_196 = arith.constant 256 : i32
        %add3A_197 = arith.addi %mul3A_2, %scan3A_178 : i32
        %mul3A_198 = arith.constant 9 : i32
        %mul3A_199 = arith.muli %add3A_197, %mul3A_198 : i32
        %add3A_200 = arith.constant 6 : i32
        %add3A_201 = arith.addi %mul3A_199, %add3A_200 : i32
        %mul3A_202 = arith.constant 4096 : i32
        %mul3A_203 = arith.muli %add3A_201, %mul3A_202 : i32
        %dma_start3A_204 = tpu.memref_slice %arg3[%mul3A_203] : memref<37748736xi32, #tpu.memory_space<hbm>> -> memref<4096xi32, #tpu.memory_space<hbm>>
        %dma_start3A_205 = tpu.memref_slice %arg3[%mul3A_203] : memref<37748736xi32, #tpu.memory_space<hbm>> -> memref<4096xi32, #tpu.memory_space<hbm>>
        tpu.enqueue_dma source(%arg9 : memref<4096xi32, #tpu.memory_space<vmem>>) target(%dma_start3A_205 : memref<4096xi32, #tpu.memory_space<hbm>>) target_semaphore(%arg13 : memref<!tpu.dma_semaphore, #tpu.memory_space<semaphore_mem>>)
      } else {
      }
    }
    %scan3A_133 = arith.constant 32 : i32
    %dma_wait3A_134 = arith.constant 0 : i32
    %dma_wait3A_135 = tpu.memref_slice %arg3[%dma_wait3A_134] : memref<37748736xi32, #tpu.memory_space<hbm>> -> memref<4096xi32, #tpu.memory_space<hbm>>
    %dma_wait3A_136 = arith.constant 0 : i32
    %dma_wait3A_137 = tpu.memref_slice %arg3[%dma_wait3A_136] : memref<37748736xi32, #tpu.memory_space<hbm>> -> memref<4096xi32, #tpu.memory_space<hbm>>
    tpu.wait_dma2 semaphore(%arg12 : memref<!tpu.dma_semaphore, #tpu.memory_space<semaphore_mem>>) src(%arg8 : memref<4096xi32, #tpu.memory_space<vmem>>) dst(%dma_wait3A_137 : memref<4096xi32, #tpu.memory_space<hbm>>)
    %dma_wait3A_138 = arith.constant 0 : i32
    %dma_wait3A_139 = tpu.memref_slice %arg3[%dma_wait3A_138] : memref<37748736xi32, #tpu.memory_space<hbm>> -> memref<4096xi32, #tpu.memory_space<hbm>>
    %dma_wait3A_140 = arith.constant 0 : i32
    %dma_wait3A_141 = tpu.memref_slice %arg3[%dma_wait3A_140] : memref<37748736xi32, #tpu.memory_space<hbm>> -> memref<4096xi32, #tpu.memory_space<hbm>>
    tpu.wait_dma2 semaphore(%arg13 : memref<!tpu.dma_semaphore, #tpu.memory_space<semaphore_mem>>) src(%arg9 : memref<4096xi32, #tpu.memory_space<vmem>>) dst(%dma_wait3A_141 : memref<4096xi32, #tpu.memory_space<hbm>>)
    %scan3A_142 = arith.constant 0 : i32
    %scan3A_143 = arith.constant 256 : i32
    %scan3A_144 = arith.addi %scan3A_142, %scan3A_143 : i32
    %scan3A_145 = arith.constant 4 : i32
    scf.for %scan3A_178 = %scan3A_142 to %scan3A_144 step %scan3A_145  : i32 {
      %mul3A_179 = arith.constant 16 : i32
      %mul3A_180 = arith.muli %scan3A_178, %mul3A_179 : i32
      %add3A_181 = arith.constant 8 : i32
      %add3A_182 = arith.addi %add3A_181, %mul3A_180 : i32
      %get3A = arith.index_cast %add3A_182 : i32 to index
      %get3A_183 = tpu.vector_load %arg6[%get3A] {strides = array<i32>} : memref<4112xi32, #tpu.memory_space<vmem>>, vector<16xi32>,
      %sub3A = arith.constant 1 : i32
      %sub3A_184 = arith.subi %add3A_182, %sub3A : i32
      %get3A_185 = arith.index_cast %sub3A_184 : i32 to index
      %get3A_186 = tpu.vector_load %arg6[%get3A_185] {strides = array<i32>} : memref<4112xi32, #tpu.memory_space<vmem>>, vector<16xi32>,
      %add3A_187 = arith.constant 1 : i32
      %add3A_188 = arith.addi %add3A_182, %add3A_187 : i32
      %get3A_189 = arith.index_cast %add3A_188 : i32 to index
      %get3A_190 = tpu.vector_load %arg6[%get3A_189] {strides = array<i32>} : memref<4112xi32, #tpu.memory_space<vmem>>, vector<16xi32>,
      %or3A = arith.ori %get3A_186, %get3A_183 : vector<16xi32>
      %and3A = arith.andi %get3A_186, %get3A_183 : vector<16xi32>
      %and3A_191 = arith.andi %and3A, %get3A_190 : vector<16xi32>
      %not3A = arith.constant dense<-1> : vector<16xi32>
      %not3A_192 = arith.xori %and3A_191, %not3A : vector<16xi32>
      %and3A_193 = arith.andi %or3A, %not3A_192 : vector<16xi32>
      %swap3A_194 = arith.index_cast %add3A_182 : i32 to index
      %swap3A_195 = tpu.vector_load %arg7[%swap3A_194] {strides = array<i32>} : memref<4112xi32, #tpu.memory_space<vmem>>, vector<16xi32>,
      tpu.vector_store %arg7[%swap3A_194], %and3A_193 {strides = array<i32>} : memref<4112xi32, #tpu.memory_space<vmem>>, vector<16xi32>,
      %scan3A_196 = arith.constant 1 : i32
      %scan3A_197 = arith.addi %scan3A_178, %scan3A_196 : i32
      %mul3A_198 = arith.constant 16 : i32
      %mul3A_199 = arith.muli %scan3A_197, %mul3A_198 : i32
      %add3A_200 = arith.constant 8 : i32
      %add3A_201 = arith.addi %add3A_200, %mul3A_199 : i32
      %get3A_202 = arith.index_cast %add3A_201 : i32 to index
      %get3A_203 = tpu.vector_load %arg6[%get3A_202] {strides = array<i32>} : memref<4112xi32, #tpu.memory_space<vmem>>, vector<16xi32>,
      %sub3A_204 = arith.constant 1 : i32
      %sub3A_205 = arith.subi %add3A_201, %sub3A_204 : i32
      %get3A_206 = arith.index_cast %sub3A_205 : i32 to index
      %get3A_207 = tpu.vector_load %arg6[%get3A_206] {strides = array<i32>} : memref<4112xi32, #tpu.memory_space<vmem>>, vector<16xi32>,
      %add3A_208 = arith.constant 1 : i32
      %add3A_209 = arith.addi %add3A_201, %add3A_208 : i32
      %get3A_210 = arith.index_cast %add3A_209 : i32 to index
      %get3A_211 = tpu.vector_load %arg6[%get3A_210] {strides = array<i32>} : memref<4112xi32, #tpu.memory_space<vmem>>, vector<16xi32>,
      %or3A_212 = arith.ori %get3A_207, %get3A_203 : vector<16xi32>
      %and3A_213 = arith.andi %get3A_207, %get3A_203 : vector<16xi32>
      %and3A_214 = arith.andi %and3A_213, %get3A_211 : vector<16xi32>
      %not3A_215 = arith.constant dense<-1> : vector<16xi32>
      %not3A_216 = arith.xori %and3A_214, %not3A_215 : vector<16xi32>
      %and3A_217 = arith.andi %or3A_212, %not3A_216 : vector<16xi32>
      %swap3A_218 = arith.index_cast %add3A_201 : i32 to index
      %swap3A_219 = tpu.vector_load %arg7[%swap3A_218] {strides = array<i32>} : memref<4112xi32, #tpu.memory_space<vmem>>, vector<16xi32>,
      tpu.vector_store %arg7[%swap3A_218], %and3A_217 {strides = array<i32>} : memref<4112xi32, #tpu.memory_space<vmem>>, vector<16xi32>,
      %scan3A_220 = arith.constant 2 : i32
      %scan3A_221 = arith.addi %scan3A_178, %scan3A_220 : i32
      %mul3A_222 = arith.constant 16 : i32
      %mul3A_223 = arith.muli %scan3A_221, %mul3A_222 : i32
      %add3A_224 = arith.constant 8 : i32
      %add3A_225 = arith.addi %add3A_224, %mul3A_223 : i32
      %get3A_226 = arith.index_cast %add3A_225 : i32 to index
      %get3A_227 = tpu.vector_load %arg6[%get3A_226] {strides = array<i32>} : memref<4112xi32, #tpu.memory_space<vmem>>, vector<16xi32>,
      %sub3A_228 = arith.constant 1 : i32
      %sub3A_229 = arith.subi %add3A_225, %sub3A_228 : i32
      %get3A_230 = arith.index_cast %sub3A_229 : i32 to index
      %get3A_231 = tpu.vector_load %arg6[%get3A_230] {strides = array<i32>} : memref<4112xi32, #tpu.memory_space<vmem>>, vector<16xi32>,
      %add3A_232 = arith.constant 1 : i32
      %add3A_233 = arith.addi %add3A_225, %add3A_232 : i32
      %get3A_234 = arith.index_cast %add3A_233 : i32 to index
      %get3A_235 = tpu.vector_load %arg6[%get3A_234] {strides = array<i32>} : memref<4112xi32, #tpu.memory_space<vmem>>, vector<16xi32>,
      %or3A_236 = arith.ori %get3A_231, %get3A_227 : vector<16xi32>
      %and3A_237 = arith.andi %get3A_231, %get3A_227 : vector<16xi32>
      %and3A_238 = arith.andi %and3A_237, %get3A_235 : vector<16xi32>
      %not3A_239 = arith.constant dense<-1> : vector<16xi32>
      %not3A_240 = arith.xori %and3A_238, %not3A_239 : vector<16xi32>
      %and3A_241 = arith.andi %or3A_236, %not3A_240 : vector<16xi32>
      %swap3A_242 = arith.index_cast %add3A_225 : i32 to index
      %swap3A_243 = tpu.vector_load %arg7[%swap3A_242] {strides = array<i32>} : memref<4112xi32, #tpu.memory_space<vmem>>, vector<16xi32>,
      tpu.vector_store %arg7[%swap3A_242], %and3A_241 {strides = array<i32>} : memref<4112xi32, #tpu.memory_space<vmem>>, vector<16xi32>,
      %scan3A_244 = arith.constant 3 : i32
      %scan3A_245 = arith.addi %scan3A_178, %scan3A_244 : i32
      %mul3A_246 = arith.constant 16 : i32
      %mul3A_247 = arith.muli %scan3A_245, %mul3A_246 : i32
      %add3A_248 = arith.constant 8 : i32
      %add3A_249 = arith.addi %add3A_248, %mul3A_247 : i32
      %get3A_250 = arith.index_cast %add3A_249 : i32 to index
      %get3A_251 = tpu.vector_load %arg6[%get3A_250] {strides = array<i32>} : memref<4112xi32, #tpu.memory_space<vmem>>, vector<16xi32>,
      %sub3A_252 = arith.constant 1 : i32
      %sub3A_253 = arith.subi %add3A_249, %sub3A_252 : i32
      %get3A_254 = arith.index_cast %sub3A_253 : i32 to index
      %get3A_255 = tpu.vector_load %arg6[%get3A_254] {strides = array<i32>} : memref<4112xi32, #tpu.memory_space<vmem>>, vector<16xi32>,
      %add3A_256 = arith.constant 1 : i32
      %add3A_257 = arith.addi %add3A_249, %add3A_256 : i32
      %get3A_258 = arith.index_cast %add3A_257 : i32 to index
      %get3A_259 = tpu.vector_load %arg6[%get3A_258] {strides = array<i32>} : memref<4112xi32, #tpu.memory_space<vmem>>, vector<16xi32>,
      %or3A_260 = arith.ori %get3A_255, %get3A_251 : vector<16xi32>
      %and3A_261 = arith.andi %get3A_255, %get3A_251 : vector<16xi32>
      %and3A_262 = arith.andi %and3A_261, %get3A_259 : vector<16xi32>
      %not3A_263 = arith.constant dense<-1> : vector<16xi32>
      %not3A_264 = arith.xori %and3A_262, %not3A_263 : vector<16xi32>
      %and3A_265 = arith.andi %or3A_260, %not3A_264 : vector<16xi32>
      %swap3A_266 = arith.index_cast %add3A_249 : i32 to index
      %swap3A_267 = tpu.vector_load %arg7[%swap3A_266] {strides = array<i32>} : memref<4112xi32, #tpu.memory_space<vmem>>, vector<16xi32>,
      tpu.vector_store %arg7[%swap3A_266], %and3A_265 {strides = array<i32>} : memref<4112xi32, #tpu.memory_space<vmem>>, vector<16xi32>,
    }
    %scan3A_146 = arith.constant 256 : i32
    %scan3A_147 = arith.constant 0 : i32
    %scan3A_148 = arith.constant 32 : i32
    %scan3A_149 = arith.addi %scan3A_147, %scan3A_148 : i32
    %scan3A_150 = arith.constant 1 : i32
    scf.for %scan3A_178 = %scan3A_147 to %scan3A_149 step %scan3A_150  : i32 {
      %and3A = arith.constant 1 : i32
      %and3A_179 = arith.andi %scan3A_178, %and3A : i32
      %eq3A = arith.constant 0 : i32
      %eq3A_180 = arith.cmpi eq, %and3A_179, %eq3A : i32
      %convert_element_type3A = arith.extui %eq3A_180 : i1 to i32
      %cond3A = arith.constant 0 : i32
      %cond3A_181 = arith.cmpi ne, %convert_element_type3A, %cond3A : i32
      scf.if %cond3A_181 {
        %ge3A = arith.constant 2 : i32
        %ge3A_188 = arith.cmpi sge, %scan3A_178, %ge3A : i32
        %convert_element_type3A_189 = arith.extui %ge3A_188 : i1 to i32
        %cond3A_190 = arith.constant 0 : i32
        %cond3A_191 = arith.cmpi ne, %convert_element_type3A_189, %cond3A_190 : i32
        scf.if %cond3A_191 {
          %dma_wait3A_206 = arith.constant 0 : i32
          %dma_wait3A_207 = tpu.memref_slice %arg3[%dma_wait3A_206] : memref<37748736xi32, #tpu.memory_space<hbm>> -> memref<4096xi32, #tpu.memory_space<hbm>>
          %dma_wait3A_208 = arith.constant 0 : i32
          %dma_wait3A_209 = tpu.memref_slice %arg3[%dma_wait3A_208] : memref<37748736xi32, #tpu.memory_space<hbm>> -> memref<4096xi32, #tpu.memory_space<hbm>>
          tpu.wait_dma2 semaphore(%arg12 : memref<!tpu.dma_semaphore, #tpu.memory_space<semaphore_mem>>) src(%arg8 : memref<4096xi32, #tpu.memory_space<vmem>>) dst(%dma_wait3A_209 : memref<4096xi32, #tpu.memory_space<hbm>>)
        } else {
        }
        %scan3A_192 = arith.constant 0 : i32
        %scan3A_193 = arith.constant 256 : i32
        %scan3A_194 = arith.addi %scan3A_192, %scan3A_193 : i32
        %scan3A_195 = arith.constant 8 : i32
        scf.for %scan3A_206 = %scan3A_192 to %scan3A_194 step %scan3A_195  : i32 {
          %mul3A_207 = arith.constant 16 : i32
          %mul3A_208 = arith.muli %scan3A_206, %mul3A_207 : i32
          %add3A_209 = arith.constant 8 : i32
          %add3A_210 = arith.addi %add3A_209, %mul3A_208 : i32
          %get3A = arith.index_cast %add3A_210 : i32 to index
          %get3A_211 = tpu.vector_load %arg7[%get3A] {strides = array<i32>} : memref<4112xi32, #tpu.memory_space<vmem>>, vector<16xi32>,
          %shift_right_arithmetic3A = vector.broadcast %scan3A_178 : i32 to vector<16xi32>
          %shift_right_arithmetic3A_212 = arith.shrsi %get3A_211, %shift_right_arithmetic3A : vector<16xi32>
          %and3A_213 = arith.constant 1 : i32
          %and3A_214 = vector.broadcast %and3A_213 : i32 to vector<16xi32>
          %and3A_215 = arith.andi %shift_right_arithmetic3A_212, %and3A_214 : vector<16xi32>
          %mul3A_216 = arith.constant 16 : i32
          %mul3A_217 = arith.muli %scan3A_206, %mul3A_216 : i32
          %swap3A_218 = arith.index_cast %mul3A_217 : i32 to index
          %swap3A_219 = tpu.vector_load %arg8[%swap3A_218] {strides = array<i32>} : memref<4096xi32, #tpu.memory_space<vmem>>, vector<16xi32>,
          tpu.vector_store %arg8[%swap3A_218], %and3A_215 {strides = array<i32>} : memref<4096xi32, #tpu.memory_space<vmem>>, vector<16xi32>,
          %scan3A_220 = arith.constant 1 : i32
          %scan3A_221 = arith.addi %scan3A_206, %scan3A_220 : i32
          %mul3A_222 = arith.constant 16 : i32
          %mul3A_223 = arith.muli %scan3A_221, %mul3A_222 : i32
          %add3A_224 = arith.constant 8 : i32
          %add3A_225 = arith.addi %add3A_224, %mul3A_223 : i32
          %get3A_226 = arith.index_cast %add3A_225 : i32 to index
          %get3A_227 = tpu.vector_load %arg7[%get3A_226] {strides = array<i32>} : memref<4112xi32, #tpu.memory_space<vmem>>, vector<16xi32>,
          %shift_right_arithmetic3A_228 = vector.broadcast %scan3A_178 : i32 to vector<16xi32>
          %shift_right_arithmetic3A_229 = arith.shrsi %get3A_227, %shift_right_arithmetic3A_228 : vector<16xi32>
          %and3A_230 = arith.constant 1 : i32
          %and3A_231 = vector.broadcast %and3A_230 : i32 to vector<16xi32>
          %and3A_232 = arith.andi %shift_right_arithmetic3A_229, %and3A_231 : vector<16xi32>
          %mul3A_233 = arith.constant 16 : i32
          %mul3A_234 = arith.muli %scan3A_221, %mul3A_233 : i32
          %swap3A_235 = arith.index_cast %mul3A_234 : i32 to index
          %swap3A_236 = tpu.vector_load %arg8[%swap3A_235] {strides = array<i32>} : memref<4096xi32, #tpu.memory_space<vmem>>, vector<16xi32>,
          tpu.vector_store %arg8[%swap3A_235], %and3A_232 {strides = array<i32>} : memref<4096xi32, #tpu.memory_space<vmem>>, vector<16xi32>,
          %scan3A_237 = arith.constant 2 : i32
          %scan3A_238 = arith.addi %scan3A_206, %scan3A_237 : i32
          %mul3A_239 = arith.constant 16 : i32
          %mul3A_240 = arith.muli %scan3A_238, %mul3A_239 : i32
          %add3A_241 = arith.constant 8 : i32
          %add3A_242 = arith.addi %add3A_241, %mul3A_240 : i32
          %get3A_243 = arith.index_cast %add3A_242 : i32 to index
          %get3A_244 = tpu.vector_load %arg7[%get3A_243] {strides = array<i32>} : memref<4112xi32, #tpu.memory_space<vmem>>, vector<16xi32>,
          %shift_right_arithmetic3A_245 = vector.broadcast %scan3A_178 : i32 to vector<16xi32>
          %shift_right_arithmetic3A_246 = arith.shrsi %get3A_244, %shift_right_arithmetic3A_245 : vector<16xi32>
          %and3A_247 = arith.constant 1 : i32
          %and3A_248 = vector.broadcast %and3A_247 : i32 to vector<16xi32>
          %and3A_249 = arith.andi %shift_right_arithmetic3A_246, %and3A_248 : vector<16xi32>
          %mul3A_250 = arith.constant 16 : i32
          %mul3A_251 = arith.muli %scan3A_238, %mul3A_250 : i32
          %swap3A_252 = arith.index_cast %mul3A_251 : i32 to index
          %swap3A_253 = tpu.vector_load %arg8[%swap3A_252] {strides = array<i32>} : memref<4096xi32, #tpu.memory_space<vmem>>, vector<16xi32>,
          tpu.vector_store %arg8[%swap3A_252], %and3A_249 {strides = array<i32>} : memref<4096xi32, #tpu.memory_space<vmem>>, vector<16xi32>,
          %scan3A_254 = arith.constant 3 : i32
          %scan3A_255 = arith.addi %scan3A_206, %scan3A_254 : i32
          %mul3A_256 = arith.constant 16 : i32
          %mul3A_257 = arith.muli %scan3A_255, %mul3A_256 : i32
          %add3A_258 = arith.constant 8 : i32
          %add3A_259 = arith.addi %add3A_258, %mul3A_257 : i32
          %get3A_260 = arith.index_cast %add3A_259 : i32 to index
          %get3A_261 = tpu.vector_load %arg7[%get3A_260] {strides = array<i32>} : memref<4112xi32, #tpu.memory_space<vmem>>, vector<16xi32>,
          %shift_right_arithmetic3A_262 = vector.broadcast %scan3A_178 : i32 to vector<16xi32>
          %shift_right_arithmetic3A_263 = arith.shrsi %get3A_261, %shift_right_arithmetic3A_262 : vector<16xi32>
          %and3A_264 = arith.constant 1 : i32
          %and3A_265 = vector.broadcast %and3A_264 : i32 to vector<16xi32>
          %and3A_266 = arith.andi %shift_right_arithmetic3A_263, %and3A_265 : vector<16xi32>
          %mul3A_267 = arith.constant 16 : i32
          %mul3A_268 = arith.muli %scan3A_255, %mul3A_267 : i32
          %swap3A_269 = arith.index_cast %mul3A_268 : i32 to index
          %swap3A_270 = tpu.vector_load %arg8[%swap3A_269] {strides = array<i32>} : memref<4096xi32, #tpu.memory_space<vmem>>, vector<16xi32>,
          tpu.vector_store %arg8[%swap3A_269], %and3A_266 {strides = array<i32>} : memref<4096xi32, #tpu.memory_space<vmem>>, vector<16xi32>,
          %scan3A_271 = arith.constant 4 : i32
          %scan3A_272 = arith.addi %scan3A_206, %scan3A_271 : i32
          %mul3A_273 = arith.constant 16 : i32
          %mul3A_274 = arith.muli %scan3A_272, %mul3A_273 : i32
          %add3A_275 = arith.constant 8 : i32
          %add3A_276 = arith.addi %add3A_275, %mul3A_274 : i32
          %get3A_277 = arith.index_cast %add3A_276 : i32 to index
          %get3A_278 = tpu.vector_load %arg7[%get3A_277] {strides = array<i32>} : memref<4112xi32, #tpu.memory_space<vmem>>, vector<16xi32>,
          %shift_right_arithmetic3A_279 = vector.broadcast %scan3A_178 : i32 to vector<16xi32>
          %shift_right_arithmetic3A_280 = arith.shrsi %get3A_278, %shift_right_arithmetic3A_279 : vector<16xi32>
          %and3A_281 = arith.constant 1 : i32
          %and3A_282 = vector.broadcast %and3A_281 : i32 to vector<16xi32>
          %and3A_283 = arith.andi %shift_right_arithmetic3A_280, %and3A_282 : vector<16xi32>
          %mul3A_284 = arith.constant 16 : i32
          %mul3A_285 = arith.muli %scan3A_272, %mul3A_284 : i32
          %swap3A_286 = arith.index_cast %mul3A_285 : i32 to index
          %swap3A_287 = tpu.vector_load %arg8[%swap3A_286] {strides = array<i32>} : memref<4096xi32, #tpu.memory_space<vmem>>, vector<16xi32>,
          tpu.vector_store %arg8[%swap3A_286], %and3A_283 {strides = array<i32>} : memref<4096xi32, #tpu.memory_space<vmem>>, vector<16xi32>,
          %scan3A_288 = arith.constant 5 : i32
          %scan3A_289 = arith.addi %scan3A_206, %scan3A_288 : i32
          %mul3A_290 = arith.constant 16 : i32
          %mul3A_291 = arith.muli %scan3A_289, %mul3A_290 : i32
          %add3A_292 = arith.constant 8 : i32
          %add3A_293 = arith.addi %add3A_292, %mul3A_291 : i32
          %get3A_294 = arith.index_cast %add3A_293 : i32 to index
          %get3A_295 = tpu.vector_load %arg7[%get3A_294] {strides = array<i32>} : memref<4112xi32, #tpu.memory_space<vmem>>, vector<16xi32>,
          %shift_right_arithmetic3A_296 = vector.broadcast %scan3A_178 : i32 to vector<16xi32>
          %shift_right_arithmetic3A_297 = arith.shrsi %get3A_295, %shift_right_arithmetic3A_296 : vector<16xi32>
          %and3A_298 = arith.constant 1 : i32
          %and3A_299 = vector.broadcast %and3A_298 : i32 to vector<16xi32>
          %and3A_300 = arith.andi %shift_right_arithmetic3A_297, %and3A_299 : vector<16xi32>
          %mul3A_301 = arith.constant 16 : i32
          %mul3A_302 = arith.muli %scan3A_289, %mul3A_301 : i32
          %swap3A_303 = arith.index_cast %mul3A_302 : i32 to index
          %swap3A_304 = tpu.vector_load %arg8[%swap3A_303] {strides = array<i32>} : memref<4096xi32, #tpu.memory_space<vmem>>, vector<16xi32>,
          tpu.vector_store %arg8[%swap3A_303], %and3A_300 {strides = array<i32>} : memref<4096xi32, #tpu.memory_space<vmem>>, vector<16xi32>,
          %scan3A_305 = arith.constant 6 : i32
          %scan3A_306 = arith.addi %scan3A_206, %scan3A_305 : i32
          %mul3A_307 = arith.constant 16 : i32
          %mul3A_308 = arith.muli %scan3A_306, %mul3A_307 : i32
          %add3A_309 = arith.constant 8 : i32
          %add3A_310 = arith.addi %add3A_309, %mul3A_308 : i32
          %get3A_311 = arith.index_cast %add3A_310 : i32 to index
          %get3A_312 = tpu.vector_load %arg7[%get3A_311] {strides = array<i32>} : memref<4112xi32, #tpu.memory_space<vmem>>, vector<16xi32>,
          %shift_right_arithmetic3A_313 = vector.broadcast %scan3A_178 : i32 to vector<16xi32>
          %shift_right_arithmetic3A_314 = arith.shrsi %get3A_312, %shift_right_arithmetic3A_313 : vector<16xi32>
          %and3A_315 = arith.constant 1 : i32
          %and3A_316 = vector.broadcast %and3A_315 : i32 to vector<16xi32>
          %and3A_317 = arith.andi %shift_right_arithmetic3A_314, %and3A_316 : vector<16xi32>
          %mul3A_318 = arith.constant 16 : i32
          %mul3A_319 = arith.muli %scan3A_306, %mul3A_318 : i32
          %swap3A_320 = arith.index_cast %mul3A_319 : i32 to index
          %swap3A_321 = tpu.vector_load %arg8[%swap3A_320] {strides = array<i32>} : memref<4096xi32, #tpu.memory_space<vmem>>, vector<16xi32>,
          tpu.vector_store %arg8[%swap3A_320], %and3A_317 {strides = array<i32>} : memref<4096xi32, #tpu.memory_space<vmem>>, vector<16xi32>,
          %scan3A_322 = arith.constant 7 : i32
          %scan3A_323 = arith.addi %scan3A_206, %scan3A_322 : i32
          %mul3A_324 = arith.constant 16 : i32
          %mul3A_325 = arith.muli %scan3A_323, %mul3A_324 : i32
          %add3A_326 = arith.constant 8 : i32
          %add3A_327 = arith.addi %add3A_326, %mul3A_325 : i32
          %get3A_328 = arith.index_cast %add3A_327 : i32 to index
          %get3A_329 = tpu.vector_load %arg7[%get3A_328] {strides = array<i32>} : memref<4112xi32, #tpu.memory_space<vmem>>, vector<16xi32>,
          %shift_right_arithmetic3A_330 = vector.broadcast %scan3A_178 : i32 to vector<16xi32>
          %shift_right_arithmetic3A_331 = arith.shrsi %get3A_329, %shift_right_arithmetic3A_330 : vector<16xi32>
          %and3A_332 = arith.constant 1 : i32
          %and3A_333 = vector.broadcast %and3A_332 : i32 to vector<16xi32>
          %and3A_334 = arith.andi %shift_right_arithmetic3A_331, %and3A_333 : vector<16xi32>
          %mul3A_335 = arith.constant 16 : i32
          %mul3A_336 = arith.muli %scan3A_323, %mul3A_335 : i32
          %swap3A_337 = arith.index_cast %mul3A_336 : i32 to index
          %swap3A_338 = tpu.vector_load %arg8[%swap3A_337] {strides = array<i32>} : memref<4096xi32, #tpu.memory_space<vmem>>, vector<16xi32>,
          tpu.vector_store %arg8[%swap3A_337], %and3A_334 {strides = array<i32>} : memref<4096xi32, #tpu.memory_space<vmem>>, vector<16xi32>,
        }
        %scan3A_196 = arith.constant 256 : i32
        %add3A_197 = arith.addi %mul3A_2, %scan3A_178 : i32
        %mul3A_198 = arith.constant 9 : i32
        %mul3A_199 = arith.muli %add3A_197, %mul3A_198 : i32
        %add3A_200 = arith.constant 7 : i32
        %add3A_201 = arith.addi %mul3A_199, %add3A_200 : i32
        %mul3A_202 = arith.constant 4096 : i32
        %mul3A_203 = arith.muli %add3A_201, %mul3A_202 : i32
        %dma_start3A_204 = tpu.memref_slice %arg3[%mul3A_203] : memref<37748736xi32, #tpu.memory_space<hbm>> -> memref<4096xi32, #tpu.memory_space<hbm>>
        %dma_start3A_205 = tpu.memref_slice %arg3[%mul3A_203] : memref<37748736xi32, #tpu.memory_space<hbm>> -> memref<4096xi32, #tpu.memory_space<hbm>>
        tpu.enqueue_dma source(%arg8 : memref<4096xi32, #tpu.memory_space<vmem>>) target(%dma_start3A_205 : memref<4096xi32, #tpu.memory_space<hbm>>) target_semaphore(%arg12 : memref<!tpu.dma_semaphore, #tpu.memory_space<semaphore_mem>>)
      } else {
      }
      %and3A_182 = arith.constant 1 : i32
      %and3A_183 = arith.andi %scan3A_178, %and3A_182 : i32
      %ne3A = arith.constant 0 : i32
      %ne3A_184 = arith.cmpi ne, %and3A_183, %ne3A : i32
      %convert_element_type3A_185 = arith.extui %ne3A_184 : i1 to i32
      %cond3A_186 = arith.constant 0 : i32
      %cond3A_187 = arith.cmpi ne, %convert_element_type3A_185, %cond3A_186 : i32
      scf.if %cond3A_187 {
        %ge3A = arith.constant 2 : i32
        %ge3A_188 = arith.cmpi sge, %scan3A_178, %ge3A : i32
        %convert_element_type3A_189 = arith.extui %ge3A_188 : i1 to i32
        %cond3A_190 = arith.constant 0 : i32
        %cond3A_191 = arith.cmpi ne, %convert_element_type3A_189, %cond3A_190 : i32
        scf.if %cond3A_191 {
          %dma_wait3A_206 = arith.constant 0 : i32
          %dma_wait3A_207 = tpu.memref_slice %arg3[%dma_wait3A_206] : memref<37748736xi32, #tpu.memory_space<hbm>> -> memref<4096xi32, #tpu.memory_space<hbm>>
          %dma_wait3A_208 = arith.constant 0 : i32
          %dma_wait3A_209 = tpu.memref_slice %arg3[%dma_wait3A_208] : memref<37748736xi32, #tpu.memory_space<hbm>> -> memref<4096xi32, #tpu.memory_space<hbm>>
          tpu.wait_dma2 semaphore(%arg13 : memref<!tpu.dma_semaphore, #tpu.memory_space<semaphore_mem>>) src(%arg9 : memref<4096xi32, #tpu.memory_space<vmem>>) dst(%dma_wait3A_209 : memref<4096xi32, #tpu.memory_space<hbm>>)
        } else {
        }
        %scan3A_192 = arith.constant 0 : i32
        %scan3A_193 = arith.constant 256 : i32
        %scan3A_194 = arith.addi %scan3A_192, %scan3A_193 : i32
        %scan3A_195 = arith.constant 8 : i32
        scf.for %scan3A_206 = %scan3A_192 to %scan3A_194 step %scan3A_195  : i32 {
          %mul3A_207 = arith.constant 16 : i32
          %mul3A_208 = arith.muli %scan3A_206, %mul3A_207 : i32
          %add3A_209 = arith.constant 8 : i32
          %add3A_210 = arith.addi %add3A_209, %mul3A_208 : i32
          %get3A = arith.index_cast %add3A_210 : i32 to index
          %get3A_211 = tpu.vector_load %arg7[%get3A] {strides = array<i32>} : memref<4112xi32, #tpu.memory_space<vmem>>, vector<16xi32>,
          %shift_right_arithmetic3A = vector.broadcast %scan3A_178 : i32 to vector<16xi32>
          %shift_right_arithmetic3A_212 = arith.shrsi %get3A_211, %shift_right_arithmetic3A : vector<16xi32>
          %and3A_213 = arith.constant 1 : i32
          %and3A_214 = vector.broadcast %and3A_213 : i32 to vector<16xi32>
          %and3A_215 = arith.andi %shift_right_arithmetic3A_212, %and3A_214 : vector<16xi32>
          %mul3A_216 = arith.constant 16 : i32
          %mul3A_217 = arith.muli %scan3A_206, %mul3A_216 : i32
          %swap3A_218 = arith.index_cast %mul3A_217 : i32 to index
          %swap3A_219 = tpu.vector_load %arg9[%swap3A_218] {strides = array<i32>} : memref<4096xi32, #tpu.memory_space<vmem>>, vector<16xi32>,
          tpu.vector_store %arg9[%swap3A_218], %and3A_215 {strides = array<i32>} : memref<4096xi32, #tpu.memory_space<vmem>>, vector<16xi32>,
          %scan3A_220 = arith.constant 1 : i32
          %scan3A_221 = arith.addi %scan3A_206, %scan3A_220 : i32
          %mul3A_222 = arith.constant 16 : i32
          %mul3A_223 = arith.muli %scan3A_221, %mul3A_222 : i32
          %add3A_224 = arith.constant 8 : i32
          %add3A_225 = arith.addi %add3A_224, %mul3A_223 : i32
          %get3A_226 = arith.index_cast %add3A_225 : i32 to index
          %get3A_227 = tpu.vector_load %arg7[%get3A_226] {strides = array<i32>} : memref<4112xi32, #tpu.memory_space<vmem>>, vector<16xi32>,
          %shift_right_arithmetic3A_228 = vector.broadcast %scan3A_178 : i32 to vector<16xi32>
          %shift_right_arithmetic3A_229 = arith.shrsi %get3A_227, %shift_right_arithmetic3A_228 : vector<16xi32>
          %and3A_230 = arith.constant 1 : i32
          %and3A_231 = vector.broadcast %and3A_230 : i32 to vector<16xi32>
          %and3A_232 = arith.andi %shift_right_arithmetic3A_229, %and3A_231 : vector<16xi32>
          %mul3A_233 = arith.constant 16 : i32
          %mul3A_234 = arith.muli %scan3A_221, %mul3A_233 : i32
          %swap3A_235 = arith.index_cast %mul3A_234 : i32 to index
          %swap3A_236 = tpu.vector_load %arg9[%swap3A_235] {strides = array<i32>} : memref<4096xi32, #tpu.memory_space<vmem>>, vector<16xi32>,
          tpu.vector_store %arg9[%swap3A_235], %and3A_232 {strides = array<i32>} : memref<4096xi32, #tpu.memory_space<vmem>>, vector<16xi32>,
          %scan3A_237 = arith.constant 2 : i32
          %scan3A_238 = arith.addi %scan3A_206, %scan3A_237 : i32
          %mul3A_239 = arith.constant 16 : i32
          %mul3A_240 = arith.muli %scan3A_238, %mul3A_239 : i32
          %add3A_241 = arith.constant 8 : i32
          %add3A_242 = arith.addi %add3A_241, %mul3A_240 : i32
          %get3A_243 = arith.index_cast %add3A_242 : i32 to index
          %get3A_244 = tpu.vector_load %arg7[%get3A_243] {strides = array<i32>} : memref<4112xi32, #tpu.memory_space<vmem>>, vector<16xi32>,
          %shift_right_arithmetic3A_245 = vector.broadcast %scan3A_178 : i32 to vector<16xi32>
          %shift_right_arithmetic3A_246 = arith.shrsi %get3A_244, %shift_right_arithmetic3A_245 : vector<16xi32>
          %and3A_247 = arith.constant 1 : i32
          %and3A_248 = vector.broadcast %and3A_247 : i32 to vector<16xi32>
          %and3A_249 = arith.andi %shift_right_arithmetic3A_246, %and3A_248 : vector<16xi32>
          %mul3A_250 = arith.constant 16 : i32
          %mul3A_251 = arith.muli %scan3A_238, %mul3A_250 : i32
          %swap3A_252 = arith.index_cast %mul3A_251 : i32 to index
          %swap3A_253 = tpu.vector_load %arg9[%swap3A_252] {strides = array<i32>} : memref<4096xi32, #tpu.memory_space<vmem>>, vector<16xi32>,
          tpu.vector_store %arg9[%swap3A_252], %and3A_249 {strides = array<i32>} : memref<4096xi32, #tpu.memory_space<vmem>>, vector<16xi32>,
          %scan3A_254 = arith.constant 3 : i32
          %scan3A_255 = arith.addi %scan3A_206, %scan3A_254 : i32
          %mul3A_256 = arith.constant 16 : i32
          %mul3A_257 = arith.muli %scan3A_255, %mul3A_256 : i32
          %add3A_258 = arith.constant 8 : i32
          %add3A_259 = arith.addi %add3A_258, %mul3A_257 : i32
          %get3A_260 = arith.index_cast %add3A_259 : i32 to index
          %get3A_261 = tpu.vector_load %arg7[%get3A_260] {strides = array<i32>} : memref<4112xi32, #tpu.memory_space<vmem>>, vector<16xi32>,
          %shift_right_arithmetic3A_262 = vector.broadcast %scan3A_178 : i32 to vector<16xi32>
          %shift_right_arithmetic3A_263 = arith.shrsi %get3A_261, %shift_right_arithmetic3A_262 : vector<16xi32>
          %and3A_264 = arith.constant 1 : i32
          %and3A_265 = vector.broadcast %and3A_264 : i32 to vector<16xi32>
          %and3A_266 = arith.andi %shift_right_arithmetic3A_263, %and3A_265 : vector<16xi32>
          %mul3A_267 = arith.constant 16 : i32
          %mul3A_268 = arith.muli %scan3A_255, %mul3A_267 : i32
          %swap3A_269 = arith.index_cast %mul3A_268 : i32 to index
          %swap3A_270 = tpu.vector_load %arg9[%swap3A_269] {strides = array<i32>} : memref<4096xi32, #tpu.memory_space<vmem>>, vector<16xi32>,
          tpu.vector_store %arg9[%swap3A_269], %and3A_266 {strides = array<i32>} : memref<4096xi32, #tpu.memory_space<vmem>>, vector<16xi32>,
          %scan3A_271 = arith.constant 4 : i32
          %scan3A_272 = arith.addi %scan3A_206, %scan3A_271 : i32
          %mul3A_273 = arith.constant 16 : i32
          %mul3A_274 = arith.muli %scan3A_272, %mul3A_273 : i32
          %add3A_275 = arith.constant 8 : i32
          %add3A_276 = arith.addi %add3A_275, %mul3A_274 : i32
          %get3A_277 = arith.index_cast %add3A_276 : i32 to index
          %get3A_278 = tpu.vector_load %arg7[%get3A_277] {strides = array<i32>} : memref<4112xi32, #tpu.memory_space<vmem>>, vector<16xi32>,
          %shift_right_arithmetic3A_279 = vector.broadcast %scan3A_178 : i32 to vector<16xi32>
          %shift_right_arithmetic3A_280 = arith.shrsi %get3A_278, %shift_right_arithmetic3A_279 : vector<16xi32>
          %and3A_281 = arith.constant 1 : i32
          %and3A_282 = vector.broadcast %and3A_281 : i32 to vector<16xi32>
          %and3A_283 = arith.andi %shift_right_arithmetic3A_280, %and3A_282 : vector<16xi32>
          %mul3A_284 = arith.constant 16 : i32
          %mul3A_285 = arith.muli %scan3A_272, %mul3A_284 : i32
          %swap3A_286 = arith.index_cast %mul3A_285 : i32 to index
          %swap3A_287 = tpu.vector_load %arg9[%swap3A_286] {strides = array<i32>} : memref<4096xi32, #tpu.memory_space<vmem>>, vector<16xi32>,
          tpu.vector_store %arg9[%swap3A_286], %and3A_283 {strides = array<i32>} : memref<4096xi32, #tpu.memory_space<vmem>>, vector<16xi32>,
          %scan3A_288 = arith.constant 5 : i32
          %scan3A_289 = arith.addi %scan3A_206, %scan3A_288 : i32
          %mul3A_290 = arith.constant 16 : i32
          %mul3A_291 = arith.muli %scan3A_289, %mul3A_290 : i32
          %add3A_292 = arith.constant 8 : i32
          %add3A_293 = arith.addi %add3A_292, %mul3A_291 : i32
          %get3A_294 = arith.index_cast %add3A_293 : i32 to index
          %get3A_295 = tpu.vector_load %arg7[%get3A_294] {strides = array<i32>} : memref<4112xi32, #tpu.memory_space<vmem>>, vector<16xi32>,
          %shift_right_arithmetic3A_296 = vector.broadcast %scan3A_178 : i32 to vector<16xi32>
          %shift_right_arithmetic3A_297 = arith.shrsi %get3A_295, %shift_right_arithmetic3A_296 : vector<16xi32>
          %and3A_298 = arith.constant 1 : i32
          %and3A_299 = vector.broadcast %and3A_298 : i32 to vector<16xi32>
          %and3A_300 = arith.andi %shift_right_arithmetic3A_297, %and3A_299 : vector<16xi32>
          %mul3A_301 = arith.constant 16 : i32
          %mul3A_302 = arith.muli %scan3A_289, %mul3A_301 : i32
          %swap3A_303 = arith.index_cast %mul3A_302 : i32 to index
          %swap3A_304 = tpu.vector_load %arg9[%swap3A_303] {strides = array<i32>} : memref<4096xi32, #tpu.memory_space<vmem>>, vector<16xi32>,
          tpu.vector_store %arg9[%swap3A_303], %and3A_300 {strides = array<i32>} : memref<4096xi32, #tpu.memory_space<vmem>>, vector<16xi32>,
          %scan3A_305 = arith.constant 6 : i32
          %scan3A_306 = arith.addi %scan3A_206, %scan3A_305 : i32
          %mul3A_307 = arith.constant 16 : i32
          %mul3A_308 = arith.muli %scan3A_306, %mul3A_307 : i32
          %add3A_309 = arith.constant 8 : i32
          %add3A_310 = arith.addi %add3A_309, %mul3A_308 : i32
          %get3A_311 = arith.index_cast %add3A_310 : i32 to index
          %get3A_312 = tpu.vector_load %arg7[%get3A_311] {strides = array<i32>} : memref<4112xi32, #tpu.memory_space<vmem>>, vector<16xi32>,
          %shift_right_arithmetic3A_313 = vector.broadcast %scan3A_178 : i32 to vector<16xi32>
          %shift_right_arithmetic3A_314 = arith.shrsi %get3A_312, %shift_right_arithmetic3A_313 : vector<16xi32>
          %and3A_315 = arith.constant 1 : i32
          %and3A_316 = vector.broadcast %and3A_315 : i32 to vector<16xi32>
          %and3A_317 = arith.andi %shift_right_arithmetic3A_314, %and3A_316 : vector<16xi32>
          %mul3A_318 = arith.constant 16 : i32
          %mul3A_319 = arith.muli %scan3A_306, %mul3A_318 : i32
          %swap3A_320 = arith.index_cast %mul3A_319 : i32 to index
          %swap3A_321 = tpu.vector_load %arg9[%swap3A_320] {strides = array<i32>} : memref<4096xi32, #tpu.memory_space<vmem>>, vector<16xi32>,
          tpu.vector_store %arg9[%swap3A_320], %and3A_317 {strides = array<i32>} : memref<4096xi32, #tpu.memory_space<vmem>>, vector<16xi32>,
          %scan3A_322 = arith.constant 7 : i32
          %scan3A_323 = arith.addi %scan3A_206, %scan3A_322 : i32
          %mul3A_324 = arith.constant 16 : i32
          %mul3A_325 = arith.muli %scan3A_323, %mul3A_324 : i32
          %add3A_326 = arith.constant 8 : i32
          %add3A_327 = arith.addi %add3A_326, %mul3A_325 : i32
          %get3A_328 = arith.index_cast %add3A_327 : i32 to index
          %get3A_329 = tpu.vector_load %arg7[%get3A_328] {strides = array<i32>} : memref<4112xi32, #tpu.memory_space<vmem>>, vector<16xi32>,
          %shift_right_arithmetic3A_330 = vector.broadcast %scan3A_178 : i32 to vector<16xi32>
          %shift_right_arithmetic3A_331 = arith.shrsi %get3A_329, %shift_right_arithmetic3A_330 : vector<16xi32>
          %and3A_332 = arith.constant 1 : i32
          %and3A_333 = vector.broadcast %and3A_332 : i32 to vector<16xi32>
          %and3A_334 = arith.andi %shift_right_arithmetic3A_331, %and3A_333 : vector<16xi32>
          %mul3A_335 = arith.constant 16 : i32
          %mul3A_336 = arith.muli %scan3A_323, %mul3A_335 : i32
          %swap3A_337 = arith.index_cast %mul3A_336 : i32 to index
          %swap3A_338 = tpu.vector_load %arg9[%swap3A_337] {strides = array<i32>} : memref<4096xi32, #tpu.memory_space<vmem>>, vector<16xi32>,
          tpu.vector_store %arg9[%swap3A_337], %and3A_334 {strides = array<i32>} : memref<4096xi32, #tpu.memory_space<vmem>>, vector<16xi32>,
        }
        %scan3A_196 = arith.constant 256 : i32
        %add3A_197 = arith.addi %mul3A_2, %scan3A_178 : i32
        %mul3A_198 = arith.constant 9 : i32
        %mul3A_199 = arith.muli %add3A_197, %mul3A_198 : i32
        %add3A_200 = arith.constant 7 : i32
        %add3A_201 = arith.addi %mul3A_199, %add3A_200 : i32
        %mul3A_202 = arith.constant 4096 : i32
        %mul3A_203 = arith.muli %add3A_201, %mul3A_202 : i32
        %dma_start3A_204 = tpu.memref_slice %arg3[%mul3A_203] : memref<37748736xi32, #tpu.memory_space<hbm>> -> memref<4096xi32, #tpu.memory_space<hbm>>
        %dma_start3A_205 = tpu.memref_slice %arg3[%mul3A_203] : memref<37748736xi32, #tpu.memory_space<hbm>> -> memref<4096xi32, #tpu.memory_space<hbm>>
        tpu.enqueue_dma source(%arg9 : memref<4096xi32, #tpu.memory_space<vmem>>) target(%dma_start3A_205 : memref<4096xi32, #tpu.memory_space<hbm>>) target_semaphore(%arg13 : memref<!tpu.dma_semaphore, #tpu.memory_space<semaphore_mem>>)
      } else {
      }
    }
    %scan3A_151 = arith.constant 32 : i32
    %dma_wait3A_152 = arith.constant 0 : i32
    %dma_wait3A_153 = tpu.memref_slice %arg3[%dma_wait3A_152] : memref<37748736xi32, #tpu.memory_space<hbm>> -> memref<4096xi32, #tpu.memory_space<hbm>>
    %dma_wait3A_154 = arith.constant 0 : i32
    %dma_wait3A_155 = tpu.memref_slice %arg3[%dma_wait3A_154] : memref<37748736xi32, #tpu.memory_space<hbm>> -> memref<4096xi32, #tpu.memory_space<hbm>>
    tpu.wait_dma2 semaphore(%arg12 : memref<!tpu.dma_semaphore, #tpu.memory_space<semaphore_mem>>) src(%arg8 : memref<4096xi32, #tpu.memory_space<vmem>>) dst(%dma_wait3A_155 : memref<4096xi32, #tpu.memory_space<hbm>>)
    %dma_wait3A_156 = arith.constant 0 : i32
    %dma_wait3A_157 = tpu.memref_slice %arg3[%dma_wait3A_156] : memref<37748736xi32, #tpu.memory_space<hbm>> -> memref<4096xi32, #tpu.memory_space<hbm>>
    %dma_wait3A_158 = arith.constant 0 : i32
    %dma_wait3A_159 = tpu.memref_slice %arg3[%dma_wait3A_158] : memref<37748736xi32, #tpu.memory_space<hbm>> -> memref<4096xi32, #tpu.memory_space<hbm>>
    tpu.wait_dma2 semaphore(%arg13 : memref<!tpu.dma_semaphore, #tpu.memory_space<semaphore_mem>>) src(%arg9 : memref<4096xi32, #tpu.memory_space<vmem>>) dst(%dma_wait3A_159 : memref<4096xi32, #tpu.memory_space<hbm>>)
    %scan3A_160 = arith.constant 0 : i32
    %scan3A_161 = arith.constant 256 : i32
    %scan3A_162 = arith.addi %scan3A_160, %scan3A_161 : i32
    %scan3A_163 = arith.constant 4 : i32
    scf.for %scan3A_178 = %scan3A_160 to %scan3A_162 step %scan3A_163  : i32 {
      %mul3A_179 = arith.constant 16 : i32
      %mul3A_180 = arith.muli %scan3A_178, %mul3A_179 : i32
      %add3A_181 = arith.constant 8 : i32
      %add3A_182 = arith.addi %add3A_181, %mul3A_180 : i32
      %get3A = arith.index_cast %add3A_182 : i32 to index
      %get3A_183 = tpu.vector_load %arg7[%get3A] {strides = array<i32>} : memref<4112xi32, #tpu.memory_space<vmem>>, vector<16xi32>,
      %sub3A = arith.constant 1 : i32
      %sub3A_184 = arith.subi %add3A_182, %sub3A : i32
      %get3A_185 = arith.index_cast %sub3A_184 : i32 to index
      %get3A_186 = tpu.vector_load %arg7[%get3A_185] {strides = array<i32>} : memref<4112xi32, #tpu.memory_space<vmem>>, vector<16xi32>,
      %add3A_187 = arith.constant 1 : i32
      %add3A_188 = arith.addi %add3A_182, %add3A_187 : i32
      %get3A_189 = arith.index_cast %add3A_188 : i32 to index
      %get3A_190 = tpu.vector_load %arg7[%get3A_189] {strides = array<i32>} : memref<4112xi32, #tpu.memory_space<vmem>>, vector<16xi32>,
      %or3A = arith.ori %get3A_186, %get3A_183 : vector<16xi32>
      %and3A = arith.andi %get3A_186, %get3A_183 : vector<16xi32>
      %and3A_191 = arith.andi %and3A, %get3A_190 : vector<16xi32>
      %not3A = arith.constant dense<-1> : vector<16xi32>
      %not3A_192 = arith.xori %and3A_191, %not3A : vector<16xi32>
      %and3A_193 = arith.andi %or3A, %not3A_192 : vector<16xi32>
      %swap3A_194 = arith.index_cast %add3A_182 : i32 to index
      %swap3A_195 = tpu.vector_load %arg6[%swap3A_194] {strides = array<i32>} : memref<4112xi32, #tpu.memory_space<vmem>>, vector<16xi32>,
      tpu.vector_store %arg6[%swap3A_194], %and3A_193 {strides = array<i32>} : memref<4112xi32, #tpu.memory_space<vmem>>, vector<16xi32>,
      %scan3A_196 = arith.constant 1 : i32
      %scan3A_197 = arith.addi %scan3A_178, %scan3A_196 : i32
      %mul3A_198 = arith.constant 16 : i32
      %mul3A_199 = arith.muli %scan3A_197, %mul3A_198 : i32
      %add3A_200 = arith.constant 8 : i32
      %add3A_201 = arith.addi %add3A_200, %mul3A_199 : i32
      %get3A_202 = arith.index_cast %add3A_201 : i32 to index
      %get3A_203 = tpu.vector_load %arg7[%get3A_202] {strides = array<i32>} : memref<4112xi32, #tpu.memory_space<vmem>>, vector<16xi32>,
      %sub3A_204 = arith.constant 1 : i32
      %sub3A_205 = arith.subi %add3A_201, %sub3A_204 : i32
      %get3A_206 = arith.index_cast %sub3A_205 : i32 to index
      %get3A_207 = tpu.vector_load %arg7[%get3A_206] {strides = array<i32>} : memref<4112xi32, #tpu.memory_space<vmem>>, vector<16xi32>,
      %add3A_208 = arith.constant 1 : i32
      %add3A_209 = arith.addi %add3A_201, %add3A_208 : i32
      %get3A_210 = arith.index_cast %add3A_209 : i32 to index
      %get3A_211 = tpu.vector_load %arg7[%get3A_210] {strides = array<i32>} : memref<4112xi32, #tpu.memory_space<vmem>>, vector<16xi32>,
      %or3A_212 = arith.ori %get3A_207, %get3A_203 : vector<16xi32>
      %and3A_213 = arith.andi %get3A_207, %get3A_203 : vector<16xi32>
      %and3A_214 = arith.andi %and3A_213, %get3A_211 : vector<16xi32>
      %not3A_215 = arith.constant dense<-1> : vector<16xi32>
      %not3A_216 = arith.xori %and3A_214, %not3A_215 : vector<16xi32>
      %and3A_217 = arith.andi %or3A_212, %not3A_216 : vector<16xi32>
      %swap3A_218 = arith.index_cast %add3A_201 : i32 to index
      %swap3A_219 = tpu.vector_load %arg6[%swap3A_218] {strides = array<i32>} : memref<4112xi32, #tpu.memory_space<vmem>>, vector<16xi32>,
      tpu.vector_store %arg6[%swap3A_218], %and3A_217 {strides = array<i32>} : memref<4112xi32, #tpu.memory_space<vmem>>, vector<16xi32>,
      %scan3A_220 = arith.constant 2 : i32
      %scan3A_221 = arith.addi %scan3A_178, %scan3A_220 : i32
      %mul3A_222 = arith.constant 16 : i32
      %mul3A_223 = arith.muli %scan3A_221, %mul3A_222 : i32
      %add3A_224 = arith.constant 8 : i32
      %add3A_225 = arith.addi %add3A_224, %mul3A_223 : i32
      %get3A_226 = arith.index_cast %add3A_225 : i32 to index
      %get3A_227 = tpu.vector_load %arg7[%get3A_226] {strides = array<i32>} : memref<4112xi32, #tpu.memory_space<vmem>>, vector<16xi32>,
      %sub3A_228 = arith.constant 1 : i32
      %sub3A_229 = arith.subi %add3A_225, %sub3A_228 : i32
      %get3A_230 = arith.index_cast %sub3A_229 : i32 to index
      %get3A_231 = tpu.vector_load %arg7[%get3A_230] {strides = array<i32>} : memref<4112xi32, #tpu.memory_space<vmem>>, vector<16xi32>,
      %add3A_232 = arith.constant 1 : i32
      %add3A_233 = arith.addi %add3A_225, %add3A_232 : i32
      %get3A_234 = arith.index_cast %add3A_233 : i32 to index
      %get3A_235 = tpu.vector_load %arg7[%get3A_234] {strides = array<i32>} : memref<4112xi32, #tpu.memory_space<vmem>>, vector<16xi32>,
      %or3A_236 = arith.ori %get3A_231, %get3A_227 : vector<16xi32>
      %and3A_237 = arith.andi %get3A_231, %get3A_227 : vector<16xi32>
      %and3A_238 = arith.andi %and3A_237, %get3A_235 : vector<16xi32>
      %not3A_239 = arith.constant dense<-1> : vector<16xi32>
      %not3A_240 = arith.xori %and3A_238, %not3A_239 : vector<16xi32>
      %and3A_241 = arith.andi %or3A_236, %not3A_240 : vector<16xi32>
      %swap3A_242 = arith.index_cast %add3A_225 : i32 to index
      %swap3A_243 = tpu.vector_load %arg6[%swap3A_242] {strides = array<i32>} : memref<4112xi32, #tpu.memory_space<vmem>>, vector<16xi32>,
      tpu.vector_store %arg6[%swap3A_242], %and3A_241 {strides = array<i32>} : memref<4112xi32, #tpu.memory_space<vmem>>, vector<16xi32>,
      %scan3A_244 = arith.constant 3 : i32
      %scan3A_245 = arith.addi %scan3A_178, %scan3A_244 : i32
      %mul3A_246 = arith.constant 16 : i32
      %mul3A_247 = arith.muli %scan3A_245, %mul3A_246 : i32
      %add3A_248 = arith.constant 8 : i32
      %add3A_249 = arith.addi %add3A_248, %mul3A_247 : i32
      %get3A_250 = arith.index_cast %add3A_249 : i32 to index
      %get3A_251 = tpu.vector_load %arg7[%get3A_250] {strides = array<i32>} : memref<4112xi32, #tpu.memory_space<vmem>>, vector<16xi32>,
      %sub3A_252 = arith.constant 1 : i32
      %sub3A_253 = arith.subi %add3A_249, %sub3A_252 : i32
      %get3A_254 = arith.index_cast %sub3A_253 : i32 to index
      %get3A_255 = tpu.vector_load %arg7[%get3A_254] {strides = array<i32>} : memref<4112xi32, #tpu.memory_space<vmem>>, vector<16xi32>,
      %add3A_256 = arith.constant 1 : i32
      %add3A_257 = arith.addi %add3A_249, %add3A_256 : i32
      %get3A_258 = arith.index_cast %add3A_257 : i32 to index
      %get3A_259 = tpu.vector_load %arg7[%get3A_258] {strides = array<i32>} : memref<4112xi32, #tpu.memory_space<vmem>>, vector<16xi32>,
      %or3A_260 = arith.ori %get3A_255, %get3A_251 : vector<16xi32>
      %and3A_261 = arith.andi %get3A_255, %get3A_251 : vector<16xi32>
      %and3A_262 = arith.andi %and3A_261, %get3A_259 : vector<16xi32>
      %not3A_263 = arith.constant dense<-1> : vector<16xi32>
      %not3A_264 = arith.xori %and3A_262, %not3A_263 : vector<16xi32>
      %and3A_265 = arith.andi %or3A_260, %not3A_264 : vector<16xi32>
      %swap3A_266 = arith.index_cast %add3A_249 : i32 to index
      %swap3A_267 = tpu.vector_load %arg6[%swap3A_266] {strides = array<i32>} : memref<4112xi32, #tpu.memory_space<vmem>>, vector<16xi32>,
      tpu.vector_store %arg6[%swap3A_266], %and3A_265 {strides = array<i32>} : memref<4112xi32, #tpu.memory_space<vmem>>, vector<16xi32>,
    }
    %scan3A_164 = arith.constant 256 : i32
    %scan3A_165 = arith.constant 0 : i32
    %scan3A_166 = arith.constant 32 : i32
    %scan3A_167 = arith.addi %scan3A_165, %scan3A_166 : i32
    %scan3A_168 = arith.constant 1 : i32
    scf.for %scan3A_178 = %scan3A_165 to %scan3A_167 step %scan3A_168  : i32 {
      %and3A = arith.constant 1 : i32
      %and3A_179 = arith.andi %scan3A_178, %and3A : i32
      %eq3A = arith.constant 0 : i32
      %eq3A_180 = arith.cmpi eq, %and3A_179, %eq3A : i32
      %convert_element_type3A = arith.extui %eq3A_180 : i1 to i32
      %cond3A = arith.constant 0 : i32
      %cond3A_181 = arith.cmpi ne, %convert_element_type3A, %cond3A : i32
      scf.if %cond3A_181 {
        %ge3A = arith.constant 2 : i32
        %ge3A_188 = arith.cmpi sge, %scan3A_178, %ge3A : i32
        %convert_element_type3A_189 = arith.extui %ge3A_188 : i1 to i32
        %cond3A_190 = arith.constant 0 : i32
        %cond3A_191 = arith.cmpi ne, %convert_element_type3A_189, %cond3A_190 : i32
        scf.if %cond3A_191 {
          %dma_wait3A_206 = arith.constant 0 : i32
          %dma_wait3A_207 = tpu.memref_slice %arg3[%dma_wait3A_206] : memref<37748736xi32, #tpu.memory_space<hbm>> -> memref<4096xi32, #tpu.memory_space<hbm>>
          %dma_wait3A_208 = arith.constant 0 : i32
          %dma_wait3A_209 = tpu.memref_slice %arg3[%dma_wait3A_208] : memref<37748736xi32, #tpu.memory_space<hbm>> -> memref<4096xi32, #tpu.memory_space<hbm>>
          tpu.wait_dma2 semaphore(%arg12 : memref<!tpu.dma_semaphore, #tpu.memory_space<semaphore_mem>>) src(%arg8 : memref<4096xi32, #tpu.memory_space<vmem>>) dst(%dma_wait3A_209 : memref<4096xi32, #tpu.memory_space<hbm>>)
        } else {
        }
        %scan3A_192 = arith.constant 0 : i32
        %scan3A_193 = arith.constant 256 : i32
        %scan3A_194 = arith.addi %scan3A_192, %scan3A_193 : i32
        %scan3A_195 = arith.constant 8 : i32
        scf.for %scan3A_206 = %scan3A_192 to %scan3A_194 step %scan3A_195  : i32 {
          %mul3A_207 = arith.constant 16 : i32
          %mul3A_208 = arith.muli %scan3A_206, %mul3A_207 : i32
          %add3A_209 = arith.constant 8 : i32
          %add3A_210 = arith.addi %add3A_209, %mul3A_208 : i32
          %get3A = arith.index_cast %add3A_210 : i32 to index
          %get3A_211 = tpu.vector_load %arg6[%get3A] {strides = array<i32>} : memref<4112xi32, #tpu.memory_space<vmem>>, vector<16xi32>,
          %shift_right_arithmetic3A = vector.broadcast %scan3A_178 : i32 to vector<16xi32>
          %shift_right_arithmetic3A_212 = arith.shrsi %get3A_211, %shift_right_arithmetic3A : vector<16xi32>
          %and3A_213 = arith.constant 1 : i32
          %and3A_214 = vector.broadcast %and3A_213 : i32 to vector<16xi32>
          %and3A_215 = arith.andi %shift_right_arithmetic3A_212, %and3A_214 : vector<16xi32>
          %mul3A_216 = arith.constant 16 : i32
          %mul3A_217 = arith.muli %scan3A_206, %mul3A_216 : i32
          %swap3A_218 = arith.index_cast %mul3A_217 : i32 to index
          %swap3A_219 = tpu.vector_load %arg8[%swap3A_218] {strides = array<i32>} : memref<4096xi32, #tpu.memory_space<vmem>>, vector<16xi32>,
          tpu.vector_store %arg8[%swap3A_218], %and3A_215 {strides = array<i32>} : memref<4096xi32, #tpu.memory_space<vmem>>, vector<16xi32>,
          %scan3A_220 = arith.constant 1 : i32
          %scan3A_221 = arith.addi %scan3A_206, %scan3A_220 : i32
          %mul3A_222 = arith.constant 16 : i32
          %mul3A_223 = arith.muli %scan3A_221, %mul3A_222 : i32
          %add3A_224 = arith.constant 8 : i32
          %add3A_225 = arith.addi %add3A_224, %mul3A_223 : i32
          %get3A_226 = arith.index_cast %add3A_225 : i32 to index
          %get3A_227 = tpu.vector_load %arg6[%get3A_226] {strides = array<i32>} : memref<4112xi32, #tpu.memory_space<vmem>>, vector<16xi32>,
          %shift_right_arithmetic3A_228 = vector.broadcast %scan3A_178 : i32 to vector<16xi32>
          %shift_right_arithmetic3A_229 = arith.shrsi %get3A_227, %shift_right_arithmetic3A_228 : vector<16xi32>
          %and3A_230 = arith.constant 1 : i32
          %and3A_231 = vector.broadcast %and3A_230 : i32 to vector<16xi32>
          %and3A_232 = arith.andi %shift_right_arithmetic3A_229, %and3A_231 : vector<16xi32>
          %mul3A_233 = arith.constant 16 : i32
          %mul3A_234 = arith.muli %scan3A_221, %mul3A_233 : i32
          %swap3A_235 = arith.index_cast %mul3A_234 : i32 to index
          %swap3A_236 = tpu.vector_load %arg8[%swap3A_235] {strides = array<i32>} : memref<4096xi32, #tpu.memory_space<vmem>>, vector<16xi32>,
          tpu.vector_store %arg8[%swap3A_235], %and3A_232 {strides = array<i32>} : memref<4096xi32, #tpu.memory_space<vmem>>, vector<16xi32>,
          %scan3A_237 = arith.constant 2 : i32
          %scan3A_238 = arith.addi %scan3A_206, %scan3A_237 : i32
          %mul3A_239 = arith.constant 16 : i32
          %mul3A_240 = arith.muli %scan3A_238, %mul3A_239 : i32
          %add3A_241 = arith.constant 8 : i32
          %add3A_242 = arith.addi %add3A_241, %mul3A_240 : i32
          %get3A_243 = arith.index_cast %add3A_242 : i32 to index
          %get3A_244 = tpu.vector_load %arg6[%get3A_243] {strides = array<i32>} : memref<4112xi32, #tpu.memory_space<vmem>>, vector<16xi32>,
          %shift_right_arithmetic3A_245 = vector.broadcast %scan3A_178 : i32 to vector<16xi32>
          %shift_right_arithmetic3A_246 = arith.shrsi %get3A_244, %shift_right_arithmetic3A_245 : vector<16xi32>
          %and3A_247 = arith.constant 1 : i32
          %and3A_248 = vector.broadcast %and3A_247 : i32 to vector<16xi32>
          %and3A_249 = arith.andi %shift_right_arithmetic3A_246, %and3A_248 : vector<16xi32>
          %mul3A_250 = arith.constant 16 : i32
          %mul3A_251 = arith.muli %scan3A_238, %mul3A_250 : i32
          %swap3A_252 = arith.index_cast %mul3A_251 : i32 to index
          %swap3A_253 = tpu.vector_load %arg8[%swap3A_252] {strides = array<i32>} : memref<4096xi32, #tpu.memory_space<vmem>>, vector<16xi32>,
          tpu.vector_store %arg8[%swap3A_252], %and3A_249 {strides = array<i32>} : memref<4096xi32, #tpu.memory_space<vmem>>, vector<16xi32>,
          %scan3A_254 = arith.constant 3 : i32
          %scan3A_255 = arith.addi %scan3A_206, %scan3A_254 : i32
          %mul3A_256 = arith.constant 16 : i32
          %mul3A_257 = arith.muli %scan3A_255, %mul3A_256 : i32
          %add3A_258 = arith.constant 8 : i32
          %add3A_259 = arith.addi %add3A_258, %mul3A_257 : i32
          %get3A_260 = arith.index_cast %add3A_259 : i32 to index
          %get3A_261 = tpu.vector_load %arg6[%get3A_260] {strides = array<i32>} : memref<4112xi32, #tpu.memory_space<vmem>>, vector<16xi32>,
          %shift_right_arithmetic3A_262 = vector.broadcast %scan3A_178 : i32 to vector<16xi32>
          %shift_right_arithmetic3A_263 = arith.shrsi %get3A_261, %shift_right_arithmetic3A_262 : vector<16xi32>
          %and3A_264 = arith.constant 1 : i32
          %and3A_265 = vector.broadcast %and3A_264 : i32 to vector<16xi32>
          %and3A_266 = arith.andi %shift_right_arithmetic3A_263, %and3A_265 : vector<16xi32>
          %mul3A_267 = arith.constant 16 : i32
          %mul3A_268 = arith.muli %scan3A_255, %mul3A_267 : i32
          %swap3A_269 = arith.index_cast %mul3A_268 : i32 to index
          %swap3A_270 = tpu.vector_load %arg8[%swap3A_269] {strides = array<i32>} : memref<4096xi32, #tpu.memory_space<vmem>>, vector<16xi32>,
          tpu.vector_store %arg8[%swap3A_269], %and3A_266 {strides = array<i32>} : memref<4096xi32, #tpu.memory_space<vmem>>, vector<16xi32>,
          %scan3A_271 = arith.constant 4 : i32
          %scan3A_272 = arith.addi %scan3A_206, %scan3A_271 : i32
          %mul3A_273 = arith.constant 16 : i32
          %mul3A_274 = arith.muli %scan3A_272, %mul3A_273 : i32
          %add3A_275 = arith.constant 8 : i32
          %add3A_276 = arith.addi %add3A_275, %mul3A_274 : i32
          %get3A_277 = arith.index_cast %add3A_276 : i32 to index
          %get3A_278 = tpu.vector_load %arg6[%get3A_277] {strides = array<i32>} : memref<4112xi32, #tpu.memory_space<vmem>>, vector<16xi32>,
          %shift_right_arithmetic3A_279 = vector.broadcast %scan3A_178 : i32 to vector<16xi32>
          %shift_right_arithmetic3A_280 = arith.shrsi %get3A_278, %shift_right_arithmetic3A_279 : vector<16xi32>
          %and3A_281 = arith.constant 1 : i32
          %and3A_282 = vector.broadcast %and3A_281 : i32 to vector<16xi32>
          %and3A_283 = arith.andi %shift_right_arithmetic3A_280, %and3A_282 : vector<16xi32>
          %mul3A_284 = arith.constant 16 : i32
          %mul3A_285 = arith.muli %scan3A_272, %mul3A_284 : i32
          %swap3A_286 = arith.index_cast %mul3A_285 : i32 to index
          %swap3A_287 = tpu.vector_load %arg8[%swap3A_286] {strides = array<i32>} : memref<4096xi32, #tpu.memory_space<vmem>>, vector<16xi32>,
          tpu.vector_store %arg8[%swap3A_286], %and3A_283 {strides = array<i32>} : memref<4096xi32, #tpu.memory_space<vmem>>, vector<16xi32>,
          %scan3A_288 = arith.constant 5 : i32
          %scan3A_289 = arith.addi %scan3A_206, %scan3A_288 : i32
          %mul3A_290 = arith.constant 16 : i32
          %mul3A_291 = arith.muli %scan3A_289, %mul3A_290 : i32
          %add3A_292 = arith.constant 8 : i32
          %add3A_293 = arith.addi %add3A_292, %mul3A_291 : i32
          %get3A_294 = arith.index_cast %add3A_293 : i32 to index
          %get3A_295 = tpu.vector_load %arg6[%get3A_294] {strides = array<i32>} : memref<4112xi32, #tpu.memory_space<vmem>>, vector<16xi32>,
          %shift_right_arithmetic3A_296 = vector.broadcast %scan3A_178 : i32 to vector<16xi32>
          %shift_right_arithmetic3A_297 = arith.shrsi %get3A_295, %shift_right_arithmetic3A_296 : vector<16xi32>
          %and3A_298 = arith.constant 1 : i32
          %and3A_299 = vector.broadcast %and3A_298 : i32 to vector<16xi32>
          %and3A_300 = arith.andi %shift_right_arithmetic3A_297, %and3A_299 : vector<16xi32>
          %mul3A_301 = arith.constant 16 : i32
          %mul3A_302 = arith.muli %scan3A_289, %mul3A_301 : i32
          %swap3A_303 = arith.index_cast %mul3A_302 : i32 to index
          %swap3A_304 = tpu.vector_load %arg8[%swap3A_303] {strides = array<i32>} : memref<4096xi32, #tpu.memory_space<vmem>>, vector<16xi32>,
          tpu.vector_store %arg8[%swap3A_303], %and3A_300 {strides = array<i32>} : memref<4096xi32, #tpu.memory_space<vmem>>, vector<16xi32>,
          %scan3A_305 = arith.constant 6 : i32
          %scan3A_306 = arith.addi %scan3A_206, %scan3A_305 : i32
          %mul3A_307 = arith.constant 16 : i32
          %mul3A_308 = arith.muli %scan3A_306, %mul3A_307 : i32
          %add3A_309 = arith.constant 8 : i32
          %add3A_310 = arith.addi %add3A_309, %mul3A_308 : i32
          %get3A_311 = arith.index_cast %add3A_310 : i32 to index
          %get3A_312 = tpu.vector_load %arg6[%get3A_311] {strides = array<i32>} : memref<4112xi32, #tpu.memory_space<vmem>>, vector<16xi32>,
          %shift_right_arithmetic3A_313 = vector.broadcast %scan3A_178 : i32 to vector<16xi32>
          %shift_right_arithmetic3A_314 = arith.shrsi %get3A_312, %shift_right_arithmetic3A_313 : vector<16xi32>
          %and3A_315 = arith.constant 1 : i32
          %and3A_316 = vector.broadcast %and3A_315 : i32 to vector<16xi32>
          %and3A_317 = arith.andi %shift_right_arithmetic3A_314, %and3A_316 : vector<16xi32>
          %mul3A_318 = arith.constant 16 : i32
          %mul3A_319 = arith.muli %scan3A_306, %mul3A_318 : i32
          %swap3A_320 = arith.index_cast %mul3A_319 : i32 to index
          %swap3A_321 = tpu.vector_load %arg8[%swap3A_320] {strides = array<i32>} : memref<4096xi32, #tpu.memory_space<vmem>>, vector<16xi32>,
          tpu.vector_store %arg8[%swap3A_320], %and3A_317 {strides = array<i32>} : memref<4096xi32, #tpu.memory_space<vmem>>, vector<16xi32>,
          %scan3A_322 = arith.constant 7 : i32
          %scan3A_323 = arith.addi %scan3A_206, %scan3A_322 : i32
          %mul3A_324 = arith.constant 16 : i32
          %mul3A_325 = arith.muli %scan3A_323, %mul3A_324 : i32
          %add3A_326 = arith.constant 8 : i32
          %add3A_327 = arith.addi %add3A_326, %mul3A_325 : i32
          %get3A_328 = arith.index_cast %add3A_327 : i32 to index
          %get3A_329 = tpu.vector_load %arg6[%get3A_328] {strides = array<i32>} : memref<4112xi32, #tpu.memory_space<vmem>>, vector<16xi32>,
          %shift_right_arithmetic3A_330 = vector.broadcast %scan3A_178 : i32 to vector<16xi32>
          %shift_right_arithmetic3A_331 = arith.shrsi %get3A_329, %shift_right_arithmetic3A_330 : vector<16xi32>
          %and3A_332 = arith.constant 1 : i32
          %and3A_333 = vector.broadcast %and3A_332 : i32 to vector<16xi32>
          %and3A_334 = arith.andi %shift_right_arithmetic3A_331, %and3A_333 : vector<16xi32>
          %mul3A_335 = arith.constant 16 : i32
          %mul3A_336 = arith.muli %scan3A_323, %mul3A_335 : i32
          %swap3A_337 = arith.index_cast %mul3A_336 : i32 to index
          %swap3A_338 = tpu.vector_load %arg8[%swap3A_337] {strides = array<i32>} : memref<4096xi32, #tpu.memory_space<vmem>>, vector<16xi32>,
          tpu.vector_store %arg8[%swap3A_337], %and3A_334 {strides = array<i32>} : memref<4096xi32, #tpu.memory_space<vmem>>, vector<16xi32>,
        }
        %scan3A_196 = arith.constant 256 : i32
        %add3A_197 = arith.addi %mul3A_2, %scan3A_178 : i32
        %mul3A_198 = arith.constant 9 : i32
        %mul3A_199 = arith.muli %add3A_197, %mul3A_198 : i32
        %add3A_200 = arith.constant 8 : i32
        %add3A_201 = arith.addi %mul3A_199, %add3A_200 : i32
        %mul3A_202 = arith.constant 4096 : i32
        %mul3A_203 = arith.muli %add3A_201, %mul3A_202 : i32
        %dma_start3A_204 = tpu.memref_slice %arg3[%mul3A_203] : memref<37748736xi32, #tpu.memory_space<hbm>> -> memref<4096xi32, #tpu.memory_space<hbm>>
        %dma_start3A_205 = tpu.memref_slice %arg3[%mul3A_203] : memref<37748736xi32, #tpu.memory_space<hbm>> -> memref<4096xi32, #tpu.memory_space<hbm>>
        tpu.enqueue_dma source(%arg8 : memref<4096xi32, #tpu.memory_space<vmem>>) target(%dma_start3A_205 : memref<4096xi32, #tpu.memory_space<hbm>>) target_semaphore(%arg12 : memref<!tpu.dma_semaphore, #tpu.memory_space<semaphore_mem>>)
      } else {
      }
      %and3A_182 = arith.constant 1 : i32
      %and3A_183 = arith.andi %scan3A_178, %and3A_182 : i32
      %ne3A = arith.constant 0 : i32
      %ne3A_184 = arith.cmpi ne, %and3A_183, %ne3A : i32
      %convert_element_type3A_185 = arith.extui %ne3A_184 : i1 to i32
      %cond3A_186 = arith.constant 0 : i32
      %cond3A_187 = arith.cmpi ne, %convert_element_type3A_185, %cond3A_186 : i32
      scf.if %cond3A_187 {
        %ge3A = arith.constant 2 : i32
        %ge3A_188 = arith.cmpi sge, %scan3A_178, %ge3A : i32
        %convert_element_type3A_189 = arith.extui %ge3A_188 : i1 to i32
        %cond3A_190 = arith.constant 0 : i32
        %cond3A_191 = arith.cmpi ne, %convert_element_type3A_189, %cond3A_190 : i32
        scf.if %cond3A_191 {
          %dma_wait3A_206 = arith.constant 0 : i32
          %dma_wait3A_207 = tpu.memref_slice %arg3[%dma_wait3A_206] : memref<37748736xi32, #tpu.memory_space<hbm>> -> memref<4096xi32, #tpu.memory_space<hbm>>
          %dma_wait3A_208 = arith.constant 0 : i32
          %dma_wait3A_209 = tpu.memref_slice %arg3[%dma_wait3A_208] : memref<37748736xi32, #tpu.memory_space<hbm>> -> memref<4096xi32, #tpu.memory_space<hbm>>
          tpu.wait_dma2 semaphore(%arg13 : memref<!tpu.dma_semaphore, #tpu.memory_space<semaphore_mem>>) src(%arg9 : memref<4096xi32, #tpu.memory_space<vmem>>) dst(%dma_wait3A_209 : memref<4096xi32, #tpu.memory_space<hbm>>)
        } else {
        }
        %scan3A_192 = arith.constant 0 : i32
        %scan3A_193 = arith.constant 256 : i32
        %scan3A_194 = arith.addi %scan3A_192, %scan3A_193 : i32
        %scan3A_195 = arith.constant 8 : i32
        scf.for %scan3A_206 = %scan3A_192 to %scan3A_194 step %scan3A_195  : i32 {
          %mul3A_207 = arith.constant 16 : i32
          %mul3A_208 = arith.muli %scan3A_206, %mul3A_207 : i32
          %add3A_209 = arith.constant 8 : i32
          %add3A_210 = arith.addi %add3A_209, %mul3A_208 : i32
          %get3A = arith.index_cast %add3A_210 : i32 to index
          %get3A_211 = tpu.vector_load %arg6[%get3A] {strides = array<i32>} : memref<4112xi32, #tpu.memory_space<vmem>>, vector<16xi32>,
          %shift_right_arithmetic3A = vector.broadcast %scan3A_178 : i32 to vector<16xi32>
          %shift_right_arithmetic3A_212 = arith.shrsi %get3A_211, %shift_right_arithmetic3A : vector<16xi32>
          %and3A_213 = arith.constant 1 : i32
          %and3A_214 = vector.broadcast %and3A_213 : i32 to vector<16xi32>
          %and3A_215 = arith.andi %shift_right_arithmetic3A_212, %and3A_214 : vector<16xi32>
          %mul3A_216 = arith.constant 16 : i32
          %mul3A_217 = arith.muli %scan3A_206, %mul3A_216 : i32
          %swap3A_218 = arith.index_cast %mul3A_217 : i32 to index
          %swap3A_219 = tpu.vector_load %arg9[%swap3A_218] {strides = array<i32>} : memref<4096xi32, #tpu.memory_space<vmem>>, vector<16xi32>,
          tpu.vector_store %arg9[%swap3A_218], %and3A_215 {strides = array<i32>} : memref<4096xi32, #tpu.memory_space<vmem>>, vector<16xi32>,
          %scan3A_220 = arith.constant 1 : i32
          %scan3A_221 = arith.addi %scan3A_206, %scan3A_220 : i32
          %mul3A_222 = arith.constant 16 : i32
          %mul3A_223 = arith.muli %scan3A_221, %mul3A_222 : i32
          %add3A_224 = arith.constant 8 : i32
          %add3A_225 = arith.addi %add3A_224, %mul3A_223 : i32
          %get3A_226 = arith.index_cast %add3A_225 : i32 to index
          %get3A_227 = tpu.vector_load %arg6[%get3A_226] {strides = array<i32>} : memref<4112xi32, #tpu.memory_space<vmem>>, vector<16xi32>,
          %shift_right_arithmetic3A_228 = vector.broadcast %scan3A_178 : i32 to vector<16xi32>
          %shift_right_arithmetic3A_229 = arith.shrsi %get3A_227, %shift_right_arithmetic3A_228 : vector<16xi32>
          %and3A_230 = arith.constant 1 : i32
          %and3A_231 = vector.broadcast %and3A_230 : i32 to vector<16xi32>
          %and3A_232 = arith.andi %shift_right_arithmetic3A_229, %and3A_231 : vector<16xi32>
          %mul3A_233 = arith.constant 16 : i32
          %mul3A_234 = arith.muli %scan3A_221, %mul3A_233 : i32
          %swap3A_235 = arith.index_cast %mul3A_234 : i32 to index
          %swap3A_236 = tpu.vector_load %arg9[%swap3A_235] {strides = array<i32>} : memref<4096xi32, #tpu.memory_space<vmem>>, vector<16xi32>,
          tpu.vector_store %arg9[%swap3A_235], %and3A_232 {strides = array<i32>} : memref<4096xi32, #tpu.memory_space<vmem>>, vector<16xi32>,
          %scan3A_237 = arith.constant 2 : i32
          %scan3A_238 = arith.addi %scan3A_206, %scan3A_237 : i32
          %mul3A_239 = arith.constant 16 : i32
          %mul3A_240 = arith.muli %scan3A_238, %mul3A_239 : i32
          %add3A_241 = arith.constant 8 : i32
          %add3A_242 = arith.addi %add3A_241, %mul3A_240 : i32
          %get3A_243 = arith.index_cast %add3A_242 : i32 to index
          %get3A_244 = tpu.vector_load %arg6[%get3A_243] {strides = array<i32>} : memref<4112xi32, #tpu.memory_space<vmem>>, vector<16xi32>,
          %shift_right_arithmetic3A_245 = vector.broadcast %scan3A_178 : i32 to vector<16xi32>
          %shift_right_arithmetic3A_246 = arith.shrsi %get3A_244, %shift_right_arithmetic3A_245 : vector<16xi32>
          %and3A_247 = arith.constant 1 : i32
          %and3A_248 = vector.broadcast %and3A_247 : i32 to vector<16xi32>
          %and3A_249 = arith.andi %shift_right_arithmetic3A_246, %and3A_248 : vector<16xi32>
          %mul3A_250 = arith.constant 16 : i32
          %mul3A_251 = arith.muli %scan3A_238, %mul3A_250 : i32
          %swap3A_252 = arith.index_cast %mul3A_251 : i32 to index
          %swap3A_253 = tpu.vector_load %arg9[%swap3A_252] {strides = array<i32>} : memref<4096xi32, #tpu.memory_space<vmem>>, vector<16xi32>,
          tpu.vector_store %arg9[%swap3A_252], %and3A_249 {strides = array<i32>} : memref<4096xi32, #tpu.memory_space<vmem>>, vector<16xi32>,
          %scan3A_254 = arith.constant 3 : i32
          %scan3A_255 = arith.addi %scan3A_206, %scan3A_254 : i32
          %mul3A_256 = arith.constant 16 : i32
          %mul3A_257 = arith.muli %scan3A_255, %mul3A_256 : i32
          %add3A_258 = arith.constant 8 : i32
          %add3A_259 = arith.addi %add3A_258, %mul3A_257 : i32
          %get3A_260 = arith.index_cast %add3A_259 : i32 to index
          %get3A_261 = tpu.vector_load %arg6[%get3A_260] {strides = array<i32>} : memref<4112xi32, #tpu.memory_space<vmem>>, vector<16xi32>,
          %shift_right_arithmetic3A_262 = vector.broadcast %scan3A_178 : i32 to vector<16xi32>
          %shift_right_arithmetic3A_263 = arith.shrsi %get3A_261, %shift_right_arithmetic3A_262 : vector<16xi32>
          %and3A_264 = arith.constant 1 : i32
          %and3A_265 = vector.broadcast %and3A_264 : i32 to vector<16xi32>
          %and3A_266 = arith.andi %shift_right_arithmetic3A_263, %and3A_265 : vector<16xi32>
          %mul3A_267 = arith.constant 16 : i32
          %mul3A_268 = arith.muli %scan3A_255, %mul3A_267 : i32
          %swap3A_269 = arith.index_cast %mul3A_268 : i32 to index
          %swap3A_270 = tpu.vector_load %arg9[%swap3A_269] {strides = array<i32>} : memref<4096xi32, #tpu.memory_space<vmem>>, vector<16xi32>,
          tpu.vector_store %arg9[%swap3A_269], %and3A_266 {strides = array<i32>} : memref<4096xi32, #tpu.memory_space<vmem>>, vector<16xi32>,
          %scan3A_271 = arith.constant 4 : i32
          %scan3A_272 = arith.addi %scan3A_206, %scan3A_271 : i32
          %mul3A_273 = arith.constant 16 : i32
          %mul3A_274 = arith.muli %scan3A_272, %mul3A_273 : i32
          %add3A_275 = arith.constant 8 : i32
          %add3A_276 = arith.addi %add3A_275, %mul3A_274 : i32
          %get3A_277 = arith.index_cast %add3A_276 : i32 to index
          %get3A_278 = tpu.vector_load %arg6[%get3A_277] {strides = array<i32>} : memref<4112xi32, #tpu.memory_space<vmem>>, vector<16xi32>,
          %shift_right_arithmetic3A_279 = vector.broadcast %scan3A_178 : i32 to vector<16xi32>
          %shift_right_arithmetic3A_280 = arith.shrsi %get3A_278, %shift_right_arithmetic3A_279 : vector<16xi32>
          %and3A_281 = arith.constant 1 : i32
          %and3A_282 = vector.broadcast %and3A_281 : i32 to vector<16xi32>
          %and3A_283 = arith.andi %shift_right_arithmetic3A_280, %and3A_282 : vector<16xi32>
          %mul3A_284 = arith.constant 16 : i32
          %mul3A_285 = arith.muli %scan3A_272, %mul3A_284 : i32
          %swap3A_286 = arith.index_cast %mul3A_285 : i32 to index
          %swap3A_287 = tpu.vector_load %arg9[%swap3A_286] {strides = array<i32>} : memref<4096xi32, #tpu.memory_space<vmem>>, vector<16xi32>,
          tpu.vector_store %arg9[%swap3A_286], %and3A_283 {strides = array<i32>} : memref<4096xi32, #tpu.memory_space<vmem>>, vector<16xi32>,
          %scan3A_288 = arith.constant 5 : i32
          %scan3A_289 = arith.addi %scan3A_206, %scan3A_288 : i32
          %mul3A_290 = arith.constant 16 : i32
          %mul3A_291 = arith.muli %scan3A_289, %mul3A_290 : i32
          %add3A_292 = arith.constant 8 : i32
          %add3A_293 = arith.addi %add3A_292, %mul3A_291 : i32
          %get3A_294 = arith.index_cast %add3A_293 : i32 to index
          %get3A_295 = tpu.vector_load %arg6[%get3A_294] {strides = array<i32>} : memref<4112xi32, #tpu.memory_space<vmem>>, vector<16xi32>,
          %shift_right_arithmetic3A_296 = vector.broadcast %scan3A_178 : i32 to vector<16xi32>
          %shift_right_arithmetic3A_297 = arith.shrsi %get3A_295, %shift_right_arithmetic3A_296 : vector<16xi32>
          %and3A_298 = arith.constant 1 : i32
          %and3A_299 = vector.broadcast %and3A_298 : i32 to vector<16xi32>
          %and3A_300 = arith.andi %shift_right_arithmetic3A_297, %and3A_299 : vector<16xi32>
          %mul3A_301 = arith.constant 16 : i32
          %mul3A_302 = arith.muli %scan3A_289, %mul3A_301 : i32
          %swap3A_303 = arith.index_cast %mul3A_302 : i32 to index
          %swap3A_304 = tpu.vector_load %arg9[%swap3A_303] {strides = array<i32>} : memref<4096xi32, #tpu.memory_space<vmem>>, vector<16xi32>,
          tpu.vector_store %arg9[%swap3A_303], %and3A_300 {strides = array<i32>} : memref<4096xi32, #tpu.memory_space<vmem>>, vector<16xi32>,
          %scan3A_305 = arith.constant 6 : i32
          %scan3A_306 = arith.addi %scan3A_206, %scan3A_305 : i32
          %mul3A_307 = arith.constant 16 : i32
          %mul3A_308 = arith.muli %scan3A_306, %mul3A_307 : i32
          %add3A_309 = arith.constant 8 : i32
          %add3A_310 = arith.addi %add3A_309, %mul3A_308 : i32
          %get3A_311 = arith.index_cast %add3A_310 : i32 to index
          %get3A_312 = tpu.vector_load %arg6[%get3A_311] {strides = array<i32>} : memref<4112xi32, #tpu.memory_space<vmem>>, vector<16xi32>,
          %shift_right_arithmetic3A_313 = vector.broadcast %scan3A_178 : i32 to vector<16xi32>
          %shift_right_arithmetic3A_314 = arith.shrsi %get3A_312, %shift_right_arithmetic3A_313 : vector<16xi32>
          %and3A_315 = arith.constant 1 : i32
          %and3A_316 = vector.broadcast %and3A_315 : i32 to vector<16xi32>
          %and3A_317 = arith.andi %shift_right_arithmetic3A_314, %and3A_316 : vector<16xi32>
          %mul3A_318 = arith.constant 16 : i32
          %mul3A_319 = arith.muli %scan3A_306, %mul3A_318 : i32
          %swap3A_320 = arith.index_cast %mul3A_319 : i32 to index
          %swap3A_321 = tpu.vector_load %arg9[%swap3A_320] {strides = array<i32>} : memref<4096xi32, #tpu.memory_space<vmem>>, vector<16xi32>,
          tpu.vector_store %arg9[%swap3A_320], %and3A_317 {strides = array<i32>} : memref<4096xi32, #tpu.memory_space<vmem>>, vector<16xi32>,
          %scan3A_322 = arith.constant 7 : i32
          %scan3A_323 = arith.addi %scan3A_206, %scan3A_322 : i32
          %mul3A_324 = arith.constant 16 : i32
          %mul3A_325 = arith.muli %scan3A_323, %mul3A_324 : i32
          %add3A_326 = arith.constant 8 : i32
          %add3A_327 = arith.addi %add3A_326, %mul3A_325 : i32
          %get3A_328 = arith.index_cast %add3A_327 : i32 to index
          %get3A_329 = tpu.vector_load %arg6[%get3A_328] {strides = array<i32>} : memref<4112xi32, #tpu.memory_space<vmem>>, vector<16xi32>,
          %shift_right_arithmetic3A_330 = vector.broadcast %scan3A_178 : i32 to vector<16xi32>
          %shift_right_arithmetic3A_331 = arith.shrsi %get3A_329, %shift_right_arithmetic3A_330 : vector<16xi32>
          %and3A_332 = arith.constant 1 : i32
          %and3A_333 = vector.broadcast %and3A_332 : i32 to vector<16xi32>
          %and3A_334 = arith.andi %shift_right_arithmetic3A_331, %and3A_333 : vector<16xi32>
          %mul3A_335 = arith.constant 16 : i32
          %mul3A_336 = arith.muli %scan3A_323, %mul3A_335 : i32
          %swap3A_337 = arith.index_cast %mul3A_336 : i32 to index
          %swap3A_338 = tpu.vector_load %arg9[%swap3A_337] {strides = array<i32>} : memref<4096xi32, #tpu.memory_space<vmem>>, vector<16xi32>,
          tpu.vector_store %arg9[%swap3A_337], %and3A_334 {strides = array<i32>} : memref<4096xi32, #tpu.memory_space<vmem>>, vector<16xi32>,
        }
        %scan3A_196 = arith.constant 256 : i32
        %add3A_197 = arith.addi %mul3A_2, %scan3A_178 : i32
        %mul3A_198 = arith.constant 9 : i32
        %mul3A_199 = arith.muli %add3A_197, %mul3A_198 : i32
        %add3A_200 = arith.constant 8 : i32
        %add3A_201 = arith.addi %mul3A_199, %add3A_200 : i32
        %mul3A_202 = arith.constant 4096 : i32
        %mul3A_203 = arith.muli %add3A_201, %mul3A_202 : i32
        %dma_start3A_204 = tpu.memref_slice %arg3[%mul3A_203] : memref<37748736xi32, #tpu.memory_space<hbm>> -> memref<4096xi32, #tpu.memory_space<hbm>>
        %dma_start3A_205 = tpu.memref_slice %arg3[%mul3A_203] : memref<37748736xi32, #tpu.memory_space<hbm>> -> memref<4096xi32, #tpu.memory_space<hbm>>
        tpu.enqueue_dma source(%arg9 : memref<4096xi32, #tpu.memory_space<vmem>>) target(%dma_start3A_205 : memref<4096xi32, #tpu.memory_space<hbm>>) target_semaphore(%arg13 : memref<!tpu.dma_semaphore, #tpu.memory_space<semaphore_mem>>)
      } else {
      }
    }
    %scan3A_169 = arith.constant 32 : i32
    %dma_wait3A_170 = arith.constant 0 : i32
    %dma_wait3A_171 = tpu.memref_slice %arg3[%dma_wait3A_170] : memref<37748736xi32, #tpu.memory_space<hbm>> -> memref<4096xi32, #tpu.memory_space<hbm>>
    %dma_wait3A_172 = arith.constant 0 : i32
    %dma_wait3A_173 = tpu.memref_slice %arg3[%dma_wait3A_172] : memref<37748736xi32, #tpu.memory_space<hbm>> -> memref<4096xi32, #tpu.memory_space<hbm>>
    tpu.wait_dma2 semaphore(%arg12 : memref<!tpu.dma_semaphore, #tpu.memory_space<semaphore_mem>>) src(%arg8 : memref<4096xi32, #tpu.memory_space<vmem>>) dst(%dma_wait3A_173 : memref<4096xi32, #tpu.memory_space<hbm>>)
    %dma_wait3A_174 = arith.constant 0 : i32
    %dma_wait3A_175 = tpu.memref_slice %arg3[%dma_wait3A_174] : memref<37748736xi32, #tpu.memory_space<hbm>> -> memref<4096xi32, #tpu.memory_space<hbm>>
    %dma_wait3A_176 = arith.constant 0 : i32
    %dma_wait3A_177 = tpu.memref_slice %arg3[%dma_wait3A_176] : memref<37748736xi32, #tpu.memory_space<hbm>> -> memref<4096xi32, #tpu.memory_space<hbm>>
    tpu.wait_dma2 semaphore(%arg13 : memref<!tpu.dma_semaphore, #tpu.memory_space<semaphore_mem>>) src(%arg9 : memref<4096xi32, #tpu.memory_space<vmem>>) dst(%dma_wait3A_177 : memref<4096xi32, #tpu.memory_space<hbm>>)
    return
  }
}

</mosaic_0001>

<sc_bundles>
// kernel: kernel.3.cloned.1.call-start
scs
__scs_entry_jumppad:
0x0: {  	(pc) =	sbr.rel $0x88, $3  }
0x1: {  	(tag) =	ssettag $0x0;
	lr =	simm.s32 $0x1  }
0x2: {  	[smem:$0x3FA0] =	sst lr;
	_ =	strace $0xD0000000  }
0x3: {  	_ = 	snop  }
0x4: {  	_ = 	snop  }
0x5: {  	_ = 	snop  }
0x6: {  	_ = 	snop  }
0x7: {  	_ = 	snop  }
__scs_overlays_trampoline_lowered:
0x8: {  	[smem:$0x3FAF] =	sst s0  }
0x9: {  	[smem:$0x3FB0] =	sst s1  }
0xa: {  	[smem:$0x3FB1] =	sst s2  }
0xb: {  	[smem:$0x3FB2] =	sst s3  }
0xc: {  	[smem:$0x3FB3] =	sst s4  }
0xd: {  	[smem:$0x3FB4] =	sst s5  }
0xe: {  	[smem:$0x3FB5] =	sst s6  }
0xf: {  	[smem:$0x3FB6] =	sst s7  }
0x10: {  	[smem:$0x3FB7] =	sst s8  }
0x11: {  	[smem:$0x3FB8] =	sst s9;
	s0 =	simm.s32 @!p0 $0x0  }
0x12: {  	s1 =	sld [smem:$0x3F9E];
	s0 =	simm.s32 @p0 $0x1  }
0x13: {  	[smem:$0x3FB9] =	sst s0;
	s0 =	simm.s32 @!p1 $0x0  }
0x14: {  	s2 =	sld [smem:$0x3F9D];
	s0 =	simm.s32 @p1 $0x1  }
0x15: {  	[smem:$0x3FBA] =	sst s0;
	s0 =	simm.s32 @!p2 $0x0  }
0x16: {  	s3 =	sld [smem:$0x3FDB];
	s0 =	simm.s32 @p2 $0x1  }
0x17: {  	s4 =	simm.s32 $0x1BF5;
	[smem:$0x3FBC] =	sst s0  }
0x18: {  	s0 =	sld [smem:$0x3F9F];
	_ =	swait.ge [sflag:s4], $0x0  }
0x19: {  	s7 =	sld [smem:$0x3FA0]  }
0x1a: {  	s8 =	sadd.s32 $0xFFFFE003, lr  }
0x1b: {  	s9 =	sadd.s32 $0xFFFFFEF7, lr;
	s5 =	simm.s32 $0xFFFFFFFF;
	p2 =	slt.u32 s8, $0xFFFFF086  }
0x1c: {  	p1 =	slt.u32 s9, $0xF7A;
	s5 =	simm.s32 @!p2 $0x0  }
0x1d: {  	s5 =	simm.s32 @p1 $0x1;
	p0 =	seq.s32 s7, s2  }
0x1e: {  	s7 =	smul.u32 @!p0 $0xF7A, s2;
	p2 =	seq.s32 @!p0 s5, $0x0  }
0x1f: {  	s9 =	smul.u32 $0xF7A, s1;
	s8 =	simm.s32 @!p0 $0x1BF5;
	p2 =	por !p2, p0  }
0x20: {  	[sflag:s8] =	ssyncset.s32 @!p0 $0xFFFFF086;
	s6 =	sadd.s32 @!p0 s3, s7;
	s7 =	simm.s32 @!p0 $0x108  }
0x21: {  	s3 =	sadd.s32 s3, s9;
	s6 =	sadd.s32 @!p0 $0x88, s6;
	s7 =	simm.s32 @p2 $0x1082  }
0x22: {  	[simem:s7], [sflag:s8] =	dma.local @!p0 [hbm:s6], $0xF7A  }
0x23: {  	s9 =	sor.u32 $0xD0000000, s2;
	s6 =	simm.s32 $0x108;
	_ =	swait.ge @!p0 [sflag:s8], $0x0  }
0x24: {  	s3 =	sadd.s32 $0x88, s3;
	s6 =	simm.s32 @!p1 $0x1082;
	[sflag:s4] =	ssyncset.s32 $0xFFFFF086  }
0x25: {  	[simem:s6], [sflag:s4] =	dma.local [hbm:s3], $0xF7A  }
0x26: {  	[smem:$0x3FA0] =	sst s1;
	(tag) =	ssettag s2;
	_ =	strace s9  }
0x27: {  	s1 =	sld [smem:$0x3FB0]  }
0x28: {  	s2 =	sld [smem:$0x3FB1]  }
0x29: {  	s4 =	sld [smem:$0x3FB3]  }
0x2a: {  	p0 =	seq.s32 s5, $0x0;
	s5 =	sld [smem:$0x3FB4]  }
0x2b: {  	s6 =	sld [smem:$0x3FB5]  }
0x2c: {  	s7 =	sld [smem:$0x3FB6]  }
0x2d: {  	s3 =	simm.s32 $0x108;
	s8 =	sld [smem:$0x3FB7]  }
0x2e: {  	s3 =	simm.s32 @!p0 $0x1082;
	s9 =	sld [smem:$0x3FB8]  }
0x2f: {  	lr =	sadd.s32 s0, s3;
	s0 =	sld [smem:$0x3FAF]  }
0x30: {  	s3 =	sld [smem:$0x3FB2]  }
0x31: {  	[smem:$0x3FBB] =	sst s10  }
0x32: {  	s10 =	sld [smem:$0x3FB9];
	_ =	sdelay $0x3  }
0x33: {  	p0 =	seq.s32 s10, $0x1;
	s10 =	sld [smem:$0x3FBB];
	_ =	sdelay $0x3  }
0x34: {  	[smem:$0x3FBB] =	sst s10  }
0x35: {  	s10 =	sld [smem:$0x3FBA];
	_ =	sdelay $0x3  }
0x36: {  	p1 =	seq.s32 s10, $0x1;
	s10 =	sld [smem:$0x3FBB];
	_ =	sdelay $0x3  }
0x37: {  	[smem:$0x3FBB] =	sst s10  }
0x38: {  	s10 =	sld [smem:$0x3FBC]  }
0x39: {  	_ = 	snop;
	(pc) =	sbr.ind lr, $3  }
0x3a: {  	_ = 	snop  }
0x3b: {  	_ = 	snop  }
0x3c: {  	p2 =	seq.s32 s10, $0x1;
	s10 =	sld [smem:$0x3FBB]  }
0x3d: {  	_ =	shalt  }
0x3e: {  	_ =	shalt  }
0x3f: {  	_ =	shalt  }
0x40: {  	_ =	shalt  }
0x41: {  	_ =	shalt  }
0x42: {  	_ =	shalt  }
0x43: {  	_ =	shalt  }
0x44: {  	_ =	shalt  }
0x45: {  	_ =	shalt  }
0x46: {  	_ =	shalt  }
0x47: {  	_ =	shalt  }
0x48: {  	_ =	shalt  }
0x49: {  	_ =	shalt  }
0x4a: {  	_ =	shalt  }
0x4b: {  	_ =	shalt  }
0x4c: {  	_ =	shalt  }
0x4d: {  	_ =	shalt  }
0x4e: {  	_ =	shalt  }
0x4f: {  	_ =	shalt  }
0x50: {  	_ =	shalt  }
0x51: {  	_ =	shalt  }
0x52: {  	_ =	shalt  }
0x53: {  	_ =	shalt  }
0x54: {  	_ =	shalt  }
0x55: {  	_ =	shalt  }
0x56: {  	_ =	shalt  }
0x57: {  	_ =	shalt  }
0x58: {  	_ =	shalt  }
0x59: {  	_ =	shalt  }
0x5a: {  	_ =	shalt  }
0x5b: {  	_ =	shalt  }
0x5c: {  	_ =	shalt  }
0x5d: {  	_ =	shalt  }
0x5e: {  	_ =	shalt  }
0x5f: {  	_ =	shalt  }
0x60: {  	_ =	shalt  }
0x61: {  	_ =	shalt  }
0x62: {  	_ =	shalt  }
0x63: {  	_ =	shalt  }
0x64: {  	_ =	shalt  }
0x65: {  	_ =	shalt  }
0x66: {  	_ =	shalt  }
0x67: {  	_ =	shalt  }
0x68: {  	_ =	shalt  }
0x69: {  	_ =	shalt  }
0x6a: {  	_ =	shalt  }
0x6b: {  	_ =	shalt  }
0x6c: {  	_ =	shalt  }
0x6d: {  	_ =	shalt  }
0x6e: {  	_ =	shalt  }
0x6f: {  	_ =	shalt  }
0x70: {  	_ =	shalt  }
0x71: {  	_ =	shalt  }
0x72: {  	_ =	shalt  }
0x73: {  	_ =	shalt  }
0x74: {  	_ =	shalt  }
0x75: {  	_ =	shalt  }
0x76: {  	_ =	shalt  }
0x77: {  	_ =	shalt  }
0x78: {  	_ =	shalt  }
0x79: {  	_ =	shalt  }
0x7a: {  	_ =	shalt  }
0x7b: {  	_ =	shalt  }
0x7c: {  	_ =	shalt  }
0x7d: {  	_ =	shalt  }
0x7e: {  	_ =	shalt  }
0x7f: {  	_ =	shalt  }
0x80: {  	_ =	shalt  }
0x81: {  	_ =	shalt  }
0x82: {  	_ =	shalt  }
0x83: {  	_ =	shalt  }
0x84: {  	_ =	shalt  }
0x85: {  	_ =	shalt  }
0x86: {  	_ =	shalt  }
0x87: {  	_ =	shalt  }
.Lfunc_end0:
.L_simem_size_0:
called_computation.1_lowered:
.L_overlay_start_0:
0x88: {  	s2 =	sld [smem:$0x3FD9]  }
0x89: {  	s3 =	sld [smem:$0x3FFE];
	_ =	sdelay $0x1  }
0x8a: {  	s1 =	srdreg.scid  }
0x8b: {  	s0 =	sand.u32 $0x1, s1  }
0x8c: {  	s17 =	sshll.u32 s0, $0xA;
	s2 =	sadd.s32 s3, s2  }
0x8d: {  	s2 =	sadd.s32 s2, s17  }
0x8e: {  	[smem:$0x3FC7] =	sst s2  }
0x8f: {  	_ = 	snop  }
0x90: {  	s2 =	sld [smem:$0x3FD0];
	(tm) =	ssettm $0x1  }
0x91: {  	s18 =	sld [smem:$0x3FFB];
	_ =	sdelay $0x3  }
0x92: {  	_ =	strace s18  }
0x93: {  	s3 =	sld [smem:$0x3FFC];
	_ =	sdelay $0x3  }
0x94: {  	_ =	strace s3  }
0x95: {  	s3 =	sld [smem:$0x3FFD];
	_ =	sdelay $0x3  }
0x96: {  	_ =	strace s3  }
0x97: {  	_ =	strace $0x8FFFFFFF  }
0x98: {  	s19 =	sld [smem:$0x3FDB];
	_ =	sdelay $0x1  }
0x99: {  	s4 =	simm.s32 $_scs_section_size  }
0x9a: {  	s5 =	simm.s32 $_size__tile_overlayer_lowered;
	s6 =	simm.s32 $_tile_overlayer_lowered  }
0x9b: {  	s22 =	simm.s32 $0x1BFF;
	s21 =	sshll.u32 s6, $0x1;
	s3 =	sadd.s32 s4, s19  }
0x9c: {  	s7 =	simm.s32 $0x0;
	s20 =	sshll.u32 s5, $0x1;
	s5 =	sadd.s32 s21, s3  }
0x9d: {  	[timem:s7], [sflag:s22] =	dma.local [hbm:s5], s20  }
0x9e: {  	_ =	swait.ge [sflag:s22], s20  }
0x9f: {  	s4 =	ssub.s32 $0x0, s20;
	[sflag:s22] =	ssyncset.done $0x0  }
0xa0: {  	[sflag:s22] =	ssyncadd.s32 s4;
	_ =	sdelay $0x1  }
0xa1: {  	s23 =	simm.s32 $0x1B8B  }
0xa2: {  	_ =	swait.ge [sflag:s23], $0x1  }
0xa3: {  	[sflag:s23] =	ssyncset.done $0x0  }
0xa4: {  	s25 =	simm.s32 $0x1B8E;
	s24 =	sld [smem:$0x3FFE];
	[sflag:s23] =	ssyncadd.s32 $0xFFFFFFFF  }
0xa5: {  	s26 =	simm.s32 $execute0_lowered;
	[smem:$0x3FD2] =	sst s25  }
0xa6: {  	s5 =	sshll.u32 s26, $0x1;
	_ =	strace $0x80000046;
	[dreg:$0x1] =	wrdreg $0xFFFFFFFF  }
0xa7: {  	s28 =	simm.s32 $_size_execute0_lowered;
	s3 =	sadd.s32 s3, s5;
	[dreg:$0x0] =	wrdreg $0x0  }
0xa8: {  	s5 =	sshll.u32 s28, $0x1;
	[dreg:$0x2] =	wrdreg s3  }
0xa9: {  	[dreg:$0x3] =	wrdreg s5  }
0xaa: {  	[dreg:$0x4] =	wrdreg $0xC0  }
0xab: {  	_ =	task [dreg:s7], $0x5FFFF  }
0xac: {  	[dreg:$0x1] =	wrdreg $0xFFFFFFFF  }
0xad: {  	[dreg:$0x0] =	wrdreg $0x60  }
0xae: {  	[dreg:$0x2] =	wrdreg s24  }
0xaf: {  	[dreg:$0x3] =	wrdreg s2  }
0xb0: {  	[dreg:$0x4] =	wrdreg $0x9  }
0xb1: {  	_ =	task.clear_ibuf [dreg:s7], $0x5FFFF;
	_ =	strace $0x90000046  }
0xb2: {  	s29 =	simm.s32 $0x9;
	_ =	strace $0x80000048  }
0xb3: {  	_ =	swait.ge [sflag:s29], $0x1  }
0xb4: {  	[sflag:s29] =	ssyncadd.s32 $0xFFFFFFFF  }
0xb5: {  	_ =	strace $0x90000048  }
0xb6: {  	_ =	sfence  }
0xb7: {  	s30 =	sld [smem:$0x0];
	_ =	sdelay $0x2  }
0xb8: {  	s31 =	sshll.u32 s1, $0xD;
	s1 =	sshrl.u32 s1, $0x2  }
0xb9: {  	s3 =	sand.u32 $0x4000, s31;
	s1 =	sadd.s32 s1, s30  }
0xba: {  	s0 =	sor.u32 s3, s0;
	s1 =	sshll.u32 s1, $0x11  }
0xbb: {  	s0 =	sor.u32 s1, s0  }
0xbc: {  	s0 =	sadd.s32 $0x8F2B, s0  }
0xbd: {  	[sflag:s0] =	ssyncadd.remote.s32 $0x1  }
0xbe: {  	_ =	sfence.sel $0xFFFF  }
0xbf: {  	[dreg:$0x0] =	wrdreg $0xFFFFFFFF;
	(pc) =	sbr.abs _section_cstart, $3  }
0xc0: {  	[dreg:$0x1] =	wrdreg $0xFFFFFFFF  }
0xc1: {  	_ =	task.clear_ibuf [dreg:s7], $0x2FFFF;
	_ =	strace $0x9FFFFFFF  }
0xc2: {  	(tm) =	ssettm $0x7FFFFFFF  }
0xc3: {  	_ =	shalt  }
tec
execute0_lowered:
.L_overlay_start_1:
0x0: {  	(tag) =	ssettag $0x1  }
0x1: {  	s4 =	rddreg [dreg:$0x0]  }
0x2: {  	s1 =	rddreg [dreg:$0x1]  }
0x3: {  	s0 =	rddreg [dreg:$0x2]  }
0x4: {  	s3 =	simm.s32 $0x0;
	s5 =	srdreg.scid;
	s2 =	stileid.u32  }
0x5: {  	s10 =	simm.s32 $0x1;
	s11 =	simm.s32 $0x1000;
	s12 =	simm.s32 $0x4100  }
0x6: {  	s13 =	simm.s32 $0x3;
	s14 =	simm.s32 $0x4;
	s15 =	simm.s32 $0x5100  }
0x7: {  	s16 =	simm.s32 $0x2;
	s17 =	simm.s32 $0x0;
	[smem:$0x7FF] =	sst s3  }
.Ltmp0:
0x8: {  	s5 =	sand.u32 $0x1, s5;
	s7 =	sshll.u32 s2, $0x1;
	(pc) =	sbr.rel .LBB2_1-.Ltmp0, $4  }
0x9: {  	s4 =	sadd.s32 $0x800, s4;
	s6 =	ssub.s32 $0x2, s5;
	s7 =	sor.u32 s5, s7  }
0xa: {  	_ =	strace $0x80000047;
	s8 =	sshrl.u32 s6, $0x1;
	s31 =	sshll.u32 s7, $0xE  }
0xb: {  	s5 =	sshll.u32 s7, $0x5;
	s9 =	ssub.s32 s6, s8;
	s6 =	sadd.s32 s4, s31  }
0xc: {  	v0 =	vimm.s32 $0x0;
	s7 =	sor.u32 $0x1, s5;
	s8 =	sadd.s32 $0x200, s1;
	s9 =	smax.u32 s9, $0x1  }
.LBB2_100:
0xd: {  	s17 =	sadd.s32 $0x1, s17  }
0xe: {  	_ =	swait.ge [sflag:s13], $0x1000;
	p0 =	sne.s32 s17, s9  }
.Ltmp1:
0xf: {  	[sflag:s13] =	ssyncset.done $0x0;
	(pc) =	sbr.rel @!p0 .LBB2_101-.Ltmp1, $4  }
0x10: {  	[sflag:s13] =	ssyncadd.s32 $0xFFFFF000  }
0x11: {  	_ =	swait.ge [sflag:s14], $0x1000  }
0x12: {  	[sflag:s14] =	ssyncset.done $0x0  }
0x13: {  	[sflag:s14] =	ssyncadd.s32 $0xFFFFF000  }
.LBB2_1:
0x14: {  	s18 =	simm.s32 $0x2020  }
0x15: {  	[tilespmem:s18+$0xFFFFFFE0] =	vst v0  }
0x16: {  	[tilespmem:s18+$0x10] =	vst v0  }
0x17: {  	s19 =	simm.s32 $0x0;
	[tilespmem:s18+$0x0] =	vst v0  }
.LBB2_2:
0x18: {  	s19 =	sadd.s32 $0x4, s19  }
0x19: {  	[tilespmem:s18+$0xFFFFFFF0] =	vst v0;
	s18 =	sadd.s32 $0x40, s18;
	p0 =	slt.u32 s19, $0xFC  }
.Ltmp2:
0x1a: {  	[tilespmem:s18+$0xFFFFFFE0] =	vst v0;
	(pc) =	sbr.rel @p0 .LBB2_2-.Ltmp2, $3  }
0x1b: {  	_ =	sdelay $0x1  }
0x1c: {  	[tilespmem:s18+$0x10] =	vst v0  }
0x1d: {  	[tilespmem:s18+$0x0] =	vst v0  }
.Ltmp3:
0x1e: {  	[tilespmem:s18+$0xFFFFFFF0] =	vst v0;
	(pc) =	sbr.rel .LBB2_4-.Ltmp3, $4  }
0x1f: {  	[tilespmem:$0x3000] =	vst v0  }
0x20: {  	[tilespmem:$0x3080] =	vst v0  }
0x21: {  	s18 =	simm.s32 $0x0;
	[tilespmem:$0x4080] =	vst v0  }
0x22: {  	[tilespmem:s18], [sflag:$0x1] =	stream.linear.gather [hbm4b:s6+s18], $0x1000, $0x38;
	[tilespmem:$0x6100] =	vst v63  }
.LBB2_10:
0x23: {  	s19 =	sadd.s32 s5, s18  }
0x24: {  	s19 =	smul.u32 $0x1200, s19;
	_ =	sdelay $0x1  }
0x25: {  	[tilespmem:s20+$0x0] =	vst.add.s32.msk $0xffff, v2;
	s19 =	sadd.s32 s1, s19  }
0x26: {  	[hbm4b:s19+s3] =	stream.linear.scatter [tilespmem:s15], [sflag:$0x4], $0x1000, $0x38;
	[tilespmem:$0x6100] =	vst v63  }
.LBB2_11:
0x27: {  	s18 =	sadd.s32 $0x1, s18  }
0x28: {  	p0 =	sne.s32 s18, $0x20  }
.Ltmp4:
0x29: {  	_ = 	snop;
	(pc) =	sbr.rel @!p0 .LBB2_12-.Ltmp4, $1  }
0x2a: {  	_ =	sdelay $0x3  }
.LBB2_4:
0x2b: {  	s19 =	sand.u32 $0x1, s18  }
0x2c: {  	p0 =	seq.s32 s19, $0x1  }
.Ltmp5:
0x2d: {  	_ = 	snop;
	(pc) =	sbr.rel @p0 .LBB2_8-.Ltmp5, $1  }
0x2e: {  	_ =	sdelay $0x3  }
0x2f: {  	s19 =	sadd.s32 s18, s5  }
0x30: {  	s19 =	sshll.u32 s19, $0x9  }
0x31: {  	_ =	swait.ge [sflag:s10], $0x1000;
	s19 =	sadd.s32 $0x200, s19  }
0x32: {  	[sflag:s10] =	ssyncset.done $0x0;
	s19 =	sand.u32 $0x1FFFFE00, s19  }
0x33: {  	p0 =	slt.u32 s18, $0x2;
	[sflag:s10] =	ssyncadd.s32 $0xFFFFF000;
	s19 =	sadd.s32 s4, s19  }
0x34: {  	[tilespmem:s11], [sflag:$0x2] =	stream.linear.gather [hbm4b:s19+s3], $0x1000, $0x38;
	[tilespmem:$0x6100] =	vst v63  }
0x35: {  	s19 =	simm.s32 @!p0 $0x3  }
0x36: {  	_ =	swait.ge @!p0 [sflag:s19], $0x1000  }
0x37: {  	[sflag:s19] =	ssyncset.done @!p0 $0x0  }
0x38: {  	[sflag:s19] =	ssyncadd.s32 @!p0 $0xFFFFF000;
	s19 =	simm.s32 $0x20  }
0x39: {  	v1 =	vld [tilespmem:s19+$0xFFFFFFE0];
	_ =	sdelay $0x4  }
0x3a: {  	vm0 =	vge.f32 v1, $5.000000000e-01  }
0x3b: {  	s22 =	simm.s32 $0x4120;
	v1 =	vmov s18;
	v2 =	vsel vm0, $0x1, v0  }
0x3c: {  	s20 =	simm.s32 $0x2038;
	[tilespmem:s22+$0xFFFFFFE0] =	vst v2;
	v2 =	vshll.u32 v2, v1  }
0x3d: {  	[tilespmem:s20+$0xFFFFFFD0] =	vst.add.s32.msk $0xffff, v2  }
0x3e: {  	v2 =	vld [tilespmem:s19+$0xFFFFFFF0];
	_ =	sdelay $0x4  }
0x3f: {  	vm13 =	vge.f32 v2, $5.000000000e-01  }
0x40: {  	v2 =	vsel vm13, $0x1, v0  }
0x41: {  	[tilespmem:s22+$0xFFFFFFF0] =	vst v2;
	v2 =	vshll.u32 v2, v1  }
0x42: {  	[tilespmem:s20+$0xFFFFFFE0] =	vst.add.s32.msk $0xffff, v2  }
0x43: {  	v2 =	vld [tilespmem:s19+$0x0];
	_ =	sdelay $0x4  }
0x44: {  	vm14 =	vge.f32 v2, $5.000000000e-01  }
0x45: {  	v2 =	vsel vm14, $0x1, v0  }
0x46: {  	[tilespmem:s22+$0x0] =	vst v2;
	v2 =	vshll.u32 v2, v1  }
0x47: {  	[tilespmem:s20+$0xFFFFFFF0] =	vst.add.s32.msk $0xffff, v2  }
0x48: {  	v2 =	vld [tilespmem:s19+$0x10];
	_ =	sdelay $0x4  }
0x49: {  	vm15 =	vge.f32 v2, $5.000000000e-01  }
0x4a: {  	v2 =	vsel vm15, $0x1, v0  }
0x4b: {  	s21 =	simm.s32 $0x0;
	[tilespmem:s22+$0x10] =	vst v2;
	v2 =	vshll.u32 v2, v1;
	s22 =	simm.s32 $0x4160  }
.LBB2_6:
0x4c: {  	s21 =	sadd.s32 $0x4, s21;
	[tilespmem:s20+$0x0] =	vst.add.s32.msk $0xffff, v2;
	s20 =	sadd.s32 $0x40, s20;
	s19 =	sadd.s32 $0x40, s19  }
0x4d: {  	v2 =	vld [tilespmem:s19+$0xFFFFFFE0];
	p0 =	slt.u32 s21, $0xFC;
	_ =	sdelay $0x4  }
0x4e: {  	vm0 =	vge.f32 v2, $5.000000000e-01  }
0x4f: {  	v2 =	vsel vm0, $0x1, v0  }
0x50: {  	[tilespmem:s22+$0xFFFFFFE0] =	vst v2;
	v2 =	vshll.u32 v2, v1  }
0x51: {  	[tilespmem:s20+$0xFFFFFFD0] =	vst.add.s32.msk $0xffff, v2  }
0x52: {  	v2 =	vld [tilespmem:s19+$0xFFFFFFF0];
	_ =	sdelay $0x4  }
0x53: {  	vm0 =	vge.f32 v2, $5.000000000e-01  }
0x54: {  	v2 =	vsel vm0, $0x1, v0  }
0x55: {  	[tilespmem:s22+$0xFFFFFFF0] =	vst v2;
	v2 =	vshll.u32 v2, v1  }
0x56: {  	[tilespmem:s20+$0xFFFFFFE0] =	vst.add.s32.msk $0xffff, v2  }
0x57: {  	v2 =	vld [tilespmem:s19+$0x0];
	_ =	sdelay $0x4  }
0x58: {  	vm0 =	vge.f32 v2, $5.000000000e-01  }
0x59: {  	v2 =	vsel vm0, $0x1, v0  }
0x5a: {  	[tilespmem:s22+$0x0] =	vst v2;
	v2 =	vshll.u32 v2, v1  }
0x5b: {  	[tilespmem:s20+$0xFFFFFFF0] =	vst.add.s32.msk $0xffff, v2  }
0x5c: {  	v2 =	vld [tilespmem:s19+$0x10];
	_ =	sdelay $0x2  }
.Ltmp6:
0x5d: {  	(pc) =	sbr.rel @p0 .LBB2_6-.Ltmp6, $4  }
0x5e: {  	_ = 	snop  }
0x5f: {  	vm0 =	vge.f32 v2, $5.000000000e-01  }
0x60: {  	v2 =	vsel vm0, $0x1, v0  }
0x61: {  	[tilespmem:s22+$0x10] =	vst v2;
	v2 =	vshll.u32 v2, v1;
	s22 =	sadd.s32 $0x40, s22  }
.Ltmp7:
0x62: {  	s19 =	sadd.s32 s5, s18;
	(pc) =	sbr.rel .LBB2_11-.Ltmp7, $3  }
0x63: {  	s19 =	smul.u32 $0x1200, s19;
	_ =	sdelay $0x1  }
0x64: {  	[tilespmem:s20+$0x0] =	vst.add.s32.msk $0xffff, v2;
	s19 =	sadd.s32 s1, s19  }
0x65: {  	[hbm4b:s19+s3] =	stream.linear.scatter [tilespmem:s12], [sflag:$0x3], $0x1000, $0x38;
	[tilespmem:$0x6100] =	vst v63  }
.LBB2_8:
0x66: {  	p0 =	seq.s32 s18, $0x1F  }
0x67: {  	s19 =	sadd.s32 @!p0 s18, s7  }
0x68: {  	_ =	swait.ge [sflag:s16], $0x1000;
	s19 =	sshll.u32 @!p0 s19, $0x9  }
0x69: {  	[sflag:s16] =	ssyncset.done $0x0;
	s20 =	simm.s32 @!p0 $0x0;
	s19 =	sand.u32 @!p0 $0x1FFFFC00, s19  }
0x6a: {  	p1 =	slt.u32 @!p0 s18, $0x2;
	[sflag:s16] =	ssyncadd.s32 $0xFFFFF000;
	s19 =	sadd.s32 @!p0 s4, s19  }
0x6b: {  	[tilespmem:s20], [sflag:$0x1] =	stream.linear.gather @!p0 [hbm4b:s19+s20], $0x1000, $0x38;
	[tilespmem:$0x6100] =	vst v63  }
0x6c: {  	p0 =	por p0, !p1  }
0x6d: {  	_ =	swait.ge @p0 [sflag:s14], $0x1000  }
0x6e: {  	[sflag:s14] =	ssyncset.done @p0 $0x0  }
0x6f: {  	s19 =	simm.s32 $0x1020;
	[sflag:s14] =	ssyncadd.s32 @p0 $0xFFFFF000  }
0x70: {  	v1 =	vld [tilespmem:s19+$0xFFFFFFE0];
	_ =	sdelay $0x4  }
0x71: {  	vm0 =	vge.f32 v1, $5.000000000e-01  }
0x72: {  	s22 =	simm.s32 $0x5120;
	v1 =	vmov s18;
	v2 =	vsel vm0, $0x1, v0  }
0x73: {  	s20 =	simm.s32 $0x2038;
	[tilespmem:s22+$0xFFFFFFE0] =	vst v2;
	v2 =	vshll.u32 v2, v1  }
0x74: {  	[tilespmem:s20+$0xFFFFFFD0] =	vst.add.s32.msk $0xffff, v2  }
0x75: {  	v2 =	vld [tilespmem:s19+$0xFFFFFFF0];
	_ =	sdelay $0x4  }
0x76: {  	vm13 =	vge.f32 v2, $5.000000000e-01  }
0x77: {  	v2 =	vsel vm13, $0x1, v0  }
0x78: {  	[tilespmem:s22+$0xFFFFFFF0] =	vst v2;
	v2 =	vshll.u32 v2, v1  }
0x79: {  	[tilespmem:s20+$0xFFFFFFE0] =	vst.add.s32.msk $0xffff, v2  }
0x7a: {  	v2 =	vld [tilespmem:s19+$0x0];
	_ =	sdelay $0x4  }
0x7b: {  	vm14 =	vge.f32 v2, $5.000000000e-01  }
0x7c: {  	v2 =	vsel vm14, $0x1, v0  }
0x7d: {  	[tilespmem:s22+$0x0] =	vst v2;
	v2 =	vshll.u32 v2, v1  }
0x7e: {  	[tilespmem:s20+$0xFFFFFFF0] =	vst.add.s32.msk $0xffff, v2  }
0x7f: {  	v2 =	vld [tilespmem:s19+$0x10];
	_ =	sdelay $0x4  }
0x80: {  	vm15 =	vge.f32 v2, $5.000000000e-01  }
0x81: {  	v2 =	vsel vm15, $0x1, v0  }
0x82: {  	s21 =	simm.s32 $0x0;
	[tilespmem:s22+$0x10] =	vst v2;
	v2 =	vshll.u32 v2, v1;
	s22 =	simm.s32 $0x5160  }
.LBB2_9:
0x83: {  	s21 =	sadd.s32 $0x4, s21;
	[tilespmem:s20+$0x0] =	vst.add.s32.msk $0xffff, v2;
	s20 =	sadd.s32 $0x40, s20;
	s19 =	sadd.s32 $0x40, s19  }
0x84: {  	v2 =	vld [tilespmem:s19+$0xFFFFFFE0];
	p0 =	slt.u32 s21, $0xFC;
	_ =	sdelay $0x4  }
0x85: {  	vm0 =	vge.f32 v2, $5.000000000e-01  }
0x86: {  	v2 =	vsel vm0, $0x1, v0  }
0x87: {  	[tilespmem:s22+$0xFFFFFFE0] =	vst v2;
	v2 =	vshll.u32 v2, v1  }
0x88: {  	[tilespmem:s20+$0xFFFFFFD0] =	vst.add.s32.msk $0xffff, v2  }
0x89: {  	v2 =	vld [tilespmem:s19+$0xFFFFFFF0];
	_ =	sdelay $0x4  }
0x8a: {  	vm0 =	vge.f32 v2, $5.000000000e-01  }
0x8b: {  	v2 =	vsel vm0, $0x1, v0  }
0x8c: {  	[tilespmem:s22+$0xFFFFFFF0] =	vst v2;
	v2 =	vshll.u32 v2, v1  }
0x8d: {  	[tilespmem:s20+$0xFFFFFFE0] =	vst.add.s32.msk $0xffff, v2  }
0x8e: {  	v2 =	vld [tilespmem:s19+$0x0];
	_ =	sdelay $0x4  }
0x8f: {  	vm0 =	vge.f32 v2, $5.000000000e-01  }
0x90: {  	v2 =	vsel vm0, $0x1, v0  }
0x91: {  	[tilespmem:s22+$0x0] =	vst v2;
	v2 =	vshll.u32 v2, v1  }
0x92: {  	[tilespmem:s20+$0xFFFFFFF0] =	vst.add.s32.msk $0xffff, v2  }
0x93: {  	v2 =	vld [tilespmem:s19+$0x10];
	_ =	sdelay $0x2  }
.Ltmp8:
0x94: {  	(pc) =	sbr.rel @p0 .LBB2_9-.Ltmp8, $4  }
0x95: {  	_ = 	snop  }
0x96: {  	vm0 =	vge.f32 v2, $5.000000000e-01  }
0x97: {  	v2 =	vsel vm0, $0x1, v0  }
0x98: {  	[tilespmem:s22+$0x10] =	vst v2;
	v2 =	vshll.u32 v2, v1;
	s22 =	sadd.s32 $0x40, s22  }
.Ltmp9:
0x99: {  	_ = 	snop;
	(pc) =	sbr.rel .LBB2_10-.Ltmp9, $1  }
0x9a: {  	_ =	sdelay $0x3  }
.LBB2_12:
0x9b: {  	_ =	swait.ge [sflag:s13], $0x1000  }
0x9c: {  	[sflag:s13] =	ssyncset.done $0x0  }
0x9d: {  	[sflag:s13] =	ssyncadd.s32 $0xFFFFF000  }
0x9e: {  	_ =	swait.ge [sflag:s14], $0x1000  }
0x9f: {  	[sflag:s14] =	ssyncset.done $0x0  }
0xa0: {  	s21 =	simm.s32 $0x2027;
	[sflag:s14] =	ssyncadd.s32 $0xFFFFF000  }
0xa1: {  	v1 =	vld [tilespmem:s21+$0xFFFFFFE2]  }
0xa2: {  	v2 =	vld [tilespmem:s21+$0xFFFFFFE1]  }
0xa3: {  	v3 =	vld [tilespmem:s21+$0xFFFFFFE0];
	_ =	sdelay $0x3  }
0xa4: {  	v1 =	vand.u32 v1, v2  }
0xa5: {  	v2 =	vor.u32 v2, v3;
	v1 =	vand.u32 v3, v1  }
0xa6: {  	s22 =	simm.s32 $0x30A8;
	v1 =	vxor.u32 v2, v1  }
0xa7: {  	[tilespmem:s22+$0xFFFFFFE0] =	vst v1  }
0xa8: {  	v1 =	vld [tilespmem:s21+$0xFFFFFFF1]  }
0xa9: {  	v3 =	vld [tilespmem:s21+$0xFFFFFFF2]  }
0xaa: {  	v2 =	vld [tilespmem:s21+$0xFFFFFFF0];
	_ =	sdelay $0x1  }
0xab: {  	s23 =	simm.s32 $0x0;
	s19 =	simm.s32 $0x30A8;
	s20 =	simm.s32 $0x2027  }
.LBB2_13:
0xac: {  	s23 =	sadd.s32 $0x4, s23;
	s21 =	sadd.s32 $0x40, s21;
	s22 =	sadd.s32 $0x40, s22  }
0xad: {  	p0 =	slt.u32 s23, $0xFC;
	v3 =	vand.u32 v3, v1  }
0xae: {  	v1 =	vor.u32 v1, v2;
	v2 =	vand.u32 v2, v3  }
0xaf: {  	v1 =	vxor.u32 v1, v2  }
0xb0: {  	[tilespmem:s19+$0xFFFFFFF0] =	vst v1  }
0xb1: {  	v1 =	vld [tilespmem:s20+$0x1]  }
0xb2: {  	v2 =	vld [tilespmem:s20+$0x2]  }
0xb3: {  	v3 =	vld [tilespmem:s20+$0x0];
	_ =	sdelay $0x3  }
0xb4: {  	v2 =	vand.u32 v2, v1  }
0xb5: {  	v1 =	vor.u32 v1, v3;
	v2 =	vand.u32 v3, v2  }
0xb6: {  	v1 =	vxor.u32 v1, v2  }
0xb7: {  	[tilespmem:s19+$0x0] =	vst v1  }
0xb8: {  	v1 =	vld [tilespmem:s20+$0x12]  }
0xb9: {  	v2 =	vld [tilespmem:s20+$0x11]  }
0xba: {  	v3 =	vld [tilespmem:s20+$0x10];
	s20 =	smov.u32 s21;
	_ =	sdelay $0x3  }
0xbb: {  	v1 =	vand.u32 v1, v2  }
0xbc: {  	v2 =	vor.u32 v2, v3;
	v1 =	vand.u32 v3, v1  }
0xbd: {  	v1 =	vxor.u32 v2, v1  }
0xbe: {  	[tilespmem:s19+$0x10] =	vst v1;
	s19 =	smov.u32 s22  }
0xbf: {  	v1 =	vld [tilespmem:s21+$0xFFFFFFE2]  }
0xc0: {  	v2 =	vld [tilespmem:s21+$0xFFFFFFE1]  }
0xc1: {  	v3 =	vld [tilespmem:s21+$0xFFFFFFE0];
	_ =	sdelay $0x3  }
0xc2: {  	v1 =	vand.u32 v1, v2  }
0xc3: {  	v2 =	vor.u32 v2, v3;
	v1 =	vand.u32 v3, v1  }
0xc4: {  	v1 =	vxor.u32 v2, v1  }
0xc5: {  	[tilespmem:s22+$0xFFFFFFE0] =	vst v1  }
.Ltmp10:
0xc6: {  	v1 =	vld [tilespmem:s21+$0xFFFFFFF1];
	(pc) =	sbr.rel @p0 .LBB2_13-.Ltmp10, $3  }
0xc7: {  	v3 =	vld [tilespmem:s21+$0xFFFFFFF2]  }
0xc8: {  	v2 =	vld [tilespmem:s21+$0xFFFFFFF0];
	_ =	sdelay $0x1  }
0xc9: {  	s18 =	simm.s32 $0x0  }
0xca: {  	_ = 	snop  }
0xcb: {  	v3 =	vand.u32 v3, v1  }
0xcc: {  	v1 =	vor.u32 v1, v2;
	v2 =	vand.u32 v2, v3  }
0xcd: {  	v1 =	vxor.u32 v1, v2  }
0xce: {  	[tilespmem:s19+$0xFFFFFFF0] =	vst v1  }
0xcf: {  	v1 =	vld [tilespmem:s20+$0x1]  }
0xd0: {  	v2 =	vld [tilespmem:s20+$0x2]  }
0xd1: {  	v3 =	vld [tilespmem:s20+$0x0];
	_ =	sdelay $0x3  }
0xd2: {  	v2 =	vand.u32 v2, v1  }
0xd3: {  	v1 =	vor.u32 v1, v3;
	v2 =	vand.u32 v3, v2  }
0xd4: {  	v1 =	vxor.u32 v1, v2  }
0xd5: {  	[tilespmem:s19+$0x0] =	vst v1  }
0xd6: {  	v1 =	vld [tilespmem:s20+$0x12]  }
0xd7: {  	v2 =	vld [tilespmem:s20+$0x11]  }
0xd8: {  	v3 =	vld [tilespmem:s20+$0x10];
	_ =	sdelay $0x2  }
.Ltmp11:
0xd9: {  	_ = 	snop;
	(pc) =	sbr.rel .LBB2_15-.Ltmp11, $4  }
0xda: {  	v1 =	vand.u32 v1, v2  }
0xdb: {  	v2 =	vor.u32 v2, v3;
	v1 =	vand.u32 v3, v1  }
0xdc: {  	v1 =	vxor.u32 v2, v1  }
0xdd: {  	[tilespmem:s19+$0x10] =	vst v1  }
.LBB2_21:
0xde: {  	s19 =	sadd.s32 s5, s18  }
0xdf: {  	s19 =	smul.u32 $0x9000, s19;
	_ =	sdelay $0x1  }
0xe0: {  	s19 =	sshrl.u32 s19, $0x3  }
0xe1: {  	s19 =	sadd.s32 s1, s19  }
0xe2: {  	s19 =	sadd.s32 $0x200, s19  }
0xe3: {  	[hbm4b:s19+s3] =	stream.linear.scatter [tilespmem:s15], [sflag:$0x4], $0x1000, $0x38;
	[tilespmem:$0x6100] =	vst v63  }
.LBB2_22:
0xe4: {  	s18 =	sadd.s32 $0x1, s18  }
0xe5: {  	p0 =	sne.s32 s18, $0x20  }
.Ltmp12:
0xe6: {  	_ = 	snop;
	(pc) =	sbr.rel @!p0 .LBB2_23-.Ltmp12, $1  }
0xe7: {  	_ =	sdelay $0x3  }
.LBB2_15:
0xe8: {  	s19 =	sand.u32 $0x1, s18  }
0xe9: {  	p1 =	seq.s32 s19, $0x1  }
.Ltmp13:
0xea: {  	_ = 	snop;
	(pc) =	sbr.rel @p1 .LBB2_19-.Ltmp13, $2  }
0xeb: {  	_ =	sdelay $0x2  }
0xec: {  	p0 =	slt.u32 s18, $0x2  }
0xed: {  	s19 =	simm.s32 @!p0 $0x3  }
0xee: {  	_ =	swait.ge @!p0 [sflag:s19], $0x1000  }
0xef: {  	[sflag:s19] =	ssyncset.done @!p0 $0x0  }
0xf0: {  	s20 =	simm.s32 $0x30C8;
	[sflag:s19] =	ssyncadd.s32 @!p0 $0xFFFFF000  }
0xf1: {  	v2 =	vld [tilespmem:s20+$0xFFFFFFC0];
	_ =	sdelay $0x3  }
0xf2: {  	v1 =	vmov s18  }
0xf3: {  	v2 =	vshrl.u32 v2, v1  }
0xf4: {  	s19 =	simm.s32 $0x4140;
	v2 =	vand.u32 $0x1, v2  }
0xf5: {  	[tilespmem:s19+$0xFFFFFFC0] =	vst v2  }
0xf6: {  	v2 =	vld [tilespmem:s20+$0xFFFFFFD0];
	_ =	sdelay $0x4  }
0xf7: {  	v2 =	vshrl.u32 v2, v1  }
0xf8: {  	v2 =	vand.u32 $0x1, v2  }
0xf9: {  	[tilespmem:s19+$0xFFFFFFD0] =	vst v2  }
0xfa: {  	v2 =	vld [tilespmem:s20+$0xFFFFFFE0];
	_ =	sdelay $0x4  }
0xfb: {  	v2 =	vshrl.u32 v2, v1  }
0xfc: {  	v2 =	vand.u32 $0x1, v2  }
0xfd: {  	[tilespmem:s19+$0xFFFFFFE0] =	vst v2  }
0xfe: {  	v2 =	vld [tilespmem:s20+$0xFFFFFFF0];
	_ =	sdelay $0x4  }
0xff: {  	v2 =	vshrl.u32 v2, v1  }
0x100: {  	v2 =	vand.u32 $0x1, v2  }
0x101: {  	[tilespmem:s19+$0xFFFFFFF0] =	vst v2  }
0x102: {  	v2 =	vld [tilespmem:s20+$0x0];
	_ =	sdelay $0x4  }
0x103: {  	v2 =	vshrl.u32 v2, v1  }
0x104: {  	v2 =	vand.u32 $0x1, v2  }
0x105: {  	[tilespmem:s19+$0x0] =	vst v2  }
0x106: {  	v2 =	vld [tilespmem:s20+$0x10];
	_ =	sdelay $0x4  }
0x107: {  	v2 =	vshrl.u32 v2, v1  }
0x108: {  	v2 =	vand.u32 $0x1, v2  }
0x109: {  	[tilespmem:s19+$0x10] =	vst v2  }
0x10a: {  	v2 =	vld [tilespmem:s20+$0x20];
	_ =	sdelay $0x4  }
0x10b: {  	v2 =	vshrl.u32 v2, v1  }
0x10c: {  	v2 =	vand.u32 $0x1, v2  }
0x10d: {  	[tilespmem:s19+$0x20] =	vst v2  }
0x10e: {  	v2 =	vld [tilespmem:s20+$0x30];
	_ =	sdelay $0x4  }
0x10f: {  	v2 =	vshrl.u32 v2, v1  }
0x110: {  	v2 =	vand.u32 $0x1, v2  }
0x111: {  	s21 =	simm.s32 $0x3148;
	s20 =	simm.s32 $0x0;
	[tilespmem:s19+$0x30] =	vst v2  }
.LBB2_17:
0x112: {  	v2 =	vld [tilespmem:s21+$0xFFFFFFC0];
	s20 =	sadd.s32 $0x8, s20  }
0x113: {  	p0 =	slt.u32 s20, $0xF8;
	_ =	sdelay $0x3  }
0x114: {  	v2 =	vshrl.u32 v2, v1  }
0x115: {  	s19 =	sadd.s32 $0x80, s19;
	v2 =	vand.u32 $0x1, v2  }
0x116: {  	[tilespmem:s19+$0xFFFFFFC0] =	vst v2  }
0x117: {  	v2 =	vld [tilespmem:s21+$0xFFFFFFD0];
	_ =	sdelay $0x4  }
0x118: {  	v2 =	vshrl.u32 v2, v1  }
0x119: {  	v2 =	vand.u32 $0x1, v2  }
0x11a: {  	[tilespmem:s19+$0xFFFFFFD0] =	vst v2  }
0x11b: {  	v2 =	vld [tilespmem:s21+$0xFFFFFFE0];
	_ =	sdelay $0x4  }
0x11c: {  	v2 =	vshrl.u32 v2, v1  }
0x11d: {  	v2 =	vand.u32 $0x1, v2  }
0x11e: {  	[tilespmem:s19+$0xFFFFFFE0] =	vst v2  }
0x11f: {  	v2 =	vld [tilespmem:s21+$0xFFFFFFF0];
	_ =	sdelay $0x4  }
0x120: {  	v2 =	vshrl.u32 v2, v1  }
0x121: {  	v2 =	vand.u32 $0x1, v2  }
0x122: {  	[tilespmem:s19+$0xFFFFFFF0] =	vst v2  }
0x123: {  	v2 =	vld [tilespmem:s21+$0x0];
	_ =	sdelay $0x4  }
0x124: {  	v2 =	vshrl.u32 v2, v1  }
0x125: {  	v2 =	vand.u32 $0x1, v2  }
0x126: {  	[tilespmem:s19+$0x0] =	vst v2  }
0x127: {  	v2 =	vld [tilespmem:s21+$0x10];
	_ =	sdelay $0x4  }
0x128: {  	v2 =	vshrl.u32 v2, v1  }
0x129: {  	v2 =	vand.u32 $0x1, v2  }
0x12a: {  	[tilespmem:s19+$0x10] =	vst v2  }
0x12b: {  	v2 =	vld [tilespmem:s21+$0x20];
	_ =	sdelay $0x4  }
0x12c: {  	v2 =	vshrl.u32 v2, v1  }
0x12d: {  	v2 =	vand.u32 $0x1, v2  }
0x12e: {  	[tilespmem:s19+$0x20] =	vst v2  }
0x12f: {  	v2 =	vld [tilespmem:s21+$0x30];
	_ =	sdelay $0x2  }
.Ltmp14:
0x130: {  	(pc) =	sbr.rel @p0 .LBB2_17-.Ltmp14, $4  }
0x131: {  	_ = 	snop  }
0x132: {  	v2 =	vshrl.u32 v2, v1  }
0x133: {  	v2 =	vand.u32 $0x1, v2  }
0x134: {  	s21 =	sadd.s32 $0x80, s21;
	[tilespmem:s19+$0x30] =	vst v2  }
.Ltmp15:
0x135: {  	s19 =	sadd.s32 s5, s18;
	(pc) =	sbr.rel .LBB2_22-.Ltmp15, $3  }
0x136: {  	s19 =	smul.u32 $0x1200, s19;
	_ =	sdelay $0x1  }
0x137: {  	s19 =	sadd.s32 s19, s8  }
0x138: {  	[hbm4b:s19+s3] =	stream.linear.scatter [tilespmem:s12], [sflag:$0x3], $0x1000, $0x38;
	[tilespmem:$0x6100] =	vst v63  }
.LBB2_19:
0x139: {  	s19 =	simm.s32 @!p0 $0x4  }
0x13a: {  	_ =	swait.ge @!p0 [sflag:s19], $0x1000  }
0x13b: {  	[sflag:s19] =	ssyncset.done @!p0 $0x0  }
0x13c: {  	s20 =	simm.s32 $0x30C8;
	[sflag:s19] =	ssyncadd.s32 @!p0 $0xFFFFF000  }
0x13d: {  	v2 =	vld [tilespmem:s20+$0xFFFFFFC0];
	_ =	sdelay $0x3  }
0x13e: {  	v1 =	vmov s18  }
0x13f: {  	v2 =	vshrl.u32 v2, v1  }
0x140: {  	s19 =	simm.s32 $0x5140;
	v2 =	vand.u32 $0x1, v2  }
0x141: {  	[tilespmem:s19+$0xFFFFFFC0] =	vst v2  }
0x142: {  	v2 =	vld [tilespmem:s20+$0xFFFFFFD0];
	_ =	sdelay $0x4  }
0x143: {  	v2 =	vshrl.u32 v2, v1  }
0x144: {  	v2 =	vand.u32 $0x1, v2  }
0x145: {  	[tilespmem:s19+$0xFFFFFFD0] =	vst v2  }
0x146: {  	v2 =	vld [tilespmem:s20+$0xFFFFFFE0];
	_ =	sdelay $0x4  }
0x147: {  	v2 =	vshrl.u32 v2, v1  }
0x148: {  	v2 =	vand.u32 $0x1, v2  }
0x149: {  	[tilespmem:s19+$0xFFFFFFE0] =	vst v2  }
0x14a: {  	v2 =	vld [tilespmem:s20+$0xFFFFFFF0];
	_ =	sdelay $0x4  }
0x14b: {  	v2 =	vshrl.u32 v2, v1  }
0x14c: {  	v2 =	vand.u32 $0x1, v2  }
0x14d: {  	[tilespmem:s19+$0xFFFFFFF0] =	vst v2  }
0x14e: {  	v2 =	vld [tilespmem:s20+$0x0];
	_ =	sdelay $0x4  }
0x14f: {  	v2 =	vshrl.u32 v2, v1  }
0x150: {  	v2 =	vand.u32 $0x1, v2  }
0x151: {  	[tilespmem:s19+$0x0] =	vst v2  }
0x152: {  	v2 =	vld [tilespmem:s20+$0x10];
	_ =	sdelay $0x4  }
0x153: {  	v2 =	vshrl.u32 v2, v1  }
0x154: {  	v2 =	vand.u32 $0x1, v2  }
0x155: {  	[tilespmem:s19+$0x10] =	vst v2  }
0x156: {  	v2 =	vld [tilespmem:s20+$0x20];
	_ =	sdelay $0x4  }
0x157: {  	v2 =	vshrl.u32 v2, v1  }
0x158: {  	v2 =	vand.u32 $0x1, v2  }
0x159: {  	[tilespmem:s19+$0x20] =	vst v2  }
0x15a: {  	v2 =	vld [tilespmem:s20+$0x30];
	_ =	sdelay $0x4  }
0x15b: {  	v2 =	vshrl.u32 v2, v1  }
0x15c: {  	v2 =	vand.u32 $0x1, v2  }
0x15d: {  	s21 =	simm.s32 $0x3148;
	s20 =	simm.s32 $0x0;
	[tilespmem:s19+$0x30] =	vst v2  }
.LBB2_20:
0x15e: {  	v2 =	vld [tilespmem:s21+$0xFFFFFFC0];
	s20 =	sadd.s32 $0x8, s20  }
0x15f: {  	p0 =	slt.u32 s20, $0xF8;
	_ =	sdelay $0x3  }
0x160: {  	v2 =	vshrl.u32 v2, v1  }
0x161: {  	s19 =	sadd.s32 $0x80, s19;
	v2 =	vand.u32 $0x1, v2  }
0x162: {  	[tilespmem:s19+$0xFFFFFFC0] =	vst v2  }
0x163: {  	v2 =	vld [tilespmem:s21+$0xFFFFFFD0];
	_ =	sdelay $0x4  }
0x164: {  	v2 =	vshrl.u32 v2, v1  }
0x165: {  	v2 =	vand.u32 $0x1, v2  }
0x166: {  	[tilespmem:s19+$0xFFFFFFD0] =	vst v2  }
0x167: {  	v2 =	vld [tilespmem:s21+$0xFFFFFFE0];
	_ =	sdelay $0x4  }
0x168: {  	v2 =	vshrl.u32 v2, v1  }
0x169: {  	v2 =	vand.u32 $0x1, v2  }
0x16a: {  	[tilespmem:s19+$0xFFFFFFE0] =	vst v2  }
0x16b: {  	v2 =	vld [tilespmem:s21+$0xFFFFFFF0];
	_ =	sdelay $0x4  }
0x16c: {  	v2 =	vshrl.u32 v2, v1  }
0x16d: {  	v2 =	vand.u32 $0x1, v2  }
0x16e: {  	[tilespmem:s19+$0xFFFFFFF0] =	vst v2  }
0x16f: {  	v2 =	vld [tilespmem:s21+$0x0];
	_ =	sdelay $0x4  }
0x170: {  	v2 =	vshrl.u32 v2, v1  }
0x171: {  	v2 =	vand.u32 $0x1, v2  }
0x172: {  	[tilespmem:s19+$0x0] =	vst v2  }
0x173: {  	v2 =	vld [tilespmem:s21+$0x10];
	_ =	sdelay $0x4  }
0x174: {  	v2 =	vshrl.u32 v2, v1  }
0x175: {  	v2 =	vand.u32 $0x1, v2  }
0x176: {  	[tilespmem:s19+$0x10] =	vst v2  }
0x177: {  	v2 =	vld [tilespmem:s21+$0x20];
	_ =	sdelay $0x4  }
0x178: {  	v2 =	vshrl.u32 v2, v1  }
0x179: {  	v2 =	vand.u32 $0x1, v2  }
0x17a: {  	[tilespmem:s19+$0x20] =	vst v2  }
0x17b: {  	v2 =	vld [tilespmem:s21+$0x30];
	_ =	sdelay $0x2  }
.Ltmp16:
0x17c: {  	(pc) =	sbr.rel @p0 .LBB2_20-.Ltmp16, $4  }
0x17d: {  	_ = 	snop  }
0x17e: {  	v2 =	vshrl.u32 v2, v1  }
0x17f: {  	v2 =	vand.u32 $0x1, v2  }
0x180: {  	s21 =	sadd.s32 $0x80, s21;
	[tilespmem:s19+$0x30] =	vst v2  }
.Ltmp17:
0x181: {  	_ = 	snop;
	(pc) =	sbr.rel .LBB2_21-.Ltmp17, $1  }
0x182: {  	_ =	sdelay $0x3  }
.LBB2_23:
0x183: {  	_ =	swait.ge [sflag:s13], $0x1000  }
0x184: {  	[sflag:s13] =	ssyncset.done $0x0  }
0x185: {  	[sflag:s13] =	ssyncadd.s32 $0xFFFFF000  }
0x186: {  	_ =	swait.ge [sflag:s14], $0x1000  }
0x187: {  	[sflag:s14] =	ssyncset.done $0x0  }
0x188: {  	s21 =	simm.s32 $0x30A7;
	[sflag:s14] =	ssyncadd.s32 $0xFFFFF000  }
0x189: {  	v1 =	vld [tilespmem:s21+$0xFFFFFFE2]  }
0x18a: {  	v2 =	vld [tilespmem:s21+$0xFFFFFFE1]  }
0x18b: {  	v3 =	vld [tilespmem:s21+$0xFFFFFFE0];
	_ =	sdelay $0x3  }
0x18c: {  	v1 =	vand.u32 v1, v2  }
0x18d: {  	v2 =	vor.u32 v2, v3;
	v1 =	vand.u32 v3, v1  }
0x18e: {  	s22 =	simm.s32 $0x2028;
	v1 =	vxor.u32 v2, v1  }
0x18f: {  	[tilespmem:s22+$0xFFFFFFE0] =	vst v1  }
0x190: {  	v1 =	vld [tilespmem:s21+$0xFFFFFFF1]  }
0x191: {  	v3 =	vld [tilespmem:s21+$0xFFFFFFF2]  }
0x192: {  	v2 =	vld [tilespmem:s21+$0xFFFFFFF0];
	_ =	sdelay $0x1  }
0x193: {  	s23 =	simm.s32 $0x0;
	s19 =	simm.s32 $0x2028;
	s20 =	simm.s32 $0x30A7  }
.LBB2_24:
0x194: {  	s23 =	sadd.s32 $0x4, s23;
	s21 =	sadd.s32 $0x40, s21;
	s22 =	sadd.s32 $0x40, s22  }
0x195: {  	p0 =	slt.u32 s23, $0xFC;
	v3 =	vand.u32 v3, v1  }
0x196: {  	v1 =	vor.u32 v1, v2;
	v2 =	vand.u32 v2, v3  }
0x197: {  	v1 =	vxor.u32 v1, v2  }
0x198: {  	[tilespmem:s19+$0xFFFFFFF0] =	vst v1  }
0x199: {  	v1 =	vld [tilespmem:s20+$0x1]  }
0x19a: {  	v2 =	vld [tilespmem:s20+$0x2]  }
0x19b: {  	v3 =	vld [tilespmem:s20+$0x0];
	_ =	sdelay $0x3  }
0x19c: {  	v2 =	vand.u32 v2, v1  }
0x19d: {  	v1 =	vor.u32 v1, v3;
	v2 =	vand.u32 v3, v2  }
0x19e: {  	v1 =	vxor.u32 v1, v2  }
0x19f: {  	[tilespmem:s19+$0x0] =	vst v1  }
0x1a0: {  	v1 =	vld [tilespmem:s20+$0x12]  }
0x1a1: {  	v2 =	vld [tilespmem:s20+$0x11]  }
0x1a2: {  	v3 =	vld [tilespmem:s20+$0x10];
	s20 =	smov.u32 s21;
	_ =	sdelay $0x3  }
0x1a3: {  	v1 =	vand.u32 v1, v2  }
0x1a4: {  	v2 =	vor.u32 v2, v3;
	v1 =	vand.u32 v3, v1  }
0x1a5: {  	v1 =	vxor.u32 v2, v1  }
0x1a6: {  	[tilespmem:s19+$0x10] =	vst v1;
	s19 =	smov.u32 s22  }
0x1a7: {  	v1 =	vld [tilespmem:s21+$0xFFFFFFE2]  }
0x1a8: {  	v2 =	vld [tilespmem:s21+$0xFFFFFFE1]  }
0x1a9: {  	v3 =	vld [tilespmem:s21+$0xFFFFFFE0];
	_ =	sdelay $0x3  }
0x1aa: {  	v1 =	vand.u32 v1, v2  }
0x1ab: {  	v2 =	vor.u32 v2, v3;
	v1 =	vand.u32 v3, v1  }
0x1ac: {  	v1 =	vxor.u32 v2, v1  }
0x1ad: {  	[tilespmem:s22+$0xFFFFFFE0] =	vst v1  }
.Ltmp18:
0x1ae: {  	v1 =	vld [tilespmem:s21+$0xFFFFFFF1];
	(pc) =	sbr.rel @p0 .LBB2_24-.Ltmp18, $3  }
0x1af: {  	v3 =	vld [tilespmem:s21+$0xFFFFFFF2]  }
0x1b0: {  	v2 =	vld [tilespmem:s21+$0xFFFFFFF0];
	_ =	sdelay $0x1  }
0x1b1: {  	s18 =	simm.s32 $0x0  }
0x1b2: {  	_ = 	snop  }
0x1b3: {  	v3 =	vand.u32 v3, v1  }
0x1b4: {  	v1 =	vor.u32 v1, v2;
	v2 =	vand.u32 v2, v3  }
0x1b5: {  	v1 =	vxor.u32 v1, v2  }
0x1b6: {  	[tilespmem:s19+$0xFFFFFFF0] =	vst v1  }
0x1b7: {  	v1 =	vld [tilespmem:s20+$0x1]  }
0x1b8: {  	v2 =	vld [tilespmem:s20+$0x2]  }
0x1b9: {  	v3 =	vld [tilespmem:s20+$0x0];
	_ =	sdelay $0x3  }
0x1ba: {  	v2 =	vand.u32 v2, v1  }
0x1bb: {  	v1 =	vor.u32 v1, v3;
	v2 =	vand.u32 v3, v2  }
0x1bc: {  	v1 =	vxor.u32 v1, v2  }
0x1bd: {  	[tilespmem:s19+$0x0] =	vst v1  }
0x1be: {  	v1 =	vld [tilespmem:s20+$0x12]  }
0x1bf: {  	v2 =	vld [tilespmem:s20+$0x11]  }
0x1c0: {  	v3 =	vld [tilespmem:s20+$0x10];
	_ =	sdelay $0x2  }
.Ltmp19:
0x1c1: {  	_ = 	snop;
	(pc) =	sbr.rel .LBB2_26-.Ltmp19, $4  }
0x1c2: {  	v1 =	vand.u32 v1, v2  }
0x1c3: {  	v2 =	vor.u32 v2, v3;
	v1 =	vand.u32 v3, v1  }
0x1c4: {  	v1 =	vxor.u32 v2, v1  }
0x1c5: {  	[tilespmem:s19+$0x10] =	vst v1  }
.LBB2_32:
0x1c6: {  	s19 =	sadd.s32 s5, s18  }
0x1c7: {  	s19 =	smul.u32 $0x9000, s19;
	_ =	sdelay $0x1  }
0x1c8: {  	s19 =	sshrl.u32 s19, $0x3  }
0x1c9: {  	s19 =	sadd.s32 s1, s19  }
0x1ca: {  	s19 =	sadd.s32 $0x400, s19  }
0x1cb: {  	[hbm4b:s19+s3] =	stream.linear.scatter [tilespmem:s15], [sflag:$0x4], $0x1000, $0x38;
	[tilespmem:$0x6100] =	vst v63  }
.LBB2_33:
0x1cc: {  	s18 =	sadd.s32 $0x1, s18  }
0x1cd: {  	p0 =	sne.s32 s18, $0x20  }
.Ltmp20:
0x1ce: {  	_ = 	snop;
	(pc) =	sbr.rel @!p0 .LBB2_34-.Ltmp20, $1  }
0x1cf: {  	_ =	sdelay $0x3  }
.LBB2_26:
0x1d0: {  	s19 =	sand.u32 $0x1, s18  }
0x1d1: {  	p1 =	seq.s32 s19, $0x1  }
.Ltmp21:
0x1d2: {  	_ = 	snop;
	(pc) =	sbr.rel @p1 .LBB2_30-.Ltmp21, $2  }
0x1d3: {  	_ =	sdelay $0x2  }
0x1d4: {  	p0 =	slt.u32 s18, $0x2  }
0x1d5: {  	s19 =	simm.s32 @!p0 $0x3  }
0x1d6: {  	_ =	swait.ge @!p0 [sflag:s19], $0x1000  }
0x1d7: {  	[sflag:s19] =	ssyncset.done @!p0 $0x0  }
0x1d8: {  	s20 =	simm.s32 $0x2048;
	[sflag:s19] =	ssyncadd.s32 @!p0 $0xFFFFF000  }
0x1d9: {  	v2 =	vld [tilespmem:s20+$0xFFFFFFC0];
	_ =	sdelay $0x3  }
0x1da: {  	v1 =	vmov s18  }
0x1db: {  	v2 =	vshrl.u32 v2, v1  }
0x1dc: {  	s19 =	simm.s32 $0x4140;
	v2 =	vand.u32 $0x1, v2  }
0x1dd: {  	[tilespmem:s19+$0xFFFFFFC0] =	vst v2  }
0x1de: {  	v2 =	vld [tilespmem:s20+$0xFFFFFFD0];
	_ =	sdelay $0x4  }
0x1df: {  	v2 =	vshrl.u32 v2, v1  }
0x1e0: {  	v2 =	vand.u32 $0x1, v2  }
0x1e1: {  	[tilespmem:s19+$0xFFFFFFD0] =	vst v2  }
0x1e2: {  	v2 =	vld [tilespmem:s20+$0xFFFFFFE0];
	_ =	sdelay $0x4  }
0x1e3: {  	v2 =	vshrl.u32 v2, v1  }
0x1e4: {  	v2 =	vand.u32 $0x1, v2  }
0x1e5: {  	[tilespmem:s19+$0xFFFFFFE0] =	vst v2  }
0x1e6: {  	v2 =	vld [tilespmem:s20+$0xFFFFFFF0];
	_ =	sdelay $0x4  }
0x1e7: {  	v2 =	vshrl.u32 v2, v1  }
0x1e8: {  	v2 =	vand.u32 $0x1, v2  }
0x1e9: {  	[tilespmem:s19+$0xFFFFFFF0] =	vst v2  }
0x1ea: {  	v2 =	vld [tilespmem:s20+$0x0];
	_ =	sdelay $0x4  }
0x1eb: {  	v2 =	vshrl.u32 v2, v1  }
0x1ec: {  	v2 =	vand.u32 $0x1, v2  }
0x1ed: {  	[tilespmem:s19+$0x0] =	vst v2  }
0x1ee: {  	v2 =	vld [tilespmem:s20+$0x10];
	_ =	sdelay $0x4  }
0x1ef: {  	v2 =	vshrl.u32 v2, v1  }
0x1f0: {  	v2 =	vand.u32 $0x1, v2  }
0x1f1: {  	[tilespmem:s19+$0x10] =	vst v2  }
0x1f2: {  	v2 =	vld [tilespmem:s20+$0x20];
	_ =	sdelay $0x4  }
0x1f3: {  	v2 =	vshrl.u32 v2, v1  }
0x1f4: {  	v2 =	vand.u32 $0x1, v2  }
0x1f5: {  	[tilespmem:s19+$0x20] =	vst v2  }
0x1f6: {  	v2 =	vld [tilespmem:s20+$0x30];
	_ =	sdelay $0x4  }
0x1f7: {  	v2 =	vshrl.u32 v2, v1  }
0x1f8: {  	v2 =	vand.u32 $0x1, v2  }
0x1f9: {  	s21 =	simm.s32 $0x20C8;
	s20 =	simm.s32 $0x0;
	[tilespmem:s19+$0x30] =	vst v2  }
.LBB2_28:
0x1fa: {  	v2 =	vld [tilespmem:s21+$0xFFFFFFC0];
	s20 =	sadd.s32 $0x8, s20  }
0x1fb: {  	p0 =	slt.u32 s20, $0xF8;
	_ =	sdelay $0x3  }
0x1fc: {  	v2 =	vshrl.u32 v2, v1  }
0x1fd: {  	s19 =	sadd.s32 $0x80, s19;
	v2 =	vand.u32 $0x1, v2  }
0x1fe: {  	[tilespmem:s19+$0xFFFFFFC0] =	vst v2  }
0x1ff: {  	v2 =	vld [tilespmem:s21+$0xFFFFFFD0];
	_ =	sdelay $0x4  }
0x200: {  	v2 =	vshrl.u32 v2, v1  }
0x201: {  	v2 =	vand.u32 $0x1, v2  }
0x202: {  	[tilespmem:s19+$0xFFFFFFD0] =	vst v2  }
0x203: {  	v2 =	vld [tilespmem:s21+$0xFFFFFFE0];
	_ =	sdelay $0x4  }
0x204: {  	v2 =	vshrl.u32 v2, v1  }
0x205: {  	v2 =	vand.u32 $0x1, v2  }
0x206: {  	[tilespmem:s19+$0xFFFFFFE0] =	vst v2  }
0x207: {  	v2 =	vld [tilespmem:s21+$0xFFFFFFF0];
	_ =	sdelay $0x4  }
0x208: {  	v2 =	vshrl.u32 v2, v1  }
0x209: {  	v2 =	vand.u32 $0x1, v2  }
0x20a: {  	[tilespmem:s19+$0xFFFFFFF0] =	vst v2  }
0x20b: {  	v2 =	vld [tilespmem:s21+$0x0];
	_ =	sdelay $0x4  }
0x20c: {  	v2 =	vshrl.u32 v2, v1  }
0x20d: {  	v2 =	vand.u32 $0x1, v2  }
0x20e: {  	[tilespmem:s19+$0x0] =	vst v2  }
0x20f: {  	v2 =	vld [tilespmem:s21+$0x10];
	_ =	sdelay $0x4  }
0x210: {  	v2 =	vshrl.u32 v2, v1  }
0x211: {  	v2 =	vand.u32 $0x1, v2  }
0x212: {  	[tilespmem:s19+$0x10] =	vst v2  }
0x213: {  	v2 =	vld [tilespmem:s21+$0x20];
	_ =	sdelay $0x4  }
0x214: {  	v2 =	vshrl.u32 v2, v1  }
0x215: {  	v2 =	vand.u32 $0x1, v2  }
0x216: {  	[tilespmem:s19+$0x20] =	vst v2  }
0x217: {  	v2 =	vld [tilespmem:s21+$0x30];
	_ =	sdelay $0x2  }
.Ltmp22:
0x218: {  	(pc) =	sbr.rel @p0 .LBB2_28-.Ltmp22, $4  }
0x219: {  	_ = 	snop  }
0x21a: {  	v2 =	vshrl.u32 v2, v1  }
0x21b: {  	v2 =	vand.u32 $0x1, v2  }
0x21c: {  	s21 =	sadd.s32 $0x80, s21;
	[tilespmem:s19+$0x30] =	vst v2  }
0x21d: {  	s19 =	sadd.s32 s5, s18  }
0x21e: {  	s19 =	smul.u32 $0x9000, s19  }
.Ltmp23:
0x21f: {  	_ = 	snop;
	(pc) =	sbr.rel .LBB2_33-.Ltmp23, $4  }
0x220: {  	s19 =	sshrl.u32 s19, $0x3  }
0x221: {  	s19 =	sadd.s32 s1, s19  }
0x222: {  	s19 =	sadd.s32 $0x400, s19  }
0x223: {  	[hbm4b:s19+s3] =	stream.linear.scatter [tilespmem:s12], [sflag:$0x3], $0x1000, $0x38;
	[tilespmem:$0x6100] =	vst v63  }
.LBB2_30:
0x224: {  	s19 =	simm.s32 @!p0 $0x4  }
0x225: {  	_ =	swait.ge @!p0 [sflag:s19], $0x1000  }
0x226: {  	[sflag:s19] =	ssyncset.done @!p0 $0x0  }
0x227: {  	s20 =	simm.s32 $0x2048;
	[sflag:s19] =	ssyncadd.s32 @!p0 $0xFFFFF000  }
0x228: {  	v2 =	vld [tilespmem:s20+$0xFFFFFFC0];
	_ =	sdelay $0x3  }
0x229: {  	v1 =	vmov s18  }
0x22a: {  	v2 =	vshrl.u32 v2, v1  }
0x22b: {  	s19 =	simm.s32 $0x5140;
	v2 =	vand.u32 $0x1, v2  }
0x22c: {  	[tilespmem:s19+$0xFFFFFFC0] =	vst v2  }
0x22d: {  	v2 =	vld [tilespmem:s20+$0xFFFFFFD0];
	_ =	sdelay $0x4  }
0x22e: {  	v2 =	vshrl.u32 v2, v1  }
0x22f: {  	v2 =	vand.u32 $0x1, v2  }
0x230: {  	[tilespmem:s19+$0xFFFFFFD0] =	vst v2  }
0x231: {  	v2 =	vld [tilespmem:s20+$0xFFFFFFE0];
	_ =	sdelay $0x4  }
0x232: {  	v2 =	vshrl.u32 v2, v1  }
0x233: {  	v2 =	vand.u32 $0x1, v2  }
0x234: {  	[tilespmem:s19+$0xFFFFFFE0] =	vst v2  }
0x235: {  	v2 =	vld [tilespmem:s20+$0xFFFFFFF0];
	_ =	sdelay $0x4  }
0x236: {  	v2 =	vshrl.u32 v2, v1  }
0x237: {  	v2 =	vand.u32 $0x1, v2  }
0x238: {  	[tilespmem:s19+$0xFFFFFFF0] =	vst v2  }
0x239: {  	v2 =	vld [tilespmem:s20+$0x0];
	_ =	sdelay $0x4  }
0x23a: {  	v2 =	vshrl.u32 v2, v1  }
0x23b: {  	v2 =	vand.u32 $0x1, v2  }
0x23c: {  	[tilespmem:s19+$0x0] =	vst v2  }
0x23d: {  	v2 =	vld [tilespmem:s20+$0x10];
	_ =	sdelay $0x4  }
0x23e: {  	v2 =	vshrl.u32 v2, v1  }
0x23f: {  	v2 =	vand.u32 $0x1, v2  }
0x240: {  	[tilespmem:s19+$0x10] =	vst v2  }
0x241: {  	v2 =	vld [tilespmem:s20+$0x20];
	_ =	sdelay $0x4  }
0x242: {  	v2 =	vshrl.u32 v2, v1  }
0x243: {  	v2 =	vand.u32 $0x1, v2  }
0x244: {  	[tilespmem:s19+$0x20] =	vst v2  }
0x245: {  	v2 =	vld [tilespmem:s20+$0x30];
	_ =	sdelay $0x4  }
0x246: {  	v2 =	vshrl.u32 v2, v1  }
0x247: {  	v2 =	vand.u32 $0x1, v2  }
0x248: {  	s21 =	simm.s32 $0x20C8;
	s20 =	simm.s32 $0x0;
	[tilespmem:s19+$0x30] =	vst v2  }
.LBB2_31:
0x249: {  	v2 =	vld [tilespmem:s21+$0xFFFFFFC0];
	s20 =	sadd.s32 $0x8, s20  }
0x24a: {  	p0 =	slt.u32 s20, $0xF8;
	_ =	sdelay $0x3  }
0x24b: {  	v2 =	vshrl.u32 v2, v1  }
0x24c: {  	s19 =	sadd.s32 $0x80, s19;
	v2 =	vand.u32 $0x1, v2  }
0x24d: {  	[tilespmem:s19+$0xFFFFFFC0] =	vst v2  }
0x24e: {  	v2 =	vld [tilespmem:s21+$0xFFFFFFD0];
	_ =	sdelay $0x4  }
0x24f: {  	v2 =	vshrl.u32 v2, v1  }
0x250: {  	v2 =	vand.u32 $0x1, v2  }
0x251: {  	[tilespmem:s19+$0xFFFFFFD0] =	vst v2  }
0x252: {  	v2 =	vld [tilespmem:s21+$0xFFFFFFE0];
	_ =	sdelay $0x4  }
0x253: {  	v2 =	vshrl.u32 v2, v1  }
0x254: {  	v2 =	vand.u32 $0x1, v2  }
0x255: {  	[tilespmem:s19+$0xFFFFFFE0] =	vst v2  }
0x256: {  	v2 =	vld [tilespmem:s21+$0xFFFFFFF0];
	_ =	sdelay $0x4  }
0x257: {  	v2 =	vshrl.u32 v2, v1  }
0x258: {  	v2 =	vand.u32 $0x1, v2  }
0x259: {  	[tilespmem:s19+$0xFFFFFFF0] =	vst v2  }
0x25a: {  	v2 =	vld [tilespmem:s21+$0x0];
	_ =	sdelay $0x4  }
0x25b: {  	v2 =	vshrl.u32 v2, v1  }
0x25c: {  	v2 =	vand.u32 $0x1, v2  }
0x25d: {  	[tilespmem:s19+$0x0] =	vst v2  }
0x25e: {  	v2 =	vld [tilespmem:s21+$0x10];
	_ =	sdelay $0x4  }
0x25f: {  	v2 =	vshrl.u32 v2, v1  }
0x260: {  	v2 =	vand.u32 $0x1, v2  }
0x261: {  	[tilespmem:s19+$0x10] =	vst v2  }
0x262: {  	v2 =	vld [tilespmem:s21+$0x20];
	_ =	sdelay $0x4  }
0x263: {  	v2 =	vshrl.u32 v2, v1  }
0x264: {  	v2 =	vand.u32 $0x1, v2  }
0x265: {  	[tilespmem:s19+$0x20] =	vst v2  }
0x266: {  	v2 =	vld [tilespmem:s21+$0x30];
	_ =	sdelay $0x2  }
.Ltmp24:
0x267: {  	(pc) =	sbr.rel @p0 .LBB2_31-.Ltmp24, $4  }
0x268: {  	_ = 	snop  }
0x269: {  	v2 =	vshrl.u32 v2, v1  }
0x26a: {  	v2 =	vand.u32 $0x1, v2  }
0x26b: {  	s21 =	sadd.s32 $0x80, s21;
	[tilespmem:s19+$0x30] =	vst v2  }
.Ltmp25:
0x26c: {  	_ = 	snop;
	(pc) =	sbr.rel .LBB2_32-.Ltmp25, $1  }
0x26d: {  	_ =	sdelay $0x3  }
.LBB2_34:
0x26e: {  	_ =	swait.ge [sflag:s13], $0x1000  }
0x26f: {  	[sflag:s13] =	ssyncset.done $0x0  }
0x270: {  	[sflag:s13] =	ssyncadd.s32 $0xFFFFF000  }
0x271: {  	_ =	swait.ge [sflag:s14], $0x1000  }
0x272: {  	[sflag:s14] =	ssyncset.done $0x0  }
0x273: {  	s21 =	simm.s32 $0x2027;
	[sflag:s14] =	ssyncadd.s32 $0xFFFFF000  }
0x274: {  	v1 =	vld [tilespmem:s21+$0xFFFFFFE2]  }
0x275: {  	v2 =	vld [tilespmem:s21+$0xFFFFFFE1]  }
0x276: {  	v3 =	vld [tilespmem:s21+$0xFFFFFFE0];
	_ =	sdelay $0x3  }
0x277: {  	v1 =	vand.u32 v1, v2  }
0x278: {  	v2 =	vor.u32 v2, v3;
	v1 =	vand.u32 v3, v1  }
0x279: {  	s22 =	simm.s32 $0x30A8;
	v1 =	vxor.u32 v2, v1  }
0x27a: {  	[tilespmem:s22+$0xFFFFFFE0] =	vst v1  }
0x27b: {  	v1 =	vld [tilespmem:s21+$0xFFFFFFF1]  }
0x27c: {  	v3 =	vld [tilespmem:s21+$0xFFFFFFF2]  }
0x27d: {  	v2 =	vld [tilespmem:s21+$0xFFFFFFF0];
	_ =	sdelay $0x1  }
0x27e: {  	s23 =	simm.s32 $0x0;
	s19 =	simm.s32 $0x30A8;
	s20 =	simm.s32 $0x2027  }
.LBB2_35:
0x27f: {  	s23 =	sadd.s32 $0x4, s23;
	s21 =	sadd.s32 $0x40, s21;
	s22 =	sadd.s32 $0x40, s22  }
0x280: {  	p0 =	slt.u32 s23, $0xFC;
	v3 =	vand.u32 v3, v1  }
0x281: {  	v1 =	vor.u32 v1, v2;
	v2 =	vand.u32 v2, v3  }
0x282: {  	v1 =	vxor.u32 v1, v2  }
0x283: {  	[tilespmem:s19+$0xFFFFFFF0] =	vst v1  }
0x284: {  	v1 =	vld [tilespmem:s20+$0x1]  }
0x285: {  	v2 =	vld [tilespmem:s20+$0x2]  }
0x286: {  	v3 =	vld [tilespmem:s20+$0x0];
	_ =	sdelay $0x3  }
0x287: {  	v2 =	vand.u32 v2, v1  }
0x288: {  	v1 =	vor.u32 v1, v3;
	v2 =	vand.u32 v3, v2  }
0x289: {  	v1 =	vxor.u32 v1, v2  }
0x28a: {  	[tilespmem:s19+$0x0] =	vst v1  }
0x28b: {  	v1 =	vld [tilespmem:s20+$0x12]  }
0x28c: {  	v2 =	vld [tilespmem:s20+$0x11]  }
0x28d: {  	v3 =	vld [tilespmem:s20+$0x10];
	s20 =	smov.u32 s21;
	_ =	sdelay $0x3  }
0x28e: {  	v1 =	vand.u32 v1, v2  }
0x28f: {  	v2 =	vor.u32 v2, v3;
	v1 =	vand.u32 v3, v1  }
0x290: {  	v1 =	vxor.u32 v2, v1  }
0x291: {  	[tilespmem:s19+$0x10] =	vst v1;
	s19 =	smov.u32 s22  }
0x292: {  	v1 =	vld [tilespmem:s21+$0xFFFFFFE2]  }
0x293: {  	v2 =	vld [tilespmem:s21+$0xFFFFFFE1]  }
0x294: {  	v3 =	vld [tilespmem:s21+$0xFFFFFFE0];
	_ =	sdelay $0x3  }
0x295: {  	v1 =	vand.u32 v1, v2  }
0x296: {  	v2 =	vor.u32 v2, v3;
	v1 =	vand.u32 v3, v1  }
0x297: {  	v1 =	vxor.u32 v2, v1  }
0x298: {  	[tilespmem:s22+$0xFFFFFFE0] =	vst v1  }
.Ltmp26:
0x299: {  	v1 =	vld [tilespmem:s21+$0xFFFFFFF1];
	(pc) =	sbr.rel @p0 .LBB2_35-.Ltmp26, $3  }
0x29a: {  	v3 =	vld [tilespmem:s21+$0xFFFFFFF2]  }
0x29b: {  	v2 =	vld [tilespmem:s21+$0xFFFFFFF0];
	_ =	sdelay $0x1  }
0x29c: {  	s18 =	simm.s32 $0x0  }
0x29d: {  	_ = 	snop  }
0x29e: {  	v3 =	vand.u32 v3, v1  }
0x29f: {  	v1 =	vor.u32 v1, v2;
	v2 =	vand.u32 v2, v3  }
0x2a0: {  	v1 =	vxor.u32 v1, v2  }
0x2a1: {  	[tilespmem:s19+$0xFFFFFFF0] =	vst v1  }
0x2a2: {  	v1 =	vld [tilespmem:s20+$0x1]  }
0x2a3: {  	v2 =	vld [tilespmem:s20+$0x2]  }
0x2a4: {  	v3 =	vld [tilespmem:s20+$0x0];
	_ =	sdelay $0x3  }
0x2a5: {  	v2 =	vand.u32 v2, v1  }
0x2a6: {  	v1 =	vor.u32 v1, v3;
	v2 =	vand.u32 v3, v2  }
0x2a7: {  	v1 =	vxor.u32 v1, v2  }
0x2a8: {  	[tilespmem:s19+$0x0] =	vst v1  }
0x2a9: {  	v1 =	vld [tilespmem:s20+$0x12]  }
0x2aa: {  	v2 =	vld [tilespmem:s20+$0x11]  }
0x2ab: {  	v3 =	vld [tilespmem:s20+$0x10];
	_ =	sdelay $0x2  }
.Ltmp27:
0x2ac: {  	_ = 	snop;
	(pc) =	sbr.rel .LBB2_37-.Ltmp27, $4  }
0x2ad: {  	v1 =	vand.u32 v1, v2  }
0x2ae: {  	v2 =	vor.u32 v2, v3;
	v1 =	vand.u32 v3, v1  }
0x2af: {  	v1 =	vxor.u32 v2, v1  }
0x2b0: {  	[tilespmem:s19+$0x10] =	vst v1  }
.LBB2_43:
0x2b1: {  	s19 =	sadd.s32 s5, s18  }
0x2b2: {  	s19 =	smul.u32 $0x9000, s19;
	_ =	sdelay $0x1  }
0x2b3: {  	s19 =	sshrl.u32 s19, $0x3  }
0x2b4: {  	s19 =	sadd.s32 s1, s19  }
0x2b5: {  	s19 =	sadd.s32 $0x600, s19  }
0x2b6: {  	[hbm4b:s19+s3] =	stream.linear.scatter [tilespmem:s15], [sflag:$0x4], $0x1000, $0x38;
	[tilespmem:$0x6100] =	vst v63  }
.LBB2_44:
0x2b7: {  	s18 =	sadd.s32 $0x1, s18  }
0x2b8: {  	p0 =	sne.s32 s18, $0x20  }
.Ltmp28:
0x2b9: {  	_ = 	snop;
	(pc) =	sbr.rel @!p0 .LBB2_45-.Ltmp28, $1  }
0x2ba: {  	_ =	sdelay $0x3  }
.LBB2_37:
0x2bb: {  	s19 =	sand.u32 $0x1, s18  }
0x2bc: {  	p1 =	seq.s32 s19, $0x1  }
.Ltmp29:
0x2bd: {  	_ = 	snop;
	(pc) =	sbr.rel @p1 .LBB2_41-.Ltmp29, $2  }
0x2be: {  	_ =	sdelay $0x2  }
0x2bf: {  	p0 =	slt.u32 s18, $0x2  }
0x2c0: {  	s19 =	simm.s32 @!p0 $0x3  }
0x2c1: {  	_ =	swait.ge @!p0 [sflag:s19], $0x1000  }
0x2c2: {  	[sflag:s19] =	ssyncset.done @!p0 $0x0  }
0x2c3: {  	s20 =	simm.s32 $0x30C8;
	[sflag:s19] =	ssyncadd.s32 @!p0 $0xFFFFF000  }
0x2c4: {  	v2 =	vld [tilespmem:s20+$0xFFFFFFC0];
	_ =	sdelay $0x3  }
0x2c5: {  	v1 =	vmov s18  }
0x2c6: {  	v2 =	vshrl.u32 v2, v1  }
0x2c7: {  	s19 =	simm.s32 $0x4140;
	v2 =	vand.u32 $0x1, v2  }
0x2c8: {  	[tilespmem:s19+$0xFFFFFFC0] =	vst v2  }
0x2c9: {  	v2 =	vld [tilespmem:s20+$0xFFFFFFD0];
	_ =	sdelay $0x4  }
0x2ca: {  	v2 =	vshrl.u32 v2, v1  }
0x2cb: {  	v2 =	vand.u32 $0x1, v2  }
0x2cc: {  	[tilespmem:s19+$0xFFFFFFD0] =	vst v2  }
0x2cd: {  	v2 =	vld [tilespmem:s20+$0xFFFFFFE0];
	_ =	sdelay $0x4  }
0x2ce: {  	v2 =	vshrl.u32 v2, v1  }
0x2cf: {  	v2 =	vand.u32 $0x1, v2  }
0x2d0: {  	[tilespmem:s19+$0xFFFFFFE0] =	vst v2  }
0x2d1: {  	v2 =	vld [tilespmem:s20+$0xFFFFFFF0];
	_ =	sdelay $0x4  }
0x2d2: {  	v2 =	vshrl.u32 v2, v1  }
0x2d3: {  	v2 =	vand.u32 $0x1, v2  }
0x2d4: {  	[tilespmem:s19+$0xFFFFFFF0] =	vst v2  }
0x2d5: {  	v2 =	vld [tilespmem:s20+$0x0];
	_ =	sdelay $0x4  }
0x2d6: {  	v2 =	vshrl.u32 v2, v1  }
0x2d7: {  	v2 =	vand.u32 $0x1, v2  }
0x2d8: {  	[tilespmem:s19+$0x0] =	vst v2  }
0x2d9: {  	v2 =	vld [tilespmem:s20+$0x10];
	_ =	sdelay $0x4  }
0x2da: {  	v2 =	vshrl.u32 v2, v1  }
0x2db: {  	v2 =	vand.u32 $0x1, v2  }
0x2dc: {  	[tilespmem:s19+$0x10] =	vst v2  }
0x2dd: {  	v2 =	vld [tilespmem:s20+$0x20];
	_ =	sdelay $0x4  }
0x2de: {  	v2 =	vshrl.u32 v2, v1  }
0x2df: {  	v2 =	vand.u32 $0x1, v2  }
0x2e0: {  	[tilespmem:s19+$0x20] =	vst v2  }
0x2e1: {  	v2 =	vld [tilespmem:s20+$0x30];
	_ =	sdelay $0x4  }
0x2e2: {  	v2 =	vshrl.u32 v2, v1  }
0x2e3: {  	v2 =	vand.u32 $0x1, v2  }
0x2e4: {  	s21 =	simm.s32 $0x3148;
	s20 =	simm.s32 $0x0;
	[tilespmem:s19+$0x30] =	vst v2  }
.LBB2_39:
0x2e5: {  	v2 =	vld [tilespmem:s21+$0xFFFFFFC0];
	s20 =	sadd.s32 $0x8, s20  }
0x2e6: {  	p0 =	slt.u32 s20, $0xF8;
	_ =	sdelay $0x3  }
0x2e7: {  	v2 =	vshrl.u32 v2, v1  }
0x2e8: {  	s19 =	sadd.s32 $0x80, s19;
	v2 =	vand.u32 $0x1, v2  }
0x2e9: {  	[tilespmem:s19+$0xFFFFFFC0] =	vst v2  }
0x2ea: {  	v2 =	vld [tilespmem:s21+$0xFFFFFFD0];
	_ =	sdelay $0x4  }
0x2eb: {  	v2 =	vshrl.u32 v2, v1  }
0x2ec: {  	v2 =	vand.u32 $0x1, v2  }
0x2ed: {  	[tilespmem:s19+$0xFFFFFFD0] =	vst v2  }
0x2ee: {  	v2 =	vld [tilespmem:s21+$0xFFFFFFE0];
	_ =	sdelay $0x4  }
0x2ef: {  	v2 =	vshrl.u32 v2, v1  }
0x2f0: {  	v2 =	vand.u32 $0x1, v2  }
0x2f1: {  	[tilespmem:s19+$0xFFFFFFE0] =	vst v2  }
0x2f2: {  	v2 =	vld [tilespmem:s21+$0xFFFFFFF0];
	_ =	sdelay $0x4  }
0x2f3: {  	v2 =	vshrl.u32 v2, v1  }
0x2f4: {  	v2 =	vand.u32 $0x1, v2  }
0x2f5: {  	[tilespmem:s19+$0xFFFFFFF0] =	vst v2  }
0x2f6: {  	v2 =	vld [tilespmem:s21+$0x0];
	_ =	sdelay $0x4  }
0x2f7: {  	v2 =	vshrl.u32 v2, v1  }
0x2f8: {  	v2 =	vand.u32 $0x1, v2  }
0x2f9: {  	[tilespmem:s19+$0x0] =	vst v2  }
0x2fa: {  	v2 =	vld [tilespmem:s21+$0x10];
	_ =	sdelay $0x4  }
0x2fb: {  	v2 =	vshrl.u32 v2, v1  }
0x2fc: {  	v2 =	vand.u32 $0x1, v2  }
0x2fd: {  	[tilespmem:s19+$0x10] =	vst v2  }
0x2fe: {  	v2 =	vld [tilespmem:s21+$0x20];
	_ =	sdelay $0x4  }
0x2ff: {  	v2 =	vshrl.u32 v2, v1  }
0x300: {  	v2 =	vand.u32 $0x1, v2  }
0x301: {  	[tilespmem:s19+$0x20] =	vst v2  }
0x302: {  	v2 =	vld [tilespmem:s21+$0x30];
	_ =	sdelay $0x2  }
.Ltmp30:
0x303: {  	(pc) =	sbr.rel @p0 .LBB2_39-.Ltmp30, $4  }
0x304: {  	_ = 	snop  }
0x305: {  	v2 =	vshrl.u32 v2, v1  }
0x306: {  	v2 =	vand.u32 $0x1, v2  }
0x307: {  	s21 =	sadd.s32 $0x80, s21;
	[tilespmem:s19+$0x30] =	vst v2  }
0x308: {  	s19 =	sadd.s32 s5, s18  }
0x309: {  	s19 =	smul.u32 $0x9000, s19  }
.Ltmp31:
0x30a: {  	_ = 	snop;
	(pc) =	sbr.rel .LBB2_44-.Ltmp31, $4  }
0x30b: {  	s19 =	sshrl.u32 s19, $0x3  }
0x30c: {  	s19 =	sadd.s32 s1, s19  }
0x30d: {  	s19 =	sadd.s32 $0x600, s19  }
0x30e: {  	[hbm4b:s19+s3] =	stream.linear.scatter [tilespmem:s12], [sflag:$0x3], $0x1000, $0x38;
	[tilespmem:$0x6100] =	vst v63  }
.LBB2_41:
0x30f: {  	s19 =	simm.s32 @!p0 $0x4  }
0x310: {  	_ =	swait.ge @!p0 [sflag:s19], $0x1000  }
0x311: {  	[sflag:s19] =	ssyncset.done @!p0 $0x0  }
0x312: {  	s20 =	simm.s32 $0x30C8;
	[sflag:s19] =	ssyncadd.s32 @!p0 $0xFFFFF000  }
0x313: {  	v2 =	vld [tilespmem:s20+$0xFFFFFFC0];
	_ =	sdelay $0x3  }
0x314: {  	v1 =	vmov s18  }
0x315: {  	v2 =	vshrl.u32 v2, v1  }
0x316: {  	s19 =	simm.s32 $0x5140;
	v2 =	vand.u32 $0x1, v2  }
0x317: {  	[tilespmem:s19+$0xFFFFFFC0] =	vst v2  }
0x318: {  	v2 =	vld [tilespmem:s20+$0xFFFFFFD0];
	_ =	sdelay $0x4  }
0x319: {  	v2 =	vshrl.u32 v2, v1  }
0x31a: {  	v2 =	vand.u32 $0x1, v2  }
0x31b: {  	[tilespmem:s19+$0xFFFFFFD0] =	vst v2  }
0x31c: {  	v2 =	vld [tilespmem:s20+$0xFFFFFFE0];
	_ =	sdelay $0x4  }
0x31d: {  	v2 =	vshrl.u32 v2, v1  }
0x31e: {  	v2 =	vand.u32 $0x1, v2  }
0x31f: {  	[tilespmem:s19+$0xFFFFFFE0] =	vst v2  }
0x320: {  	v2 =	vld [tilespmem:s20+$0xFFFFFFF0];
	_ =	sdelay $0x4  }
0x321: {  	v2 =	vshrl.u32 v2, v1  }
0x322: {  	v2 =	vand.u32 $0x1, v2  }
0x323: {  	[tilespmem:s19+$0xFFFFFFF0] =	vst v2  }
0x324: {  	v2 =	vld [tilespmem:s20+$0x0];
	_ =	sdelay $0x4  }
0x325: {  	v2 =	vshrl.u32 v2, v1  }
0x326: {  	v2 =	vand.u32 $0x1, v2  }
0x327: {  	[tilespmem:s19+$0x0] =	vst v2  }
0x328: {  	v2 =	vld [tilespmem:s20+$0x10];
	_ =	sdelay $0x4  }
0x329: {  	v2 =	vshrl.u32 v2, v1  }
0x32a: {  	v2 =	vand.u32 $0x1, v2  }
0x32b: {  	[tilespmem:s19+$0x10] =	vst v2  }
0x32c: {  	v2 =	vld [tilespmem:s20+$0x20];
	_ =	sdelay $0x4  }
0x32d: {  	v2 =	vshrl.u32 v2, v1  }
0x32e: {  	v2 =	vand.u32 $0x1, v2  }
0x32f: {  	[tilespmem:s19+$0x20] =	vst v2  }
0x330: {  	v2 =	vld [tilespmem:s20+$0x30];
	_ =	sdelay $0x4  }
0x331: {  	v2 =	vshrl.u32 v2, v1  }
0x332: {  	v2 =	vand.u32 $0x1, v2  }
0x333: {  	s21 =	simm.s32 $0x3148;
	s20 =	simm.s32 $0x0;
	[tilespmem:s19+$0x30] =	vst v2  }
.LBB2_42:
0x334: {  	v2 =	vld [tilespmem:s21+$0xFFFFFFC0];
	s20 =	sadd.s32 $0x8, s20  }
0x335: {  	p0 =	slt.u32 s20, $0xF8;
	_ =	sdelay $0x3  }
0x336: {  	v2 =	vshrl.u32 v2, v1  }
0x337: {  	s19 =	sadd.s32 $0x80, s19;
	v2 =	vand.u32 $0x1, v2  }
0x338: {  	[tilespmem:s19+$0xFFFFFFC0] =	vst v2  }
0x339: {  	v2 =	vld [tilespmem:s21+$0xFFFFFFD0];
	_ =	sdelay $0x4  }
0x33a: {  	v2 =	vshrl.u32 v2, v1  }
0x33b: {  	v2 =	vand.u32 $0x1, v2  }
0x33c: {  	[tilespmem:s19+$0xFFFFFFD0] =	vst v2  }
0x33d: {  	v2 =	vld [tilespmem:s21+$0xFFFFFFE0];
	_ =	sdelay $0x4  }
0x33e: {  	v2 =	vshrl.u32 v2, v1  }
0x33f: {  	v2 =	vand.u32 $0x1, v2  }
0x340: {  	[tilespmem:s19+$0xFFFFFFE0] =	vst v2  }
0x341: {  	v2 =	vld [tilespmem:s21+$0xFFFFFFF0];
	_ =	sdelay $0x4  }
0x342: {  	v2 =	vshrl.u32 v2, v1  }
0x343: {  	v2 =	vand.u32 $0x1, v2  }
0x344: {  	[tilespmem:s19+$0xFFFFFFF0] =	vst v2  }
0x345: {  	v2 =	vld [tilespmem:s21+$0x0];
	_ =	sdelay $0x4  }
0x346: {  	v2 =	vshrl.u32 v2, v1  }
0x347: {  	v2 =	vand.u32 $0x1, v2  }
0x348: {  	[tilespmem:s19+$0x0] =	vst v2  }
0x349: {  	v2 =	vld [tilespmem:s21+$0x10];
	_ =	sdelay $0x4  }
0x34a: {  	v2 =	vshrl.u32 v2, v1  }
0x34b: {  	v2 =	vand.u32 $0x1, v2  }
0x34c: {  	[tilespmem:s19+$0x10] =	vst v2  }
0x34d: {  	v2 =	vld [tilespmem:s21+$0x20];
	_ =	sdelay $0x4  }
0x34e: {  	v2 =	vshrl.u32 v2, v1  }
0x34f: {  	v2 =	vand.u32 $0x1, v2  }
0x350: {  	[tilespmem:s19+$0x20] =	vst v2  }
0x351: {  	v2 =	vld [tilespmem:s21+$0x30];
	_ =	sdelay $0x2  }
.Ltmp32:
0x352: {  	(pc) =	sbr.rel @p0 .LBB2_42-.Ltmp32, $4  }
0x353: {  	_ = 	snop  }
0x354: {  	v2 =	vshrl.u32 v2, v1  }
0x355: {  	v2 =	vand.u32 $0x1, v2  }
0x356: {  	s21 =	sadd.s32 $0x80, s21;
	[tilespmem:s19+$0x30] =	vst v2  }
.Ltmp33:
0x357: {  	_ = 	snop;
	(pc) =	sbr.rel .LBB2_43-.Ltmp33, $1  }
0x358: {  	_ =	sdelay $0x3  }
.LBB2_45:
0x359: {  	_ =	swait.ge [sflag:s13], $0x1000  }
0x35a: {  	[sflag:s13] =	ssyncset.done $0x0  }
0x35b: {  	[sflag:s13] =	ssyncadd.s32 $0xFFFFF000  }
0x35c: {  	_ =	swait.ge [sflag:s14], $0x1000  }
0x35d: {  	[sflag:s14] =	ssyncset.done $0x0  }
0x35e: {  	s21 =	simm.s32 $0x30A7;
	[sflag:s14] =	ssyncadd.s32 $0xFFFFF000  }
0x35f: {  	v1 =	vld [tilespmem:s21+$0xFFFFFFE2]  }
0x360: {  	v2 =	vld [tilespmem:s21+$0xFFFFFFE1]  }
0x361: {  	v3 =	vld [tilespmem:s21+$0xFFFFFFE0];
	_ =	sdelay $0x3  }
0x362: {  	v1 =	vand.u32 v1, v2  }
0x363: {  	v2 =	vor.u32 v2, v3;
	v1 =	vand.u32 v3, v1  }
0x364: {  	s22 =	simm.s32 $0x2028;
	v1 =	vxor.u32 v2, v1  }
0x365: {  	[tilespmem:s22+$0xFFFFFFE0] =	vst v1  }
0x366: {  	v1 =	vld [tilespmem:s21+$0xFFFFFFF1]  }
0x367: {  	v3 =	vld [tilespmem:s21+$0xFFFFFFF2]  }
0x368: {  	v2 =	vld [tilespmem:s21+$0xFFFFFFF0];
	_ =	sdelay $0x1  }
0x369: {  	s23 =	simm.s32 $0x0;
	s19 =	simm.s32 $0x2028;
	s20 =	simm.s32 $0x30A7  }
.LBB2_46:
0x36a: {  	s23 =	sadd.s32 $0x4, s23;
	s21 =	sadd.s32 $0x40, s21;
	s22 =	sadd.s32 $0x40, s22  }
0x36b: {  	p0 =	slt.u32 s23, $0xFC;
	v3 =	vand.u32 v3, v1  }
0x36c: {  	v1 =	vor.u32 v1, v2;
	v2 =	vand.u32 v2, v3  }
0x36d: {  	v1 =	vxor.u32 v1, v2  }
0x36e: {  	[tilespmem:s19+$0xFFFFFFF0] =	vst v1  }
0x36f: {  	v1 =	vld [tilespmem:s20+$0x1]  }
0x370: {  	v2 =	vld [tilespmem:s20+$0x2]  }
0x371: {  	v3 =	vld [tilespmem:s20+$0x0];
	_ =	sdelay $0x3  }
0x372: {  	v2 =	vand.u32 v2, v1  }
0x373: {  	v1 =	vor.u32 v1, v3;
	v2 =	vand.u32 v3, v2  }
0x374: {  	v1 =	vxor.u32 v1, v2  }
0x375: {  	[tilespmem:s19+$0x0] =	vst v1  }
0x376: {  	v1 =	vld [tilespmem:s20+$0x12]  }
0x377: {  	v2 =	vld [tilespmem:s20+$0x11]  }
0x378: {  	v3 =	vld [tilespmem:s20+$0x10];
	s20 =	smov.u32 s21;
	_ =	sdelay $0x3  }
0x379: {  	v1 =	vand.u32 v1, v2  }
0x37a: {  	v2 =	vor.u32 v2, v3;
	v1 =	vand.u32 v3, v1  }
0x37b: {  	v1 =	vxor.u32 v2, v1  }
0x37c: {  	[tilespmem:s19+$0x10] =	vst v1;
	s19 =	smov.u32 s22  }
0x37d: {  	v1 =	vld [tilespmem:s21+$0xFFFFFFE2]  }
0x37e: {  	v2 =	vld [tilespmem:s21+$0xFFFFFFE1]  }
0x37f: {  	v3 =	vld [tilespmem:s21+$0xFFFFFFE0];
	_ =	sdelay $0x3  }
0x380: {  	v1 =	vand.u32 v1, v2  }
0x381: {  	v2 =	vor.u32 v2, v3;
	v1 =	vand.u32 v3, v1  }
0x382: {  	v1 =	vxor.u32 v2, v1  }
0x383: {  	[tilespmem:s22+$0xFFFFFFE0] =	vst v1  }
.Ltmp34:
0x384: {  	v1 =	vld [tilespmem:s21+$0xFFFFFFF1];
	(pc) =	sbr.rel @p0 .LBB2_46-.Ltmp34, $3  }
0x385: {  	v3 =	vld [tilespmem:s21+$0xFFFFFFF2]  }
0x386: {  	v2 =	vld [tilespmem:s21+$0xFFFFFFF0];
	_ =	sdelay $0x1  }
0x387: {  	s18 =	simm.s32 $0x0  }
0x388: {  	_ = 	snop  }
0x389: {  	v3 =	vand.u32 v3, v1  }
0x38a: {  	v1 =	vor.u32 v1, v2;
	v2 =	vand.u32 v2, v3  }
0x38b: {  	v1 =	vxor.u32 v1, v2  }
0x38c: {  	[tilespmem:s19+$0xFFFFFFF0] =	vst v1  }
0x38d: {  	v1 =	vld [tilespmem:s20+$0x1]  }
0x38e: {  	v2 =	vld [tilespmem:s20+$0x2]  }
0x38f: {  	v3 =	vld [tilespmem:s20+$0x0];
	_ =	sdelay $0x3  }
0x390: {  	v2 =	vand.u32 v2, v1  }
0x391: {  	v1 =	vor.u32 v1, v3;
	v2 =	vand.u32 v3, v2  }
0x392: {  	v1 =	vxor.u32 v1, v2  }
0x393: {  	[tilespmem:s19+$0x0] =	vst v1  }
0x394: {  	v1 =	vld [tilespmem:s20+$0x12]  }
0x395: {  	v2 =	vld [tilespmem:s20+$0x11]  }
0x396: {  	v3 =	vld [tilespmem:s20+$0x10];
	_ =	sdelay $0x2  }
.Ltmp35:
0x397: {  	_ = 	snop;
	(pc) =	sbr.rel .LBB2_48-.Ltmp35, $4  }
0x398: {  	v1 =	vand.u32 v1, v2  }
0x399: {  	v2 =	vor.u32 v2, v3;
	v1 =	vand.u32 v3, v1  }
0x39a: {  	v1 =	vxor.u32 v2, v1  }
0x39b: {  	[tilespmem:s19+$0x10] =	vst v1  }
.LBB2_54:
0x39c: {  	s19 =	sadd.s32 s5, s18  }
0x39d: {  	s19 =	smul.u32 $0x9000, s19;
	_ =	sdelay $0x1  }
0x39e: {  	s19 =	sshrl.u32 s19, $0x3  }
0x39f: {  	s19 =	sadd.s32 s1, s19  }
0x3a0: {  	s19 =	sadd.s32 $0x800, s19  }
0x3a1: {  	[hbm4b:s19+s3] =	stream.linear.scatter [tilespmem:s15], [sflag:$0x4], $0x1000, $0x38;
	[tilespmem:$0x6100] =	vst v63  }
.LBB2_55:
0x3a2: {  	s18 =	sadd.s32 $0x1, s18  }
0x3a3: {  	p0 =	sne.s32 s18, $0x20  }
.Ltmp36:
0x3a4: {  	_ = 	snop;
	(pc) =	sbr.rel @!p0 .LBB2_56-.Ltmp36, $1  }
0x3a5: {  	_ =	sdelay $0x3  }
.LBB2_48:
0x3a6: {  	s19 =	sand.u32 $0x1, s18  }
0x3a7: {  	p1 =	seq.s32 s19, $0x1  }
.Ltmp37:
0x3a8: {  	_ = 	snop;
	(pc) =	sbr.rel @p1 .LBB2_52-.Ltmp37, $2  }
0x3a9: {  	_ =	sdelay $0x2  }
0x3aa: {  	p0 =	slt.u32 s18, $0x2  }
0x3ab: {  	s19 =	simm.s32 @!p0 $0x3  }
0x3ac: {  	_ =	swait.ge @!p0 [sflag:s19], $0x1000  }
0x3ad: {  	[sflag:s19] =	ssyncset.done @!p0 $0x0  }
0x3ae: {  	s20 =	simm.s32 $0x2048;
	[sflag:s19] =	ssyncadd.s32 @!p0 $0xFFFFF000  }
0x3af: {  	v2 =	vld [tilespmem:s20+$0xFFFFFFC0];
	_ =	sdelay $0x3  }
0x3b0: {  	v1 =	vmov s18  }
0x3b1: {  	v2 =	vshrl.u32 v2, v1  }
0x3b2: {  	s19 =	simm.s32 $0x4140;
	v2 =	vand.u32 $0x1, v2  }
0x3b3: {  	[tilespmem:s19+$0xFFFFFFC0] =	vst v2  }
0x3b4: {  	v2 =	vld [tilespmem:s20+$0xFFFFFFD0];
	_ =	sdelay $0x4  }
0x3b5: {  	v2 =	vshrl.u32 v2, v1  }
0x3b6: {  	v2 =	vand.u32 $0x1, v2  }
0x3b7: {  	[tilespmem:s19+$0xFFFFFFD0] =	vst v2  }
0x3b8: {  	v2 =	vld [tilespmem:s20+$0xFFFFFFE0];
	_ =	sdelay $0x4  }
0x3b9: {  	v2 =	vshrl.u32 v2, v1  }
0x3ba: {  	v2 =	vand.u32 $0x1, v2  }
0x3bb: {  	[tilespmem:s19+$0xFFFFFFE0] =	vst v2  }
0x3bc: {  	v2 =	vld [tilespmem:s20+$0xFFFFFFF0];
	_ =	sdelay $0x4  }
0x3bd: {  	v2 =	vshrl.u32 v2, v1  }
0x3be: {  	v2 =	vand.u32 $0x1, v2  }
0x3bf: {  	[tilespmem:s19+$0xFFFFFFF0] =	vst v2  }
0x3c0: {  	v2 =	vld [tilespmem:s20+$0x0];
	_ =	sdelay $0x4  }
0x3c1: {  	v2 =	vshrl.u32 v2, v1  }
0x3c2: {  	v2 =	vand.u32 $0x1, v2  }
0x3c3: {  	[tilespmem:s19+$0x0] =	vst v2  }
0x3c4: {  	v2 =	vld [tilespmem:s20+$0x10];
	_ =	sdelay $0x4  }
0x3c5: {  	v2 =	vshrl.u32 v2, v1  }
0x3c6: {  	v2 =	vand.u32 $0x1, v2  }
0x3c7: {  	[tilespmem:s19+$0x10] =	vst v2  }
0x3c8: {  	v2 =	vld [tilespmem:s20+$0x20];
	_ =	sdelay $0x4  }
0x3c9: {  	v2 =	vshrl.u32 v2, v1  }
0x3ca: {  	v2 =	vand.u32 $0x1, v2  }
0x3cb: {  	[tilespmem:s19+$0x20] =	vst v2  }
0x3cc: {  	v2 =	vld [tilespmem:s20+$0x30];
	_ =	sdelay $0x4  }
0x3cd: {  	v2 =	vshrl.u32 v2, v1  }
0x3ce: {  	v2 =	vand.u32 $0x1, v2  }
0x3cf: {  	s21 =	simm.s32 $0x20C8;
	s20 =	simm.s32 $0x0;
	[tilespmem:s19+$0x30] =	vst v2  }
.LBB2_50:
0x3d0: {  	v2 =	vld [tilespmem:s21+$0xFFFFFFC0];
	s20 =	sadd.s32 $0x8, s20  }
0x3d1: {  	p0 =	slt.u32 s20, $0xF8;
	_ =	sdelay $0x3  }
0x3d2: {  	v2 =	vshrl.u32 v2, v1  }
0x3d3: {  	s19 =	sadd.s32 $0x80, s19;
	v2 =	vand.u32 $0x1, v2  }
0x3d4: {  	[tilespmem:s19+$0xFFFFFFC0] =	vst v2  }
0x3d5: {  	v2 =	vld [tilespmem:s21+$0xFFFFFFD0];
	_ =	sdelay $0x4  }
0x3d6: {  	v2 =	vshrl.u32 v2, v1  }
0x3d7: {  	v2 =	vand.u32 $0x1, v2  }
0x3d8: {  	[tilespmem:s19+$0xFFFFFFD0] =	vst v2  }
0x3d9: {  	v2 =	vld [tilespmem:s21+$0xFFFFFFE0];
	_ =	sdelay $0x4  }
0x3da: {  	v2 =	vshrl.u32 v2, v1  }
0x3db: {  	v2 =	vand.u32 $0x1, v2  }
0x3dc: {  	[tilespmem:s19+$0xFFFFFFE0] =	vst v2  }
0x3dd: {  	v2 =	vld [tilespmem:s21+$0xFFFFFFF0];
	_ =	sdelay $0x4  }
0x3de: {  	v2 =	vshrl.u32 v2, v1  }
0x3df: {  	v2 =	vand.u32 $0x1, v2  }
0x3e0: {  	[tilespmem:s19+$0xFFFFFFF0] =	vst v2  }
0x3e1: {  	v2 =	vld [tilespmem:s21+$0x0];
	_ =	sdelay $0x4  }
0x3e2: {  	v2 =	vshrl.u32 v2, v1  }
0x3e3: {  	v2 =	vand.u32 $0x1, v2  }
0x3e4: {  	[tilespmem:s19+$0x0] =	vst v2  }
0x3e5: {  	v2 =	vld [tilespmem:s21+$0x10];
	_ =	sdelay $0x4  }
0x3e6: {  	v2 =	vshrl.u32 v2, v1  }
0x3e7: {  	v2 =	vand.u32 $0x1, v2  }
0x3e8: {  	[tilespmem:s19+$0x10] =	vst v2  }
0x3e9: {  	v2 =	vld [tilespmem:s21+$0x20];
	_ =	sdelay $0x4  }
0x3ea: {  	v2 =	vshrl.u32 v2, v1  }
0x3eb: {  	v2 =	vand.u32 $0x1, v2  }
0x3ec: {  	[tilespmem:s19+$0x20] =	vst v2  }
0x3ed: {  	v2 =	vld [tilespmem:s21+$0x30];
	_ =	sdelay $0x2  }
.Ltmp38:
0x3ee: {  	(pc) =	sbr.rel @p0 .LBB2_50-.Ltmp38, $4  }
0x3ef: {  	_ = 	snop  }
0x3f0: {  	v2 =	vshrl.u32 v2, v1  }
0x3f1: {  	v2 =	vand.u32 $0x1, v2  }
0x3f2: {  	s21 =	sadd.s32 $0x80, s21;
	[tilespmem:s19+$0x30] =	vst v2  }
0x3f3: {  	s19 =	sadd.s32 s5, s18  }
0x3f4: {  	s19 =	smul.u32 $0x9000, s19  }
.Ltmp39:
0x3f5: {  	_ = 	snop;
	(pc) =	sbr.rel .LBB2_55-.Ltmp39, $4  }
0x3f6: {  	s19 =	sshrl.u32 s19, $0x3  }
0x3f7: {  	s19 =	sadd.s32 s1, s19  }
0x3f8: {  	s19 =	sadd.s32 $0x800, s19  }
0x3f9: {  	[hbm4b:s19+s3] =	stream.linear.scatter [tilespmem:s12], [sflag:$0x3], $0x1000, $0x38;
	[tilespmem:$0x6100] =	vst v63  }
.LBB2_52:
0x3fa: {  	s19 =	simm.s32 @!p0 $0x4  }
0x3fb: {  	_ =	swait.ge @!p0 [sflag:s19], $0x1000  }
0x3fc: {  	[sflag:s19] =	ssyncset.done @!p0 $0x0  }
0x3fd: {  	s20 =	simm.s32 $0x2048;
	[sflag:s19] =	ssyncadd.s32 @!p0 $0xFFFFF000  }
0x3fe: {  	v2 =	vld [tilespmem:s20+$0xFFFFFFC0];
	_ =	sdelay $0x3  }
0x3ff: {  	v1 =	vmov s18  }
0x400: {  	v2 =	vshrl.u32 v2, v1  }
0x401: {  	s19 =	simm.s32 $0x5140;
	v2 =	vand.u32 $0x1, v2  }
0x402: {  	[tilespmem:s19+$0xFFFFFFC0] =	vst v2  }
0x403: {  	v2 =	vld [tilespmem:s20+$0xFFFFFFD0];
	_ =	sdelay $0x4  }
0x404: {  	v2 =	vshrl.u32 v2, v1  }
0x405: {  	v2 =	vand.u32 $0x1, v2  }
0x406: {  	[tilespmem:s19+$0xFFFFFFD0] =	vst v2  }
0x407: {  	v2 =	vld [tilespmem:s20+$0xFFFFFFE0];
	_ =	sdelay $0x4  }
0x408: {  	v2 =	vshrl.u32 v2, v1  }
0x409: {  	v2 =	vand.u32 $0x1, v2  }
0x40a: {  	[tilespmem:s19+$0xFFFFFFE0] =	vst v2  }
0x40b: {  	v2 =	vld [tilespmem:s20+$0xFFFFFFF0];
	_ =	sdelay $0x4  }
0x40c: {  	v2 =	vshrl.u32 v2, v1  }
0x40d: {  	v2 =	vand.u32 $0x1, v2  }
0x40e: {  	[tilespmem:s19+$0xFFFFFFF0] =	vst v2  }
0x40f: {  	v2 =	vld [tilespmem:s20+$0x0];
	_ =	sdelay $0x4  }
0x410: {  	v2 =	vshrl.u32 v2, v1  }
0x411: {  	v2 =	vand.u32 $0x1, v2  }
0x412: {  	[tilespmem:s19+$0x0] =	vst v2  }
0x413: {  	v2 =	vld [tilespmem:s20+$0x10];
	_ =	sdelay $0x4  }
0x414: {  	v2 =	vshrl.u32 v2, v1  }
0x415: {  	v2 =	vand.u32 $0x1, v2  }
0x416: {  	[tilespmem:s19+$0x10] =	vst v2  }
0x417: {  	v2 =	vld [tilespmem:s20+$0x20];
	_ =	sdelay $0x4  }
0x418: {  	v2 =	vshrl.u32 v2, v1  }
0x419: {  	v2 =	vand.u32 $0x1, v2  }
0x41a: {  	[tilespmem:s19+$0x20] =	vst v2  }
0x41b: {  	v2 =	vld [tilespmem:s20+$0x30];
	_ =	sdelay $0x4  }
0x41c: {  	v2 =	vshrl.u32 v2, v1  }
0x41d: {  	v2 =	vand.u32 $0x1, v2  }
0x41e: {  	s21 =	simm.s32 $0x20C8;
	s20 =	simm.s32 $0x0;
	[tilespmem:s19+$0x30] =	vst v2  }
.LBB2_53:
0x41f: {  	v2 =	vld [tilespmem:s21+$0xFFFFFFC0];
	s20 =	sadd.s32 $0x8, s20  }
0x420: {  	p0 =	slt.u32 s20, $0xF8;
	_ =	sdelay $0x3  }
0x421: {  	v2 =	vshrl.u32 v2, v1  }
0x422: {  	s19 =	sadd.s32 $0x80, s19;
	v2 =	vand.u32 $0x1, v2  }
0x423: {  	[tilespmem:s19+$0xFFFFFFC0] =	vst v2  }
0x424: {  	v2 =	vld [tilespmem:s21+$0xFFFFFFD0];
	_ =	sdelay $0x4  }
0x425: {  	v2 =	vshrl.u32 v2, v1  }
0x426: {  	v2 =	vand.u32 $0x1, v2  }
0x427: {  	[tilespmem:s19+$0xFFFFFFD0] =	vst v2  }
0x428: {  	v2 =	vld [tilespmem:s21+$0xFFFFFFE0];
	_ =	sdelay $0x4  }
0x429: {  	v2 =	vshrl.u32 v2, v1  }
0x42a: {  	v2 =	vand.u32 $0x1, v2  }
0x42b: {  	[tilespmem:s19+$0xFFFFFFE0] =	vst v2  }
0x42c: {  	v2 =	vld [tilespmem:s21+$0xFFFFFFF0];
	_ =	sdelay $0x4  }
0x42d: {  	v2 =	vshrl.u32 v2, v1  }
0x42e: {  	v2 =	vand.u32 $0x1, v2  }
0x42f: {  	[tilespmem:s19+$0xFFFFFFF0] =	vst v2  }
0x430: {  	v2 =	vld [tilespmem:s21+$0x0];
	_ =	sdelay $0x4  }
0x431: {  	v2 =	vshrl.u32 v2, v1  }
0x432: {  	v2 =	vand.u32 $0x1, v2  }
0x433: {  	[tilespmem:s19+$0x0] =	vst v2  }
0x434: {  	v2 =	vld [tilespmem:s21+$0x10];
	_ =	sdelay $0x4  }
0x435: {  	v2 =	vshrl.u32 v2, v1  }
0x436: {  	v2 =	vand.u32 $0x1, v2  }
0x437: {  	[tilespmem:s19+$0x10] =	vst v2  }
0x438: {  	v2 =	vld [tilespmem:s21+$0x20];
	_ =	sdelay $0x4  }
0x439: {  	v2 =	vshrl.u32 v2, v1  }
0x43a: {  	v2 =	vand.u32 $0x1, v2  }
0x43b: {  	[tilespmem:s19+$0x20] =	vst v2  }
0x43c: {  	v2 =	vld [tilespmem:s21+$0x30];
	_ =	sdelay $0x2  }
.Ltmp40:
0x43d: {  	(pc) =	sbr.rel @p0 .LBB2_53-.Ltmp40, $4  }
0x43e: {  	_ = 	snop  }
0x43f: {  	v2 =	vshrl.u32 v2, v1  }
0x440: {  	v2 =	vand.u32 $0x1, v2  }
0x441: {  	s21 =	sadd.s32 $0x80, s21;
	[tilespmem:s19+$0x30] =	vst v2  }
.Ltmp41:
0x442: {  	_ = 	snop;
	(pc) =	sbr.rel .LBB2_54-.Ltmp41, $1  }
0x443: {  	_ =	sdelay $0x3  }
.LBB2_56:
0x444: {  	_ =	swait.ge [sflag:s13], $0x1000  }
0x445: {  	[sflag:s13] =	ssyncset.done $0x0  }
0x446: {  	[sflag:s13] =	ssyncadd.s32 $0xFFFFF000  }
0x447: {  	_ =	swait.ge [sflag:s14], $0x1000  }
0x448: {  	[sflag:s14] =	ssyncset.done $0x0  }
0x449: {  	s21 =	simm.s32 $0x2027;
	[sflag:s14] =	ssyncadd.s32 $0xFFFFF000  }
0x44a: {  	v1 =	vld [tilespmem:s21+$0xFFFFFFE2]  }
0x44b: {  	v2 =	vld [tilespmem:s21+$0xFFFFFFE1]  }
0x44c: {  	v3 =	vld [tilespmem:s21+$0xFFFFFFE0];
	_ =	sdelay $0x3  }
0x44d: {  	v1 =	vand.u32 v1, v2  }
0x44e: {  	v2 =	vor.u32 v2, v3;
	v1 =	vand.u32 v3, v1  }
0x44f: {  	s22 =	simm.s32 $0x30A8;
	v1 =	vxor.u32 v2, v1  }
0x450: {  	[tilespmem:s22+$0xFFFFFFE0] =	vst v1  }
0x451: {  	v1 =	vld [tilespmem:s21+$0xFFFFFFF1]  }
0x452: {  	v3 =	vld [tilespmem:s21+$0xFFFFFFF2]  }
0x453: {  	v2 =	vld [tilespmem:s21+$0xFFFFFFF0];
	_ =	sdelay $0x1  }
0x454: {  	s23 =	simm.s32 $0x0;
	s19 =	simm.s32 $0x30A8;
	s20 =	simm.s32 $0x2027  }
.LBB2_57:
0x455: {  	s23 =	sadd.s32 $0x4, s23;
	s21 =	sadd.s32 $0x40, s21;
	s22 =	sadd.s32 $0x40, s22  }
0x456: {  	p0 =	slt.u32 s23, $0xFC;
	v3 =	vand.u32 v3, v1  }
0x457: {  	v1 =	vor.u32 v1, v2;
	v2 =	vand.u32 v2, v3  }
0x458: {  	v1 =	vxor.u32 v1, v2  }
0x459: {  	[tilespmem:s19+$0xFFFFFFF0] =	vst v1  }
0x45a: {  	v1 =	vld [tilespmem:s20+$0x1]  }
0x45b: {  	v2 =	vld [tilespmem:s20+$0x2]  }
0x45c: {  	v3 =	vld [tilespmem:s20+$0x0];
	_ =	sdelay $0x3  }
0x45d: {  	v2 =	vand.u32 v2, v1  }
0x45e: {  	v1 =	vor.u32 v1, v3;
	v2 =	vand.u32 v3, v2  }
0x45f: {  	v1 =	vxor.u32 v1, v2  }
0x460: {  	[tilespmem:s19+$0x0] =	vst v1  }
0x461: {  	v1 =	vld [tilespmem:s20+$0x12]  }
0x462: {  	v2 =	vld [tilespmem:s20+$0x11]  }
0x463: {  	v3 =	vld [tilespmem:s20+$0x10];
	s20 =	smov.u32 s21;
	_ =	sdelay $0x3  }
0x464: {  	v1 =	vand.u32 v1, v2  }
0x465: {  	v2 =	vor.u32 v2, v3;
	v1 =	vand.u32 v3, v1  }
0x466: {  	v1 =	vxor.u32 v2, v1  }
0x467: {  	[tilespmem:s19+$0x10] =	vst v1;
	s19 =	smov.u32 s22  }
0x468: {  	v1 =	vld [tilespmem:s21+$0xFFFFFFE2]  }
0x469: {  	v2 =	vld [tilespmem:s21+$0xFFFFFFE1]  }
0x46a: {  	v3 =	vld [tilespmem:s21+$0xFFFFFFE0];
	_ =	sdelay $0x3  }
0x46b: {  	v1 =	vand.u32 v1, v2  }
0x46c: {  	v2 =	vor.u32 v2, v3;
	v1 =	vand.u32 v3, v1  }
0x46d: {  	v1 =	vxor.u32 v2, v1  }
0x46e: {  	[tilespmem:s22+$0xFFFFFFE0] =	vst v1  }
.Ltmp42:
0x46f: {  	v1 =	vld [tilespmem:s21+$0xFFFFFFF1];
	(pc) =	sbr.rel @p0 .LBB2_57-.Ltmp42, $3  }
0x470: {  	v3 =	vld [tilespmem:s21+$0xFFFFFFF2]  }
0x471: {  	v2 =	vld [tilespmem:s21+$0xFFFFFFF0];
	_ =	sdelay $0x1  }
0x472: {  	s18 =	simm.s32 $0x0  }
0x473: {  	_ = 	snop  }
0x474: {  	v3 =	vand.u32 v3, v1  }
0x475: {  	v1 =	vor.u32 v1, v2;
	v2 =	vand.u32 v2, v3  }
0x476: {  	v1 =	vxor.u32 v1, v2  }
0x477: {  	[tilespmem:s19+$0xFFFFFFF0] =	vst v1  }
0x478: {  	v1 =	vld [tilespmem:s20+$0x1]  }
0x479: {  	v2 =	vld [tilespmem:s20+$0x2]  }
0x47a: {  	v3 =	vld [tilespmem:s20+$0x0];
	_ =	sdelay $0x3  }
0x47b: {  	v2 =	vand.u32 v2, v1  }
0x47c: {  	v1 =	vor.u32 v1, v3;
	v2 =	vand.u32 v3, v2  }
0x47d: {  	v1 =	vxor.u32 v1, v2  }
0x47e: {  	[tilespmem:s19+$0x0] =	vst v1  }
0x47f: {  	v1 =	vld [tilespmem:s20+$0x12]  }
0x480: {  	v2 =	vld [tilespmem:s20+$0x11]  }
0x481: {  	v3 =	vld [tilespmem:s20+$0x10];
	_ =	sdelay $0x2  }
.Ltmp43:
0x482: {  	_ = 	snop;
	(pc) =	sbr.rel .LBB2_59-.Ltmp43, $4  }
0x483: {  	v1 =	vand.u32 v1, v2  }
0x484: {  	v2 =	vor.u32 v2, v3;
	v1 =	vand.u32 v3, v1  }
0x485: {  	v1 =	vxor.u32 v2, v1  }
0x486: {  	[tilespmem:s19+$0x10] =	vst v1  }
.LBB2_65:
0x487: {  	s19 =	sadd.s32 s5, s18  }
0x488: {  	s19 =	smul.u32 $0x9000, s19;
	_ =	sdelay $0x1  }
0x489: {  	s19 =	sshrl.u32 s19, $0x3  }
0x48a: {  	s19 =	sadd.s32 s1, s19  }
0x48b: {  	s19 =	sadd.s32 $0xA00, s19  }
0x48c: {  	[hbm4b:s19+s3] =	stream.linear.scatter [tilespmem:s15], [sflag:$0x4], $0x1000, $0x38;
	[tilespmem:$0x6100] =	vst v63  }
.LBB2_66:
0x48d: {  	s18 =	sadd.s32 $0x1, s18  }
0x48e: {  	p0 =	sne.s32 s18, $0x20  }
.Ltmp44:
0x48f: {  	_ = 	snop;
	(pc) =	sbr.rel @!p0 .LBB2_67-.Ltmp44, $1  }
0x490: {  	_ =	sdelay $0x3  }
.LBB2_59:
0x491: {  	s19 =	sand.u32 $0x1, s18  }
0x492: {  	p1 =	seq.s32 s19, $0x1  }
.Ltmp45:
0x493: {  	_ = 	snop;
	(pc) =	sbr.rel @p1 .LBB2_63-.Ltmp45, $2  }
0x494: {  	_ =	sdelay $0x2  }
0x495: {  	p0 =	slt.u32 s18, $0x2  }
0x496: {  	s19 =	simm.s32 @!p0 $0x3  }
0x497: {  	_ =	swait.ge @!p0 [sflag:s19], $0x1000  }
0x498: {  	[sflag:s19] =	ssyncset.done @!p0 $0x0  }
0x499: {  	s20 =	simm.s32 $0x30C8;
	[sflag:s19] =	ssyncadd.s32 @!p0 $0xFFFFF000  }
0x49a: {  	v2 =	vld [tilespmem:s20+$0xFFFFFFC0];
	_ =	sdelay $0x3  }
0x49b: {  	v1 =	vmov s18  }
0x49c: {  	v2 =	vshrl.u32 v2, v1  }
0x49d: {  	s19 =	simm.s32 $0x4140;
	v2 =	vand.u32 $0x1, v2  }
0x49e: {  	[tilespmem:s19+$0xFFFFFFC0] =	vst v2  }
0x49f: {  	v2 =	vld [tilespmem:s20+$0xFFFFFFD0];
	_ =	sdelay $0x4  }
0x4a0: {  	v2 =	vshrl.u32 v2, v1  }
0x4a1: {  	v2 =	vand.u32 $0x1, v2  }
0x4a2: {  	[tilespmem:s19+$0xFFFFFFD0] =	vst v2  }
0x4a3: {  	v2 =	vld [tilespmem:s20+$0xFFFFFFE0];
	_ =	sdelay $0x4  }
0x4a4: {  	v2 =	vshrl.u32 v2, v1  }
0x4a5: {  	v2 =	vand.u32 $0x1, v2  }
0x4a6: {  	[tilespmem:s19+$0xFFFFFFE0] =	vst v2  }
0x4a7: {  	v2 =	vld [tilespmem:s20+$0xFFFFFFF0];
	_ =	sdelay $0x4  }
0x4a8: {  	v2 =	vshrl.u32 v2, v1  }
0x4a9: {  	v2 =	vand.u32 $0x1, v2  }
0x4aa: {  	[tilespmem:s19+$0xFFFFFFF0] =	vst v2  }
0x4ab: {  	v2 =	vld [tilespmem:s20+$0x0];
	_ =	sdelay $0x4  }
0x4ac: {  	v2 =	vshrl.u32 v2, v1  }
0x4ad: {  	v2 =	vand.u32 $0x1, v2  }
0x4ae: {  	[tilespmem:s19+$0x0] =	vst v2  }
0x4af: {  	v2 =	vld [tilespmem:s20+$0x10];
	_ =	sdelay $0x4  }
0x4b0: {  	v2 =	vshrl.u32 v2, v1  }
0x4b1: {  	v2 =	vand.u32 $0x1, v2  }
0x4b2: {  	[tilespmem:s19+$0x10] =	vst v2  }
0x4b3: {  	v2 =	vld [tilespmem:s20+$0x20];
	_ =	sdelay $0x4  }
0x4b4: {  	v2 =	vshrl.u32 v2, v1  }
0x4b5: {  	v2 =	vand.u32 $0x1, v2  }
0x4b6: {  	[tilespmem:s19+$0x20] =	vst v2  }
0x4b7: {  	v2 =	vld [tilespmem:s20+$0x30];
	_ =	sdelay $0x4  }
0x4b8: {  	v2 =	vshrl.u32 v2, v1  }
0x4b9: {  	v2 =	vand.u32 $0x1, v2  }
0x4ba: {  	s21 =	simm.s32 $0x3148;
	s20 =	simm.s32 $0x0;
	[tilespmem:s19+$0x30] =	vst v2  }
.LBB2_61:
0x4bb: {  	v2 =	vld [tilespmem:s21+$0xFFFFFFC0];
	s20 =	sadd.s32 $0x8, s20  }
0x4bc: {  	p0 =	slt.u32 s20, $0xF8;
	_ =	sdelay $0x3  }
0x4bd: {  	v2 =	vshrl.u32 v2, v1  }
0x4be: {  	s19 =	sadd.s32 $0x80, s19;
	v2 =	vand.u32 $0x1, v2  }
0x4bf: {  	[tilespmem:s19+$0xFFFFFFC0] =	vst v2  }
0x4c0: {  	v2 =	vld [tilespmem:s21+$0xFFFFFFD0];
	_ =	sdelay $0x4  }
0x4c1: {  	v2 =	vshrl.u32 v2, v1  }
0x4c2: {  	v2 =	vand.u32 $0x1, v2  }
0x4c3: {  	[tilespmem:s19+$0xFFFFFFD0] =	vst v2  }
0x4c4: {  	v2 =	vld [tilespmem:s21+$0xFFFFFFE0];
	_ =	sdelay $0x4  }
0x4c5: {  	v2 =	vshrl.u32 v2, v1  }
0x4c6: {  	v2 =	vand.u32 $0x1, v2  }
0x4c7: {  	[tilespmem:s19+$0xFFFFFFE0] =	vst v2  }
0x4c8: {  	v2 =	vld [tilespmem:s21+$0xFFFFFFF0];
	_ =	sdelay $0x4  }
0x4c9: {  	v2 =	vshrl.u32 v2, v1  }
0x4ca: {  	v2 =	vand.u32 $0x1, v2  }
0x4cb: {  	[tilespmem:s19+$0xFFFFFFF0] =	vst v2  }
0x4cc: {  	v2 =	vld [tilespmem:s21+$0x0];
	_ =	sdelay $0x4  }
0x4cd: {  	v2 =	vshrl.u32 v2, v1  }
0x4ce: {  	v2 =	vand.u32 $0x1, v2  }
0x4cf: {  	[tilespmem:s19+$0x0] =	vst v2  }
0x4d0: {  	v2 =	vld [tilespmem:s21+$0x10];
	_ =	sdelay $0x4  }
0x4d1: {  	v2 =	vshrl.u32 v2, v1  }
0x4d2: {  	v2 =	vand.u32 $0x1, v2  }
0x4d3: {  	[tilespmem:s19+$0x10] =	vst v2  }
0x4d4: {  	v2 =	vld [tilespmem:s21+$0x20];
	_ =	sdelay $0x4  }
0x4d5: {  	v2 =	vshrl.u32 v2, v1  }
0x4d6: {  	v2 =	vand.u32 $0x1, v2  }
0x4d7: {  	[tilespmem:s19+$0x20] =	vst v2  }
0x4d8: {  	v2 =	vld [tilespmem:s21+$0x30];
	_ =	sdelay $0x2  }
.Ltmp46:
0x4d9: {  	(pc) =	sbr.rel @p0 .LBB2_61-.Ltmp46, $4  }
0x4da: {  	_ = 	snop  }
0x4db: {  	v2 =	vshrl.u32 v2, v1  }
0x4dc: {  	v2 =	vand.u32 $0x1, v2  }
0x4dd: {  	s21 =	sadd.s32 $0x80, s21;
	[tilespmem:s19+$0x30] =	vst v2  }
0x4de: {  	s19 =	sadd.s32 s5, s18  }
0x4df: {  	s19 =	smul.u32 $0x9000, s19  }
.Ltmp47:
0x4e0: {  	_ = 	snop;
	(pc) =	sbr.rel .LBB2_66-.Ltmp47, $4  }
0x4e1: {  	s19 =	sshrl.u32 s19, $0x3  }
0x4e2: {  	s19 =	sadd.s32 s1, s19  }
0x4e3: {  	s19 =	sadd.s32 $0xA00, s19  }
0x4e4: {  	[hbm4b:s19+s3] =	stream.linear.scatter [tilespmem:s12], [sflag:$0x3], $0x1000, $0x38;
	[tilespmem:$0x6100] =	vst v63  }
.LBB2_63:
0x4e5: {  	s19 =	simm.s32 @!p0 $0x4  }
0x4e6: {  	_ =	swait.ge @!p0 [sflag:s19], $0x1000  }
0x4e7: {  	[sflag:s19] =	ssyncset.done @!p0 $0x0  }
0x4e8: {  	s20 =	simm.s32 $0x30C8;
	[sflag:s19] =	ssyncadd.s32 @!p0 $0xFFFFF000  }
0x4e9: {  	v2 =	vld [tilespmem:s20+$0xFFFFFFC0];
	_ =	sdelay $0x3  }
0x4ea: {  	v1 =	vmov s18  }
0x4eb: {  	v2 =	vshrl.u32 v2, v1  }
0x4ec: {  	s19 =	simm.s32 $0x5140;
	v2 =	vand.u32 $0x1, v2  }
0x4ed: {  	[tilespmem:s19+$0xFFFFFFC0] =	vst v2  }
0x4ee: {  	v2 =	vld [tilespmem:s20+$0xFFFFFFD0];
	_ =	sdelay $0x4  }
0x4ef: {  	v2 =	vshrl.u32 v2, v1  }
0x4f0: {  	v2 =	vand.u32 $0x1, v2  }
0x4f1: {  	[tilespmem:s19+$0xFFFFFFD0] =	vst v2  }
0x4f2: {  	v2 =	vld [tilespmem:s20+$0xFFFFFFE0];
	_ =	sdelay $0x4  }
0x4f3: {  	v2 =	vshrl.u32 v2, v1  }
0x4f4: {  	v2 =	vand.u32 $0x1, v2  }
0x4f5: {  	[tilespmem:s19+$0xFFFFFFE0] =	vst v2  }
0x4f6: {  	v2 =	vld [tilespmem:s20+$0xFFFFFFF0];
	_ =	sdelay $0x4  }
0x4f7: {  	v2 =	vshrl.u32 v2, v1  }
0x4f8: {  	v2 =	vand.u32 $0x1, v2  }
0x4f9: {  	[tilespmem:s19+$0xFFFFFFF0] =	vst v2  }
0x4fa: {  	v2 =	vld [tilespmem:s20+$0x0];
	_ =	sdelay $0x4  }
0x4fb: {  	v2 =	vshrl.u32 v2, v1  }
0x4fc: {  	v2 =	vand.u32 $0x1, v2  }
0x4fd: {  	[tilespmem:s19+$0x0] =	vst v2  }
0x4fe: {  	v2 =	vld [tilespmem:s20+$0x10];
	_ =	sdelay $0x4  }
0x4ff: {  	v2 =	vshrl.u32 v2, v1  }
0x500: {  	v2 =	vand.u32 $0x1, v2  }
0x501: {  	[tilespmem:s19+$0x10] =	vst v2  }
0x502: {  	v2 =	vld [tilespmem:s20+$0x20];
	_ =	sdelay $0x4  }
0x503: {  	v2 =	vshrl.u32 v2, v1  }
0x504: {  	v2 =	vand.u32 $0x1, v2  }
0x505: {  	[tilespmem:s19+$0x20] =	vst v2  }
0x506: {  	v2 =	vld [tilespmem:s20+$0x30];
	_ =	sdelay $0x4  }
0x507: {  	v2 =	vshrl.u32 v2, v1  }
0x508: {  	v2 =	vand.u32 $0x1, v2  }
0x509: {  	s21 =	simm.s32 $0x3148;
	s20 =	simm.s32 $0x0;
	[tilespmem:s19+$0x30] =	vst v2  }
.LBB2_64:
0x50a: {  	v2 =	vld [tilespmem:s21+$0xFFFFFFC0];
	s20 =	sadd.s32 $0x8, s20  }
0x50b: {  	p0 =	slt.u32 s20, $0xF8;
	_ =	sdelay $0x3  }
0x50c: {  	v2 =	vshrl.u32 v2, v1  }
0x50d: {  	s19 =	sadd.s32 $0x80, s19;
	v2 =	vand.u32 $0x1, v2  }
0x50e: {  	[tilespmem:s19+$0xFFFFFFC0] =	vst v2  }
0x50f: {  	v2 =	vld [tilespmem:s21+$0xFFFFFFD0];
	_ =	sdelay $0x4  }
0x510: {  	v2 =	vshrl.u32 v2, v1  }
0x511: {  	v2 =	vand.u32 $0x1, v2  }
0x512: {  	[tilespmem:s19+$0xFFFFFFD0] =	vst v2  }
0x513: {  	v2 =	vld [tilespmem:s21+$0xFFFFFFE0];
	_ =	sdelay $0x4  }
0x514: {  	v2 =	vshrl.u32 v2, v1  }
0x515: {  	v2 =	vand.u32 $0x1, v2  }
0x516: {  	[tilespmem:s19+$0xFFFFFFE0] =	vst v2  }
0x517: {  	v2 =	vld [tilespmem:s21+$0xFFFFFFF0];
	_ =	sdelay $0x4  }
0x518: {  	v2 =	vshrl.u32 v2, v1  }
0x519: {  	v2 =	vand.u32 $0x1, v2  }
0x51a: {  	[tilespmem:s19+$0xFFFFFFF0] =	vst v2  }
0x51b: {  	v2 =	vld [tilespmem:s21+$0x0];
	_ =	sdelay $0x4  }
0x51c: {  	v2 =	vshrl.u32 v2, v1  }
0x51d: {  	v2 =	vand.u32 $0x1, v2  }
0x51e: {  	[tilespmem:s19+$0x0] =	vst v2  }
0x51f: {  	v2 =	vld [tilespmem:s21+$0x10];
	_ =	sdelay $0x4  }
0x520: {  	v2 =	vshrl.u32 v2, v1  }
0x521: {  	v2 =	vand.u32 $0x1, v2  }
0x522: {  	[tilespmem:s19+$0x10] =	vst v2  }
0x523: {  	v2 =	vld [tilespmem:s21+$0x20];
	_ =	sdelay $0x4  }
0x524: {  	v2 =	vshrl.u32 v2, v1  }
0x525: {  	v2 =	vand.u32 $0x1, v2  }
0x526: {  	[tilespmem:s19+$0x20] =	vst v2  }
0x527: {  	v2 =	vld [tilespmem:s21+$0x30];
	_ =	sdelay $0x2  }
.Ltmp48:
0x528: {  	(pc) =	sbr.rel @p0 .LBB2_64-.Ltmp48, $4  }
0x529: {  	_ = 	snop  }
0x52a: {  	v2 =	vshrl.u32 v2, v1  }
0x52b: {  	v2 =	vand.u32 $0x1, v2  }
0x52c: {  	s21 =	sadd.s32 $0x80, s21;
	[tilespmem:s19+$0x30] =	vst v2  }
.Ltmp49:
0x52d: {  	_ = 	snop;
	(pc) =	sbr.rel .LBB2_65-.Ltmp49, $1  }
0x52e: {  	_ =	sdelay $0x3  }
.LBB2_67:
0x52f: {  	_ =	swait.ge [sflag:s13], $0x1000  }
0x530: {  	[sflag:s13] =	ssyncset.done $0x0  }
0x531: {  	[sflag:s13] =	ssyncadd.s32 $0xFFFFF000  }
0x532: {  	_ =	swait.ge [sflag:s14], $0x1000  }
0x533: {  	[sflag:s14] =	ssyncset.done $0x0  }
0x534: {  	s21 =	simm.s32 $0x30A7;
	[sflag:s14] =	ssyncadd.s32 $0xFFFFF000  }
0x535: {  	v1 =	vld [tilespmem:s21+$0xFFFFFFE2]  }
0x536: {  	v2 =	vld [tilespmem:s21+$0xFFFFFFE1]  }
0x537: {  	v3 =	vld [tilespmem:s21+$0xFFFFFFE0];
	_ =	sdelay $0x3  }
0x538: {  	v1 =	vand.u32 v1, v2  }
0x539: {  	v2 =	vor.u32 v2, v3;
	v1 =	vand.u32 v3, v1  }
0x53a: {  	s22 =	simm.s32 $0x2028;
	v1 =	vxor.u32 v2, v1  }
0x53b: {  	[tilespmem:s22+$0xFFFFFFE0] =	vst v1  }
0x53c: {  	v1 =	vld [tilespmem:s21+$0xFFFFFFF1]  }
0x53d: {  	v3 =	vld [tilespmem:s21+$0xFFFFFFF2]  }
0x53e: {  	v2 =	vld [tilespmem:s21+$0xFFFFFFF0];
	_ =	sdelay $0x1  }
0x53f: {  	s23 =	simm.s32 $0x0;
	s19 =	simm.s32 $0x2028;
	s20 =	simm.s32 $0x30A7  }
.LBB2_68:
0x540: {  	s23 =	sadd.s32 $0x4, s23;
	s21 =	sadd.s32 $0x40, s21;
	s22 =	sadd.s32 $0x40, s22  }
0x541: {  	p0 =	slt.u32 s23, $0xFC;
	v3 =	vand.u32 v3, v1  }
0x542: {  	v1 =	vor.u32 v1, v2;
	v2 =	vand.u32 v2, v3  }
0x543: {  	v1 =	vxor.u32 v1, v2  }
0x544: {  	[tilespmem:s19+$0xFFFFFFF0] =	vst v1  }
0x545: {  	v1 =	vld [tilespmem:s20+$0x1]  }
0x546: {  	v2 =	vld [tilespmem:s20+$0x2]  }
0x547: {  	v3 =	vld [tilespmem:s20+$0x0];
	_ =	sdelay $0x3  }
0x548: {  	v2 =	vand.u32 v2, v1  }
0x549: {  	v1 =	vor.u32 v1, v3;
	v2 =	vand.u32 v3, v2  }
0x54a: {  	v1 =	vxor.u32 v1, v2  }
0x54b: {  	[tilespmem:s19+$0x0] =	vst v1  }
0x54c: {  	v1 =	vld [tilespmem:s20+$0x12]  }
0x54d: {  	v2 =	vld [tilespmem:s20+$0x11]  }
0x54e: {  	v3 =	vld [tilespmem:s20+$0x10];
	s20 =	smov.u32 s21;
	_ =	sdelay $0x3  }
0x54f: {  	v1 =	vand.u32 v1, v2  }
0x550: {  	v2 =	vor.u32 v2, v3;
	v1 =	vand.u32 v3, v1  }
0x551: {  	v1 =	vxor.u32 v2, v1  }
0x552: {  	[tilespmem:s19+$0x10] =	vst v1;
	s19 =	smov.u32 s22  }
0x553: {  	v1 =	vld [tilespmem:s21+$0xFFFFFFE2]  }
0x554: {  	v2 =	vld [tilespmem:s21+$0xFFFFFFE1]  }
0x555: {  	v3 =	vld [tilespmem:s21+$0xFFFFFFE0];
	_ =	sdelay $0x3  }
0x556: {  	v1 =	vand.u32 v1, v2  }
0x557: {  	v2 =	vor.u32 v2, v3;
	v1 =	vand.u32 v3, v1  }
0x558: {  	v1 =	vxor.u32 v2, v1  }
0x559: {  	[tilespmem:s22+$0xFFFFFFE0] =	vst v1  }
.Ltmp50:
0x55a: {  	v1 =	vld [tilespmem:s21+$0xFFFFFFF1];
	(pc) =	sbr.rel @p0 .LBB2_68-.Ltmp50, $3  }
0x55b: {  	v3 =	vld [tilespmem:s21+$0xFFFFFFF2]  }
0x55c: {  	v2 =	vld [tilespmem:s21+$0xFFFFFFF0];
	_ =	sdelay $0x1  }
0x55d: {  	s18 =	simm.s32 $0x0  }
0x55e: {  	_ = 	snop  }
0x55f: {  	v3 =	vand.u32 v3, v1  }
0x560: {  	v1 =	vor.u32 v1, v2;
	v2 =	vand.u32 v2, v3  }
0x561: {  	v1 =	vxor.u32 v1, v2  }
0x562: {  	[tilespmem:s19+$0xFFFFFFF0] =	vst v1  }
0x563: {  	v1 =	vld [tilespmem:s20+$0x1]  }
0x564: {  	v2 =	vld [tilespmem:s20+$0x2]  }
0x565: {  	v3 =	vld [tilespmem:s20+$0x0];
	_ =	sdelay $0x3  }
0x566: {  	v2 =	vand.u32 v2, v1  }
0x567: {  	v1 =	vor.u32 v1, v3;
	v2 =	vand.u32 v3, v2  }
0x568: {  	v1 =	vxor.u32 v1, v2  }
0x569: {  	[tilespmem:s19+$0x0] =	vst v1  }
0x56a: {  	v1 =	vld [tilespmem:s20+$0x12]  }
0x56b: {  	v2 =	vld [tilespmem:s20+$0x11]  }
0x56c: {  	v3 =	vld [tilespmem:s20+$0x10];
	_ =	sdelay $0x2  }
.Ltmp51:
0x56d: {  	_ = 	snop;
	(pc) =	sbr.rel .LBB2_70-.Ltmp51, $4  }
0x56e: {  	v1 =	vand.u32 v1, v2  }
0x56f: {  	v2 =	vor.u32 v2, v3;
	v1 =	vand.u32 v3, v1  }
0x570: {  	v1 =	vxor.u32 v2, v1  }
0x571: {  	[tilespmem:s19+$0x10] =	vst v1  }
.LBB2_76:
0x572: {  	s19 =	sadd.s32 s5, s18  }
0x573: {  	s19 =	smul.u32 $0x9000, s19;
	_ =	sdelay $0x1  }
0x574: {  	s19 =	sshrl.u32 s19, $0x3  }
0x575: {  	s19 =	sadd.s32 s1, s19  }
0x576: {  	s19 =	sadd.s32 $0xC00, s19  }
0x577: {  	[hbm4b:s19+s3] =	stream.linear.scatter [tilespmem:s15], [sflag:$0x4], $0x1000, $0x38;
	[tilespmem:$0x6100] =	vst v63  }
.LBB2_77:
0x578: {  	s18 =	sadd.s32 $0x1, s18  }
0x579: {  	p0 =	sne.s32 s18, $0x20  }
.Ltmp52:
0x57a: {  	_ = 	snop;
	(pc) =	sbr.rel @!p0 .LBB2_78-.Ltmp52, $1  }
0x57b: {  	_ =	sdelay $0x3  }
.LBB2_70:
0x57c: {  	s19 =	sand.u32 $0x1, s18  }
0x57d: {  	p1 =	seq.s32 s19, $0x1  }
.Ltmp53:
0x57e: {  	_ = 	snop;
	(pc) =	sbr.rel @p1 .LBB2_74-.Ltmp53, $2  }
0x57f: {  	_ =	sdelay $0x2  }
0x580: {  	p0 =	slt.u32 s18, $0x2  }
0x581: {  	s19 =	simm.s32 @!p0 $0x3  }
0x582: {  	_ =	swait.ge @!p0 [sflag:s19], $0x1000  }
0x583: {  	[sflag:s19] =	ssyncset.done @!p0 $0x0  }
0x584: {  	s20 =	simm.s32 $0x2048;
	[sflag:s19] =	ssyncadd.s32 @!p0 $0xFFFFF000  }
0x585: {  	v2 =	vld [tilespmem:s20+$0xFFFFFFC0];
	_ =	sdelay $0x3  }
0x586: {  	v1 =	vmov s18  }
0x587: {  	v2 =	vshrl.u32 v2, v1  }
0x588: {  	s19 =	simm.s32 $0x4140;
	v2 =	vand.u32 $0x1, v2  }
0x589: {  	[tilespmem:s19+$0xFFFFFFC0] =	vst v2  }
0x58a: {  	v2 =	vld [tilespmem:s20+$0xFFFFFFD0];
	_ =	sdelay $0x4  }
0x58b: {  	v2 =	vshrl.u32 v2, v1  }
0x58c: {  	v2 =	vand.u32 $0x1, v2  }
0x58d: {  	[tilespmem:s19+$0xFFFFFFD0] =	vst v2  }
0x58e: {  	v2 =	vld [tilespmem:s20+$0xFFFFFFE0];
	_ =	sdelay $0x4  }
0x58f: {  	v2 =	vshrl.u32 v2, v1  }
0x590: {  	v2 =	vand.u32 $0x1, v2  }
0x591: {  	[tilespmem:s19+$0xFFFFFFE0] =	vst v2  }
0x592: {  	v2 =	vld [tilespmem:s20+$0xFFFFFFF0];
	_ =	sdelay $0x4  }
0x593: {  	v2 =	vshrl.u32 v2, v1  }
0x594: {  	v2 =	vand.u32 $0x1, v2  }
0x595: {  	[tilespmem:s19+$0xFFFFFFF0] =	vst v2  }
0x596: {  	v2 =	vld [tilespmem:s20+$0x0];
	_ =	sdelay $0x4  }
0x597: {  	v2 =	vshrl.u32 v2, v1  }
0x598: {  	v2 =	vand.u32 $0x1, v2  }
0x599: {  	[tilespmem:s19+$0x0] =	vst v2  }
0x59a: {  	v2 =	vld [tilespmem:s20+$0x10];
	_ =	sdelay $0x4  }
0x59b: {  	v2 =	vshrl.u32 v2, v1  }
0x59c: {  	v2 =	vand.u32 $0x1, v2  }
0x59d: {  	[tilespmem:s19+$0x10] =	vst v2  }
0x59e: {  	v2 =	vld [tilespmem:s20+$0x20];
	_ =	sdelay $0x4  }
0x59f: {  	v2 =	vshrl.u32 v2, v1  }
0x5a0: {  	v2 =	vand.u32 $0x1, v2  }
0x5a1: {  	[tilespmem:s19+$0x20] =	vst v2  }
0x5a2: {  	v2 =	vld [tilespmem:s20+$0x30];
	_ =	sdelay $0x4  }
0x5a3: {  	v2 =	vshrl.u32 v2, v1  }
0x5a4: {  	v2 =	vand.u32 $0x1, v2  }
0x5a5: {  	s21 =	simm.s32 $0x20C8;
	s20 =	simm.s32 $0x0;
	[tilespmem:s19+$0x30] =	vst v2  }
.LBB2_72:
0x5a6: {  	v2 =	vld [tilespmem:s21+$0xFFFFFFC0];
	s20 =	sadd.s32 $0x8, s20  }
0x5a7: {  	p0 =	slt.u32 s20, $0xF8;
	_ =	sdelay $0x3  }
0x5a8: {  	v2 =	vshrl.u32 v2, v1  }
0x5a9: {  	s19 =	sadd.s32 $0x80, s19;
	v2 =	vand.u32 $0x1, v2  }
0x5aa: {  	[tilespmem:s19+$0xFFFFFFC0] =	vst v2  }
0x5ab: {  	v2 =	vld [tilespmem:s21+$0xFFFFFFD0];
	_ =	sdelay $0x4  }
0x5ac: {  	v2 =	vshrl.u32 v2, v1  }
0x5ad: {  	v2 =	vand.u32 $0x1, v2  }
0x5ae: {  	[tilespmem:s19+$0xFFFFFFD0] =	vst v2  }
0x5af: {  	v2 =	vld [tilespmem:s21+$0xFFFFFFE0];
	_ =	sdelay $0x4  }
0x5b0: {  	v2 =	vshrl.u32 v2, v1  }
0x5b1: {  	v2 =	vand.u32 $0x1, v2  }
0x5b2: {  	[tilespmem:s19+$0xFFFFFFE0] =	vst v2  }
0x5b3: {  	v2 =	vld [tilespmem:s21+$0xFFFFFFF0];
	_ =	sdelay $0x4  }
0x5b4: {  	v2 =	vshrl.u32 v2, v1  }
0x5b5: {  	v2 =	vand.u32 $0x1, v2  }
0x5b6: {  	[tilespmem:s19+$0xFFFFFFF0] =	vst v2  }
0x5b7: {  	v2 =	vld [tilespmem:s21+$0x0];
	_ =	sdelay $0x4  }
0x5b8: {  	v2 =	vshrl.u32 v2, v1  }
0x5b9: {  	v2 =	vand.u32 $0x1, v2  }
0x5ba: {  	[tilespmem:s19+$0x0] =	vst v2  }
0x5bb: {  	v2 =	vld [tilespmem:s21+$0x10];
	_ =	sdelay $0x4  }
0x5bc: {  	v2 =	vshrl.u32 v2, v1  }
0x5bd: {  	v2 =	vand.u32 $0x1, v2  }
0x5be: {  	[tilespmem:s19+$0x10] =	vst v2  }
0x5bf: {  	v2 =	vld [tilespmem:s21+$0x20];
	_ =	sdelay $0x4  }
0x5c0: {  	v2 =	vshrl.u32 v2, v1  }
0x5c1: {  	v2 =	vand.u32 $0x1, v2  }
0x5c2: {  	[tilespmem:s19+$0x20] =	vst v2  }
0x5c3: {  	v2 =	vld [tilespmem:s21+$0x30];
	_ =	sdelay $0x2  }
.Ltmp54:
0x5c4: {  	(pc) =	sbr.rel @p0 .LBB2_72-.Ltmp54, $4  }
0x5c5: {  	_ = 	snop  }
0x5c6: {  	v2 =	vshrl.u32 v2, v1  }
0x5c7: {  	v2 =	vand.u32 $0x1, v2  }
0x5c8: {  	s21 =	sadd.s32 $0x80, s21;
	[tilespmem:s19+$0x30] =	vst v2  }
0x5c9: {  	s19 =	sadd.s32 s5, s18  }
0x5ca: {  	s19 =	smul.u32 $0x9000, s19  }
.Ltmp55:
0x5cb: {  	_ = 	snop;
	(pc) =	sbr.rel .LBB2_77-.Ltmp55, $4  }
0x5cc: {  	s19 =	sshrl.u32 s19, $0x3  }
0x5cd: {  	s19 =	sadd.s32 s1, s19  }
0x5ce: {  	s19 =	sadd.s32 $0xC00, s19  }
0x5cf: {  	[hbm4b:s19+s3] =	stream.linear.scatter [tilespmem:s12], [sflag:$0x3], $0x1000, $0x38;
	[tilespmem:$0x6100] =	vst v63  }
.LBB2_74:
0x5d0: {  	s19 =	simm.s32 @!p0 $0x4  }
0x5d1: {  	_ =	swait.ge @!p0 [sflag:s19], $0x1000  }
0x5d2: {  	[sflag:s19] =	ssyncset.done @!p0 $0x0  }
0x5d3: {  	s20 =	simm.s32 $0x2048;
	[sflag:s19] =	ssyncadd.s32 @!p0 $0xFFFFF000  }
0x5d4: {  	v2 =	vld [tilespmem:s20+$0xFFFFFFC0];
	_ =	sdelay $0x3  }
0x5d5: {  	v1 =	vmov s18  }
0x5d6: {  	v2 =	vshrl.u32 v2, v1  }
0x5d7: {  	s19 =	simm.s32 $0x5140;
	v2 =	vand.u32 $0x1, v2  }
0x5d8: {  	[tilespmem:s19+$0xFFFFFFC0] =	vst v2  }
0x5d9: {  	v2 =	vld [tilespmem:s20+$0xFFFFFFD0];
	_ =	sdelay $0x4  }
0x5da: {  	v2 =	vshrl.u32 v2, v1  }
0x5db: {  	v2 =	vand.u32 $0x1, v2  }
0x5dc: {  	[tilespmem:s19+$0xFFFFFFD0] =	vst v2  }
0x5dd: {  	v2 =	vld [tilespmem:s20+$0xFFFFFFE0];
	_ =	sdelay $0x4  }
0x5de: {  	v2 =	vshrl.u32 v2, v1  }
0x5df: {  	v2 =	vand.u32 $0x1, v2  }
0x5e0: {  	[tilespmem:s19+$0xFFFFFFE0] =	vst v2  }
0x5e1: {  	v2 =	vld [tilespmem:s20+$0xFFFFFFF0];
	_ =	sdelay $0x4  }
0x5e2: {  	v2 =	vshrl.u32 v2, v1  }
0x5e3: {  	v2 =	vand.u32 $0x1, v2  }
0x5e4: {  	[tilespmem:s19+$0xFFFFFFF0] =	vst v2  }
0x5e5: {  	v2 =	vld [tilespmem:s20+$0x0];
	_ =	sdelay $0x4  }
0x5e6: {  	v2 =	vshrl.u32 v2, v1  }
0x5e7: {  	v2 =	vand.u32 $0x1, v2  }
0x5e8: {  	[tilespmem:s19+$0x0] =	vst v2  }
0x5e9: {  	v2 =	vld [tilespmem:s20+$0x10];
	_ =	sdelay $0x4  }
0x5ea: {  	v2 =	vshrl.u32 v2, v1  }
0x5eb: {  	v2 =	vand.u32 $0x1, v2  }
0x5ec: {  	[tilespmem:s19+$0x10] =	vst v2  }
0x5ed: {  	v2 =	vld [tilespmem:s20+$0x20];
	_ =	sdelay $0x4  }
0x5ee: {  	v2 =	vshrl.u32 v2, v1  }
0x5ef: {  	v2 =	vand.u32 $0x1, v2  }
0x5f0: {  	[tilespmem:s19+$0x20] =	vst v2  }
0x5f1: {  	v2 =	vld [tilespmem:s20+$0x30];
	_ =	sdelay $0x4  }
0x5f2: {  	v2 =	vshrl.u32 v2, v1  }
0x5f3: {  	v2 =	vand.u32 $0x1, v2  }
0x5f4: {  	s21 =	simm.s32 $0x20C8;
	s20 =	simm.s32 $0x0;
	[tilespmem:s19+$0x30] =	vst v2  }
.LBB2_75:
0x5f5: {  	v2 =	vld [tilespmem:s21+$0xFFFFFFC0];
	s20 =	sadd.s32 $0x8, s20  }
0x5f6: {  	p0 =	slt.u32 s20, $0xF8;
	_ =	sdelay $0x3  }
0x5f7: {  	v2 =	vshrl.u32 v2, v1  }
0x5f8: {  	s19 =	sadd.s32 $0x80, s19;
	v2 =	vand.u32 $0x1, v2  }
0x5f9: {  	[tilespmem:s19+$0xFFFFFFC0] =	vst v2  }
0x5fa: {  	v2 =	vld [tilespmem:s21+$0xFFFFFFD0];
	_ =	sdelay $0x4  }
0x5fb: {  	v2 =	vshrl.u32 v2, v1  }
0x5fc: {  	v2 =	vand.u32 $0x1, v2  }
0x5fd: {  	[tilespmem:s19+$0xFFFFFFD0] =	vst v2  }
0x5fe: {  	v2 =	vld [tilespmem:s21+$0xFFFFFFE0];
	_ =	sdelay $0x4  }
0x5ff: {  	v2 =	vshrl.u32 v2, v1  }
0x600: {  	v2 =	vand.u32 $0x1, v2  }
0x601: {  	[tilespmem:s19+$0xFFFFFFE0] =	vst v2  }
0x602: {  	v2 =	vld [tilespmem:s21+$0xFFFFFFF0];
	_ =	sdelay $0x4  }
0x603: {  	v2 =	vshrl.u32 v2, v1  }
0x604: {  	v2 =	vand.u32 $0x1, v2  }
0x605: {  	[tilespmem:s19+$0xFFFFFFF0] =	vst v2  }
0x606: {  	v2 =	vld [tilespmem:s21+$0x0];
	_ =	sdelay $0x4  }
0x607: {  	v2 =	vshrl.u32 v2, v1  }
0x608: {  	v2 =	vand.u32 $0x1, v2  }
0x609: {  	[tilespmem:s19+$0x0] =	vst v2  }
0x60a: {  	v2 =	vld [tilespmem:s21+$0x10];
	_ =	sdelay $0x4  }
0x60b: {  	v2 =	vshrl.u32 v2, v1  }
0x60c: {  	v2 =	vand.u32 $0x1, v2  }
0x60d: {  	[tilespmem:s19+$0x10] =	vst v2  }
0x60e: {  	v2 =	vld [tilespmem:s21+$0x20];
	_ =	sdelay $0x4  }
0x60f: {  	v2 =	vshrl.u32 v2, v1  }
0x610: {  	v2 =	vand.u32 $0x1, v2  }
0x611: {  	[tilespmem:s19+$0x20] =	vst v2  }
0x612: {  	v2 =	vld [tilespmem:s21+$0x30];
	_ =	sdelay $0x2  }
.Ltmp56:
0x613: {  	(pc) =	sbr.rel @p0 .LBB2_75-.Ltmp56, $4  }
0x614: {  	_ = 	snop  }
0x615: {  	v2 =	vshrl.u32 v2, v1  }
0x616: {  	v2 =	vand.u32 $0x1, v2  }
0x617: {  	s21 =	sadd.s32 $0x80, s21;
	[tilespmem:s19+$0x30] =	vst v2  }
.Ltmp57:
0x618: {  	_ = 	snop;
	(pc) =	sbr.rel .LBB2_76-.Ltmp57, $1  }
0x619: {  	_ =	sdelay $0x3  }
.LBB2_78:
0x61a: {  	_ =	swait.ge [sflag:s13], $0x1000  }
0x61b: {  	[sflag:s13] =	ssyncset.done $0x0  }
0x61c: {  	[sflag:s13] =	ssyncadd.s32 $0xFFFFF000  }
0x61d: {  	_ =	swait.ge [sflag:s14], $0x1000  }
0x61e: {  	[sflag:s14] =	ssyncset.done $0x0  }
0x61f: {  	s21 =	simm.s32 $0x2027;
	[sflag:s14] =	ssyncadd.s32 $0xFFFFF000  }
0x620: {  	v1 =	vld [tilespmem:s21+$0xFFFFFFE2]  }
0x621: {  	v2 =	vld [tilespmem:s21+$0xFFFFFFE1]  }
0x622: {  	v3 =	vld [tilespmem:s21+$0xFFFFFFE0];
	_ =	sdelay $0x3  }
0x623: {  	v1 =	vand.u32 v1, v2  }
0x624: {  	v2 =	vor.u32 v2, v3;
	v1 =	vand.u32 v3, v1  }
0x625: {  	s22 =	simm.s32 $0x30A8;
	v1 =	vxor.u32 v2, v1  }
0x626: {  	[tilespmem:s22+$0xFFFFFFE0] =	vst v1  }
0x627: {  	v1 =	vld [tilespmem:s21+$0xFFFFFFF1]  }
0x628: {  	v3 =	vld [tilespmem:s21+$0xFFFFFFF2]  }
0x629: {  	v2 =	vld [tilespmem:s21+$0xFFFFFFF0];
	_ =	sdelay $0x1  }
0x62a: {  	s23 =	simm.s32 $0x0;
	s19 =	simm.s32 $0x30A8;
	s20 =	simm.s32 $0x2027  }
.LBB2_79:
0x62b: {  	s23 =	sadd.s32 $0x4, s23;
	s21 =	sadd.s32 $0x40, s21;
	s22 =	sadd.s32 $0x40, s22  }
0x62c: {  	p0 =	slt.u32 s23, $0xFC;
	v3 =	vand.u32 v3, v1  }
0x62d: {  	v1 =	vor.u32 v1, v2;
	v2 =	vand.u32 v2, v3  }
0x62e: {  	v1 =	vxor.u32 v1, v2  }
0x62f: {  	[tilespmem:s19+$0xFFFFFFF0] =	vst v1  }
0x630: {  	v1 =	vld [tilespmem:s20+$0x1]  }
0x631: {  	v2 =	vld [tilespmem:s20+$0x2]  }
0x632: {  	v3 =	vld [tilespmem:s20+$0x0];
	_ =	sdelay $0x3  }
0x633: {  	v2 =	vand.u32 v2, v1  }
0x634: {  	v1 =	vor.u32 v1, v3;
	v2 =	vand.u32 v3, v2  }
0x635: {  	v1 =	vxor.u32 v1, v2  }
0x636: {  	[tilespmem:s19+$0x0] =	vst v1  }
0x637: {  	v1 =	vld [tilespmem:s20+$0x12]  }
0x638: {  	v2 =	vld [tilespmem:s20+$0x11]  }
0x639: {  	v3 =	vld [tilespmem:s20+$0x10];
	s20 =	smov.u32 s21;
	_ =	sdelay $0x3  }
0x63a: {  	v1 =	vand.u32 v1, v2  }
0x63b: {  	v2 =	vor.u32 v2, v3;
	v1 =	vand.u32 v3, v1  }
0x63c: {  	v1 =	vxor.u32 v2, v1  }
0x63d: {  	[tilespmem:s19+$0x10] =	vst v1;
	s19 =	smov.u32 s22  }
0x63e: {  	v1 =	vld [tilespmem:s21+$0xFFFFFFE2]  }
0x63f: {  	v2 =	vld [tilespmem:s21+$0xFFFFFFE1]  }
0x640: {  	v3 =	vld [tilespmem:s21+$0xFFFFFFE0];
	_ =	sdelay $0x3  }
0x641: {  	v1 =	vand.u32 v1, v2  }
0x642: {  	v2 =	vor.u32 v2, v3;
	v1 =	vand.u32 v3, v1  }
0x643: {  	v1 =	vxor.u32 v2, v1  }
0x644: {  	[tilespmem:s22+$0xFFFFFFE0] =	vst v1  }
.Ltmp58:
0x645: {  	v1 =	vld [tilespmem:s21+$0xFFFFFFF1];
	(pc) =	sbr.rel @p0 .LBB2_79-.Ltmp58, $3  }
0x646: {  	v3 =	vld [tilespmem:s21+$0xFFFFFFF2]  }
0x647: {  	v2 =	vld [tilespmem:s21+$0xFFFFFFF0];
	_ =	sdelay $0x1  }
0x648: {  	s18 =	simm.s32 $0x0  }
0x649: {  	_ = 	snop  }
0x64a: {  	v3 =	vand.u32 v3, v1  }
0x64b: {  	v1 =	vor.u32 v1, v2;
	v2 =	vand.u32 v2, v3  }
0x64c: {  	v1 =	vxor.u32 v1, v2  }
0x64d: {  	[tilespmem:s19+$0xFFFFFFF0] =	vst v1  }
0x64e: {  	v1 =	vld [tilespmem:s20+$0x1]  }
0x64f: {  	v2 =	vld [tilespmem:s20+$0x2]  }
0x650: {  	v3 =	vld [tilespmem:s20+$0x0];
	_ =	sdelay $0x3  }
0x651: {  	v2 =	vand.u32 v2, v1  }
0x652: {  	v1 =	vor.u32 v1, v3;
	v2 =	vand.u32 v3, v2  }
0x653: {  	v1 =	vxor.u32 v1, v2  }
0x654: {  	[tilespmem:s19+$0x0] =	vst v1  }
0x655: {  	v1 =	vld [tilespmem:s20+$0x12]  }
0x656: {  	v2 =	vld [tilespmem:s20+$0x11]  }
0x657: {  	v3 =	vld [tilespmem:s20+$0x10];
	_ =	sdelay $0x2  }
.Ltmp59:
0x658: {  	_ = 	snop;
	(pc) =	sbr.rel .LBB2_81-.Ltmp59, $4  }
0x659: {  	v1 =	vand.u32 v1, v2  }
0x65a: {  	v2 =	vor.u32 v2, v3;
	v1 =	vand.u32 v3, v1  }
0x65b: {  	v1 =	vxor.u32 v2, v1  }
0x65c: {  	[tilespmem:s19+$0x10] =	vst v1  }
.LBB2_87:
0x65d: {  	s19 =	sadd.s32 s5, s18  }
0x65e: {  	s19 =	smul.u32 $0x9000, s19;
	_ =	sdelay $0x1  }
0x65f: {  	s19 =	sshrl.u32 s19, $0x3  }
0x660: {  	s19 =	sadd.s32 s1, s19  }
0x661: {  	s19 =	sadd.s32 $0xE00, s19  }
0x662: {  	[hbm4b:s19+s3] =	stream.linear.scatter [tilespmem:s15], [sflag:$0x4], $0x1000, $0x38;
	[tilespmem:$0x6100] =	vst v63  }
.LBB2_88:
0x663: {  	s18 =	sadd.s32 $0x1, s18  }
0x664: {  	p0 =	sne.s32 s18, $0x20  }
.Ltmp60:
0x665: {  	_ = 	snop;
	(pc) =	sbr.rel @!p0 .LBB2_89-.Ltmp60, $1  }
0x666: {  	_ =	sdelay $0x3  }
.LBB2_81:
0x667: {  	s19 =	sand.u32 $0x1, s18  }
0x668: {  	p1 =	seq.s32 s19, $0x1  }
.Ltmp61:
0x669: {  	_ = 	snop;
	(pc) =	sbr.rel @p1 .LBB2_85-.Ltmp61, $2  }
0x66a: {  	_ =	sdelay $0x2  }
0x66b: {  	p0 =	slt.u32 s18, $0x2  }
0x66c: {  	s19 =	simm.s32 @!p0 $0x3  }
0x66d: {  	_ =	swait.ge @!p0 [sflag:s19], $0x1000  }
0x66e: {  	[sflag:s19] =	ssyncset.done @!p0 $0x0  }
0x66f: {  	s20 =	simm.s32 $0x30C8;
	[sflag:s19] =	ssyncadd.s32 @!p0 $0xFFFFF000  }
0x670: {  	v2 =	vld [tilespmem:s20+$0xFFFFFFC0];
	_ =	sdelay $0x3  }
0x671: {  	v1 =	vmov s18  }
0x672: {  	v2 =	vshrl.u32 v2, v1  }
0x673: {  	s19 =	simm.s32 $0x4140;
	v2 =	vand.u32 $0x1, v2  }
0x674: {  	[tilespmem:s19+$0xFFFFFFC0] =	vst v2  }
0x675: {  	v2 =	vld [tilespmem:s20+$0xFFFFFFD0];
	_ =	sdelay $0x4  }
0x676: {  	v2 =	vshrl.u32 v2, v1  }
0x677: {  	v2 =	vand.u32 $0x1, v2  }
0x678: {  	[tilespmem:s19+$0xFFFFFFD0] =	vst v2  }
0x679: {  	v2 =	vld [tilespmem:s20+$0xFFFFFFE0];
	_ =	sdelay $0x4  }
0x67a: {  	v2 =	vshrl.u32 v2, v1  }
0x67b: {  	v2 =	vand.u32 $0x1, v2  }
0x67c: {  	[tilespmem:s19+$0xFFFFFFE0] =	vst v2  }
0x67d: {  	v2 =	vld [tilespmem:s20+$0xFFFFFFF0];
	_ =	sdelay $0x4  }
0x67e: {  	v2 =	vshrl.u32 v2, v1  }
0x67f: {  	v2 =	vand.u32 $0x1, v2  }
0x680: {  	[tilespmem:s19+$0xFFFFFFF0] =	vst v2  }
0x681: {  	v2 =	vld [tilespmem:s20+$0x0];
	_ =	sdelay $0x4  }
0x682: {  	v2 =	vshrl.u32 v2, v1  }
0x683: {  	v2 =	vand.u32 $0x1, v2  }
0x684: {  	[tilespmem:s19+$0x0] =	vst v2  }
0x685: {  	v2 =	vld [tilespmem:s20+$0x10];
	_ =	sdelay $0x4  }
0x686: {  	v2 =	vshrl.u32 v2, v1  }
0x687: {  	v2 =	vand.u32 $0x1, v2  }
0x688: {  	[tilespmem:s19+$0x10] =	vst v2  }
0x689: {  	v2 =	vld [tilespmem:s20+$0x20];
	_ =	sdelay $0x4  }
0x68a: {  	v2 =	vshrl.u32 v2, v1  }
0x68b: {  	v2 =	vand.u32 $0x1, v2  }
0x68c: {  	[tilespmem:s19+$0x20] =	vst v2  }
0x68d: {  	v2 =	vld [tilespmem:s20+$0x30];
	_ =	sdelay $0x4  }
0x68e: {  	v2 =	vshrl.u32 v2, v1  }
0x68f: {  	v2 =	vand.u32 $0x1, v2  }
0x690: {  	s21 =	simm.s32 $0x3148;
	s20 =	simm.s32 $0x0;
	[tilespmem:s19+$0x30] =	vst v2  }
.LBB2_83:
0x691: {  	v2 =	vld [tilespmem:s21+$0xFFFFFFC0];
	s20 =	sadd.s32 $0x8, s20  }
0x692: {  	p0 =	slt.u32 s20, $0xF8;
	_ =	sdelay $0x3  }
0x693: {  	v2 =	vshrl.u32 v2, v1  }
0x694: {  	s19 =	sadd.s32 $0x80, s19;
	v2 =	vand.u32 $0x1, v2  }
0x695: {  	[tilespmem:s19+$0xFFFFFFC0] =	vst v2  }
0x696: {  	v2 =	vld [tilespmem:s21+$0xFFFFFFD0];
	_ =	sdelay $0x4  }
0x697: {  	v2 =	vshrl.u32 v2, v1  }
0x698: {  	v2 =	vand.u32 $0x1, v2  }
0x699: {  	[tilespmem:s19+$0xFFFFFFD0] =	vst v2  }
0x69a: {  	v2 =	vld [tilespmem:s21+$0xFFFFFFE0];
	_ =	sdelay $0x4  }
0x69b: {  	v2 =	vshrl.u32 v2, v1  }
0x69c: {  	v2 =	vand.u32 $0x1, v2  }
0x69d: {  	[tilespmem:s19+$0xFFFFFFE0] =	vst v2  }
0x69e: {  	v2 =	vld [tilespmem:s21+$0xFFFFFFF0];
	_ =	sdelay $0x4  }
0x69f: {  	v2 =	vshrl.u32 v2, v1  }
0x6a0: {  	v2 =	vand.u32 $0x1, v2  }
0x6a1: {  	[tilespmem:s19+$0xFFFFFFF0] =	vst v2  }
0x6a2: {  	v2 =	vld [tilespmem:s21+$0x0];
	_ =	sdelay $0x4  }
0x6a3: {  	v2 =	vshrl.u32 v2, v1  }
0x6a4: {  	v2 =	vand.u32 $0x1, v2  }
0x6a5: {  	[tilespmem:s19+$0x0] =	vst v2  }
0x6a6: {  	v2 =	vld [tilespmem:s21+$0x10];
	_ =	sdelay $0x4  }
0x6a7: {  	v2 =	vshrl.u32 v2, v1  }
0x6a8: {  	v2 =	vand.u32 $0x1, v2  }
0x6a9: {  	[tilespmem:s19+$0x10] =	vst v2  }
0x6aa: {  	v2 =	vld [tilespmem:s21+$0x20];
	_ =	sdelay $0x4  }
0x6ab: {  	v2 =	vshrl.u32 v2, v1  }
0x6ac: {  	v2 =	vand.u32 $0x1, v2  }
0x6ad: {  	[tilespmem:s19+$0x20] =	vst v2  }
0x6ae: {  	v2 =	vld [tilespmem:s21+$0x30];
	_ =	sdelay $0x2  }
.Ltmp62:
0x6af: {  	(pc) =	sbr.rel @p0 .LBB2_83-.Ltmp62, $4  }
0x6b0: {  	_ = 	snop  }
0x6b1: {  	v2 =	vshrl.u32 v2, v1  }
0x6b2: {  	v2 =	vand.u32 $0x1, v2  }
0x6b3: {  	s21 =	sadd.s32 $0x80, s21;
	[tilespmem:s19+$0x30] =	vst v2  }
0x6b4: {  	s19 =	sadd.s32 s5, s18  }
0x6b5: {  	s19 =	smul.u32 $0x9000, s19  }
.Ltmp63:
0x6b6: {  	_ = 	snop;
	(pc) =	sbr.rel .LBB2_88-.Ltmp63, $4  }
0x6b7: {  	s19 =	sshrl.u32 s19, $0x3  }
0x6b8: {  	s19 =	sadd.s32 s1, s19  }
0x6b9: {  	s19 =	sadd.s32 $0xE00, s19  }
0x6ba: {  	[hbm4b:s19+s3] =	stream.linear.scatter [tilespmem:s12], [sflag:$0x3], $0x1000, $0x38;
	[tilespmem:$0x6100] =	vst v63  }
.LBB2_85:
0x6bb: {  	s19 =	simm.s32 @!p0 $0x4  }
0x6bc: {  	_ =	swait.ge @!p0 [sflag:s19], $0x1000  }
0x6bd: {  	[sflag:s19] =	ssyncset.done @!p0 $0x0  }
0x6be: {  	s20 =	simm.s32 $0x30C8;
	[sflag:s19] =	ssyncadd.s32 @!p0 $0xFFFFF000  }
0x6bf: {  	v2 =	vld [tilespmem:s20+$0xFFFFFFC0];
	_ =	sdelay $0x3  }
0x6c0: {  	v1 =	vmov s18  }
0x6c1: {  	v2 =	vshrl.u32 v2, v1  }
0x6c2: {  	s19 =	simm.s32 $0x5140;
	v2 =	vand.u32 $0x1, v2  }
0x6c3: {  	[tilespmem:s19+$0xFFFFFFC0] =	vst v2  }
0x6c4: {  	v2 =	vld [tilespmem:s20+$0xFFFFFFD0];
	_ =	sdelay $0x4  }
0x6c5: {  	v2 =	vshrl.u32 v2, v1  }
0x6c6: {  	v2 =	vand.u32 $0x1, v2  }
0x6c7: {  	[tilespmem:s19+$0xFFFFFFD0] =	vst v2  }
0x6c8: {  	v2 =	vld [tilespmem:s20+$0xFFFFFFE0];
	_ =	sdelay $0x4  }
0x6c9: {  	v2 =	vshrl.u32 v2, v1  }
0x6ca: {  	v2 =	vand.u32 $0x1, v2  }
0x6cb: {  	[tilespmem:s19+$0xFFFFFFE0] =	vst v2  }
0x6cc: {  	v2 =	vld [tilespmem:s20+$0xFFFFFFF0];
	_ =	sdelay $0x4  }
0x6cd: {  	v2 =	vshrl.u32 v2, v1  }
0x6ce: {  	v2 =	vand.u32 $0x1, v2  }
0x6cf: {  	[tilespmem:s19+$0xFFFFFFF0] =	vst v2  }
0x6d0: {  	v2 =	vld [tilespmem:s20+$0x0];
	_ =	sdelay $0x4  }
0x6d1: {  	v2 =	vshrl.u32 v2, v1  }
0x6d2: {  	v2 =	vand.u32 $0x1, v2  }
0x6d3: {  	[tilespmem:s19+$0x0] =	vst v2  }
0x6d4: {  	v2 =	vld [tilespmem:s20+$0x10];
	_ =	sdelay $0x4  }
0x6d5: {  	v2 =	vshrl.u32 v2, v1  }
0x6d6: {  	v2 =	vand.u32 $0x1, v2  }
0x6d7: {  	[tilespmem:s19+$0x10] =	vst v2  }
0x6d8: {  	v2 =	vld [tilespmem:s20+$0x20];
	_ =	sdelay $0x4  }
0x6d9: {  	v2 =	vshrl.u32 v2, v1  }
0x6da: {  	v2 =	vand.u32 $0x1, v2  }
0x6db: {  	[tilespmem:s19+$0x20] =	vst v2  }
0x6dc: {  	v2 =	vld [tilespmem:s20+$0x30];
	_ =	sdelay $0x4  }
0x6dd: {  	v2 =	vshrl.u32 v2, v1  }
0x6de: {  	v2 =	vand.u32 $0x1, v2  }
0x6df: {  	s21 =	simm.s32 $0x3148;
	s20 =	simm.s32 $0x0;
	[tilespmem:s19+$0x30] =	vst v2  }
.LBB2_86:
0x6e0: {  	v2 =	vld [tilespmem:s21+$0xFFFFFFC0];
	s20 =	sadd.s32 $0x8, s20  }
0x6e1: {  	p0 =	slt.u32 s20, $0xF8;
	_ =	sdelay $0x3  }
0x6e2: {  	v2 =	vshrl.u32 v2, v1  }
0x6e3: {  	s19 =	sadd.s32 $0x80, s19;
	v2 =	vand.u32 $0x1, v2  }
0x6e4: {  	[tilespmem:s19+$0xFFFFFFC0] =	vst v2  }
0x6e5: {  	v2 =	vld [tilespmem:s21+$0xFFFFFFD0];
	_ =	sdelay $0x4  }
0x6e6: {  	v2 =	vshrl.u32 v2, v1  }
0x6e7: {  	v2 =	vand.u32 $0x1, v2  }
0x6e8: {  	[tilespmem:s19+$0xFFFFFFD0] =	vst v2  }
0x6e9: {  	v2 =	vld [tilespmem:s21+$0xFFFFFFE0];
	_ =	sdelay $0x4  }
0x6ea: {  	v2 =	vshrl.u32 v2, v1  }
0x6eb: {  	v2 =	vand.u32 $0x1, v2  }
0x6ec: {  	[tilespmem:s19+$0xFFFFFFE0] =	vst v2  }
0x6ed: {  	v2 =	vld [tilespmem:s21+$0xFFFFFFF0];
	_ =	sdelay $0x4  }
0x6ee: {  	v2 =	vshrl.u32 v2, v1  }
0x6ef: {  	v2 =	vand.u32 $0x1, v2  }
0x6f0: {  	[tilespmem:s19+$0xFFFFFFF0] =	vst v2  }
0x6f1: {  	v2 =	vld [tilespmem:s21+$0x0];
	_ =	sdelay $0x4  }
0x6f2: {  	v2 =	vshrl.u32 v2, v1  }
0x6f3: {  	v2 =	vand.u32 $0x1, v2  }
0x6f4: {  	[tilespmem:s19+$0x0] =	vst v2  }
0x6f5: {  	v2 =	vld [tilespmem:s21+$0x10];
	_ =	sdelay $0x4  }
0x6f6: {  	v2 =	vshrl.u32 v2, v1  }
0x6f7: {  	v2 =	vand.u32 $0x1, v2  }
0x6f8: {  	[tilespmem:s19+$0x10] =	vst v2  }
0x6f9: {  	v2 =	vld [tilespmem:s21+$0x20];
	_ =	sdelay $0x4  }
0x6fa: {  	v2 =	vshrl.u32 v2, v1  }
0x6fb: {  	v2 =	vand.u32 $0x1, v2  }
0x6fc: {  	[tilespmem:s19+$0x20] =	vst v2  }
0x6fd: {  	v2 =	vld [tilespmem:s21+$0x30];
	_ =	sdelay $0x2  }
.Ltmp64:
0x6fe: {  	(pc) =	sbr.rel @p0 .LBB2_86-.Ltmp64, $4  }
0x6ff: {  	_ = 	snop  }
0x700: {  	v2 =	vshrl.u32 v2, v1  }
0x701: {  	v2 =	vand.u32 $0x1, v2  }
0x702: {  	s21 =	sadd.s32 $0x80, s21;
	[tilespmem:s19+$0x30] =	vst v2  }
.Ltmp65:
0x703: {  	_ = 	snop;
	(pc) =	sbr.rel .LBB2_87-.Ltmp65, $1  }
0x704: {  	_ =	sdelay $0x3  }
.LBB2_89:
0x705: {  	_ =	swait.ge [sflag:s13], $0x1000  }
0x706: {  	[sflag:s13] =	ssyncset.done $0x0  }
0x707: {  	[sflag:s13] =	ssyncadd.s32 $0xFFFFF000  }
0x708: {  	_ =	swait.ge [sflag:s14], $0x1000  }
0x709: {  	[sflag:s14] =	ssyncset.done $0x0  }
0x70a: {  	s21 =	simm.s32 $0x30A7;
	[sflag:s14] =	ssyncadd.s32 $0xFFFFF000  }
0x70b: {  	v1 =	vld [tilespmem:s21+$0xFFFFFFE2]  }
0x70c: {  	v2 =	vld [tilespmem:s21+$0xFFFFFFE1]  }
0x70d: {  	v3 =	vld [tilespmem:s21+$0xFFFFFFE0];
	_ =	sdelay $0x3  }
0x70e: {  	v1 =	vand.u32 v1, v2  }
0x70f: {  	v2 =	vor.u32 v2, v3;
	v1 =	vand.u32 v3, v1  }
0x710: {  	s22 =	simm.s32 $0x2028;
	v1 =	vxor.u32 v2, v1  }
0x711: {  	[tilespmem:s22+$0xFFFFFFE0] =	vst v1  }
0x712: {  	v1 =	vld [tilespmem:s21+$0xFFFFFFF1]  }
0x713: {  	v3 =	vld [tilespmem:s21+$0xFFFFFFF2]  }
0x714: {  	v2 =	vld [tilespmem:s21+$0xFFFFFFF0];
	_ =	sdelay $0x1  }
0x715: {  	s23 =	simm.s32 $0x0;
	s19 =	simm.s32 $0x2028;
	s20 =	simm.s32 $0x30A7  }
.LBB2_90:
0x716: {  	s23 =	sadd.s32 $0x4, s23;
	s21 =	sadd.s32 $0x40, s21;
	s22 =	sadd.s32 $0x40, s22  }
0x717: {  	p0 =	slt.u32 s23, $0xFC;
	v3 =	vand.u32 v3, v1  }
0x718: {  	v1 =	vor.u32 v1, v2;
	v2 =	vand.u32 v2, v3  }
0x719: {  	v1 =	vxor.u32 v1, v2  }
0x71a: {  	[tilespmem:s19+$0xFFFFFFF0] =	vst v1  }
0x71b: {  	v1 =	vld [tilespmem:s20+$0x1]  }
0x71c: {  	v2 =	vld [tilespmem:s20+$0x2]  }
0x71d: {  	v3 =	vld [tilespmem:s20+$0x0];
	_ =	sdelay $0x3  }
0x71e: {  	v2 =	vand.u32 v2, v1  }
0x71f: {  	v1 =	vor.u32 v1, v3;
	v2 =	vand.u32 v3, v2  }
0x720: {  	v1 =	vxor.u32 v1, v2  }
0x721: {  	[tilespmem:s19+$0x0] =	vst v1  }
0x722: {  	v1 =	vld [tilespmem:s20+$0x12]  }
0x723: {  	v2 =	vld [tilespmem:s20+$0x11]  }
0x724: {  	v3 =	vld [tilespmem:s20+$0x10];
	s20 =	smov.u32 s21;
	_ =	sdelay $0x3  }
0x725: {  	v1 =	vand.u32 v1, v2  }
0x726: {  	v2 =	vor.u32 v2, v3;
	v1 =	vand.u32 v3, v1  }
0x727: {  	v1 =	vxor.u32 v2, v1  }
0x728: {  	[tilespmem:s19+$0x10] =	vst v1;
	s19 =	smov.u32 s22  }
0x729: {  	v1 =	vld [tilespmem:s21+$0xFFFFFFE2]  }
0x72a: {  	v2 =	vld [tilespmem:s21+$0xFFFFFFE1]  }
0x72b: {  	v3 =	vld [tilespmem:s21+$0xFFFFFFE0];
	_ =	sdelay $0x3  }
0x72c: {  	v1 =	vand.u32 v1, v2  }
0x72d: {  	v2 =	vor.u32 v2, v3;
	v1 =	vand.u32 v3, v1  }
0x72e: {  	v1 =	vxor.u32 v2, v1  }
0x72f: {  	[tilespmem:s22+$0xFFFFFFE0] =	vst v1  }
.Ltmp66:
0x730: {  	v1 =	vld [tilespmem:s21+$0xFFFFFFF1];
	(pc) =	sbr.rel @p0 .LBB2_90-.Ltmp66, $3  }
0x731: {  	v3 =	vld [tilespmem:s21+$0xFFFFFFF2]  }
0x732: {  	v2 =	vld [tilespmem:s21+$0xFFFFFFF0];
	_ =	sdelay $0x1  }
0x733: {  	s18 =	simm.s32 $0x0  }
0x734: {  	_ = 	snop  }
0x735: {  	v3 =	vand.u32 v3, v1  }
0x736: {  	v1 =	vor.u32 v1, v2;
	v2 =	vand.u32 v2, v3  }
0x737: {  	v1 =	vxor.u32 v1, v2  }
0x738: {  	[tilespmem:s19+$0xFFFFFFF0] =	vst v1  }
0x739: {  	v1 =	vld [tilespmem:s20+$0x1]  }
0x73a: {  	v2 =	vld [tilespmem:s20+$0x2]  }
0x73b: {  	v3 =	vld [tilespmem:s20+$0x0];
	_ =	sdelay $0x3  }
0x73c: {  	v2 =	vand.u32 v2, v1  }
0x73d: {  	v1 =	vor.u32 v1, v3;
	v2 =	vand.u32 v3, v2  }
0x73e: {  	v1 =	vxor.u32 v1, v2  }
0x73f: {  	[tilespmem:s19+$0x0] =	vst v1  }
0x740: {  	v1 =	vld [tilespmem:s20+$0x12]  }
0x741: {  	v2 =	vld [tilespmem:s20+$0x11]  }
0x742: {  	v3 =	vld [tilespmem:s20+$0x10];
	_ =	sdelay $0x2  }
.Ltmp67:
0x743: {  	_ = 	snop;
	(pc) =	sbr.rel .LBB2_92-.Ltmp67, $4  }
0x744: {  	v1 =	vand.u32 v1, v2  }
0x745: {  	v2 =	vor.u32 v2, v3;
	v1 =	vand.u32 v3, v1  }
0x746: {  	v1 =	vxor.u32 v2, v1  }
0x747: {  	[tilespmem:s19+$0x10] =	vst v1  }
.LBB2_98:
0x748: {  	s19 =	sadd.s32 s5, s18  }
0x749: {  	s19 =	smul.u32 $0x9000, s19;
	_ =	sdelay $0x1  }
0x74a: {  	s19 =	sshrl.u32 s19, $0x3  }
0x74b: {  	s19 =	sadd.s32 s1, s19  }
0x74c: {  	s19 =	sadd.s32 $0x1000, s19  }
0x74d: {  	[hbm4b:s19+s3] =	stream.linear.scatter [tilespmem:s15], [sflag:$0x4], $0x1000, $0x38;
	[tilespmem:$0x6100] =	vst v63  }
.LBB2_99:
0x74e: {  	s18 =	sadd.s32 $0x1, s18  }
0x74f: {  	p0 =	sne.s32 s18, $0x20  }
.Ltmp68:
0x750: {  	_ = 	snop;
	(pc) =	sbr.rel @!p0 .LBB2_100-.Ltmp68, $1  }
0x751: {  	_ =	sdelay $0x3  }
.LBB2_92:
0x752: {  	s19 =	sand.u32 $0x1, s18  }
0x753: {  	p1 =	seq.s32 s19, $0x1  }
.Ltmp69:
0x754: {  	_ = 	snop;
	(pc) =	sbr.rel @p1 .LBB2_96-.Ltmp69, $2  }
0x755: {  	_ =	sdelay $0x2  }
0x756: {  	p0 =	slt.u32 s18, $0x2  }
0x757: {  	s19 =	simm.s32 @!p0 $0x3  }
0x758: {  	_ =	swait.ge @!p0 [sflag:s19], $0x1000  }
0x759: {  	[sflag:s19] =	ssyncset.done @!p0 $0x0  }
0x75a: {  	s20 =	simm.s32 $0x2048;
	[sflag:s19] =	ssyncadd.s32 @!p0 $0xFFFFF000  }
0x75b: {  	v2 =	vld [tilespmem:s20+$0xFFFFFFC0];
	_ =	sdelay $0x3  }
0x75c: {  	v1 =	vmov s18  }
0x75d: {  	v2 =	vshrl.u32 v2, v1  }
0x75e: {  	s19 =	simm.s32 $0x4140;
	v2 =	vand.u32 $0x1, v2  }
0x75f: {  	[tilespmem:s19+$0xFFFFFFC0] =	vst v2  }
0x760: {  	v2 =	vld [tilespmem:s20+$0xFFFFFFD0];
	_ =	sdelay $0x4  }
0x761: {  	v2 =	vshrl.u32 v2, v1  }
0x762: {  	v2 =	vand.u32 $0x1, v2  }
0x763: {  	[tilespmem:s19+$0xFFFFFFD0] =	vst v2  }
0x764: {  	v2 =	vld [tilespmem:s20+$0xFFFFFFE0];
	_ =	sdelay $0x4  }
0x765: {  	v2 =	vshrl.u32 v2, v1  }
0x766: {  	v2 =	vand.u32 $0x1, v2  }
0x767: {  	[tilespmem:s19+$0xFFFFFFE0] =	vst v2  }
0x768: {  	v2 =	vld [tilespmem:s20+$0xFFFFFFF0];
	_ =	sdelay $0x4  }
0x769: {  	v2 =	vshrl.u32 v2, v1  }
0x76a: {  	v2 =	vand.u32 $0x1, v2  }
0x76b: {  	[tilespmem:s19+$0xFFFFFFF0] =	vst v2  }
0x76c: {  	v2 =	vld [tilespmem:s20+$0x0];
	_ =	sdelay $0x4  }
0x76d: {  	v2 =	vshrl.u32 v2, v1  }
0x76e: {  	v2 =	vand.u32 $0x1, v2  }
0x76f: {  	[tilespmem:s19+$0x0] =	vst v2  }
0x770: {  	v2 =	vld [tilespmem:s20+$0x10];
	_ =	sdelay $0x4  }
0x771: {  	v2 =	vshrl.u32 v2, v1  }
0x772: {  	v2 =	vand.u32 $0x1, v2  }
0x773: {  	[tilespmem:s19+$0x10] =	vst v2  }
0x774: {  	v2 =	vld [tilespmem:s20+$0x20];
	_ =	sdelay $0x4  }
0x775: {  	v2 =	vshrl.u32 v2, v1  }
0x776: {  	v2 =	vand.u32 $0x1, v2  }
0x777: {  	[tilespmem:s19+$0x20] =	vst v2  }
0x778: {  	v2 =	vld [tilespmem:s20+$0x30];
	_ =	sdelay $0x4  }
0x779: {  	v2 =	vshrl.u32 v2, v1  }
0x77a: {  	v2 =	vand.u32 $0x1, v2  }
0x77b: {  	s21 =	simm.s32 $0x20C8;
	s20 =	simm.s32 $0x0;
	[tilespmem:s19+$0x30] =	vst v2  }
.LBB2_94:
0x77c: {  	v2 =	vld [tilespmem:s21+$0xFFFFFFC0];
	s20 =	sadd.s32 $0x8, s20  }
0x77d: {  	p0 =	slt.u32 s20, $0xF8;
	_ =	sdelay $0x3  }
0x77e: {  	v2 =	vshrl.u32 v2, v1  }
0x77f: {  	s19 =	sadd.s32 $0x80, s19;
	v2 =	vand.u32 $0x1, v2  }
0x780: {  	[tilespmem:s19+$0xFFFFFFC0] =	vst v2  }
0x781: {  	v2 =	vld [tilespmem:s21+$0xFFFFFFD0];
	_ =	sdelay $0x4  }
0x782: {  	v2 =	vshrl.u32 v2, v1  }
0x783: {  	v2 =	vand.u32 $0x1, v2  }
0x784: {  	[tilespmem:s19+$0xFFFFFFD0] =	vst v2  }
0x785: {  	v2 =	vld [tilespmem:s21+$0xFFFFFFE0];
	_ =	sdelay $0x4  }
0x786: {  	v2 =	vshrl.u32 v2, v1  }
0x787: {  	v2 =	vand.u32 $0x1, v2  }
0x788: {  	[tilespmem:s19+$0xFFFFFFE0] =	vst v2  }
0x789: {  	v2 =	vld [tilespmem:s21+$0xFFFFFFF0];
	_ =	sdelay $0x4  }
0x78a: {  	v2 =	vshrl.u32 v2, v1  }
0x78b: {  	v2 =	vand.u32 $0x1, v2  }
0x78c: {  	[tilespmem:s19+$0xFFFFFFF0] =	vst v2  }
0x78d: {  	v2 =	vld [tilespmem:s21+$0x0];
	_ =	sdelay $0x4  }
0x78e: {  	v2 =	vshrl.u32 v2, v1  }
0x78f: {  	v2 =	vand.u32 $0x1, v2  }
0x790: {  	[tilespmem:s19+$0x0] =	vst v2  }
0x791: {  	v2 =	vld [tilespmem:s21+$0x10];
	_ =	sdelay $0x4  }
0x792: {  	v2 =	vshrl.u32 v2, v1  }
0x793: {  	v2 =	vand.u32 $0x1, v2  }
0x794: {  	[tilespmem:s19+$0x10] =	vst v2  }
0x795: {  	v2 =	vld [tilespmem:s21+$0x20];
	_ =	sdelay $0x4  }
0x796: {  	v2 =	vshrl.u32 v2, v1  }
0x797: {  	v2 =	vand.u32 $0x1, v2  }
0x798: {  	[tilespmem:s19+$0x20] =	vst v2  }
0x799: {  	v2 =	vld [tilespmem:s21+$0x30];
	_ =	sdelay $0x2  }
.Ltmp70:
0x79a: {  	(pc) =	sbr.rel @p0 .LBB2_94-.Ltmp70, $4  }
0x79b: {  	_ = 	snop  }
0x79c: {  	v2 =	vshrl.u32 v2, v1  }
0x79d: {  	v2 =	vand.u32 $0x1, v2  }
0x79e: {  	s21 =	sadd.s32 $0x80, s21;
	[tilespmem:s19+$0x30] =	vst v2  }
0x79f: {  	s19 =	sadd.s32 s5, s18  }
0x7a0: {  	s19 =	smul.u32 $0x9000, s19  }
.Ltmp71:
0x7a1: {  	_ = 	snop;
	(pc) =	sbr.rel .LBB2_99-.Ltmp71, $4  }
0x7a2: {  	s19 =	sshrl.u32 s19, $0x3  }
0x7a3: {  	s19 =	sadd.s32 s1, s19  }
0x7a4: {  	s19 =	sadd.s32 $0x1000, s19  }
0x7a5: {  	[hbm4b:s19+s3] =	stream.linear.scatter [tilespmem:s12], [sflag:$0x3], $0x1000, $0x38;
	[tilespmem:$0x6100] =	vst v63  }
.LBB2_96:
0x7a6: {  	s19 =	simm.s32 @!p0 $0x4  }
0x7a7: {  	_ =	swait.ge @!p0 [sflag:s19], $0x1000  }
0x7a8: {  	[sflag:s19] =	ssyncset.done @!p0 $0x0  }
0x7a9: {  	s20 =	simm.s32 $0x2048;
	[sflag:s19] =	ssyncadd.s32 @!p0 $0xFFFFF000  }
0x7aa: {  	v2 =	vld [tilespmem:s20+$0xFFFFFFC0];
	_ =	sdelay $0x3  }
0x7ab: {  	v1 =	vmov s18  }
0x7ac: {  	v2 =	vshrl.u32 v2, v1  }
0x7ad: {  	s19 =	simm.s32 $0x5140;
	v2 =	vand.u32 $0x1, v2  }
0x7ae: {  	[tilespmem:s19+$0xFFFFFFC0] =	vst v2  }
0x7af: {  	v2 =	vld [tilespmem:s20+$0xFFFFFFD0];
	_ =	sdelay $0x4  }
0x7b0: {  	v2 =	vshrl.u32 v2, v1  }
0x7b1: {  	v2 =	vand.u32 $0x1, v2  }
0x7b2: {  	[tilespmem:s19+$0xFFFFFFD0] =	vst v2  }
0x7b3: {  	v2 =	vld [tilespmem:s20+$0xFFFFFFE0];
	_ =	sdelay $0x4  }
0x7b4: {  	v2 =	vshrl.u32 v2, v1  }
0x7b5: {  	v2 =	vand.u32 $0x1, v2  }
0x7b6: {  	[tilespmem:s19+$0xFFFFFFE0] =	vst v2  }
0x7b7: {  	v2 =	vld [tilespmem:s20+$0xFFFFFFF0];
	_ =	sdelay $0x4  }
0x7b8: {  	v2 =	vshrl.u32 v2, v1  }
0x7b9: {  	v2 =	vand.u32 $0x1, v2  }
0x7ba: {  	[tilespmem:s19+$0xFFFFFFF0] =	vst v2  }
0x7bb: {  	v2 =	vld [tilespmem:s20+$0x0];
	_ =	sdelay $0x4  }
0x7bc: {  	v2 =	vshrl.u32 v2, v1  }
0x7bd: {  	v2 =	vand.u32 $0x1, v2  }
0x7be: {  	[tilespmem:s19+$0x0] =	vst v2  }
0x7bf: {  	v2 =	vld [tilespmem:s20+$0x10];
	_ =	sdelay $0x4  }
0x7c0: {  	v2 =	vshrl.u32 v2, v1  }
0x7c1: {  	v2 =	vand.u32 $0x1, v2  }
0x7c2: {  	[tilespmem:s19+$0x10] =	vst v2  }
0x7c3: {  	v2 =	vld [tilespmem:s20+$0x20];
	_ =	sdelay $0x4  }
0x7c4: {  	v2 =	vshrl.u32 v2, v1  }
0x7c5: {  	v2 =	vand.u32 $0x1, v2  }
0x7c6: {  	[tilespmem:s19+$0x20] =	vst v2  }
0x7c7: {  	v2 =	vld [tilespmem:s20+$0x30];
	_ =	sdelay $0x4  }
0x7c8: {  	v2 =	vshrl.u32 v2, v1  }
0x7c9: {  	v2 =	vand.u32 $0x1, v2  }
0x7ca: {  	s21 =	simm.s32 $0x20C8;
	s20 =	simm.s32 $0x0;
	[tilespmem:s19+$0x30] =	vst v2  }
.LBB2_97:
0x7cb: {  	v2 =	vld [tilespmem:s21+$0xFFFFFFC0];
	s20 =	sadd.s32 $0x8, s20  }
0x7cc: {  	p0 =	slt.u32 s20, $0xF8;
	_ =	sdelay $0x3  }
0x7cd: {  	v2 =	vshrl.u32 v2, v1  }
0x7ce: {  	s19 =	sadd.s32 $0x80, s19;
	v2 =	vand.u32 $0x1, v2  }
0x7cf: {  	[tilespmem:s19+$0xFFFFFFC0] =	vst v2  }
0x7d0: {  	v2 =	vld [tilespmem:s21+$0xFFFFFFD0];
	_ =	sdelay $0x4  }
0x7d1: {  	v2 =	vshrl.u32 v2, v1  }
0x7d2: {  	v2 =	vand.u32 $0x1, v2  }
0x7d3: {  	[tilespmem:s19+$0xFFFFFFD0] =	vst v2  }
0x7d4: {  	v2 =	vld [tilespmem:s21+$0xFFFFFFE0];
	_ =	sdelay $0x4  }
0x7d5: {  	v2 =	vshrl.u32 v2, v1  }
0x7d6: {  	v2 =	vand.u32 $0x1, v2  }
0x7d7: {  	[tilespmem:s19+$0xFFFFFFE0] =	vst v2  }
0x7d8: {  	v2 =	vld [tilespmem:s21+$0xFFFFFFF0];
	_ =	sdelay $0x4  }
0x7d9: {  	v2 =	vshrl.u32 v2, v1  }
0x7da: {  	v2 =	vand.u32 $0x1, v2  }
0x7db: {  	[tilespmem:s19+$0xFFFFFFF0] =	vst v2  }
0x7dc: {  	v2 =	vld [tilespmem:s21+$0x0];
	_ =	sdelay $0x4  }
0x7dd: {  	v2 =	vshrl.u32 v2, v1  }
0x7de: {  	v2 =	vand.u32 $0x1, v2  }
0x7df: {  	[tilespmem:s19+$0x0] =	vst v2  }
0x7e0: {  	v2 =	vld [tilespmem:s21+$0x10];
	_ =	sdelay $0x4  }
0x7e1: {  	v2 =	vshrl.u32 v2, v1  }
0x7e2: {  	v2 =	vand.u32 $0x1, v2  }
0x7e3: {  	[tilespmem:s19+$0x10] =	vst v2  }
0x7e4: {  	v2 =	vld [tilespmem:s21+$0x20];
	_ =	sdelay $0x4  }
0x7e5: {  	v2 =	vshrl.u32 v2, v1  }
0x7e6: {  	v2 =	vand.u32 $0x1, v2  }
0x7e7: {  	[tilespmem:s19+$0x20] =	vst v2  }
0x7e8: {  	v2 =	vld [tilespmem:s21+$0x30];
	_ =	sdelay $0x2  }
.Ltmp72:
0x7e9: {  	(pc) =	sbr.rel @p0 .LBB2_97-.Ltmp72, $4  }
0x7ea: {  	_ = 	snop  }
0x7eb: {  	v2 =	vshrl.u32 v2, v1  }
0x7ec: {  	v2 =	vand.u32 $0x1, v2  }
0x7ed: {  	s21 =	sadd.s32 $0x80, s21;
	[tilespmem:s19+$0x30] =	vst v2  }
.Ltmp73:
0x7ee: {  	_ = 	snop;
	(pc) =	sbr.rel .LBB2_98-.Ltmp73, $1  }
0x7ef: {  	_ =	sdelay $0x3  }
.LBB2_101:
0x7f0: {  	_ =	sfence.sel $0x180000  }
0x7f1: {  	[bflag:$0x0] =	sbarrier.arrive $0xFFFF  }
0x7f2: {  	p0 =	sne.s32 s2, $0x0;
	_ =	strace $0x90000047  }
0x7f3: {  	s0 =	sadd.s32 @!p0 $0x100000, s0;
	[bflag:$0x2] =	sbarrier.arrive $0xFFFF  }
0x7f4: {  	[sflag:s0] =	ssyncadd.tile.s32 @!p0 $0x1;
	_ =	shalt  }
.Lfunc_end2:
_tile_overlayer_lowered:
.L_overlay_start_2:
0x7f5: {  	(tag) =	ssettag $0x2  }
0x7f6: {  	s0 =	rddreg [dreg:$0x0];
	s2 =	stileid.u32  }
0x7f7: {  	s1 =	rddreg [dreg:$0x1];
	p0 =	sne.s32 s2, $0x0  }
0x7f8: {  	s3 =	rddreg [dreg:$0x2];
	[bflag:$0x3] =	sbarrier.arrive $0xFFFF;
	s2 =	simm.s32 @!p0 $0x1C05  }
0x7f9: {  	[timem:s3], [sflag:s2] =	dma.local @!p0 [hbm:s0], s1  }
0x7fa: {  	s0 =	simm.s32 @!p0 $0x5  }
0x7fb: {  	_ =	swait.ge @!p0 [sflag:s0], s1  }
0x7fc: {  	s1 =	ssub.s32 @!p0 $0x0, s1;
	[sflag:s0] =	ssyncset.done @!p0 $0x0  }
0x7fd: {  	[sflag:s0] =	ssyncadd.s32 @!p0 s1  }
0x7fe: {  	[bflag:$0x3] =	sbarrier.arrive $0xFFFF  }
0x7ff: {  	_ =	shalt  }

// kernel: sparse-core-data-format-call.cloned.1.call-start
scs
called_computation_lowered:
.L_overlay_start_0:
0x0: {  	s2 =	sld [smem:$0x3FD9]  }
0x1: {  	s3 =	sld [smem:$0x3FFE];
	_ =	sdelay $0x1  }
0x2: {  	s1 =	srdreg.scid  }
0x3: {  	s0 =	sand.u32 $0x1, s1  }
0x4: {  	s18 =	sshll.u32 s0, $0xA;
	s2 =	sadd.s32 s3, s2  }
0x5: {  	s2 =	sadd.s32 s2, s18  }
0x6: {  	[smem:$0x3FC7] =	sst s2  }
0x7: {  	_ = 	snop  }
0x8: {  	s2 =	sld [smem:$0x3FD0];
	(tm) =	ssettm $0x1  }
0x9: {  	s19 =	sld [smem:$0x3FFB];
	_ =	sdelay $0x3  }
0xa: {  	_ =	strace s19  }
0xb: {  	s3 =	sld [smem:$0x3FFC];
	_ =	sdelay $0x3  }
0xc: {  	_ =	strace s3  }
0xd: {  	s3 =	sld [smem:$0x3FFD];
	_ =	sdelay $0x3  }
0xe: {  	_ =	strace s3  }
0xf: {  	_ =	strace $0x8FFFFFFF  }
0x10: {  	s20 =	sld [smem:$0x3FDB];
	_ =	sdelay $0x1  }
0x11: {  	s4 =	simm.s32 $_scs_section_size  }
0x12: {  	s5 =	simm.s32 $_size__tile_overlayer_lowered;
	s6 =	simm.s32 $_tile_overlayer_lowered  }
0x13: {  	s23 =	simm.s32 $0x1BFF;
	s22 =	sshll.u32 s6, $0x1;
	s3 =	sadd.s32 s4, s20  }
0x14: {  	s7 =	simm.s32 $0x0;
	s21 =	sshll.u32 s5, $0x1;
	s5 =	sadd.s32 s22, s3  }
0x15: {  	[timem:s7], [sflag:s23] =	dma.local [hbm:s5], s21  }
0x16: {  	_ =	swait.ge [sflag:s23], s21  }
0x17: {  	s4 =	ssub.s32 $0x0, s21;
	[sflag:s23] =	ssyncset.done $0x0  }
0x18: {  	[sflag:s23] =	ssyncadd.s32 s4;
	_ =	sdelay $0x1  }
0x19: {  	s24 =	simm.s32 $0x1B8B  }
0x1a: {  	_ =	swait.ge [sflag:s24], $0x1  }
0x1b: {  	[sflag:s24] =	ssyncset.done $0x0  }
0x1c: {  	s26 =	simm.s32 $0x1B8E;
	s25 =	sld [smem:$0x3FFE];
	[sflag:s24] =	ssyncadd.s32 $0xFFFFFFFF  }
0x1d: {  	s27 =	simm.s32 $execute0_lowered;
	[smem:$0x3FD2] =	sst s26  }
0x1e: {  	s5 =	sshll.u32 s27, $0x1;
	_ =	strace $0x80000049;
	[dreg:$0x1] =	wrdreg $0xFFFFFFFF  }
0x1f: {  	s28 =	simm.s32 $_size_execute0_lowered;
	s3 =	sadd.s32 s3, s5;
	[dreg:$0x0] =	wrdreg $0x0  }
0x20: {  	s5 =	sshll.u32 s28, $0x1;
	[dreg:$0x2] =	wrdreg s3  }
0x21: {  	[dreg:$0x3] =	wrdreg s5  }
0x22: {  	[dreg:$0x4] =	wrdreg $0xC0  }
0x23: {  	_ =	task [dreg:s7], $0x5FFFF  }
0x24: {  	[dreg:$0x1] =	wrdreg $0xFFFFFFFF  }
0x25: {  	[dreg:$0x0] =	wrdreg $0x60  }
0x26: {  	[dreg:$0x2] =	wrdreg s25  }
0x27: {  	[dreg:$0x3] =	wrdreg s2  }
0x28: {  	[dreg:$0x4] =	wrdreg $0x9  }
0x29: {  	_ =	task.clear_ibuf [dreg:s7], $0x5FFFF;
	_ =	strace $0x90000049  }
0x2a: {  	s29 =	simm.s32 $0x9;
	_ =	strace $0x8000004B  }
0x2b: {  	_ =	swait.ge [sflag:s29], $0x1  }
0x2c: {  	[sflag:s29] =	ssyncadd.s32 $0xFFFFFFFF  }
0x2d: {  	_ =	strace $0x9000004B  }
0x2e: {  	_ =	sfence  }
0x2f: {  	s30 =	sld [smem:$0x0];
	_ =	sdelay $0x2  }
0x30: {  	s31 =	sshll.u32 s1, $0xD;
	s1 =	sshrl.u32 s1, $0x2  }
0x31: {  	s3 =	sand.u32 $0x4000, s31;
	s1 =	sadd.s32 s1, s30  }
0x32: {  	s0 =	sor.u32 s3, s0;
	s1 =	sshll.u32 s1, $0x11  }
0x33: {  	s0 =	sor.u32 s1, s0  }
0x34: {  	s0 =	sadd.s32 $0x8F2B, s0  }
0x35: {  	[sflag:s0] =	ssyncadd.remote.s32 $0x1  }
0x36: {  	_ =	sfence.sel $0xFFFF  }
0x37: {  	[dreg:$0x0] =	wrdreg $0xFFFFFFFF;
	(pc) =	sbr.abs _section_cstart, $3  }
0x38: {  	[dreg:$0x1] =	wrdreg $0xFFFFFFFF  }
0x39: {  	_ =	task.clear_ibuf [dreg:s7], $0x2FFFF;
	_ =	strace $0x9FFFFFFF  }
0x3a: {  	(tm) =	ssettm $0x7FFFFFFF  }
0x3b: {  	_ =	shalt  }
tec
execute0_lowered:
.L_overlay_start_1:
0x0: {  	(tag) =	ssettag $0x1  }
0x1: {  	s0 =	stileid.u32;
	s1 =	srdreg.scid  }
0x2: {  	s2 =	sshll.u32 s0, $0x7;
	s3 =	sshll.u32 s0, $0x4;
	s4 =	sshll.u32 s1, $0x8  }
0x3: {  	s7 =	rddreg [dreg:$0x0];
	s1 =	sand.u32 $0x380, s2;
	s29 =	sor.u32 s3, s4  }
0x4: {  	s8 =	simm.s32 $0x2;
	s2 =	sand.u32 $0x180, s29;
	s30 =	ssub.s32 $0x400, s1  }
0x5: {  	s15 =	simm.s32 $0x0;
	s31 =	sand.u32 $0x380, s30;
	s5 =	ssub.s32 $0x1000, s2  }
0x6: {  	s4 =	simm.s32 $0x1;
	p0 =	sne.s32 s31, $0x0;
	s6 =	sand.u32 $0x180, s5  }
0x7: {  	s4 =	simm.s32 @!p0 $0x0;
	p0 =	sne.s32 s6, $0x0;
	s6 =	simm.s32 $0x1  }
0x8: {  	s3 =	sshrl.u32 s30, $0xA;
	s5 =	sshrl.u32 s5, $0x9;
	s6 =	simm.s32 @!p0 $0x0  }
0x9: {  	s9 =	simm.s32 $0x8000;
	s3 =	sadd.s32 s4, s3;
	s5 =	sadd.s32 s6, s5  }
0xa: {  	s10 =	simm.s32 $0x0;
	s16 =	simm.s32 $0x0;
	s6 =	smul.u32 s5, s3  }
.Ltmp0:
0xb: {  	s17 =	simm.s32 $0x0;
	s4 =	rddreg [dreg:$0x1];
	(pc) =	sbr.rel .LBB1_1-.Ltmp0, $4  }
0xc: {  	s12 =	simm.s32 $0x0;
	s14 =	simm.s32 $0x0;
	s3 =	rddreg [dreg:$0x2]  }
0xd: {  	_ =	strace $0x8000004A;
	s5 =	simm.s32 $0x1;
	s6 =	smul.u32 $0x9, s6  }
0xe: {  	s7 =	sadd.s32 $0x800, s7;
	s13 =	smov.u32 s1;
	[sflag:s5] =	ssyncpa.u1 $0x0  }
0xf: {  	s11 =	smov.u32 s2;
	[sflag:s8] =	ssyncpa.u1 $0x0;
	s8 =	sadd.s32 $0x1, s6  }
.LBB1_4:
0x10: {  	_ =	sdelay $0x3  }
0x11: {  	[tilespmem:v0+s20+$0xFFFFFFD0 ss:$0x1] =	vst.idx.msk $0xffff, v6  }
0x12: {  	v56 =	vld.idx.msk [tilespmem:v1+s19+$0x0 ss:$0x1], $0xffff;
	[tilespmem:v0+s20+$0xFFFFFFE0 ss:$0x1] =	vst.idx.msk $0xffff, v4  }
0x13: {  	v57 =	vld.idx.msk [tilespmem:v1+s19+$0xFFFFFF90 ss:$0x1], $0xffff;
	[tilespmem:v0+s20+$0xFFFFFFF0 ss:$0x1] =	vst.idx.msk $0xffff, v2  }
0x14: {  	v58 =	vld.idx.msk [tilespmem:v1+s19+$0xFFFFFFA0 ss:$0x1], $0xffff;
	[tilespmem:v0+s20+$0x0 ss:$0x1] =	vst.idx.msk $0xffff, v3  }
0x15: {  	v59 =	vld.idx.msk [tilespmem:v1+s19+$0xFFFFFFB0 ss:$0x1], $0xffff;
	[tilespmem:v0+s20+$0x10 ss:$0x1] =	vst.idx.msk $0xffff, v5  }
0x16: {  	v60 =	vld.idx.msk [tilespmem:v1+s19+$0xFFFFFFC0 ss:$0x1], $0xffff;
	[tilespmem:v0+s20+$0x20 ss:$0x1] =	vst.idx.msk $0xffff, v7  }
0x17: {  	v61 =	vld.idx.msk [tilespmem:v1+s19+$0xFFFFFFD0 ss:$0x1], $0xffff;
	[tilespmem:v0+s19+$0x30 ss:$0x1] =	vst.idx.msk $0xffff, v56  }
0x18: {  	v62 =	vld.idx.msk [tilespmem:v1+s19+$0xFFFFFFE0 ss:$0x1], $0xffff;
	s27 =	sand.u32 $0x78, s15;
	s21 =	sshll.u32 s17, $0xC;
	s28 =	sshll.u32 s17, $0x7;
	[tilespmem:v0+s19+$0xFFFFFFC0 ss:$0x1] =	vst.idx.msk $0xffff, v57  }
0x19: {  	v63 =	vld.idx.msk [tilespmem:v1+s19+$0xFFFFFFF0 ss:$0x1], $0xffff;
	s22 =	sshll.u32 s15, $0x3;
	s16 =	sshll.u32 s16, $0x13;
	s21 =	sand.u32 $0x3F8000, s21;
	[tilespmem:v0+s19+$0xFFFFFFD0 ss:$0x1] =	vst.idx.msk $0xffff, v58  }
0x1a: {  	s31 =	sand.u32 $0x7, s15;
	s17 =	sand.u32 $0x380, s28;
	s29 =	sadd.s32 s21, s22;
	[tilespmem:v0+s19+$0xFFFFFFE0 ss:$0x1] =	vst.idx.msk $0xffff, v59  }
0x1b: {  	s30 =	sand.u32 $0xC00, s22;
	s17 =	sor.u32 s17, s27;
	s20 =	sshrl.u32 s29, $0x3;
	[tilespmem:v0+s19+$0xFFFFFFF0 ss:$0x1] =	vst.idx.msk $0xffff, v60  }
0x1c: {  	s16 =	sadd.s32 s4, s16;
	s17 =	sor.u32 s30, s17;
	s20 =	sand.u32 $0x7FE00, s20;
	[tilespmem:v0+s19+$0x0 ss:$0x1] =	vst.idx.msk $0xffff, v61  }
0x1d: {  	s15 =	sshll.u32 s31, $0x12;
	s17 =	sshrl.u32 s17, $0x3;
	[tilespmem:v0+s19+$0x10 ss:$0x1] =	vst.idx.msk $0xffff, v62;
	s16 =	sadd.s32 s20, s16  }
0x1e: {  	s15 =	sor.u32 $0x400, s15;
	[tilespmem:v0+s19+$0x20 ss:$0x1] =	vst.idx.msk $0xffff, v63;
	s16 =	sadd.s32 s17, s16  }
0x1f: {  	[hbm4b:s16+s15] =	stream.strided.scatter [tilespmem:s18], [sflag:$0x2], $0x4000, s9, s15, $0x38;
	[tilespmem:$0x10000] =	vst v63  }
.LBB1_5:
0x20: {  	s18 =	sadd.s32 $0x200, s11  }
0x21: {  	s15 =	simm.s32 $0x1;
	p1 =	sgt.s32 s18, $0xFFF  }
0x22: {  	s15 =	simm.s32 @!p1 $0x0  }
0x23: {  	s19 =	sadd.s32 s15, s12  }
0x24: {  	s21 =	smov.u32 s13;
	s15 =	sadd.s32 $0x400, s13;
	p2 =	sgt.s32 s19, $0x8  }
0x25: {  	s21 =	smov.u32 @p2 s15  }
0x26: {  	p0 =	slt.u32 s14, $0x2;
	s18 =	smov.u32 @p1 s2;
	p1 =	sgt.s32 s21, $0x3FF  }
0x27: {  	s20 =	simm.s32 @!p0 $0x2;
	s21 =	smov.u32 @p1 s1;
	p1 =	sne.s32 s14, s8  }
.Ltmp1:
0x28: {  	_ =	swait.ge @!p0 [sflag:s20], $0x4000;
	(pc) =	sbr.rel @!p1 .LBB1_6-.Ltmp1, $4  }
0x29: {  	s16 =	smov.u32 s12;
	[sflag:s20] =	ssyncset.done @!p0 $0x0  }
0x2a: {  	s17 =	smov.u32 s13;
	s10 =	sadd.s32 $0x4000, s10;
	[sflag:s20] =	ssyncadd.s32 @!p0 $0xFFFFC000  }
0x2b: {  	s19 =	simm.s32 @p2 $0x0;
	s15 =	smov.u32 s11;
	s11 =	smov.u32 s18  }
0x2c: {  	s12 =	smov.u32 s19;
	s14 =	sadd.s32 $0x1, s14;
	s13 =	smov.u32 s21  }
.LBB1_1:
0x2d: {  	p0 =	sge.u32 s14, s6;
	s31 =	sadd.s32 $0xFFFFFFFF, s14  }
0x2e: {  	s18 =	sxor.u32 @!p0 $0xFFFFFFFF, s14;
	s19 =	sand.u32 @!p0 $0x78, s11;
	s20 =	sshll.u32 @!p0 s12, $0xC  }
0x2f: {  	s21 =	sshll.u32 @!p0 s12, $0x7;
	s22 =	sshll.u32 @!p0 s11, $0x3;
	s18 =	sshll.u32 @!p0 s18, $0xE  }
0x30: {  	s20 =	sand.u32 @!p0 $0x8000, s20;
	s21 =	sand.u32 @!p0 $0x380, s21;
	s18 =	sand.u32 @!p0 $0x4000, s18  }
0x31: {  	s20 =	sadd.s32 @!p0 s20, s22;
	s22 =	sand.u32 @!p0 $0xC00, s22;
	s19 =	sor.u32 @!p0 s21, s19  }
0x32: {  	s21 =	sshll.u32 @!p0 s13, $0xD;
	s19 =	sor.u32 @!p0 s22, s19;
	s20 =	sshrl.u32 @!p0 s20, $0x3  }
0x33: {  	s21 =	sadd.s32 @!p0 s7, s21;
	s22 =	sand.u32 @!p0 $0x7, s11;
	s20 =	sand.u32 @!p0 $0x1E00, s20  }
0x34: {  	s19 =	sshrl.u32 @!p0 s19, $0x3;
	s20 =	sadd.s32 @!p0 s20, s21;
	s21 =	sshll.u32 @!p0 s22, $0x12  }
0x35: {  	s19 =	sadd.s32 @!p0 s19, s20;
	s20 =	sor.u32 @!p0 $0x80, s21;
	s21 =	simm.s32 @!p0 $0x10000  }
0x36: {  	[tilespmem:s18], [sflag:$0x1] =	stream.strided.gather @!p0 [hbm4b:s19+s20], $0x4000, s21, s20, $0x38;
	[tilespmem:$0x10000] =	vst v63  }
0x37: {  	p0 =	sge.u32 s31, s6  }
.Ltmp2:
0x38: {  	_ = 	snop;
	(pc) =	sbr.rel @p0 .LBB1_5-.Ltmp2, $1  }
0x39: {  	_ =	sdelay $0x3  }
0x3a: {  	s18 =	sand.u32 $0x4000, s10  }
0x3b: {  	s19 =	sor.u32 $0x70, s18  }
0x3c: {  	v1 =	vmov s19;
	_ =	sdelay $0x1  }
0x3d: {  	_ =	swait.ge [sflag:s5], $0x4000  }
0x3e: {  	[sflag:s5] =	ssyncset.done $0x0  }
0x3f: {  	s20 =	simm.s32 $0x0;
	[sflag:s5] =	ssyncadd.s32 $0xFFFFC000  }
0x40: {  	s18 =	sor.u32 $0x8040, s18;
	v7 =	vld.idx.msk [tilespmem:v1+s20+$0x0 ss:$0x1], $0xffff  }
0x41: {  	v0 =	vmov s18;
	v8 =	vld.idx.msk [tilespmem:v1+s20+$0xFFFFFF90 ss:$0x1], $0xffff  }
0x42: {  	v6 =	vld.idx.msk [tilespmem:v1+s20+$0xFFFFFFA0 ss:$0x1], $0xffff  }
0x43: {  	v4 =	vld.idx.msk [tilespmem:v1+s20+$0xFFFFFFB0 ss:$0x1], $0xffff  }
0x44: {  	v2 =	vld.idx.msk [tilespmem:v1+s20+$0xFFFFFFC0 ss:$0x1], $0xffff  }
0x45: {  	s31 =	sshll.u32 s14, $0xE;
	v3 =	vld.idx.msk [tilespmem:v1+s20+$0xFFFFFFD0 ss:$0x1], $0xffff  }
0x46: {  	s18 =	sand.u32 $0x4000, s31;
	v5 =	vld.idx.msk [tilespmem:v1+s20+$0xFFFFFFE0 ss:$0x1], $0xffff;
	[tilespmem:v0+s20+$0x30 ss:$0x1] =	vst.idx.msk $0xffff, v7  }
0x47: {  	s21 =	simm.s32 $0x400;
	s19 =	simm.s32 $0x80;
	s18 =	sor.u32 $0x8000, s18;
	[tilespmem:v0+s20+$0xFFFFFFC0 ss:$0x1] =	vst.idx.msk $0xffff, v8;
	v7 =	vld.idx.msk [tilespmem:v1+s20+$0xFFFFFFF0 ss:$0x1], $0xffff  }
.LBB1_3:
0x48: {  	p0 =	sne.s32 s21, $0xFE00;
	v8 =	vld.idx.msk [tilespmem:v1+s19+$0x0 ss:$0x1], $0xffff;
	[tilespmem:v0+s20+$0xFFFFFFD0 ss:$0x1] =	vst.idx.msk $0xffff, v6  }
0x49: {  	v9 =	vld.idx.msk [tilespmem:v1+s19+$0xFFFFFF90 ss:$0x1], $0xffff;
	[tilespmem:v0+s20+$0xFFFFFFE0 ss:$0x1] =	vst.idx.msk $0xffff, v4  }
0x4a: {  	v6 =	vld.idx.msk [tilespmem:v1+s19+$0xFFFFFFA0 ss:$0x1], $0xffff;
	[tilespmem:v0+s20+$0xFFFFFFF0 ss:$0x1] =	vst.idx.msk $0xffff, v2  }
.Ltmp3:
0x4b: {  	v4 =	vld.idx.msk [tilespmem:v1+s19+$0xFFFFFFB0 ss:$0x1], $0xffff;
	[tilespmem:v0+s20+$0x0 ss:$0x1] =	vst.idx.msk $0xffff, v3;
	(pc) =	sbr.rel @p0 .LBB1_3-.Ltmp3, $4  }
0x4c: {  	v2 =	vld.idx.msk [tilespmem:v1+s19+$0xFFFFFFC0 ss:$0x1], $0xffff;
	[tilespmem:v0+s20+$0x10 ss:$0x1] =	vst.idx.msk $0xffff, v5  }
0x4d: {  	v3 =	vld.idx.msk [tilespmem:v1+s19+$0xFFFFFFD0 ss:$0x1], $0xffff;
	[tilespmem:v0+s20+$0x20 ss:$0x1] =	vst.idx.msk $0xffff, v7;
	s20 =	smov.u32 s19  }
0x4e: {  	v5 =	vld.idx.msk [tilespmem:v1+s20+$0xFFFFFFE0 ss:$0x1], $0xffff;
	[tilespmem:v0+s20+$0x30 ss:$0x1] =	vst.idx.msk $0xffff, v8  }
0x4f: {  	s19 =	sshra.s32 s21, $0x2;
	s21 =	sadd.s32 $0x200, s21;
	[tilespmem:v0+s20+$0xFFFFFFC0 ss:$0x1] =	vst.idx.msk $0xffff, v9;
	v7 =	vld.idx.msk [tilespmem:v1+s20+$0xFFFFFFF0 ss:$0x1], $0xffff  }
.Ltmp4:
0x50: {  	_ = 	snop;
	(pc) =	sbr.rel .LBB1_4-.Ltmp4, $1  }
0x51: {  	_ =	sdelay $0x3  }
.LBB1_6:
0x52: {  	_ =	sfence.sel $0x180000  }
0x53: {  	s1 =	simm.s32 $0x1;
	[bflag:$0x0] =	sbarrier.arrive $0xFFFF  }
0x54: {  	s31 =	simm.s32 $0x2;
	[sflag:s1] =	ssyncpa.u1 $0x1  }
0x55: {  	[sflag:s31] =	ssyncpa.u1 $0x1  }
0x56: {  	p0 =	sne.s32 s0, $0x0;
	_ =	strace $0x9000004A  }
0x57: {  	s0 =	sadd.s32 @!p0 $0x100000, s3;
	[bflag:$0x2] =	sbarrier.arrive $0xFFFF  }
0x58: {  	[sflag:s0] =	ssyncadd.tile.s32 @!p0 $0x1;
	_ =	shalt  }
.Lfunc_end1:
_tile_overlayer_lowered:
.L_overlay_start_2:
0x59: {  	(tag) =	ssettag $0x2  }
0x5a: {  	s0 =	rddreg [dreg:$0x0];
	s2 =	stileid.u32  }
0x5b: {  	s1 =	rddreg [dreg:$0x1];
	p0 =	sne.s32 s2, $0x0  }
0x5c: {  	s3 =	rddreg [dreg:$0x2];
	[bflag:$0x3] =	sbarrier.arrive $0xFFFF;
	s2 =	simm.s32 @!p0 $0x1C01  }
0x5d: {  	[timem:s3], [sflag:s2] =	dma.local @!p0 [hbm:s0], s1  }
0x5e: {  	s0 =	simm.s32 @!p0 $0x1  }
0x5f: {  	_ =	swait.ge @!p0 [sflag:s0], s1  }
0x60: {  	s1 =	ssub.s32 @!p0 $0x0, s1;
	[sflag:s0] =	ssyncset.done @!p0 $0x0  }
0x61: {  	[sflag:s0] =	ssyncadd.s32 @!p0 s1  }
0x62: {  	[bflag:$0x3] =	sbarrier.arrive $0xFFFF  }
0x63: {  	_ =	shalt  }

</sc_bundles>
